<compile_context>
chip_gen: v7x
topology: tpu7x:2x2x1
jax: 0.10.2.dev20260603
libtpu: 0.0.44.dev20260713+nightly
codegen_flags: <defaults>
</compile_context>

<pallas_src>
import functools
import math

import jax
import jax.numpy as jnp
import numpy as np
from jax import lax
from jax.experimental import pallas as pl
from jax.experimental.pallas import tpu as pltpu
from jax.experimental.pallas import tpu_sc as plsc

_CP, _CN = np.float32(0.9), np.float32(0.1)
_ALPHA = np.float32(0.25)
_ANCHORS_ALL = np.array(
    [[12, 16], [19, 36], [40, 28], [36, 75], [76, 55], [72, 146],
     [142, 110], [192, 243], [459, 401]], dtype=np.float32)
_GRIDS = (80, 40, 20)
_OBJ_NORM = (4.0, 1.0, 0.4)
_NT = 200
_NA = 3
_NE = 9 * _NA * _NT
_NEP = 6144
_ROWS2D = 48
_CHUNKS_B = 4
_ROWS_B = _ROWS2D // _CHUNKS_B
_OFFX = (0.0, 0.5, 0.0, -0.5, 0.0, 0.5, -0.5, -0.5, 0.5)
_OFFY = (0.0, 0.0, 0.5, 0.0, -0.5, 0.5, 0.5, -0.5, 0.5)
_SC_NC, _SC_NS = 2, 16
_NTILES = _SC_NC * _SC_NS
_RPT = _NEP // _NTILES

_ATAN_C = (0.0011681264, -0.007568499, 0.023024166, -0.04519817, 0.06772865,
           -0.08822393, 0.11060458, -0.14280018, 0.19999667, -0.33333325, 1.0)


def _atan_pos(x):
    z = jnp.minimum(x, 1.0 / x)
    x2 = z * z
    p = jnp.full_like(x, np.float32(_ATAN_C[0]))
    for cc in _ATAN_C[1:]:
        p = p * x2 + np.float32(cc)
    t = z * p
    return jnp.where(x > 1.0, np.float32(math.pi / 2) - t, t)


def _frac(x):
    return x - jnp.floor(x)


def _entry_fields(of, af, vf, yt, G, head):
    Gf = np.float32(G)
    anchors = _ANCHORS_ALL[3 * head:3 * head + 3] / np.float32(640.0) * Gf
    b = yt[0].astype(jnp.int32)
    gx, gy = yt[2] * Gf, yt[3] * Gf
    gw, gh = yt[4] * Gf, yt[5] * Gf
    aw = jnp.where(af == 0.0, anchors[0, 0],
                   jnp.where(af == 1.0, anchors[1, 0], anchors[2, 0]))
    ah = jnp.where(af == 0.0, anchors[0, 1],
                   jnp.where(af == 1.0, anchors[1, 1], anchors[2, 1]))
    rw, rh = gw / aw, gh / ah
    rmax = jnp.maximum(jnp.maximum(rw, 1.0 / rw), jnp.maximum(rh, 1.0 / rh))
    keep = rmax < 4.0
    gxi_x, gxi_y = Gf - gx, Gf - gy
    fx, fy = _frac(gx), _frac(gy)
    fxi, fyi = _frac(gxi_x), _frac(gxi_y)
    j_ = (fx < 0.5) & (gx > 1.0)
    k_ = (fy < 0.5) & (gy > 1.0)
    l_ = (fxi < 0.5) & (gxi_x > 1.0)
    m_ = (fyi < 0.5) & (gxi_y > 1.0)
    js = (fx < 0.35) & (gx > 1.0)
    ks = (fy < 0.35) & (gy > 1.0)
    ls = (fxi < 0.35) & (gxi_x > 1.0)
    ms = (fyi < 0.35) & (gxi_y > 1.0)
    one = jnp.ones_like(of)
    zero = jnp.zeros_like(of)
    asf = lambda bb: jnp.where(bb, one, zero)
    rowm = (one, asf(j_), asf(k_), asf(l_), asf(m_), asf(js & ks),
            asf(ks & ls), asf(ls & ms), asf(ms & js))
    omask = rowm[8]
    offx = jnp.full_like(of, _OFFX[8])
    offy = jnp.full_like(of, _OFFY[8])
    for o in range(7, -1, -1):
        sel = of == np.float32(o)
        omask = jnp.where(sel, rowm[o], omask)
        offx = jnp.where(sel, np.float32(_OFFX[o]), offx)
        offy = jnp.where(sel, np.float32(_OFFY[o]), offy)
    gijx = (gx - offx).astype(jnp.int32)
    gijy = (gy - offy).astype(jnp.int32)
    gi = jnp.clip(gijx, 0, G - 1)
    gj = jnp.clip(gijy, 0, G - 1)
    a_i = af.astype(jnp.int32)
    row = ((b * 3 + a_i) * G + gj) * G + gi
    maskf = omask * jnp.where(keep, one, zero) * vf
    return dict(row=row, maskf=maskf,
                tbx=gx - gijx.astype(jnp.float32),
                tby=gy - gijy.astype(jnp.float32),
                tbw=gw, tbh=gh, aw=aw, ah=ah, tcls=yt[1])


def _prep_body(of_ref, af_ref, vf_ref, y0, y1, y2, y3, y4, y5, rows_ref):
    of, af, vf = of_ref[...], af_ref[...], vf_ref[...]
    yt = (y0[...], y1[...], y2[...], y3[...], y4[...], y5[...])
    for h, G in enumerate(_GRIDS):
        f = _entry_fields(of, af, vf, yt, G, h)
        rows_ref[h, :, :] = jnp.where(vf > 0.0, f["row"], 0)


def _prep(of, af, vf, ycols):
    return pl.pallas_call(
        _prep_body,
        out_shape=jax.ShapeDtypeStruct((3, _ROWS2D, 128), jnp.int32),
    )(of, af, vf, *ycols)


def _sc_gather_body(tab0, tab1, tab2, rows, g0, g1, g2, idx2, rbuf, sem):
    cid = lax.axis_index("c")
    sid = lax.axis_index("s")
    wid = sid * _SC_NC + cid
    base = wid * _RPT
    half = _RPT // 2
    for h, (tab, gout) in enumerate(((tab0, g0), (tab1, g1), (tab2, g2))):
        hoff = h * _NEP + base
        pltpu.sync_copy(rows.at[pl.ds(hoff, half)], idx2.at[0])
        pltpu.sync_copy(rows.at[pl.ds(hoff + half, half)], idx2.at[1])
        cp0 = pltpu.async_copy(tab.at[idx2.at[0]], rbuf.at[pl.ds(0, half)], sem)
        cp1 = pltpu.async_copy(tab.at[idx2.at[1]], rbuf.at[pl.ds(half, half)], sem)
        cp0.wait()
        cp1.wait()
        pltpu.sync_copy(rbuf, gout.at[pl.ds(base, _RPT)])


def _sc_gather(tabs, rows):
    mesh = plsc.VectorSubcoreMesh(core_axis_name="c", subcore_axis_name="s")
    out_type = tuple(jax.ShapeDtypeStruct((_NEP, 85), jnp.float32) for _ in range(3))
    f = pl.kernel(
        _sc_gather_body,
        out_type=out_type,
        mesh=mesh,
        compiler_params=pltpu.CompilerParams(use_tc_tiling_on_sc=False),
        scratch_types=[
            pltpu.VMEM((2, _RPT // 2), jnp.int32),
            pltpu.VMEM((_RPT, 85), jnp.float32),
            pltpu.SemaphoreType.DMA,
        ],
    )
    return f(tabs[0], tabs[1], tabs[2], rows)


def _f_obj(c, t):
    p = 1.0 / (1.0 + jnp.exp(-c))
    p_t = t * p + (1.0 - t) * (1.0 - p)
    a_t = _ALPHA * t + (1.0 - _ALPHA) * (1.0 - t)
    om = 1.0 - p_t
    return a_t * om * om * (c - c * t + jnp.log1p(jnp.exp(-c)))


def _f_cls(pc, sig_pc, t, alpha):
    g = t - sig_pc
    bce = jnp.maximum(pc, 0.0) - pc * t + jnp.log1p(jnp.exp(-jnp.abs(pc)))
    return alpha * g * g * bce


def _sparse_body(G, head, gat_ref, of_ref, af_ref, vf_ref,
                 y0, y1, y2, y3, y4, y5,
                 sbox_ref, scls_ref, sobj_ref, nv_ref):
    c = pl.program_id(0)
    of, af, vf = of_ref[0], af_ref[0], vf_ref[0]
    yt = (y0[0], y1[0], y2[0], y3[0], y4[0], y5[0])
    f = _entry_fields(of, af, vf, yt, G, head)
    maskf = f["maskf"]
    gat = gat_ref[...]

    def col(k):
        return jnp.sum(gat[:, :, k:k + 1], axis=2)

    ps0, ps1, ps2, ps3, ps4 = col(0), col(1), col(2), col(3), col(4)
    sig = lambda z: 1.0 / (1.0 + jnp.exp(-z))
    pxy_x = sig(ps1) * 2.0 - 0.5
    pxy_y = sig(ps2) * 2.0 - 0.5
    tw2 = sig(ps3) * 2.0
    th2 = sig(ps4) * 2.0
    pw = tw2 * tw2 * f["aw"]
    ph = th2 * th2 * f["ah"]
    eps = np.float32(1e-7)
    x1c, y1c, w1, h1 = pxy_x, pxy_y, pw, ph
    x2c, y2c, w2, h2 = f["tbx"], f["tby"], f["tbw"], f["tbh"]
    b1x1, b1x2 = x1c - w1 * 0.5, x1c + w1 * 0.5
    b1y1, b1y2 = y1c - h1 * 0.5, y1c + h1 * 0.5
    b2x1, b2x2 = x2c - w2 * 0.5, x2c + w2 * 0.5
    b2y1, b2y2 = y2c - h2 * 0.5, y2c + h2 * 0.5
    iw = jnp.clip(jnp.minimum(b1x2, b2x2) - jnp.maximum(b1x1, b2x1), 0.0)
    ih = jnp.clip(jnp.minimum(b1y2, b2y2) - jnp.maximum(b1y1, b2y1), 0.0)
    inter = iw * ih
    union = w1 * h1 + w2 * h2 - inter + eps
    iou = inter / union
    cw = jnp.maximum(b1x2, b2x2) - jnp.minimum(b1x1, b2x1)
    ch = jnp.maximum(b1y2, b2y2) - jnp.minimum(b1y1, b2y1)
    c2 = cw * cw + ch * ch + eps
    rho2 = ((b2x1 + b2x2 - b1x1 - b1x2) ** 2 +
            (b2y1 + b2y2 - b1y1 - b1y2) ** 2) * 0.25
    datan = _atan_pos(w2 / (h2 + eps)) - _atan_pos(w1 / (h1 + eps))
    v = np.float32(4.0 / math.pi ** 2) * datan * datan
    alpha_c = v / (v - iou + np.float32(1.0 + 1e-7))
    ciou = iou - (rho2 / c2 + v * alpha_c)
    s_box = jnp.sum(maskf * (1.0 - ciou))
    c_e = sig(ps0)
    v_t = _CP - 1.0 + jnp.clip(ciou, 0.0)
    s_obj = jnp.sum(maskf * (_f_obj(c_e, v_t) - _f_obj(c_e, _CN)))
    pcls = sig(gat[:, :, 5:])
    sig_pc = sig(pcls)
    base = _f_cls(pcls, sig_pc, _CN, 1.0 - _ALPHA)
    corr = _f_cls(pcls, sig_pc, _CP, _ALPHA) - base
    cls_iota = lax.broadcasted_iota(jnp.int32, pcls.shape, 2)
    onehot = cls_iota == f["tcls"].astype(jnp.int32)[:, :, None]
    terms = base + jnp.where(onehot, corr, 0.0)
    s_cls = jnp.sum(maskf[:, :, None] * terms)
    s_nv = jnp.sum(maskf)

    @pl.when(c == 0)
    def _init():
        sbox_ref[...] = jnp.zeros_like(sbox_ref)
        scls_ref[...] = jnp.zeros_like(scls_ref)
        sobj_ref[...] = jnp.zeros_like(sobj_ref)
        nv_ref[...] = jnp.zeros_like(nv_ref)

    sbox_ref[...] += s_box
    scls_ref[...] += s_cls
    sobj_ref[...] += s_obj
    nv_ref[...] += s_nv


def _sparse_head(head, gat3, of, af, vf, ycols):
    G = _GRIDS[head]
    scalar = jax.ShapeDtypeStruct((1, 1), jnp.float32)
    in_specs = [pl.BlockSpec((_ROWS_B, 128, 85), lambda c: (c, 0, 0))]
    in_specs += [pl.BlockSpec((1, _ROWS_B, 128), lambda c: (c, 0, 0))] * 9
    out_specs = [pl.BlockSpec((1, 1), lambda c: (0, 0))] * 4
    aux4 = tuple(a.reshape(_CHUNKS_B, _ROWS_B, 128) for a in (of, af, vf, *ycols))
    return pl.pallas_call(
        functools.partial(_sparse_body, G, head),
        grid=(_CHUNKS_B,),
        in_specs=in_specs,
        out_specs=out_specs,
        out_shape=[scalar] * 4,
    )(gat3, *aux4)


def _dense_body(x_ref, out_ref):
    g = pl.program_id(0)
    col0 = jnp.sum(x_ref[:, :, 0:1], axis=2)
    c = 1.0 / (1.0 + jnp.exp(-col0))
    s = jnp.sum(_f_obj(c, _CN))

    @pl.when(g == 0)
    def _init():
        out_ref[...] = jnp.zeros_like(out_ref)

    out_ref[...] += s


def _dense_head(x3):
    nrow = x3.shape[0]
    blk = 75
    steps = nrow // blk
    return pl.pallas_call(
        _dense_body,
        grid=(steps,),
        in_specs=[pl.BlockSpec((blk, 128, 85), lambda g: (g, 0, 0))],
        out_specs=pl.BlockSpec((1, 1), lambda g: (0, 0)),
        out_shape=jax.ShapeDtypeStruct((1, 1), jnp.float32),
    )(x3)


def kernel(x0, x1, x2, y):
    xs = (x0, x1, x2)
    bs = x0.shape[0]
    e = np.arange(_NEP)
    of = jnp.asarray((np.minimum(e, _NE - 1) // (_NA * _NT)).astype(np.float32).reshape(_ROWS2D, 128))
    af = jnp.asarray(((np.minimum(e, _NE - 1) // _NT) % _NA).astype(np.float32).reshape(_ROWS2D, 128))
    vf = jnp.asarray((e < _NE).astype(np.float32).reshape(_ROWS2D, 128))
    ycols = []
    for k in range(6):
        colk = jnp.tile(y[:, k], 9 * _NA)
        colk = jnp.concatenate([colk, jnp.zeros((_NEP - _NE,), jnp.float32)])
        ycols.append(colk.reshape(_ROWS2D, 128))
    rows3 = _prep(of, af, vf, ycols)
    tabs = tuple(x.reshape(-1, 85) for x in xs)
    g0, g1, g2 = _sc_gather(tabs, rows3.reshape(3 * _NEP))
    gs = (g0, g1, g2)
    lbox = jnp.float32(0.0)
    lcls = jnp.float32(0.0)
    lobj = jnp.float32(0.0)
    for h in range(3):
        G = _GRIDS[h]
        gat3 = gs[h].reshape(_ROWS2D, 128, 85)
        sbox, scls, sobj, nv = _sparse_head(h, gat3, of, af, vf, ycols)
        dense = _dense_head(xs[h].reshape(-1, 128, 85))
        nvs = nv[0, 0]
        lbox = lbox + sbox[0, 0] / nvs
        lcls = lcls + scls[0, 0] / (nvs * 80.0)
        cells = np.float32(bs * _NA * G * G)
        lobj = lobj + (dense[0, 0] + sobj[0, 0]) / cells * np.float32(_OBJ_NORM[h])
    loss = (lcls * np.float32(0.5) + lbox * np.float32(0.05) + lobj) * np.float32(bs)
    return jnp.reshape(loss, (1,))

# --- scband reference (transcript-rebuilt; emitter-appended) ---
"""Pipeline reference for scband-yolo-loss-19988777795929 (READ-ONLY COPY).

The authoritative reference and input builder live on the scoring server;
editing this copy changes nothing except your own understanding.
"""

import jax, jax.numpy as jnp
import numpy as np
import math

CP, CN = 0.9, 0.1
GR = 1.0
ALPHA, GAMMA = 0.25, 2.0
ANCHORS_ALL = np.array([[12,16],[19,36],[40,28],[36,75],[76,55],[72,146],[142,110],[192,243],[459,401]], dtype=np.float32)
CFGS = [
    {"mask": [0,1,2], "grid": 80, "scale": 2.0, "obj_norm": 4.0},
    {"mask": [3,4,5], "grid": 40, "scale": 2.0, "obj_norm": 1.0},
    {"mask": [6,7,8], "grid": 20, "scale": 2.0, "obj_norm": 0.4},
]
IOU_NORM, CLS_NORM = 0.05, 0.5
CNV = np.float32(1.0 - CP)


def bce_logits(x, y):
    return jnp.maximum(x, 0.0) - x * y + jnp.log1p(jnp.exp(-jnp.abs(x)))


def ciou_xywh(box1, box2, eps=1e-7):
    x1, y1, w1, h1 = box1[:, 0], box1[:, 1], box1[:, 2], box1[:, 3]
    x2, y2, w2, h2 = box2[:, 0], box2[:, 1], box2[:, 2], box2[:, 3]
    b1x1, b1x2 = x1 - w1 / 2, x1 + w1 / 2
    b1y1, b1y2 = y1 - h1 / 2, y1 + h1 / 2
    b2x1, b2x2 = x2 - w2 / 2, x2 + w2 / 2
    b2y1, b2y2 = y2 - h2 / 2, y2 + h2 / 2
    inter = jnp.clip(jnp.minimum(b1x2, b2x2) - jnp.maximum(b1x1, b2x1), 0) * jnp.clip(jnp.minimum(b1y2, b2y2) - jnp.maximum(b1y1, b2y1), 0)
    union = w1 * h1 + w2 * h2 - inter + eps
    iou = inter / union
    cw = jnp.maximum(b1x2, b2x2) - jnp.minimum(b1x1, b2x1)
    ch = jnp.maximum(b1y2, b2y2) - jnp.minimum(b1y1, b2y1)
    c2 = cw ** 2 + ch ** 2 + eps
    rho2 = ((b2x1 + b2x2 - b1x1 - b1x2) ** 2 + (b2y1 + b2y2 - b1y1 - b1y2) ** 2) / 4.0
    v = (4.0 / math.pi ** 2) * (jnp.arctan(w2 / (h2 + eps)) - jnp.arctan(w1 / (h1 + eps))) ** 2
    alpha = jax.lax.stop_gradient(v / (v - iou + (1.0 + eps)))
    return iou - (rho2 / c2 + v * alpha)


def build_targets_np(y, grid, anchors, g=0.5):
    off = jnp.array([[0,0],[1,0],[0,1],[-1,0],[0,-1],[1,1],[-1,1],[-1,-1],[1,1]], dtype=jnp.float32) * g
    na = anchors.shape[0]
    nt = y.shape[0]
    ai = jnp.tile(jnp.arange(na, dtype=jnp.float32)[:, None], (1, nt))
    t = jnp.concatenate([jnp.tile(y[None], (na, 1, 1)), ai[:, :, None]], axis=2)
    gain = jnp.array([1, 1, grid, grid, grid, grid, 1], dtype=jnp.float32)
    t = t * gain
    r = t[:, :, 4:6] / jnp.asarray(anchors)[:, None]
    keep = (jnp.maximum(r, 1.0 / r).max(axis=2) < 4.0).reshape(na * nt)
    t = t.reshape(na * nt, 7)
    gxy = t[:, 2:4]
    gxi = jnp.array([grid, grid], dtype=jnp.float32) - gxy
    jk = (gxy % 1.0 < g) & (gxy > 1.0)
    j_, k_ = jk[:, 0], jk[:, 1]
    jks = (gxy % 1.0 < 0.35) & (gxy > 1.0)
    js, ks = jks[:, 0], jks[:, 1]
    lm = (gxi % 1.0 < g) & (gxi > 1.0)
    l_, m_ = lm[:, 0], lm[:, 1]
    lms = (gxi % 1.0 < 0.35) & (gxi > 1.0)
    ls, ms = lms[:, 0], lms[:, 1]
    o_ = js & ks; p_ = ks & ls; q_ = ls & ms; s_ = ms & js
    jmask = jnp.stack([jnp.ones_like(j_), j_, k_, l_, m_, o_, p_, q_, s_])
    mask = (jmask & keep[None]).reshape(9 * na * nt)
    t9 = jnp.tile(t[None], (9, 1, 1)).reshape(9 * na * nt, 7)
    offsets = (jnp.zeros_like(gxy)[None] + off[:, None]).reshape(9 * na * nt, 2)
    b = t9[:, 0].astype(jnp.int32)
    tcls = t9[:, 1].astype(jnp.int32)
    gxy2 = t9[:, 2:4]
    gwh = t9[:, 4:6]
    gij = (gxy2 - offsets).astype(jnp.int32)
    gi = jnp.clip(gij[:, 0], 0, grid - 1)
    gj = jnp.clip(gij[:, 1], 0, grid - 1)
    a = t9[:, 6].astype(jnp.int32)
    tbox = jnp.concatenate([gxy2 - gij.astype(jnp.float32), gwh], axis=1)
    anch = jnp.asarray(anchors)[a]
    return b, a, gj, gi, tcls, tbox, anch, mask


def yolo_loss(xs, y_np):
    bs = xs[0].shape[0]
    image_size = xs[0].shape[2] * 8
    lcls = jnp.zeros((1,)); lbox = jnp.zeros((1,)); lobj = jnp.zeros((1,))
    for i, x_i in enumerate(xs):
        cfg = CFGS[i]
        grid = cfg["grid"]
        anchors = ANCHORS_ALL[cfg["mask"]] / image_size * grid
        b, a, gj, gi, tcls, tbox, anch, mask = build_targets_np(y_np, grid, anchors)
        pconf = jax.nn.sigmoid(x_i[..., 0])
        tobj = jnp.full(pconf.shape, CN, dtype=pconf.dtype)
        n = b.shape[0]
        nv = mask.sum()
        bj, aj, gjj, gii = jnp.asarray(b), jnp.asarray(a), jnp.asarray(gj), jnp.asarray(gi)
        ps = x_i[bj, aj, gjj, gii]
        scale = cfg["scale"]
        pxy = jax.nn.sigmoid(ps[:, 1:3]) * scale - (scale - 1.0) / 2.0
        pwh = (jax.nn.sigmoid(ps[:, 3:5]) * 2.0) ** 2 * jnp.asarray(anch)
        pbox = jnp.concatenate([pxy, pwh], axis=1)
        pcls = jax.nn.sigmoid(ps[:, 5:])
        iou = ciou_xywh(pbox, jnp.asarray(tbox))
        lbox = lbox + jnp.where(mask, 1.0 - iou, 0.0).sum() / nv
        score_iou = jnp.clip(jax.lax.stop_gradient(iou), 0.0)
        tobj_pad = jnp.full((pconf.shape[0] + 1,) + pconf.shape[1:], CN, dtype=pconf.dtype)
        bj_pad = jnp.where(mask, bj, pconf.shape[0])
        tobj = tobj_pad.at[bj_pad, aj, gjj, gii].set(CP - GR + GR * score_iou)[:pconf.shape[0]]
        # QFocal classification loss (pred already sigmoided, as in torch)
        tmat = jnp.full(pcls.shape, CN, dtype=pcls.dtype).at[jnp.arange(n), jnp.asarray(tcls)].set(CP)
        loss_c = bce_logits(pcls, tmat)
        pred_prob_c = jax.nn.sigmoid(pcls)
        alpha_t = jnp.where(tmat == np.float32(CP), ALPHA, 0.0) + jnp.where(tmat == CNV, 1.0 - ALPHA, 0.0)
        gamma_t = jnp.abs(tmat - pred_prob_c) ** GAMMA
        lcls = lcls + jnp.where(mask[:, None], alpha_t * gamma_t * loss_c, 0.0).sum() / (nv * pcls.shape[1])
        # Focal objectness loss (pred already sigmoided, as in torch)
        loss_o = bce_logits(pconf, tobj)
        pprob = jax.nn.sigmoid(pconf)
        p_t = tobj * pprob + (1.0 - tobj) * (1.0 - pprob)
        alpha_t2 = ALPHA * tobj + (1.0 - ALPHA) * (1.0 - tobj)
        gamma_t2 = (1.0 - p_t) ** GAMMA
        lobj = lobj + (alpha_t2 * gamma_t2 * loss_o).mean() * cfg["obj_norm"]
    lbox = lbox * IOU_NORM
    lcls = lcls * CLS_NORM
    return (lcls + lbox + lobj) * bs


def setup_inputs(seed: int = 0):
    key = jax.random.key(seed)
    k = jax.random.split(key, 8)
    x0 = jax.random.normal(k[0], (8, 3, 80, 80, 85), dtype=jnp.float32)
    x1 = jax.random.normal(k[1], (8, 3, 40, 40, 85), dtype=jnp.float32)
    x2 = jax.random.normal(k[2], (8, 3, 20, 20, 85), dtype=jnp.float32)
    nt = 200
    bidx = jax.random.randint(k[3], (nt, 1), 0, 8).astype(jnp.float32)
    cls = jax.random.randint(k[4], (nt, 1), 0, 80).astype(jnp.float32)
    xy = jax.random.uniform(k[5], (nt, 2), minval=0.05, maxval=0.95)
    wh = jax.random.uniform(k[6], (nt, 2), minval=0.02, maxval=0.3)
    y = jnp.concatenate([bidx, cls, xy, wh], axis=1)
    return {"x0": x0, "x1": x1, "x2": x2, "y": y}


def reference(x0, x1, x2, y):
    return yolo_loss([x0, x1, x2], y)

if __name__ == "__main__":
    import jax
    _d = setup_inputs()
    print(jax.jit(kernel)(*tuple(_d.values())))

</pallas_src>

<mosaic_0001>
#map = affine_map<(d0, d1) -> (0, 0)>
#map1 = affine_map<(d0, d1) -> (0)>
module attributes {stable_mosaic.version = 14 : i64} {
  func.func @_sc_gather_body(%arg0: i32, %arg1: i32, %arg2: memref<153600x85xf32, #tpu.memory_space<hbm>>, %arg3: memref<38400x85xf32, #tpu.memory_space<hbm>>, %arg4: memref<9600x85xf32, #tpu.memory_space<hbm>>, %arg5: memref<18432xi32, #tpu.memory_space<hbm>>, %arg6: memref<6144x85xf32, #tpu.memory_space<hbm>>, %arg7: memref<6144x85xf32, #tpu.memory_space<hbm>>, %arg8: memref<6144x85xf32, #tpu.memory_space<hbm>>, %arg9: memref<2x96xi32, #tpu.memory_space<vmem>>, %arg10: memref<192x85xf32, #tpu.memory_space<vmem>>, %arg11: memref<!tpu.dma_semaphore, #tpu.memory_space<semaphore_mem>>) attributes {dimension_semantics = [#tpu.dimension_semantics<core_parallel>, #tpu.dimension_semantics<subcore_parallel>], iteration_bounds = array<i64: 2, 16>, scalar_prefetch = 0 : i64, scratch_operands = 3 : i64, tpu.core_type = #tpu.core_type<sc_vector_subcore>, window_params = [{transform_indices = #map}, {transform_indices = #map}, {transform_indices = #map}, {transform_indices = #map1}, {transform_indices = #map}, {transform_indices = #map}, {transform_indices = #map}]} {
    %mul3A = arith.constant 2 : i32
    %mul3A_0 = arith.muli %arg1, %mul3A : i32
    %add3A = arith.addi %mul3A_0, %arg0 : i32
    %mul3A_1 = arith.constant 192 : i32
    %mul3A_2 = arith.muli %add3A, %mul3A_1 : i32
    %add3A_3 = arith.constant 0 : i32
    %add3A_4 = arith.addi %add3A_3, %mul3A_2 : i32
    %run_scoped3A = arith.constant 0 : i32
    "tpu.region"() ({
      %run_scoped3A_138 = tpu.sem_alloc : memref<!tpu.dma_semaphore, #tpu.memory_space<semaphore_mem>>
      %dma_start3A_139 = arith.constant 0 : i32
      %dma_start3A_140 = tpu.memref_slice %arg9[%run_scoped3A, %dma_start3A_139] : memref<2x96xi32, #tpu.memory_space<vmem>> -> memref<1x96xi32, #tpu.memory_space<vmem>>
      %dma_start3A_141 = tpu.memref_squeeze %dma_start3A_140 : memref<1x96xi32, #tpu.memory_space<vmem>> -> memref<96xi32, #tpu.memory_space<vmem>>
      %dma_start3A_142 = tpu.memref_slice %arg5[%add3A_4] : memref<18432xi32, #tpu.memory_space<hbm>> -> memref<96xi32, #tpu.memory_space<hbm>>
      %dma_start3A_143 = arith.constant 0 : i32
      %dma_start3A_144 = tpu.memref_slice %arg9[%run_scoped3A, %dma_start3A_143] : memref<2x96xi32, #tpu.memory_space<vmem>> -> memref<1x96xi32, #tpu.memory_space<vmem>>
      %dma_start3A_145 = tpu.memref_squeeze %dma_start3A_144 : memref<1x96xi32, #tpu.memory_space<vmem>> -> memref<96xi32, #tpu.memory_space<vmem>>
      %dma_start3A_146 = tpu.memref_slice %arg5[%add3A_4] : memref<18432xi32, #tpu.memory_space<hbm>> -> memref<96xi32, #tpu.memory_space<hbm>>
      tpu.enqueue_dma source(%dma_start3A_146 : memref<96xi32, #tpu.memory_space<hbm>>) target(%dma_start3A_145 : memref<96xi32, #tpu.memory_space<vmem>>) target_semaphore(%run_scoped3A_138 : memref<!tpu.dma_semaphore, #tpu.memory_space<semaphore_mem>>)
      %dma_wait3A_147 = arith.constant 0 : i32
      %dma_wait3A_148 = tpu.memref_slice %arg9[%run_scoped3A, %dma_wait3A_147] : memref<2x96xi32, #tpu.memory_space<vmem>> -> memref<1x96xi32, #tpu.memory_space<vmem>>
      %dma_wait3A_149 = tpu.memref_squeeze %dma_wait3A_148 : memref<1x96xi32, #tpu.memory_space<vmem>> -> memref<96xi32, #tpu.memory_space<vmem>>
      %dma_wait3A_150 = tpu.memref_slice %arg5[%add3A_4] : memref<18432xi32, #tpu.memory_space<hbm>> -> memref<96xi32, #tpu.memory_space<hbm>>
      %dma_wait3A_151 = arith.constant 0 : i32
      %dma_wait3A_152 = tpu.memref_slice %arg9[%run_scoped3A, %dma_wait3A_151] : memref<2x96xi32, #tpu.memory_space<vmem>> -> memref<1x96xi32, #tpu.memory_space<vmem>>
      %dma_wait3A_153 = tpu.memref_squeeze %dma_wait3A_152 : memref<1x96xi32, #tpu.memory_space<vmem>> -> memref<96xi32, #tpu.memory_space<vmem>>
      %dma_wait3A_154 = tpu.memref_slice %arg5[%add3A_4] : memref<18432xi32, #tpu.memory_space<hbm>> -> memref<96xi32, #tpu.memory_space<hbm>>
      tpu.wait_dma2 semaphore(%run_scoped3A_138 : memref<!tpu.dma_semaphore, #tpu.memory_space<semaphore_mem>>) src(%dma_wait3A_154 : memref<96xi32, #tpu.memory_space<hbm>>) dst(%dma_wait3A_153 : memref<96xi32, #tpu.memory_space<vmem>>)
      tpu.yield
    }) : () -> ()
    %add3A_5 = arith.constant 96 : i32
    %add3A_6 = arith.addi %add3A_4, %add3A_5 : i32
    %run_scoped3A_7 = arith.constant 1 : i32
    "tpu.region"() ({
      %run_scoped3A_138 = tpu.sem_alloc : memref<!tpu.dma_semaphore, #tpu.memory_space<semaphore_mem>>
      %dma_start3A_139 = arith.constant 0 : i32
      %dma_start3A_140 = tpu.memref_slice %arg9[%run_scoped3A_7, %dma_start3A_139] : memref<2x96xi32, #tpu.memory_space<vmem>> -> memref<1x96xi32, #tpu.memory_space<vmem>>
      %dma_start3A_141 = tpu.memref_squeeze %dma_start3A_140 : memref<1x96xi32, #tpu.memory_space<vmem>> -> memref<96xi32, #tpu.memory_space<vmem>>
      %dma_start3A_142 = tpu.memref_slice %arg5[%add3A_6] : memref<18432xi32, #tpu.memory_space<hbm>> -> memref<96xi32, #tpu.memory_space<hbm>>
      %dma_start3A_143 = arith.constant 0 : i32
      %dma_start3A_144 = tpu.memref_slice %arg9[%run_scoped3A_7, %dma_start3A_143] : memref<2x96xi32, #tpu.memory_space<vmem>> -> memref<1x96xi32, #tpu.memory_space<vmem>>
      %dma_start3A_145 = tpu.memref_squeeze %dma_start3A_144 : memref<1x96xi32, #tpu.memory_space<vmem>> -> memref<96xi32, #tpu.memory_space<vmem>>
      %dma_start3A_146 = tpu.memref_slice %arg5[%add3A_6] : memref<18432xi32, #tpu.memory_space<hbm>> -> memref<96xi32, #tpu.memory_space<hbm>>
      tpu.enqueue_dma source(%dma_start3A_146 : memref<96xi32, #tpu.memory_space<hbm>>) target(%dma_start3A_145 : memref<96xi32, #tpu.memory_space<vmem>>) target_semaphore(%run_scoped3A_138 : memref<!tpu.dma_semaphore, #tpu.memory_space<semaphore_mem>>)
      %dma_wait3A_147 = arith.constant 0 : i32
      %dma_wait3A_148 = tpu.memref_slice %arg9[%run_scoped3A_7, %dma_wait3A_147] : memref<2x96xi32, #tpu.memory_space<vmem>> -> memref<1x96xi32, #tpu.memory_space<vmem>>
      %dma_wait3A_149 = tpu.memref_squeeze %dma_wait3A_148 : memref<1x96xi32, #tpu.memory_space<vmem>> -> memref<96xi32, #tpu.memory_space<vmem>>
      %dma_wait3A_150 = tpu.memref_slice %arg5[%add3A_6] : memref<18432xi32, #tpu.memory_space<hbm>> -> memref<96xi32, #tpu.memory_space<hbm>>
      %dma_wait3A_151 = arith.constant 0 : i32
      %dma_wait3A_152 = tpu.memref_slice %arg9[%run_scoped3A_7, %dma_wait3A_151] : memref<2x96xi32, #tpu.memory_space<vmem>> -> memref<1x96xi32, #tpu.memory_space<vmem>>
      %dma_wait3A_153 = tpu.memref_squeeze %dma_wait3A_152 : memref<1x96xi32, #tpu.memory_space<vmem>> -> memref<96xi32, #tpu.memory_space<vmem>>
      %dma_wait3A_154 = tpu.memref_slice %arg5[%add3A_6] : memref<18432xi32, #tpu.memory_space<hbm>> -> memref<96xi32, #tpu.memory_space<hbm>>
      tpu.wait_dma2 semaphore(%run_scoped3A_138 : memref<!tpu.dma_semaphore, #tpu.memory_space<semaphore_mem>>) src(%dma_wait3A_154 : memref<96xi32, #tpu.memory_space<hbm>>) dst(%dma_wait3A_153 : memref<96xi32, #tpu.memory_space<vmem>>)
      tpu.yield
    }) : () -> ()
    %dma_start3A = arith.constant 0 : i32
    %dma_start3A_8 = arith.constant 0 : i32
    %dma_start3A_9 = arith.constant 0 : i32
    %dma_start3A_10 = tpu.memref_slice %arg10[%dma_start3A_8, %dma_start3A_9] : memref<192x85xf32, #tpu.memory_space<vmem>> -> memref<96x85xf32, #tpu.memory_space<vmem>>
    %dma_start3A_11 = arith.constant 0 : i32
    %dma_start3A_12 = tpu.memref_slice %arg9[%dma_start3A, %dma_start3A_11] : memref<2x96xi32, #tpu.memory_space<vmem>> -> memref<1x96xi32, #tpu.memory_space<vmem>>
    %dma_start3A_13 = tpu.memref_squeeze %dma_start3A_12 : memref<1x96xi32, #tpu.memory_space<vmem>> -> memref<96xi32, #tpu.memory_space<vmem>>
    %dma_start3A_14 = arith.constant 0 : i32
    %dma_start3A_15 = arith.constant 0 : i32
    %dma_start3A_16 = tpu.memref_slice %arg2[%dma_start3A_14, %dma_start3A_15] : memref<153600x85xf32, #tpu.memory_space<hbm>> -> memref<153600x85xf32, #tpu.memory_space<hbm>>
    tpu.enqueue_indirect_dma source(%dma_start3A_16 : memref<153600x85xf32, #tpu.memory_space<hbm>>) target(%dma_start3A_10 : memref<96x85xf32, #tpu.memory_space<vmem>>) offsets(%dma_start3A_13 : memref<96xi32, #tpu.memory_space<vmem>>) semaphore(%arg11 : memref<!tpu.dma_semaphore, #tpu.memory_space<semaphore_mem>>)
    %dma_start3A_17 = arith.constant 1 : i32
    %dma_start3A_18 = arith.constant 96 : i32
    %dma_start3A_19 = arith.constant 0 : i32
    %dma_start3A_20 = tpu.memref_slice %arg10[%dma_start3A_18, %dma_start3A_19] : memref<192x85xf32, #tpu.memory_space<vmem>> -> memref<96x85xf32, #tpu.memory_space<vmem>>
    %dma_start3A_21 = arith.constant 0 : i32
    %dma_start3A_22 = tpu.memref_slice %arg9[%dma_start3A_17, %dma_start3A_21] : memref<2x96xi32, #tpu.memory_space<vmem>> -> memref<1x96xi32, #tpu.memory_space<vmem>>
    %dma_start3A_23 = tpu.memref_squeeze %dma_start3A_22 : memref<1x96xi32, #tpu.memory_space<vmem>> -> memref<96xi32, #tpu.memory_space<vmem>>
    %dma_start3A_24 = arith.constant 0 : i32
    %dma_start3A_25 = arith.constant 0 : i32
    %dma_start3A_26 = tpu.memref_slice %arg2[%dma_start3A_24, %dma_start3A_25] : memref<153600x85xf32, #tpu.memory_space<hbm>> -> memref<153600x85xf32, #tpu.memory_space<hbm>>
    tpu.enqueue_indirect_dma source(%dma_start3A_26 : memref<153600x85xf32, #tpu.memory_space<hbm>>) target(%dma_start3A_20 : memref<96x85xf32, #tpu.memory_space<vmem>>) offsets(%dma_start3A_23 : memref<96xi32, #tpu.memory_space<vmem>>) semaphore(%arg11 : memref<!tpu.dma_semaphore, #tpu.memory_space<semaphore_mem>>)
    %dma_wait3A = arith.constant 0 : i32
    %dma_wait3A_27 = arith.constant 0 : i32
    %dma_wait3A_28 = arith.constant 0 : i32
    %dma_wait3A_29 = tpu.memref_slice %arg10[%dma_wait3A_27, %dma_wait3A_28] : memref<192x85xf32, #tpu.memory_space<vmem>> -> memref<96x85xf32, #tpu.memory_space<vmem>>
    %dma_wait3A_30 = arith.constant 0 : i32
    %dma_wait3A_31 = tpu.memref_slice %arg9[%dma_wait3A, %dma_wait3A_30] : memref<2x96xi32, #tpu.memory_space<vmem>> -> memref<1x96xi32, #tpu.memory_space<vmem>>
    %dma_wait3A_32 = tpu.memref_squeeze %dma_wait3A_31 : memref<1x96xi32, #tpu.memory_space<vmem>> -> memref<96xi32, #tpu.memory_space<vmem>>
    %dma_wait3A_33 = arith.constant 0 : i32
    %dma_wait3A_34 = arith.constant 0 : i32
    %dma_wait3A_35 = tpu.memref_slice %arg2[%dma_wait3A_33, %dma_wait3A_34] : memref<153600x85xf32, #tpu.memory_space<hbm>> -> memref<153600x85xf32, #tpu.memory_space<hbm>>
    tpu.wait_indirect_dma semaphore(%arg11 : memref<!tpu.dma_semaphore, #tpu.memory_space<semaphore_mem>>) src(%dma_wait3A_35 : memref<153600x85xf32, #tpu.memory_space<hbm>>) dst(%dma_wait3A_29 : memref<96x85xf32, #tpu.memory_space<vmem>>)
    %dma_wait3A_36 = arith.constant 1 : i32
    %dma_wait3A_37 = arith.constant 96 : i32
    %dma_wait3A_38 = arith.constant 0 : i32
    %dma_wait3A_39 = tpu.memref_slice %arg10[%dma_wait3A_37, %dma_wait3A_38] : memref<192x85xf32, #tpu.memory_space<vmem>> -> memref<96x85xf32, #tpu.memory_space<vmem>>
    %dma_wait3A_40 = arith.constant 0 : i32
    %dma_wait3A_41 = tpu.memref_slice %arg9[%dma_wait3A_36, %dma_wait3A_40] : memref<2x96xi32, #tpu.memory_space<vmem>> -> memref<1x96xi32, #tpu.memory_space<vmem>>
    %dma_wait3A_42 = tpu.memref_squeeze %dma_wait3A_41 : memref<1x96xi32, #tpu.memory_space<vmem>> -> memref<96xi32, #tpu.memory_space<vmem>>
    %dma_wait3A_43 = arith.constant 0 : i32
    %dma_wait3A_44 = arith.constant 0 : i32
    %dma_wait3A_45 = tpu.memref_slice %arg2[%dma_wait3A_43, %dma_wait3A_44] : memref<153600x85xf32, #tpu.memory_space<hbm>> -> memref<153600x85xf32, #tpu.memory_space<hbm>>
    tpu.wait_indirect_dma semaphore(%arg11 : memref<!tpu.dma_semaphore, #tpu.memory_space<semaphore_mem>>) src(%dma_wait3A_45 : memref<153600x85xf32, #tpu.memory_space<hbm>>) dst(%dma_wait3A_39 : memref<96x85xf32, #tpu.memory_space<vmem>>)
    "tpu.region"() ({
      %run_scoped3A_138 = tpu.sem_alloc : memref<!tpu.dma_semaphore, #tpu.memory_space<semaphore_mem>>
      %dma_start3A_139 = arith.constant 0 : i32
      %dma_start3A_140 = tpu.memref_slice %arg6[%mul3A_2, %dma_start3A_139] : memref<6144x85xf32, #tpu.memory_space<hbm>> -> memref<192x85xf32, #tpu.memory_space<hbm>>
      %dma_start3A_141 = arith.constant 0 : i32
      %dma_start3A_142 = tpu.memref_slice %arg6[%mul3A_2, %dma_start3A_141] : memref<6144x85xf32, #tpu.memory_space<hbm>> -> memref<192x85xf32, #tpu.memory_space<hbm>>
      tpu.enqueue_dma source(%arg10 : memref<192x85xf32, #tpu.memory_space<vmem>>) target(%dma_start3A_142 : memref<192x85xf32, #tpu.memory_space<hbm>>) target_semaphore(%run_scoped3A_138 : memref<!tpu.dma_semaphore, #tpu.memory_space<semaphore_mem>>)
      %dma_wait3A_143 = arith.constant 0 : i32
      %dma_wait3A_144 = tpu.memref_slice %arg6[%mul3A_2, %dma_wait3A_143] : memref<6144x85xf32, #tpu.memory_space<hbm>> -> memref<192x85xf32, #tpu.memory_space<hbm>>
      %dma_wait3A_145 = arith.constant 0 : i32
      %dma_wait3A_146 = tpu.memref_slice %arg6[%mul3A_2, %dma_wait3A_145] : memref<6144x85xf32, #tpu.memory_space<hbm>> -> memref<192x85xf32, #tpu.memory_space<hbm>>
      tpu.wait_dma2 semaphore(%run_scoped3A_138 : memref<!tpu.dma_semaphore, #tpu.memory_space<semaphore_mem>>) src(%arg10 : memref<192x85xf32, #tpu.memory_space<vmem>>) dst(%dma_wait3A_146 : memref<192x85xf32, #tpu.memory_space<hbm>>)
      tpu.yield
    }) : () -> ()
    %add3A_46 = arith.constant 6144 : i32
    %add3A_47 = arith.addi %add3A_46, %mul3A_2 : i32
    %run_scoped3A_48 = arith.constant 0 : i32
    "tpu.region"() ({
      %run_scoped3A_138 = tpu.sem_alloc : memref<!tpu.dma_semaphore, #tpu.memory_space<semaphore_mem>>
      %dma_start3A_139 = arith.constant 0 : i32
      %dma_start3A_140 = tpu.memref_slice %arg9[%run_scoped3A_48, %dma_start3A_139] : memref<2x96xi32, #tpu.memory_space<vmem>> -> memref<1x96xi32, #tpu.memory_space<vmem>>
      %dma_start3A_141 = tpu.memref_squeeze %dma_start3A_140 : memref<1x96xi32, #tpu.memory_space<vmem>> -> memref<96xi32, #tpu.memory_space<vmem>>
      %dma_start3A_142 = tpu.memref_slice %arg5[%add3A_47] : memref<18432xi32, #tpu.memory_space<hbm>> -> memref<96xi32, #tpu.memory_space<hbm>>
      %dma_start3A_143 = arith.constant 0 : i32
      %dma_start3A_144 = tpu.memref_slice %arg9[%run_scoped3A_48, %dma_start3A_143] : memref<2x96xi32, #tpu.memory_space<vmem>> -> memref<1x96xi32, #tpu.memory_space<vmem>>
      %dma_start3A_145 = tpu.memref_squeeze %dma_start3A_144 : memref<1x96xi32, #tpu.memory_space<vmem>> -> memref<96xi32, #tpu.memory_space<vmem>>
      %dma_start3A_146 = tpu.memref_slice %arg5[%add3A_47] : memref<18432xi32, #tpu.memory_space<hbm>> -> memref<96xi32, #tpu.memory_space<hbm>>
      tpu.enqueue_dma source(%dma_start3A_146 : memref<96xi32, #tpu.memory_space<hbm>>) target(%dma_start3A_145 : memref<96xi32, #tpu.memory_space<vmem>>) target_semaphore(%run_scoped3A_138 : memref<!tpu.dma_semaphore, #tpu.memory_space<semaphore_mem>>)
      %dma_wait3A_147 = arith.constant 0 : i32
      %dma_wait3A_148 = tpu.memref_slice %arg9[%run_scoped3A_48, %dma_wait3A_147] : memref<2x96xi32, #tpu.memory_space<vmem>> -> memref<1x96xi32, #tpu.memory_space<vmem>>
      %dma_wait3A_149 = tpu.memref_squeeze %dma_wait3A_148 : memref<1x96xi32, #tpu.memory_space<vmem>> -> memref<96xi32, #tpu.memory_space<vmem>>
      %dma_wait3A_150 = tpu.memref_slice %arg5[%add3A_47] : memref<18432xi32, #tpu.memory_space<hbm>> -> memref<96xi32, #tpu.memory_space<hbm>>
      %dma_wait3A_151 = arith.constant 0 : i32
      %dma_wait3A_152 = tpu.memref_slice %arg9[%run_scoped3A_48, %dma_wait3A_151] : memref<2x96xi32, #tpu.memory_space<vmem>> -> memref<1x96xi32, #tpu.memory_space<vmem>>
      %dma_wait3A_153 = tpu.memref_squeeze %dma_wait3A_152 : memref<1x96xi32, #tpu.memory_space<vmem>> -> memref<96xi32, #tpu.memory_space<vmem>>
      %dma_wait3A_154 = tpu.memref_slice %arg5[%add3A_47] : memref<18432xi32, #tpu.memory_space<hbm>> -> memref<96xi32, #tpu.memory_space<hbm>>
      tpu.wait_dma2 semaphore(%run_scoped3A_138 : memref<!tpu.dma_semaphore, #tpu.memory_space<semaphore_mem>>) src(%dma_wait3A_154 : memref<96xi32, #tpu.memory_space<hbm>>) dst(%dma_wait3A_153 : memref<96xi32, #tpu.memory_space<vmem>>)
      tpu.yield
    }) : () -> ()
    %add3A_49 = arith.constant 96 : i32
    %add3A_50 = arith.addi %add3A_47, %add3A_49 : i32
    %run_scoped3A_51 = arith.constant 1 : i32
    "tpu.region"() ({
      %run_scoped3A_138 = tpu.sem_alloc : memref<!tpu.dma_semaphore, #tpu.memory_space<semaphore_mem>>
      %dma_start3A_139 = arith.constant 0 : i32
      %dma_start3A_140 = tpu.memref_slice %arg9[%run_scoped3A_51, %dma_start3A_139] : memref<2x96xi32, #tpu.memory_space<vmem>> -> memref<1x96xi32, #tpu.memory_space<vmem>>
      %dma_start3A_141 = tpu.memref_squeeze %dma_start3A_140 : memref<1x96xi32, #tpu.memory_space<vmem>> -> memref<96xi32, #tpu.memory_space<vmem>>
      %dma_start3A_142 = tpu.memref_slice %arg5[%add3A_50] : memref<18432xi32, #tpu.memory_space<hbm>> -> memref<96xi32, #tpu.memory_space<hbm>>
      %dma_start3A_143 = arith.constant 0 : i32
      %dma_start3A_144 = tpu.memref_slice %arg9[%run_scoped3A_51, %dma_start3A_143] : memref<2x96xi32, #tpu.memory_space<vmem>> -> memref<1x96xi32, #tpu.memory_space<vmem>>
      %dma_start3A_145 = tpu.memref_squeeze %dma_start3A_144 : memref<1x96xi32, #tpu.memory_space<vmem>> -> memref<96xi32, #tpu.memory_space<vmem>>
      %dma_start3A_146 = tpu.memref_slice %arg5[%add3A_50] : memref<18432xi32, #tpu.memory_space<hbm>> -> memref<96xi32, #tpu.memory_space<hbm>>
      tpu.enqueue_dma source(%dma_start3A_146 : memref<96xi32, #tpu.memory_space<hbm>>) target(%dma_start3A_145 : memref<96xi32, #tpu.memory_space<vmem>>) target_semaphore(%run_scoped3A_138 : memref<!tpu.dma_semaphore, #tpu.memory_space<semaphore_mem>>)
      %dma_wait3A_147 = arith.constant 0 : i32
      %dma_wait3A_148 = tpu.memref_slice %arg9[%run_scoped3A_51, %dma_wait3A_147] : memref<2x96xi32, #tpu.memory_space<vmem>> -> memref<1x96xi32, #tpu.memory_space<vmem>>
      %dma_wait3A_149 = tpu.memref_squeeze %dma_wait3A_148 : memref<1x96xi32, #tpu.memory_space<vmem>> -> memref<96xi32, #tpu.memory_space<vmem>>
      %dma_wait3A_150 = tpu.memref_slice %arg5[%add3A_50] : memref<18432xi32, #tpu.memory_space<hbm>> -> memref<96xi32, #tpu.memory_space<hbm>>
      %dma_wait3A_151 = arith.constant 0 : i32
      %dma_wait3A_152 = tpu.memref_slice %arg9[%run_scoped3A_51, %dma_wait3A_151] : memref<2x96xi32, #tpu.memory_space<vmem>> -> memref<1x96xi32, #tpu.memory_space<vmem>>
      %dma_wait3A_153 = tpu.memref_squeeze %dma_wait3A_152 : memref<1x96xi32, #tpu.memory_space<vmem>> -> memref<96xi32, #tpu.memory_space<vmem>>
      %dma_wait3A_154 = tpu.memref_slice %arg5[%add3A_50] : memref<18432xi32, #tpu.memory_space<hbm>> -> memref<96xi32, #tpu.memory_space<hbm>>
      tpu.wait_dma2 semaphore(%run_scoped3A_138 : memref<!tpu.dma_semaphore, #tpu.memory_space<semaphore_mem>>) src(%dma_wait3A_154 : memref<96xi32, #tpu.memory_space<hbm>>) dst(%dma_wait3A_153 : memref<96xi32, #tpu.memory_space<vmem>>)
      tpu.yield
    }) : () -> ()
    %dma_start3A_52 = arith.constant 0 : i32
    %dma_start3A_53 = arith.constant 0 : i32
    %dma_start3A_54 = arith.constant 0 : i32
    %dma_start3A_55 = tpu.memref_slice %arg10[%dma_start3A_53, %dma_start3A_54] : memref<192x85xf32, #tpu.memory_space<vmem>> -> memref<96x85xf32, #tpu.memory_space<vmem>>
    %dma_start3A_56 = arith.constant 0 : i32
    %dma_start3A_57 = tpu.memref_slice %arg9[%dma_start3A_52, %dma_start3A_56] : memref<2x96xi32, #tpu.memory_space<vmem>> -> memref<1x96xi32, #tpu.memory_space<vmem>>
    %dma_start3A_58 = tpu.memref_squeeze %dma_start3A_57 : memref<1x96xi32, #tpu.memory_space<vmem>> -> memref<96xi32, #tpu.memory_space<vmem>>
    %dma_start3A_59 = arith.constant 0 : i32
    %dma_start3A_60 = arith.constant 0 : i32
    %dma_start3A_61 = tpu.memref_slice %arg3[%dma_start3A_59, %dma_start3A_60] : memref<38400x85xf32, #tpu.memory_space<hbm>> -> memref<38400x85xf32, #tpu.memory_space<hbm>>
    tpu.enqueue_indirect_dma source(%dma_start3A_61 : memref<38400x85xf32, #tpu.memory_space<hbm>>) target(%dma_start3A_55 : memref<96x85xf32, #tpu.memory_space<vmem>>) offsets(%dma_start3A_58 : memref<96xi32, #tpu.memory_space<vmem>>) semaphore(%arg11 : memref<!tpu.dma_semaphore, #tpu.memory_space<semaphore_mem>>)
    %dma_start3A_62 = arith.constant 1 : i32
    %dma_start3A_63 = arith.constant 96 : i32
    %dma_start3A_64 = arith.constant 0 : i32
    %dma_start3A_65 = tpu.memref_slice %arg10[%dma_start3A_63, %dma_start3A_64] : memref<192x85xf32, #tpu.memory_space<vmem>> -> memref<96x85xf32, #tpu.memory_space<vmem>>
    %dma_start3A_66 = arith.constant 0 : i32
    %dma_start3A_67 = tpu.memref_slice %arg9[%dma_start3A_62, %dma_start3A_66] : memref<2x96xi32, #tpu.memory_space<vmem>> -> memref<1x96xi32, #tpu.memory_space<vmem>>
    %dma_start3A_68 = tpu.memref_squeeze %dma_start3A_67 : memref<1x96xi32, #tpu.memory_space<vmem>> -> memref<96xi32, #tpu.memory_space<vmem>>
    %dma_start3A_69 = arith.constant 0 : i32
    %dma_start3A_70 = arith.constant 0 : i32
    %dma_start3A_71 = tpu.memref_slice %arg3[%dma_start3A_69, %dma_start3A_70] : memref<38400x85xf32, #tpu.memory_space<hbm>> -> memref<38400x85xf32, #tpu.memory_space<hbm>>
    tpu.enqueue_indirect_dma source(%dma_start3A_71 : memref<38400x85xf32, #tpu.memory_space<hbm>>) target(%dma_start3A_65 : memref<96x85xf32, #tpu.memory_space<vmem>>) offsets(%dma_start3A_68 : memref<96xi32, #tpu.memory_space<vmem>>) semaphore(%arg11 : memref<!tpu.dma_semaphore, #tpu.memory_space<semaphore_mem>>)
    %dma_wait3A_72 = arith.constant 0 : i32
    %dma_wait3A_73 = arith.constant 0 : i32
    %dma_wait3A_74 = arith.constant 0 : i32
    %dma_wait3A_75 = tpu.memref_slice %arg10[%dma_wait3A_73, %dma_wait3A_74] : memref<192x85xf32, #tpu.memory_space<vmem>> -> memref<96x85xf32, #tpu.memory_space<vmem>>
    %dma_wait3A_76 = arith.constant 0 : i32
    %dma_wait3A_77 = tpu.memref_slice %arg9[%dma_wait3A_72, %dma_wait3A_76] : memref<2x96xi32, #tpu.memory_space<vmem>> -> memref<1x96xi32, #tpu.memory_space<vmem>>
    %dma_wait3A_78 = tpu.memref_squeeze %dma_wait3A_77 : memref<1x96xi32, #tpu.memory_space<vmem>> -> memref<96xi32, #tpu.memory_space<vmem>>
    %dma_wait3A_79 = arith.constant 0 : i32
    %dma_wait3A_80 = arith.constant 0 : i32
    %dma_wait3A_81 = tpu.memref_slice %arg3[%dma_wait3A_79, %dma_wait3A_80] : memref<38400x85xf32, #tpu.memory_space<hbm>> -> memref<38400x85xf32, #tpu.memory_space<hbm>>
    tpu.wait_indirect_dma semaphore(%arg11 : memref<!tpu.dma_semaphore, #tpu.memory_space<semaphore_mem>>) src(%dma_wait3A_81 : memref<38400x85xf32, #tpu.memory_space<hbm>>) dst(%dma_wait3A_75 : memref<96x85xf32, #tpu.memory_space<vmem>>)
    %dma_wait3A_82 = arith.constant 1 : i32
    %dma_wait3A_83 = arith.constant 96 : i32
    %dma_wait3A_84 = arith.constant 0 : i32
    %dma_wait3A_85 = tpu.memref_slice %arg10[%dma_wait3A_83, %dma_wait3A_84] : memref<192x85xf32, #tpu.memory_space<vmem>> -> memref<96x85xf32, #tpu.memory_space<vmem>>
    %dma_wait3A_86 = arith.constant 0 : i32
    %dma_wait3A_87 = tpu.memref_slice %arg9[%dma_wait3A_82, %dma_wait3A_86] : memref<2x96xi32, #tpu.memory_space<vmem>> -> memref<1x96xi32, #tpu.memory_space<vmem>>
    %dma_wait3A_88 = tpu.memref_squeeze %dma_wait3A_87 : memref<1x96xi32, #tpu.memory_space<vmem>> -> memref<96xi32, #tpu.memory_space<vmem>>
    %dma_wait3A_89 = arith.constant 0 : i32
    %dma_wait3A_90 = arith.constant 0 : i32
    %dma_wait3A_91 = tpu.memref_slice %arg3[%dma_wait3A_89, %dma_wait3A_90] : memref<38400x85xf32, #tpu.memory_space<hbm>> -> memref<38400x85xf32, #tpu.memory_space<hbm>>
    tpu.wait_indirect_dma semaphore(%arg11 : memref<!tpu.dma_semaphore, #tpu.memory_space<semaphore_mem>>) src(%dma_wait3A_91 : memref<38400x85xf32, #tpu.memory_space<hbm>>) dst(%dma_wait3A_85 : memref<96x85xf32, #tpu.memory_space<vmem>>)
    "tpu.region"() ({
      %run_scoped3A_138 = tpu.sem_alloc : memref<!tpu.dma_semaphore, #tpu.memory_space<semaphore_mem>>
      %dma_start3A_139 = arith.constant 0 : i32
      %dma_start3A_140 = tpu.memref_slice %arg7[%mul3A_2, %dma_start3A_139] : memref<6144x85xf32, #tpu.memory_space<hbm>> -> memref<192x85xf32, #tpu.memory_space<hbm>>
      %dma_start3A_141 = arith.constant 0 : i32
      %dma_start3A_142 = tpu.memref_slice %arg7[%mul3A_2, %dma_start3A_141] : memref<6144x85xf32, #tpu.memory_space<hbm>> -> memref<192x85xf32, #tpu.memory_space<hbm>>
      tpu.enqueue_dma source(%arg10 : memref<192x85xf32, #tpu.memory_space<vmem>>) target(%dma_start3A_142 : memref<192x85xf32, #tpu.memory_space<hbm>>) target_semaphore(%run_scoped3A_138 : memref<!tpu.dma_semaphore, #tpu.memory_space<semaphore_mem>>)
      %dma_wait3A_143 = arith.constant 0 : i32
      %dma_wait3A_144 = tpu.memref_slice %arg7[%mul3A_2, %dma_wait3A_143] : memref<6144x85xf32, #tpu.memory_space<hbm>> -> memref<192x85xf32, #tpu.memory_space<hbm>>
      %dma_wait3A_145 = arith.constant 0 : i32
      %dma_wait3A_146 = tpu.memref_slice %arg7[%mul3A_2, %dma_wait3A_145] : memref<6144x85xf32, #tpu.memory_space<hbm>> -> memref<192x85xf32, #tpu.memory_space<hbm>>
      tpu.wait_dma2 semaphore(%run_scoped3A_138 : memref<!tpu.dma_semaphore, #tpu.memory_space<semaphore_mem>>) src(%arg10 : memref<192x85xf32, #tpu.memory_space<vmem>>) dst(%dma_wait3A_146 : memref<192x85xf32, #tpu.memory_space<hbm>>)
      tpu.yield
    }) : () -> ()
    %add3A_92 = arith.constant 12288 : i32
    %add3A_93 = arith.addi %add3A_92, %mul3A_2 : i32
    %run_scoped3A_94 = arith.constant 0 : i32
    "tpu.region"() ({
      %run_scoped3A_138 = tpu.sem_alloc : memref<!tpu.dma_semaphore, #tpu.memory_space<semaphore_mem>>
      %dma_start3A_139 = arith.constant 0 : i32
      %dma_start3A_140 = tpu.memref_slice %arg9[%run_scoped3A_94, %dma_start3A_139] : memref<2x96xi32, #tpu.memory_space<vmem>> -> memref<1x96xi32, #tpu.memory_space<vmem>>
      %dma_start3A_141 = tpu.memref_squeeze %dma_start3A_140 : memref<1x96xi32, #tpu.memory_space<vmem>> -> memref<96xi32, #tpu.memory_space<vmem>>
      %dma_start3A_142 = tpu.memref_slice %arg5[%add3A_93] : memref<18432xi32, #tpu.memory_space<hbm>> -> memref<96xi32, #tpu.memory_space<hbm>>
      %dma_start3A_143 = arith.constant 0 : i32
      %dma_start3A_144 = tpu.memref_slice %arg9[%run_scoped3A_94, %dma_start3A_143] : memref<2x96xi32, #tpu.memory_space<vmem>> -> memref<1x96xi32, #tpu.memory_space<vmem>>
      %dma_start3A_145 = tpu.memref_squeeze %dma_start3A_144 : memref<1x96xi32, #tpu.memory_space<vmem>> -> memref<96xi32, #tpu.memory_space<vmem>>
      %dma_start3A_146 = tpu.memref_slice %arg5[%add3A_93] : memref<18432xi32, #tpu.memory_space<hbm>> -> memref<96xi32, #tpu.memory_space<hbm>>
      tpu.enqueue_dma source(%dma_start3A_146 : memref<96xi32, #tpu.memory_space<hbm>>) target(%dma_start3A_145 : memref<96xi32, #tpu.memory_space<vmem>>) target_semaphore(%run_scoped3A_138 : memref<!tpu.dma_semaphore, #tpu.memory_space<semaphore_mem>>)
      %dma_wait3A_147 = arith.constant 0 : i32
      %dma_wait3A_148 = tpu.memref_slice %arg9[%run_scoped3A_94, %dma_wait3A_147] : memref<2x96xi32, #tpu.memory_space<vmem>> -> memref<1x96xi32, #tpu.memory_space<vmem>>
      %dma_wait3A_149 = tpu.memref_squeeze %dma_wait3A_148 : memref<1x96xi32, #tpu.memory_space<vmem>> -> memref<96xi32, #tpu.memory_space<vmem>>
      %dma_wait3A_150 = tpu.memref_slice %arg5[%add3A_93] : memref<18432xi32, #tpu.memory_space<hbm>> -> memref<96xi32, #tpu.memory_space<hbm>>
      %dma_wait3A_151 = arith.constant 0 : i32
      %dma_wait3A_152 = tpu.memref_slice %arg9[%run_scoped3A_94, %dma_wait3A_151] : memref<2x96xi32, #tpu.memory_space<vmem>> -> memref<1x96xi32, #tpu.memory_space<vmem>>
      %dma_wait3A_153 = tpu.memref_squeeze %dma_wait3A_152 : memref<1x96xi32, #tpu.memory_space<vmem>> -> memref<96xi32, #tpu.memory_space<vmem>>
      %dma_wait3A_154 = tpu.memref_slice %arg5[%add3A_93] : memref<18432xi32, #tpu.memory_space<hbm>> -> memref<96xi32, #tpu.memory_space<hbm>>
      tpu.wait_dma2 semaphore(%run_scoped3A_138 : memref<!tpu.dma_semaphore, #tpu.memory_space<semaphore_mem>>) src(%dma_wait3A_154 : memref<96xi32, #tpu.memory_space<hbm>>) dst(%dma_wait3A_153 : memref<96xi32, #tpu.memory_space<vmem>>)
      tpu.yield
    }) : () -> ()
    %add3A_95 = arith.constant 96 : i32
    %add3A_96 = arith.addi %add3A_93, %add3A_95 : i32
    %run_scoped3A_97 = arith.constant 1 : i32
    "tpu.region"() ({
      %run_scoped3A_138 = tpu.sem_alloc : memref<!tpu.dma_semaphore, #tpu.memory_space<semaphore_mem>>
      %dma_start3A_139 = arith.constant 0 : i32
      %dma_start3A_140 = tpu.memref_slice %arg9[%run_scoped3A_97, %dma_start3A_139] : memref<2x96xi32, #tpu.memory_space<vmem>> -> memref<1x96xi32, #tpu.memory_space<vmem>>
      %dma_start3A_141 = tpu.memref_squeeze %dma_start3A_140 : memref<1x96xi32, #tpu.memory_space<vmem>> -> memref<96xi32, #tpu.memory_space<vmem>>
      %dma_start3A_142 = tpu.memref_slice %arg5[%add3A_96] : memref<18432xi32, #tpu.memory_space<hbm>> -> memref<96xi32, #tpu.memory_space<hbm>>
      %dma_start3A_143 = arith.constant 0 : i32
      %dma_start3A_144 = tpu.memref_slice %arg9[%run_scoped3A_97, %dma_start3A_143] : memref<2x96xi32, #tpu.memory_space<vmem>> -> memref<1x96xi32, #tpu.memory_space<vmem>>
      %dma_start3A_145 = tpu.memref_squeeze %dma_start3A_144 : memref<1x96xi32, #tpu.memory_space<vmem>> -> memref<96xi32, #tpu.memory_space<vmem>>
      %dma_start3A_146 = tpu.memref_slice %arg5[%add3A_96] : memref<18432xi32, #tpu.memory_space<hbm>> -> memref<96xi32, #tpu.memory_space<hbm>>
      tpu.enqueue_dma source(%dma_start3A_146 : memref<96xi32, #tpu.memory_space<hbm>>) target(%dma_start3A_145 : memref<96xi32, #tpu.memory_space<vmem>>) target_semaphore(%run_scoped3A_138 : memref<!tpu.dma_semaphore, #tpu.memory_space<semaphore_mem>>)
      %dma_wait3A_147 = arith.constant 0 : i32
      %dma_wait3A_148 = tpu.memref_slice %arg9[%run_scoped3A_97, %dma_wait3A_147] : memref<2x96xi32, #tpu.memory_space<vmem>> -> memref<1x96xi32, #tpu.memory_space<vmem>>
      %dma_wait3A_149 = tpu.memref_squeeze %dma_wait3A_148 : memref<1x96xi32, #tpu.memory_space<vmem>> -> memref<96xi32, #tpu.memory_space<vmem>>
      %dma_wait3A_150 = tpu.memref_slice %arg5[%add3A_96] : memref<18432xi32, #tpu.memory_space<hbm>> -> memref<96xi32, #tpu.memory_space<hbm>>
      %dma_wait3A_151 = arith.constant 0 : i32
      %dma_wait3A_152 = tpu.memref_slice %arg9[%run_scoped3A_97, %dma_wait3A_151] : memref<2x96xi32, #tpu.memory_space<vmem>> -> memref<1x96xi32, #tpu.memory_space<vmem>>
      %dma_wait3A_153 = tpu.memref_squeeze %dma_wait3A_152 : memref<1x96xi32, #tpu.memory_space<vmem>> -> memref<96xi32, #tpu.memory_space<vmem>>
      %dma_wait3A_154 = tpu.memref_slice %arg5[%add3A_96] : memref<18432xi32, #tpu.memory_space<hbm>> -> memref<96xi32, #tpu.memory_space<hbm>>
      tpu.wait_dma2 semaphore(%run_scoped3A_138 : memref<!tpu.dma_semaphore, #tpu.memory_space<semaphore_mem>>) src(%dma_wait3A_154 : memref<96xi32, #tpu.memory_space<hbm>>) dst(%dma_wait3A_153 : memref<96xi32, #tpu.memory_space<vmem>>)
      tpu.yield
    }) : () -> ()
    %dma_start3A_98 = arith.constant 0 : i32
    %dma_start3A_99 = arith.constant 0 : i32
    %dma_start3A_100 = arith.constant 0 : i32
    %dma_start3A_101 = tpu.memref_slice %arg10[%dma_start3A_99, %dma_start3A_100] : memref<192x85xf32, #tpu.memory_space<vmem>> -> memref<96x85xf32, #tpu.memory_space<vmem>>
    %dma_start3A_102 = arith.constant 0 : i32
    %dma_start3A_103 = tpu.memref_slice %arg9[%dma_start3A_98, %dma_start3A_102] : memref<2x96xi32, #tpu.memory_space<vmem>> -> memref<1x96xi32, #tpu.memory_space<vmem>>
    %dma_start3A_104 = tpu.memref_squeeze %dma_start3A_103 : memref<1x96xi32, #tpu.memory_space<vmem>> -> memref<96xi32, #tpu.memory_space<vmem>>
    %dma_start3A_105 = arith.constant 0 : i32
    %dma_start3A_106 = arith.constant 0 : i32
    %dma_start3A_107 = tpu.memref_slice %arg4[%dma_start3A_105, %dma_start3A_106] : memref<9600x85xf32, #tpu.memory_space<hbm>> -> memref<9600x85xf32, #tpu.memory_space<hbm>>
    tpu.enqueue_indirect_dma source(%dma_start3A_107 : memref<9600x85xf32, #tpu.memory_space<hbm>>) target(%dma_start3A_101 : memref<96x85xf32, #tpu.memory_space<vmem>>) offsets(%dma_start3A_104 : memref<96xi32, #tpu.memory_space<vmem>>) semaphore(%arg11 : memref<!tpu.dma_semaphore, #tpu.memory_space<semaphore_mem>>)
    %dma_start3A_108 = arith.constant 1 : i32
    %dma_start3A_109 = arith.constant 96 : i32
    %dma_start3A_110 = arith.constant 0 : i32
    %dma_start3A_111 = tpu.memref_slice %arg10[%dma_start3A_109, %dma_start3A_110] : memref<192x85xf32, #tpu.memory_space<vmem>> -> memref<96x85xf32, #tpu.memory_space<vmem>>
    %dma_start3A_112 = arith.constant 0 : i32
    %dma_start3A_113 = tpu.memref_slice %arg9[%dma_start3A_108, %dma_start3A_112] : memref<2x96xi32, #tpu.memory_space<vmem>> -> memref<1x96xi32, #tpu.memory_space<vmem>>
    %dma_start3A_114 = tpu.memref_squeeze %dma_start3A_113 : memref<1x96xi32, #tpu.memory_space<vmem>> -> memref<96xi32, #tpu.memory_space<vmem>>
    %dma_start3A_115 = arith.constant 0 : i32
    %dma_start3A_116 = arith.constant 0 : i32
    %dma_start3A_117 = tpu.memref_slice %arg4[%dma_start3A_115, %dma_start3A_116] : memref<9600x85xf32, #tpu.memory_space<hbm>> -> memref<9600x85xf32, #tpu.memory_space<hbm>>
    tpu.enqueue_indirect_dma source(%dma_start3A_117 : memref<9600x85xf32, #tpu.memory_space<hbm>>) target(%dma_start3A_111 : memref<96x85xf32, #tpu.memory_space<vmem>>) offsets(%dma_start3A_114 : memref<96xi32, #tpu.memory_space<vmem>>) semaphore(%arg11 : memref<!tpu.dma_semaphore, #tpu.memory_space<semaphore_mem>>)
    %dma_wait3A_118 = arith.constant 0 : i32
    %dma_wait3A_119 = arith.constant 0 : i32
    %dma_wait3A_120 = arith.constant 0 : i32
    %dma_wait3A_121 = tpu.memref_slice %arg10[%dma_wait3A_119, %dma_wait3A_120] : memref<192x85xf32, #tpu.memory_space<vmem>> -> memref<96x85xf32, #tpu.memory_space<vmem>>
    %dma_wait3A_122 = arith.constant 0 : i32
    %dma_wait3A_123 = tpu.memref_slice %arg9[%dma_wait3A_118, %dma_wait3A_122] : memref<2x96xi32, #tpu.memory_space<vmem>> -> memref<1x96xi32, #tpu.memory_space<vmem>>
    %dma_wait3A_124 = tpu.memref_squeeze %dma_wait3A_123 : memref<1x96xi32, #tpu.memory_space<vmem>> -> memref<96xi32, #tpu.memory_space<vmem>>
    %dma_wait3A_125 = arith.constant 0 : i32
    %dma_wait3A_126 = arith.constant 0 : i32
    %dma_wait3A_127 = tpu.memref_slice %arg4[%dma_wait3A_125, %dma_wait3A_126] : memref<9600x85xf32, #tpu.memory_space<hbm>> -> memref<9600x85xf32, #tpu.memory_space<hbm>>
    tpu.wait_indirect_dma semaphore(%arg11 : memref<!tpu.dma_semaphore, #tpu.memory_space<semaphore_mem>>) src(%dma_wait3A_127 : memref<9600x85xf32, #tpu.memory_space<hbm>>) dst(%dma_wait3A_121 : memref<96x85xf32, #tpu.memory_space<vmem>>)
    %dma_wait3A_128 = arith.constant 1 : i32
    %dma_wait3A_129 = arith.constant 96 : i32
    %dma_wait3A_130 = arith.constant 0 : i32
    %dma_wait3A_131 = tpu.memref_slice %arg10[%dma_wait3A_129, %dma_wait3A_130] : memref<192x85xf32, #tpu.memory_space<vmem>> -> memref<96x85xf32, #tpu.memory_space<vmem>>
    %dma_wait3A_132 = arith.constant 0 : i32
    %dma_wait3A_133 = tpu.memref_slice %arg9[%dma_wait3A_128, %dma_wait3A_132] : memref<2x96xi32, #tpu.memory_space<vmem>> -> memref<1x96xi32, #tpu.memory_space<vmem>>
    %dma_wait3A_134 = tpu.memref_squeeze %dma_wait3A_133 : memref<1x96xi32, #tpu.memory_space<vmem>> -> memref<96xi32, #tpu.memory_space<vmem>>
    %dma_wait3A_135 = arith.constant 0 : i32
    %dma_wait3A_136 = arith.constant 0 : i32
    %dma_wait3A_137 = tpu.memref_slice %arg4[%dma_wait3A_135, %dma_wait3A_136] : memref<9600x85xf32, #tpu.memory_space<hbm>> -> memref<9600x85xf32, #tpu.memory_space<hbm>>
    tpu.wait_indirect_dma semaphore(%arg11 : memref<!tpu.dma_semaphore, #tpu.memory_space<semaphore_mem>>) src(%dma_wait3A_137 : memref<9600x85xf32, #tpu.memory_space<hbm>>) dst(%dma_wait3A_131 : memref<96x85xf32, #tpu.memory_space<vmem>>)
    "tpu.region"() ({
      %run_scoped3A_138 = tpu.sem_alloc : memref<!tpu.dma_semaphore, #tpu.memory_space<semaphore_mem>>
      %dma_start3A_139 = arith.constant 0 : i32
      %dma_start3A_140 = tpu.memref_slice %arg8[%mul3A_2, %dma_start3A_139] : memref<6144x85xf32, #tpu.memory_space<hbm>> -> memref<192x85xf32, #tpu.memory_space<hbm>>
      %dma_start3A_141 = arith.constant 0 : i32
      %dma_start3A_142 = tpu.memref_slice %arg8[%mul3A_2, %dma_start3A_141] : memref<6144x85xf32, #tpu.memory_space<hbm>> -> memref<192x85xf32, #tpu.memory_space<hbm>>
      tpu.enqueue_dma source(%arg10 : memref<192x85xf32, #tpu.memory_space<vmem>>) target(%dma_start3A_142 : memref<192x85xf32, #tpu.memory_space<hbm>>) target_semaphore(%run_scoped3A_138 : memref<!tpu.dma_semaphore, #tpu.memory_space<semaphore_mem>>)
      %dma_wait3A_143 = arith.constant 0 : i32
      %dma_wait3A_144 = tpu.memref_slice %arg8[%mul3A_2, %dma_wait3A_143] : memref<6144x85xf32, #tpu.memory_space<hbm>> -> memref<192x85xf32, #tpu.memory_space<hbm>>
      %dma_wait3A_145 = arith.constant 0 : i32
      %dma_wait3A_146 = tpu.memref_slice %arg8[%mul3A_2, %dma_wait3A_145] : memref<6144x85xf32, #tpu.memory_space<hbm>> -> memref<192x85xf32, #tpu.memory_space<hbm>>
      tpu.wait_dma2 semaphore(%run_scoped3A_138 : memref<!tpu.dma_semaphore, #tpu.memory_space<semaphore_mem>>) src(%arg10 : memref<192x85xf32, #tpu.memory_space<vmem>>) dst(%dma_wait3A_146 : memref<192x85xf32, #tpu.memory_space<hbm>>)
      tpu.yield
    }) : () -> ()
    return
  }
}

module attributes {stable_mosaic.version = 14 : i64} {
  func.func @_dense_body(%arg0: i32, %arg1: memref<75x128x85xf32, #tpu.memory_space<vmem>>, %arg2: memref<1x1xf32, #tpu.memory_space<vmem>>) attributes {dimension_semantics = [#tpu.dimension_semantics<arbitrary>], iteration_bounds = array<i64: 16>, scalar_prefetch = 0 : i64, scratch_operands = 0 : i64, tpu.core_type = #tpu.core_type<tc>, window_params = [{transform_indices = @transform_0, window_bounds = array<i64: 75, 128, 85>}, {pipeline_mode = #tpu.pipeline_mode<synchronous>, transform_indices = @transform_1, window_bounds = array<i64: 1, 1>}]} {
    %get3A = arith.constant 0 : index
    %get3A_0 = arith.constant 0 : index
    %get3A_1 = arith.constant 0 : index
    %get3A_2 = vector.load %arg1[%get3A, %get3A_0, %get3A_1] : memref<75x128x85xf32, #tpu.memory_space<vmem>>, vector<75x128x1xf32>
    %reduce_sum3A = arith.constant dense<0.000000e+00> : vector<75x128xf32>
    %reduce_sum3A_3 = vector.multi_reduction <add>, %get3A_2, %reduce_sum3A [2] : vector<75x128x1xf32> to vector<75x128xf32>
    %neg3A = arith.constant 0.000000e+00 : f32
    %neg3A_4 = vector.broadcast %neg3A : f32 to vector<75x128xf32>
    %neg3A_5 = arith.subf %neg3A_4, %reduce_sum3A_3 : vector<75x128xf32>
    %exp3A = math.exp %neg3A_5 : vector<75x128xf32>
    %add3A = arith.constant 1.000000e+00 : f32
    %add3A_6 = vector.broadcast %add3A : f32 to vector<75x128xf32>
    %add3A_7 = arith.addf %add3A_6, %exp3A : vector<75x128xf32>
    %div3A = arith.constant 1.000000e+00 : f32
    %div3A_8 = vector.broadcast %div3A : f32 to vector<75x128xf32>
    %div3A_9 = arith.divf %div3A_8, %add3A_7 : vector<75x128xf32>
    %neg3A_10 = arith.constant 0.000000e+00 : f32
    %neg3A_11 = vector.broadcast %neg3A_10 : f32 to vector<75x128xf32>
    %neg3A_12 = arith.subf %neg3A_11, %div3A_9 : vector<75x128xf32>
    %exp3A_13 = math.exp %neg3A_12 : vector<75x128xf32>
    %add3A_14 = arith.constant 1.000000e+00 : f32
    %add3A_15 = vector.broadcast %add3A_14 : f32 to vector<75x128xf32>
    %add3A_16 = arith.addf %add3A_15, %exp3A_13 : vector<75x128xf32>
    %div3A_17 = arith.constant 1.000000e+00 : f32
    %div3A_18 = vector.broadcast %div3A_17 : f32 to vector<75x128xf32>
    %div3A_19 = arith.divf %div3A_18, %add3A_16 : vector<75x128xf32>
    %mul3A = arith.constant 1.000000e-01 : f32
    %mul3A_20 = vector.broadcast %mul3A : f32 to vector<75x128xf32>
    %mul3A_21 = arith.mulf %mul3A_20, %div3A_19 : vector<75x128xf32>
    %sub3A = arith.constant 1.000000e+00 : f32
    %sub3A_22 = vector.broadcast %sub3A : f32 to vector<75x128xf32>
    %sub3A_23 = arith.subf %sub3A_22, %div3A_19 : vector<75x128xf32>
    %mul3A_24 = arith.constant 0.899999976 : f32
    %mul3A_25 = vector.broadcast %mul3A_24 : f32 to vector<75x128xf32>
    %mul3A_26 = arith.mulf %mul3A_25, %sub3A_23 : vector<75x128xf32>
    %add3A_27 = arith.addf %mul3A_21, %mul3A_26 : vector<75x128xf32>
    %sub3A_28 = arith.constant 1.000000e+00 : f32
    %sub3A_29 = vector.broadcast %sub3A_28 : f32 to vector<75x128xf32>
    %sub3A_30 = arith.subf %sub3A_29, %add3A_27 : vector<75x128xf32>
    %mul3A_31 = arith.constant 0.699999928 : f32
    %mul3A_32 = vector.broadcast %mul3A_31 : f32 to vector<75x128xf32>
    %mul3A_33 = arith.mulf %mul3A_32, %sub3A_30 : vector<75x128xf32>
    %mul3A_34 = arith.mulf %mul3A_33, %sub3A_30 : vector<75x128xf32>
    %mul3A_35 = arith.constant 1.000000e-01 : f32
    %mul3A_36 = vector.broadcast %mul3A_35 : f32 to vector<75x128xf32>
    %mul3A_37 = arith.mulf %div3A_9, %mul3A_36 : vector<75x128xf32>
    %sub3A_38 = arith.subf %div3A_9, %mul3A_37 : vector<75x128xf32>
    %neg3A_39 = arith.constant 0.000000e+00 : f32
    %neg3A_40 = vector.broadcast %neg3A_39 : f32 to vector<75x128xf32>
    %neg3A_41 = arith.subf %neg3A_40, %div3A_9 : vector<75x128xf32>
    %exp3A_42 = math.exp %neg3A_41 : vector<75x128xf32>
    %log1p3A = math.log1p %exp3A_42 : vector<75x128xf32>
    %add3A_43 = arith.addf %sub3A_38, %log1p3A : vector<75x128xf32>
    %mul3A_44 = arith.mulf %mul3A_34, %add3A_43 : vector<75x128xf32>
    %reduce_sum3A_45 = vector.shape_cast %mul3A_44 : vector<75x128xf32> to vector<1x75x128xf32>
    %reduce_sum3A_46 = arith.constant dense<0.000000e+00> : vector<1xf32>
    %reduce_sum3A_47 = vector.multi_reduction <add>, %reduce_sum3A_45, %reduce_sum3A_46 [1, 2] : vector<1x75x128xf32> to vector<1xf32>
    %reduce_sum3A_48 = vector.shape_cast %reduce_sum3A_47 : vector<1xf32> to vector<1x1x1xf32>
    %reduce_sum3A_49 = vector.extract %reduce_sum3A_48[0, 0, 0] : f32 from vector<1x1x1xf32>
    %eq3A = arith.constant 0 : i32
    %eq3A_50 = arith.cmpi eq, %arg0, %eq3A : i32
    %convert_element_type3A = arith.extui %eq3A_50 : i1 to i32
    %cond3A = arith.constant 0 : i32
    %cond3A_51 = arith.cmpi ne, %convert_element_type3A, %cond3A : i32
    scf.if %cond3A_51 {
      %broadcast_in_dim3A = arith.constant 0.000000e+00 : f32
      %broadcast_in_dim3A_59 = vector.broadcast %broadcast_in_dim3A : f32 to vector<1x1xf32>
      %swap3A_60 = arith.constant 0 : index
      %swap3A_61 = arith.constant 0 : index
      %swap3A_62 = vector.load %arg2[%swap3A_60, %swap3A_61] : memref<1x1xf32, #tpu.memory_space<vmem>>, vector<1x1xf32>
      tpu.vector_store %arg2[%swap3A_60, %swap3A_61], %broadcast_in_dim3A_59 {strides = array<i32>} : memref<1x1xf32, #tpu.memory_space<vmem>>, vector<1x1xf32>,
    } else {
    }
    %get3A_52 = arith.constant 0 : index
    %get3A_53 = arith.constant 0 : index
    %get3A_54 = vector.load %arg2[%get3A_52, %get3A_53] : memref<1x1xf32, #tpu.memory_space<vmem>>, vector<1x1xf32>
    %add3A_55 = vector.broadcast %reduce_sum3A_49 : f32 to vector<1x1xf32>
    %add3A_56 = arith.addf %get3A_54, %add3A_55 : vector<1x1xf32>
    %swap3A = arith.constant 0 : index
    %swap3A_57 = arith.constant 0 : index
    %swap3A_58 = vector.load %arg2[%swap3A, %swap3A_57] : memref<1x1xf32, #tpu.memory_space<vmem>>, vector<1x1xf32>
    tpu.vector_store %arg2[%swap3A, %swap3A_57], %add3A_56 {strides = array<i32>} : memref<1x1xf32, #tpu.memory_space<vmem>>, vector<1x1xf32>,
    return
  }
  func.func @transform_0(%arg0: i32) -> (i32, i32, i32) {
    %c0_i32 = arith.constant 0 : i32
    %c0_i32_0 = arith.constant 0 : i32
    %c0_i32_1 = arith.constant 0 : i32
    return %arg0, %c0_i32, %c0_i32_0 : i32, i32, i32
  }
  func.func @transform_1(%arg0: i32) -> (i32, i32) {
    %c0_i32 = arith.constant 0 : i32
    %c0_i32_0 = arith.constant 0 : i32
    %c0_i32_1 = arith.constant 0 : i32
    return %c0_i32, %c0_i32_0 : i32, i32
  }
}

module attributes {stable_mosaic.version = 14 : i64} {
  func.func @_prep_body(%arg0: memref<48x128xf32, #tpu.memory_space<vmem>>, %arg1: memref<48x128xf32, #tpu.memory_space<vmem>>, %arg2: memref<48x128xf32, #tpu.memory_space<vmem>>, %arg3: memref<48x128xf32, #tpu.memory_space<vmem>>, %arg4: memref<48x128xf32, #tpu.memory_space<vmem>>, %arg5: memref<48x128xf32, #tpu.memory_space<vmem>>, %arg6: memref<48x128xf32, #tpu.memory_space<vmem>>, %arg7: memref<48x128xf32, #tpu.memory_space<vmem>>, %arg8: memref<48x128xf32, #tpu.memory_space<vmem>>, %arg9: memref<3x48x128xi32, #tpu.memory_space<vmem>>) attributes {dimension_semantics = [], scalar_prefetch = 0 : i64, scratch_operands = 0 : i64, tpu.core_type = #tpu.core_type<tc>} {
    %get3A = arith.constant 0 : index
    %get3A_0 = arith.constant 0 : index
    %get3A_1 = vector.load %arg0[%get3A, %get3A_0] : memref<48x128xf32, #tpu.memory_space<vmem>>, vector<48x128xf32>
    %get3A_2 = arith.constant 0 : index
    %get3A_3 = arith.constant 0 : index
    %get3A_4 = vector.load %arg1[%get3A_2, %get3A_3] : memref<48x128xf32, #tpu.memory_space<vmem>>, vector<48x128xf32>
    %get3A_5 = arith.constant 0 : index
    %get3A_6 = arith.constant 0 : index
    %get3A_7 = vector.load %arg2[%get3A_5, %get3A_6] : memref<48x128xf32, #tpu.memory_space<vmem>>, vector<48x128xf32>
    %get3A_8 = arith.constant 0 : index
    %get3A_9 = arith.constant 0 : index
    %get3A_10 = vector.load %arg3[%get3A_8, %get3A_9] : memref<48x128xf32, #tpu.memory_space<vmem>>, vector<48x128xf32>
    %get3A_11 = arith.constant 0 : index
    %get3A_12 = arith.constant 0 : index
    %get3A_13 = vector.load %arg5[%get3A_11, %get3A_12] : memref<48x128xf32, #tpu.memory_space<vmem>>, vector<48x128xf32>
    %get3A_14 = arith.constant 0 : index
    %get3A_15 = arith.constant 0 : index
    %get3A_16 = vector.load %arg6[%get3A_14, %get3A_15] : memref<48x128xf32, #tpu.memory_space<vmem>>, vector<48x128xf32>
    %convert_element_type3A = arith.fptosi %get3A_10 : vector<48x128xf32> to vector<48x128xi32>
    %mul3A = arith.constant 8.000000e+01 : f32
    %mul3A_17 = vector.broadcast %mul3A : f32 to vector<48x128xf32>
    %mul3A_18 = arith.mulf %get3A_13, %mul3A_17 : vector<48x128xf32>
    %mul3A_19 = arith.constant 8.000000e+01 : f32
    %mul3A_20 = vector.broadcast %mul3A_19 : f32 to vector<48x128xf32>
    %mul3A_21 = arith.mulf %get3A_16, %mul3A_20 : vector<48x128xf32>
    %broadcast_in_dim3A = arith.constant 5.000000e-01 : f32
    %broadcast_in_dim3A_22 = vector.broadcast %broadcast_in_dim3A : f32 to vector<48x128xf32>
    %broadcast_in_dim3A_23 = arith.constant 5.000000e-01 : f32
    %broadcast_in_dim3A_24 = vector.broadcast %broadcast_in_dim3A_23 : f32 to vector<48x128xf32>
    %eq3A = arith.constant 7.000000e+00 : f32
    %eq3A_25 = vector.broadcast %eq3A : f32 to vector<48x128xf32>
    %eq3A_26 = arith.cmpf oeq, %get3A_1, %eq3A_25 : vector<48x128xf32>
    %jit3A = arith.constant -5.000000e-01 : f32
    %broadcast_in_dim3A_27 = vector.broadcast %jit3A : f32 to vector<48x128xf32>
    %select_n3A = arith.select %eq3A_26, %broadcast_in_dim3A_27, %broadcast_in_dim3A_22 : vector<48x128xi1>, vector<48x128xf32>
    %jit3A_28 = arith.constant -5.000000e-01 : f32
    %broadcast_in_dim3A_29 = vector.broadcast %jit3A_28 : f32 to vector<48x128xf32>
    %select_n3A_30 = arith.select %eq3A_26, %broadcast_in_dim3A_29, %broadcast_in_dim3A_24 : vector<48x128xi1>, vector<48x128xf32>
    %eq3A_31 = arith.constant 6.000000e+00 : f32
    %eq3A_32 = vector.broadcast %eq3A_31 : f32 to vector<48x128xf32>
    %eq3A_33 = arith.cmpf oeq, %get3A_1, %eq3A_32 : vector<48x128xf32>
    %jit3A_34 = arith.constant -5.000000e-01 : f32
    %broadcast_in_dim3A_35 = vector.broadcast %jit3A_34 : f32 to vector<48x128xf32>
    %select_n3A_36 = arith.select %eq3A_33, %broadcast_in_dim3A_35, %select_n3A : vector<48x128xi1>, vector<48x128xf32>
    %jit3A_37 = arith.constant 5.000000e-01 : f32
    %broadcast_in_dim3A_38 = vector.broadcast %jit3A_37 : f32 to vector<48x128xf32>
    %select_n3A_39 = arith.select %eq3A_33, %broadcast_in_dim3A_38, %select_n3A_30 : vector<48x128xi1>, vector<48x128xf32>
    %eq3A_40 = arith.constant 5.000000e+00 : f32
    %eq3A_41 = vector.broadcast %eq3A_40 : f32 to vector<48x128xf32>
    %eq3A_42 = arith.cmpf oeq, %get3A_1, %eq3A_41 : vector<48x128xf32>
    %jit3A_43 = arith.constant 5.000000e-01 : f32
    %broadcast_in_dim3A_44 = vector.broadcast %jit3A_43 : f32 to vector<48x128xf32>
    %select_n3A_45 = arith.select %eq3A_42, %broadcast_in_dim3A_44, %select_n3A_36 : vector<48x128xi1>, vector<48x128xf32>
    %jit3A_46 = arith.constant 5.000000e-01 : f32
    %broadcast_in_dim3A_47 = vector.broadcast %jit3A_46 : f32 to vector<48x128xf32>
    %select_n3A_48 = arith.select %eq3A_42, %broadcast_in_dim3A_47, %select_n3A_39 : vector<48x128xi1>, vector<48x128xf32>
    %eq3A_49 = arith.constant 4.000000e+00 : f32
    %eq3A_50 = vector.broadcast %eq3A_49 : f32 to vector<48x128xf32>
    %eq3A_51 = arith.cmpf oeq, %get3A_1, %eq3A_50 : vector<48x128xf32>
    %jit3A_52 = arith.constant 0.000000e+00 : f32
    %broadcast_in_dim3A_53 = vector.broadcast %jit3A_52 : f32 to vector<48x128xf32>
    %select_n3A_54 = arith.select %eq3A_51, %broadcast_in_dim3A_53, %select_n3A_45 : vector<48x128xi1>, vector<48x128xf32>
    %jit3A_55 = arith.constant -5.000000e-01 : f32
    %broadcast_in_dim3A_56 = vector.broadcast %jit3A_55 : f32 to vector<48x128xf32>
    %select_n3A_57 = arith.select %eq3A_51, %broadcast_in_dim3A_56, %select_n3A_48 : vector<48x128xi1>, vector<48x128xf32>
    %eq3A_58 = arith.constant 3.000000e+00 : f32
    %eq3A_59 = vector.broadcast %eq3A_58 : f32 to vector<48x128xf32>
    %eq3A_60 = arith.cmpf oeq, %get3A_1, %eq3A_59 : vector<48x128xf32>
    %jit3A_61 = arith.constant -5.000000e-01 : f32
    %broadcast_in_dim3A_62 = vector.broadcast %jit3A_61 : f32 to vector<48x128xf32>
    %select_n3A_63 = arith.select %eq3A_60, %broadcast_in_dim3A_62, %select_n3A_54 : vector<48x128xi1>, vector<48x128xf32>
    %jit3A_64 = arith.constant 0.000000e+00 : f32
    %broadcast_in_dim3A_65 = vector.broadcast %jit3A_64 : f32 to vector<48x128xf32>
    %select_n3A_66 = arith.select %eq3A_60, %broadcast_in_dim3A_65, %select_n3A_57 : vector<48x128xi1>, vector<48x128xf32>
    %eq3A_67 = arith.constant 2.000000e+00 : f32
    %eq3A_68 = vector.broadcast %eq3A_67 : f32 to vector<48x128xf32>
    %eq3A_69 = arith.cmpf oeq, %get3A_1, %eq3A_68 : vector<48x128xf32>
    %jit3A_70 = arith.constant 0.000000e+00 : f32
    %broadcast_in_dim3A_71 = vector.broadcast %jit3A_70 : f32 to vector<48x128xf32>
    %select_n3A_72 = arith.select %eq3A_69, %broadcast_in_dim3A_71, %select_n3A_63 : vector<48x128xi1>, vector<48x128xf32>
    %jit3A_73 = arith.constant 5.000000e-01 : f32
    %broadcast_in_dim3A_74 = vector.broadcast %jit3A_73 : f32 to vector<48x128xf32>
    %select_n3A_75 = arith.select %eq3A_69, %broadcast_in_dim3A_74, %select_n3A_66 : vector<48x128xi1>, vector<48x128xf32>
    %eq3A_76 = arith.constant 1.000000e+00 : f32
    %eq3A_77 = vector.broadcast %eq3A_76 : f32 to vector<48x128xf32>
    %eq3A_78 = arith.cmpf oeq, %get3A_1, %eq3A_77 : vector<48x128xf32>
    %jit3A_79 = arith.constant 5.000000e-01 : f32
    %broadcast_in_dim3A_80 = vector.broadcast %jit3A_79 : f32 to vector<48x128xf32>
    %select_n3A_81 = arith.select %eq3A_78, %broadcast_in_dim3A_80, %select_n3A_72 : vector<48x128xi1>, vector<48x128xf32>
    %jit3A_82 = arith.constant 0.000000e+00 : f32
    %broadcast_in_dim3A_83 = vector.broadcast %jit3A_82 : f32 to vector<48x128xf32>
    %select_n3A_84 = arith.select %eq3A_78, %broadcast_in_dim3A_83, %select_n3A_75 : vector<48x128xi1>, vector<48x128xf32>
    %eq3A_85 = arith.constant 0.000000e+00 : f32
    %eq3A_86 = vector.broadcast %eq3A_85 : f32 to vector<48x128xf32>
    %eq3A_87 = arith.cmpf oeq, %get3A_1, %eq3A_86 : vector<48x128xf32>
    %jit3A_88 = arith.constant 0.000000e+00 : f32
    %broadcast_in_dim3A_89 = vector.broadcast %jit3A_88 : f32 to vector<48x128xf32>
    %select_n3A_90 = arith.select %eq3A_87, %broadcast_in_dim3A_89, %select_n3A_81 : vector<48x128xi1>, vector<48x128xf32>
    %jit3A_91 = arith.constant 0.000000e+00 : f32
    %broadcast_in_dim3A_92 = vector.broadcast %jit3A_91 : f32 to vector<48x128xf32>
    %select_n3A_93 = arith.select %eq3A_87, %broadcast_in_dim3A_92, %select_n3A_84 : vector<48x128xi1>, vector<48x128xf32>
    %sub3A = arith.subf %mul3A_18, %select_n3A_90 : vector<48x128xf32>
    %convert_element_type3A_94 = arith.fptosi %sub3A : vector<48x128xf32> to vector<48x128xi32>
    %sub3A_95 = arith.subf %mul3A_21, %select_n3A_93 : vector<48x128xf32>
    %convert_element_type3A_96 = arith.fptosi %sub3A_95 : vector<48x128xf32> to vector<48x128xi32>
    %jit3A_97 = arith.constant 0 : i32
    %jit3A_98 = arith.constant 79 : i32
    %max3A = vector.broadcast %jit3A_97 : i32 to vector<48x128xi32>
    %max3A_99 = arith.maxsi %max3A, %convert_element_type3A_94 : vector<48x128xi32>
    %min3A = vector.broadcast %jit3A_98 : i32 to vector<48x128xi32>
    %min3A_100 = arith.minsi %min3A, %max3A_99 : vector<48x128xi32>
    %jit3A_101 = arith.constant 0 : i32
    %jit3A_102 = arith.constant 79 : i32
    %max3A_103 = vector.broadcast %jit3A_101 : i32 to vector<48x128xi32>
    %max3A_104 = arith.maxsi %max3A_103, %convert_element_type3A_96 : vector<48x128xi32>
    %min3A_105 = vector.broadcast %jit3A_102 : i32 to vector<48x128xi32>
    %min3A_106 = arith.minsi %min3A_105, %max3A_104 : vector<48x128xi32>
    %convert_element_type3A_107 = arith.fptosi %get3A_4 : vector<48x128xf32> to vector<48x128xi32>
    %mul3A_108 = arith.constant 3 : i32
    %mul3A_109 = vector.broadcast %mul3A_108 : i32 to vector<48x128xi32>
    %mul3A_110 = arith.muli %convert_element_type3A, %mul3A_109 : vector<48x128xi32>
    %add3A = arith.addi %mul3A_110, %convert_element_type3A_107 : vector<48x128xi32>
    %mul3A_111 = arith.constant 80 : i32
    %mul3A_112 = vector.broadcast %mul3A_111 : i32 to vector<48x128xi32>
    %mul3A_113 = arith.muli %add3A, %mul3A_112 : vector<48x128xi32>
    %add3A_114 = arith.addi %mul3A_113, %min3A_106 : vector<48x128xi32>
    %mul3A_115 = arith.constant 80 : i32
    %mul3A_116 = vector.broadcast %mul3A_115 : i32 to vector<48x128xi32>
    %mul3A_117 = arith.muli %add3A_114, %mul3A_116 : vector<48x128xi32>
    %add3A_118 = arith.addi %mul3A_117, %min3A_100 : vector<48x128xi32>
    %gt3A = arith.constant 0.000000e+00 : f32
    %gt3A_119 = vector.broadcast %gt3A : f32 to vector<48x128xf32>
    %gt3A_120 = arith.cmpf ogt, %get3A_7, %gt3A_119 : vector<48x128xf32>
    %jit3A_121 = arith.constant 0 : i32
    %broadcast_in_dim3A_122 = vector.broadcast %jit3A_121 : i32 to vector<48x128xi32>
    %select_n3A_123 = arith.select %gt3A_120, %add3A_118, %broadcast_in_dim3A_122 : vector<48x128xi1>, vector<48x128xi32>
    %swap3A = arith.constant 0 : index
    %swap3A_124 = arith.constant 0 : index
    %swap3A_125 = arith.constant 0 : index
    %swap3A_126 = vector.load %arg9[%swap3A, %swap3A_124, %swap3A_125] : memref<3x48x128xi32, #tpu.memory_space<vmem>>, vector<1x48x128xi32>
    %swap3A_127 = vector.shape_cast %swap3A_126 : vector<1x48x128xi32> to vector<48x128xi32>
    %swap3A_128 = vector.shape_cast %select_n3A_123 : vector<48x128xi32> to vector<1x48x128xi32>
    tpu.vector_store %arg9[%swap3A, %swap3A_124, %swap3A_125], %swap3A_128 {strides = array<i32>} : memref<3x48x128xi32, #tpu.memory_space<vmem>>, vector<1x48x128xi32>,
    %convert_element_type3A_129 = arith.fptosi %get3A_10 : vector<48x128xf32> to vector<48x128xi32>
    %mul3A_130 = arith.constant 4.000000e+01 : f32
    %mul3A_131 = vector.broadcast %mul3A_130 : f32 to vector<48x128xf32>
    %mul3A_132 = arith.mulf %get3A_13, %mul3A_131 : vector<48x128xf32>
    %mul3A_133 = arith.constant 4.000000e+01 : f32
    %mul3A_134 = vector.broadcast %mul3A_133 : f32 to vector<48x128xf32>
    %mul3A_135 = arith.mulf %get3A_16, %mul3A_134 : vector<48x128xf32>
    %broadcast_in_dim3A_136 = arith.constant 5.000000e-01 : f32
    %broadcast_in_dim3A_137 = vector.broadcast %broadcast_in_dim3A_136 : f32 to vector<48x128xf32>
    %broadcast_in_dim3A_138 = arith.constant 5.000000e-01 : f32
    %broadcast_in_dim3A_139 = vector.broadcast %broadcast_in_dim3A_138 : f32 to vector<48x128xf32>
    %eq3A_140 = arith.constant 7.000000e+00 : f32
    %eq3A_141 = vector.broadcast %eq3A_140 : f32 to vector<48x128xf32>
    %eq3A_142 = arith.cmpf oeq, %get3A_1, %eq3A_141 : vector<48x128xf32>
    %jit3A_143 = arith.constant -5.000000e-01 : f32
    %broadcast_in_dim3A_144 = vector.broadcast %jit3A_143 : f32 to vector<48x128xf32>
    %select_n3A_145 = arith.select %eq3A_142, %broadcast_in_dim3A_144, %broadcast_in_dim3A_137 : vector<48x128xi1>, vector<48x128xf32>
    %jit3A_146 = arith.constant -5.000000e-01 : f32
    %broadcast_in_dim3A_147 = vector.broadcast %jit3A_146 : f32 to vector<48x128xf32>
    %select_n3A_148 = arith.select %eq3A_142, %broadcast_in_dim3A_147, %broadcast_in_dim3A_139 : vector<48x128xi1>, vector<48x128xf32>
    %eq3A_149 = arith.constant 6.000000e+00 : f32
    %eq3A_150 = vector.broadcast %eq3A_149 : f32 to vector<48x128xf32>
    %eq3A_151 = arith.cmpf oeq, %get3A_1, %eq3A_150 : vector<48x128xf32>
    %jit3A_152 = arith.constant -5.000000e-01 : f32
    %broadcast_in_dim3A_153 = vector.broadcast %jit3A_152 : f32 to vector<48x128xf32>
    %select_n3A_154 = arith.select %eq3A_151, %broadcast_in_dim3A_153, %select_n3A_145 : vector<48x128xi1>, vector<48x128xf32>
    %jit3A_155 = arith.constant 5.000000e-01 : f32
    %broadcast_in_dim3A_156 = vector.broadcast %jit3A_155 : f32 to vector<48x128xf32>
    %select_n3A_157 = arith.select %eq3A_151, %broadcast_in_dim3A_156, %select_n3A_148 : vector<48x128xi1>, vector<48x128xf32>
    %eq3A_158 = arith.constant 5.000000e+00 : f32
    %eq3A_159 = vector.broadcast %eq3A_158 : f32 to vector<48x128xf32>
    %eq3A_160 = arith.cmpf oeq, %get3A_1, %eq3A_159 : vector<48x128xf32>
    %jit3A_161 = arith.constant 5.000000e-01 : f32
    %broadcast_in_dim3A_162 = vector.broadcast %jit3A_161 : f32 to vector<48x128xf32>
    %select_n3A_163 = arith.select %eq3A_160, %broadcast_in_dim3A_162, %select_n3A_154 : vector<48x128xi1>, vector<48x128xf32>
    %jit3A_164 = arith.constant 5.000000e-01 : f32
    %broadcast_in_dim3A_165 = vector.broadcast %jit3A_164 : f32 to vector<48x128xf32>
    %select_n3A_166 = arith.select %eq3A_160, %broadcast_in_dim3A_165, %select_n3A_157 : vector<48x128xi1>, vector<48x128xf32>
    %eq3A_167 = arith.constant 4.000000e+00 : f32
    %eq3A_168 = vector.broadcast %eq3A_167 : f32 to vector<48x128xf32>
    %eq3A_169 = arith.cmpf oeq, %get3A_1, %eq3A_168 : vector<48x128xf32>
    %jit3A_170 = arith.constant 0.000000e+00 : f32
    %broadcast_in_dim3A_171 = vector.broadcast %jit3A_170 : f32 to vector<48x128xf32>
    %select_n3A_172 = arith.select %eq3A_169, %broadcast_in_dim3A_171, %select_n3A_163 : vector<48x128xi1>, vector<48x128xf32>
    %jit3A_173 = arith.constant -5.000000e-01 : f32
    %broadcast_in_dim3A_174 = vector.broadcast %jit3A_173 : f32 to vector<48x128xf32>
    %select_n3A_175 = arith.select %eq3A_169, %broadcast_in_dim3A_174, %select_n3A_166 : vector<48x128xi1>, vector<48x128xf32>
    %eq3A_176 = arith.constant 3.000000e+00 : f32
    %eq3A_177 = vector.broadcast %eq3A_176 : f32 to vector<48x128xf32>
    %eq3A_178 = arith.cmpf oeq, %get3A_1, %eq3A_177 : vector<48x128xf32>
    %jit3A_179 = arith.constant -5.000000e-01 : f32
    %broadcast_in_dim3A_180 = vector.broadcast %jit3A_179 : f32 to vector<48x128xf32>
    %select_n3A_181 = arith.select %eq3A_178, %broadcast_in_dim3A_180, %select_n3A_172 : vector<48x128xi1>, vector<48x128xf32>
    %jit3A_182 = arith.constant 0.000000e+00 : f32
    %broadcast_in_dim3A_183 = vector.broadcast %jit3A_182 : f32 to vector<48x128xf32>
    %select_n3A_184 = arith.select %eq3A_178, %broadcast_in_dim3A_183, %select_n3A_175 : vector<48x128xi1>, vector<48x128xf32>
    %eq3A_185 = arith.constant 2.000000e+00 : f32
    %eq3A_186 = vector.broadcast %eq3A_185 : f32 to vector<48x128xf32>
    %eq3A_187 = arith.cmpf oeq, %get3A_1, %eq3A_186 : vector<48x128xf32>
    %jit3A_188 = arith.constant 0.000000e+00 : f32
    %broadcast_in_dim3A_189 = vector.broadcast %jit3A_188 : f32 to vector<48x128xf32>
    %select_n3A_190 = arith.select %eq3A_187, %broadcast_in_dim3A_189, %select_n3A_181 : vector<48x128xi1>, vector<48x128xf32>
    %jit3A_191 = arith.constant 5.000000e-01 : f32
    %broadcast_in_dim3A_192 = vector.broadcast %jit3A_191 : f32 to vector<48x128xf32>
    %select_n3A_193 = arith.select %eq3A_187, %broadcast_in_dim3A_192, %select_n3A_184 : vector<48x128xi1>, vector<48x128xf32>
    %eq3A_194 = arith.constant 1.000000e+00 : f32
    %eq3A_195 = vector.broadcast %eq3A_194 : f32 to vector<48x128xf32>
    %eq3A_196 = arith.cmpf oeq, %get3A_1, %eq3A_195 : vector<48x128xf32>
    %jit3A_197 = arith.constant 5.000000e-01 : f32
    %broadcast_in_dim3A_198 = vector.broadcast %jit3A_197 : f32 to vector<48x128xf32>
    %select_n3A_199 = arith.select %eq3A_196, %broadcast_in_dim3A_198, %select_n3A_190 : vector<48x128xi1>, vector<48x128xf32>
    %jit3A_200 = arith.constant 0.000000e+00 : f32
    %broadcast_in_dim3A_201 = vector.broadcast %jit3A_200 : f32 to vector<48x128xf32>
    %select_n3A_202 = arith.select %eq3A_196, %broadcast_in_dim3A_201, %select_n3A_193 : vector<48x128xi1>, vector<48x128xf32>
    %eq3A_203 = arith.constant 0.000000e+00 : f32
    %eq3A_204 = vector.broadcast %eq3A_203 : f32 to vector<48x128xf32>
    %eq3A_205 = arith.cmpf oeq, %get3A_1, %eq3A_204 : vector<48x128xf32>
    %jit3A_206 = arith.constant 0.000000e+00 : f32
    %broadcast_in_dim3A_207 = vector.broadcast %jit3A_206 : f32 to vector<48x128xf32>
    %select_n3A_208 = arith.select %eq3A_205, %broadcast_in_dim3A_207, %select_n3A_199 : vector<48x128xi1>, vector<48x128xf32>
    %jit3A_209 = arith.constant 0.000000e+00 : f32
    %broadcast_in_dim3A_210 = vector.broadcast %jit3A_209 : f32 to vector<48x128xf32>
    %select_n3A_211 = arith.select %eq3A_205, %broadcast_in_dim3A_210, %select_n3A_202 : vector<48x128xi1>, vector<48x128xf32>
    %sub3A_212 = arith.subf %mul3A_132, %select_n3A_208 : vector<48x128xf32>
    %convert_element_type3A_213 = arith.fptosi %sub3A_212 : vector<48x128xf32> to vector<48x128xi32>
    %sub3A_214 = arith.subf %mul3A_135, %select_n3A_211 : vector<48x128xf32>
    %convert_element_type3A_215 = arith.fptosi %sub3A_214 : vector<48x128xf32> to vector<48x128xi32>
    %jit3A_216 = arith.constant 0 : i32
    %jit3A_217 = arith.constant 39 : i32
    %max3A_218 = vector.broadcast %jit3A_216 : i32 to vector<48x128xi32>
    %max3A_219 = arith.maxsi %max3A_218, %convert_element_type3A_213 : vector<48x128xi32>
    %min3A_220 = vector.broadcast %jit3A_217 : i32 to vector<48x128xi32>
    %min3A_221 = arith.minsi %min3A_220, %max3A_219 : vector<48x128xi32>
    %jit3A_222 = arith.constant 0 : i32
    %jit3A_223 = arith.constant 39 : i32
    %max3A_224 = vector.broadcast %jit3A_222 : i32 to vector<48x128xi32>
    %max3A_225 = arith.maxsi %max3A_224, %convert_element_type3A_215 : vector<48x128xi32>
    %min3A_226 = vector.broadcast %jit3A_223 : i32 to vector<48x128xi32>
    %min3A_227 = arith.minsi %min3A_226, %max3A_225 : vector<48x128xi32>
    %convert_element_type3A_228 = arith.fptosi %get3A_4 : vector<48x128xf32> to vector<48x128xi32>
    %mul3A_229 = arith.constant 3 : i32
    %mul3A_230 = vector.broadcast %mul3A_229 : i32 to vector<48x128xi32>
    %mul3A_231 = arith.muli %convert_element_type3A_129, %mul3A_230 : vector<48x128xi32>
    %add3A_232 = arith.addi %mul3A_231, %convert_element_type3A_228 : vector<48x128xi32>
    %mul3A_233 = arith.constant 40 : i32
    %mul3A_234 = vector.broadcast %mul3A_233 : i32 to vector<48x128xi32>
    %mul3A_235 = arith.muli %add3A_232, %mul3A_234 : vector<48x128xi32>
    %add3A_236 = arith.addi %mul3A_235, %min3A_227 : vector<48x128xi32>
    %mul3A_237 = arith.constant 40 : i32
    %mul3A_238 = vector.broadcast %mul3A_237 : i32 to vector<48x128xi32>
    %mul3A_239 = arith.muli %add3A_236, %mul3A_238 : vector<48x128xi32>
    %add3A_240 = arith.addi %mul3A_239, %min3A_221 : vector<48x128xi32>
    %gt3A_241 = arith.constant 0.000000e+00 : f32
    %gt3A_242 = vector.broadcast %gt3A_241 : f32 to vector<48x128xf32>
    %gt3A_243 = arith.cmpf ogt, %get3A_7, %gt3A_242 : vector<48x128xf32>
    %jit3A_244 = arith.constant 0 : i32
    %broadcast_in_dim3A_245 = vector.broadcast %jit3A_244 : i32 to vector<48x128xi32>
    %select_n3A_246 = arith.select %gt3A_243, %add3A_240, %broadcast_in_dim3A_245 : vector<48x128xi1>, vector<48x128xi32>
    %swap3A_247 = arith.constant 1 : index
    %swap3A_248 = arith.constant 0 : index
    %swap3A_249 = arith.constant 0 : index
    %swap3A_250 = vector.load %arg9[%swap3A_247, %swap3A_248, %swap3A_249] : memref<3x48x128xi32, #tpu.memory_space<vmem>>, vector<1x48x128xi32>
    %swap3A_251 = vector.shape_cast %swap3A_250 : vector<1x48x128xi32> to vector<48x128xi32>
    %swap3A_252 = vector.shape_cast %select_n3A_246 : vector<48x128xi32> to vector<1x48x128xi32>
    tpu.vector_store %arg9[%swap3A_247, %swap3A_248, %swap3A_249], %swap3A_252 {strides = array<i32>} : memref<3x48x128xi32, #tpu.memory_space<vmem>>, vector<1x48x128xi32>,
    %convert_element_type3A_253 = arith.fptosi %get3A_10 : vector<48x128xf32> to vector<48x128xi32>
    %mul3A_254 = arith.constant 2.000000e+01 : f32
    %mul3A_255 = vector.broadcast %mul3A_254 : f32 to vector<48x128xf32>
    %mul3A_256 = arith.mulf %get3A_13, %mul3A_255 : vector<48x128xf32>
    %mul3A_257 = arith.constant 2.000000e+01 : f32
    %mul3A_258 = vector.broadcast %mul3A_257 : f32 to vector<48x128xf32>
    %mul3A_259 = arith.mulf %get3A_16, %mul3A_258 : vector<48x128xf32>
    %broadcast_in_dim3A_260 = arith.constant 5.000000e-01 : f32
    %broadcast_in_dim3A_261 = vector.broadcast %broadcast_in_dim3A_260 : f32 to vector<48x128xf32>
    %broadcast_in_dim3A_262 = arith.constant 5.000000e-01 : f32
    %broadcast_in_dim3A_263 = vector.broadcast %broadcast_in_dim3A_262 : f32 to vector<48x128xf32>
    %eq3A_264 = arith.constant 7.000000e+00 : f32
    %eq3A_265 = vector.broadcast %eq3A_264 : f32 to vector<48x128xf32>
    %eq3A_266 = arith.cmpf oeq, %get3A_1, %eq3A_265 : vector<48x128xf32>
    %jit3A_267 = arith.constant -5.000000e-01 : f32
    %broadcast_in_dim3A_268 = vector.broadcast %jit3A_267 : f32 to vector<48x128xf32>
    %select_n3A_269 = arith.select %eq3A_266, %broadcast_in_dim3A_268, %broadcast_in_dim3A_261 : vector<48x128xi1>, vector<48x128xf32>
    %jit3A_270 = arith.constant -5.000000e-01 : f32
    %broadcast_in_dim3A_271 = vector.broadcast %jit3A_270 : f32 to vector<48x128xf32>
    %select_n3A_272 = arith.select %eq3A_266, %broadcast_in_dim3A_271, %broadcast_in_dim3A_263 : vector<48x128xi1>, vector<48x128xf32>
    %eq3A_273 = arith.constant 6.000000e+00 : f32
    %eq3A_274 = vector.broadcast %eq3A_273 : f32 to vector<48x128xf32>
    %eq3A_275 = arith.cmpf oeq, %get3A_1, %eq3A_274 : vector<48x128xf32>
    %jit3A_276 = arith.constant -5.000000e-01 : f32
    %broadcast_in_dim3A_277 = vector.broadcast %jit3A_276 : f32 to vector<48x128xf32>
    %select_n3A_278 = arith.select %eq3A_275, %broadcast_in_dim3A_277, %select_n3A_269 : vector<48x128xi1>, vector<48x128xf32>
    %jit3A_279 = arith.constant 5.000000e-01 : f32
    %broadcast_in_dim3A_280 = vector.broadcast %jit3A_279 : f32 to vector<48x128xf32>
    %select_n3A_281 = arith.select %eq3A_275, %broadcast_in_dim3A_280, %select_n3A_272 : vector<48x128xi1>, vector<48x128xf32>
    %eq3A_282 = arith.constant 5.000000e+00 : f32
    %eq3A_283 = vector.broadcast %eq3A_282 : f32 to vector<48x128xf32>
    %eq3A_284 = arith.cmpf oeq, %get3A_1, %eq3A_283 : vector<48x128xf32>
    %jit3A_285 = arith.constant 5.000000e-01 : f32
    %broadcast_in_dim3A_286 = vector.broadcast %jit3A_285 : f32 to vector<48x128xf32>
    %select_n3A_287 = arith.select %eq3A_284, %broadcast_in_dim3A_286, %select_n3A_278 : vector<48x128xi1>, vector<48x128xf32>
    %jit3A_288 = arith.constant 5.000000e-01 : f32
    %broadcast_in_dim3A_289 = vector.broadcast %jit3A_288 : f32 to vector<48x128xf32>
    %select_n3A_290 = arith.select %eq3A_284, %broadcast_in_dim3A_289, %select_n3A_281 : vector<48x128xi1>, vector<48x128xf32>
    %eq3A_291 = arith.constant 4.000000e+00 : f32
    %eq3A_292 = vector.broadcast %eq3A_291 : f32 to vector<48x128xf32>
    %eq3A_293 = arith.cmpf oeq, %get3A_1, %eq3A_292 : vector<48x128xf32>
    %jit3A_294 = arith.constant 0.000000e+00 : f32
    %broadcast_in_dim3A_295 = vector.broadcast %jit3A_294 : f32 to vector<48x128xf32>
    %select_n3A_296 = arith.select %eq3A_293, %broadcast_in_dim3A_295, %select_n3A_287 : vector<48x128xi1>, vector<48x128xf32>
    %jit3A_297 = arith.constant -5.000000e-01 : f32
    %broadcast_in_dim3A_298 = vector.broadcast %jit3A_297 : f32 to vector<48x128xf32>
    %select_n3A_299 = arith.select %eq3A_293, %broadcast_in_dim3A_298, %select_n3A_290 : vector<48x128xi1>, vector<48x128xf32>
    %eq3A_300 = arith.constant 3.000000e+00 : f32
    %eq3A_301 = vector.broadcast %eq3A_300 : f32 to vector<48x128xf32>
    %eq3A_302 = arith.cmpf oeq, %get3A_1, %eq3A_301 : vector<48x128xf32>
    %jit3A_303 = arith.constant -5.000000e-01 : f32
    %broadcast_in_dim3A_304 = vector.broadcast %jit3A_303 : f32 to vector<48x128xf32>
    %select_n3A_305 = arith.select %eq3A_302, %broadcast_in_dim3A_304, %select_n3A_296 : vector<48x128xi1>, vector<48x128xf32>
    %jit3A_306 = arith.constant 0.000000e+00 : f32
    %broadcast_in_dim3A_307 = vector.broadcast %jit3A_306 : f32 to vector<48x128xf32>
    %select_n3A_308 = arith.select %eq3A_302, %broadcast_in_dim3A_307, %select_n3A_299 : vector<48x128xi1>, vector<48x128xf32>
    %eq3A_309 = arith.constant 2.000000e+00 : f32
    %eq3A_310 = vector.broadcast %eq3A_309 : f32 to vector<48x128xf32>
    %eq3A_311 = arith.cmpf oeq, %get3A_1, %eq3A_310 : vector<48x128xf32>
    %jit3A_312 = arith.constant 0.000000e+00 : f32
    %broadcast_in_dim3A_313 = vector.broadcast %jit3A_312 : f32 to vector<48x128xf32>
    %select_n3A_314 = arith.select %eq3A_311, %broadcast_in_dim3A_313, %select_n3A_305 : vector<48x128xi1>, vector<48x128xf32>
    %jit3A_315 = arith.constant 5.000000e-01 : f32
    %broadcast_in_dim3A_316 = vector.broadcast %jit3A_315 : f32 to vector<48x128xf32>
    %select_n3A_317 = arith.select %eq3A_311, %broadcast_in_dim3A_316, %select_n3A_308 : vector<48x128xi1>, vector<48x128xf32>
    %eq3A_318 = arith.constant 1.000000e+00 : f32
    %eq3A_319 = vector.broadcast %eq3A_318 : f32 to vector<48x128xf32>
    %eq3A_320 = arith.cmpf oeq, %get3A_1, %eq3A_319 : vector<48x128xf32>
    %jit3A_321 = arith.constant 5.000000e-01 : f32
    %broadcast_in_dim3A_322 = vector.broadcast %jit3A_321 : f32 to vector<48x128xf32>
    %select_n3A_323 = arith.select %eq3A_320, %broadcast_in_dim3A_322, %select_n3A_314 : vector<48x128xi1>, vector<48x128xf32>
    %jit3A_324 = arith.constant 0.000000e+00 : f32
    %broadcast_in_dim3A_325 = vector.broadcast %jit3A_324 : f32 to vector<48x128xf32>
    %select_n3A_326 = arith.select %eq3A_320, %broadcast_in_dim3A_325, %select_n3A_317 : vector<48x128xi1>, vector<48x128xf32>
    %eq3A_327 = arith.constant 0.000000e+00 : f32
    %eq3A_328 = vector.broadcast %eq3A_327 : f32 to vector<48x128xf32>
    %eq3A_329 = arith.cmpf oeq, %get3A_1, %eq3A_328 : vector<48x128xf32>
    %jit3A_330 = arith.constant 0.000000e+00 : f32
    %broadcast_in_dim3A_331 = vector.broadcast %jit3A_330 : f32 to vector<48x128xf32>
    %select_n3A_332 = arith.select %eq3A_329, %broadcast_in_dim3A_331, %select_n3A_323 : vector<48x128xi1>, vector<48x128xf32>
    %jit3A_333 = arith.constant 0.000000e+00 : f32
    %broadcast_in_dim3A_334 = vector.broadcast %jit3A_333 : f32 to vector<48x128xf32>
    %select_n3A_335 = arith.select %eq3A_329, %broadcast_in_dim3A_334, %select_n3A_326 : vector<48x128xi1>, vector<48x128xf32>
    %sub3A_336 = arith.subf %mul3A_256, %select_n3A_332 : vector<48x128xf32>
    %convert_element_type3A_337 = arith.fptosi %sub3A_336 : vector<48x128xf32> to vector<48x128xi32>
    %sub3A_338 = arith.subf %mul3A_259, %select_n3A_335 : vector<48x128xf32>
    %convert_element_type3A_339 = arith.fptosi %sub3A_338 : vector<48x128xf32> to vector<48x128xi32>
    %jit3A_340 = arith.constant 0 : i32
    %jit3A_341 = arith.constant 19 : i32
    %max3A_342 = vector.broadcast %jit3A_340 : i32 to vector<48x128xi32>
    %max3A_343 = arith.maxsi %max3A_342, %convert_element_type3A_337 : vector<48x128xi32>
    %min3A_344 = vector.broadcast %jit3A_341 : i32 to vector<48x128xi32>
    %min3A_345 = arith.minsi %min3A_344, %max3A_343 : vector<48x128xi32>
    %jit3A_346 = arith.constant 0 : i32
    %jit3A_347 = arith.constant 19 : i32
    %max3A_348 = vector.broadcast %jit3A_346 : i32 to vector<48x128xi32>
    %max3A_349 = arith.maxsi %max3A_348, %convert_element_type3A_339 : vector<48x128xi32>
    %min3A_350 = vector.broadcast %jit3A_347 : i32 to vector<48x128xi32>
    %min3A_351 = arith.minsi %min3A_350, %max3A_349 : vector<48x128xi32>
    %convert_element_type3A_352 = arith.fptosi %get3A_4 : vector<48x128xf32> to vector<48x128xi32>
    %mul3A_353 = arith.constant 3 : i32
    %mul3A_354 = vector.broadcast %mul3A_353 : i32 to vector<48x128xi32>
    %mul3A_355 = arith.muli %convert_element_type3A_253, %mul3A_354 : vector<48x128xi32>
    %add3A_356 = arith.addi %mul3A_355, %convert_element_type3A_352 : vector<48x128xi32>
    %mul3A_357 = arith.constant 20 : i32
    %mul3A_358 = vector.broadcast %mul3A_357 : i32 to vector<48x128xi32>
    %mul3A_359 = arith.muli %add3A_356, %mul3A_358 : vector<48x128xi32>
    %add3A_360 = arith.addi %mul3A_359, %min3A_351 : vector<48x128xi32>
    %mul3A_361 = arith.constant 20 : i32
    %mul3A_362 = vector.broadcast %mul3A_361 : i32 to vector<48x128xi32>
    %mul3A_363 = arith.muli %add3A_360, %mul3A_362 : vector<48x128xi32>
    %add3A_364 = arith.addi %mul3A_363, %min3A_345 : vector<48x128xi32>
    %gt3A_365 = arith.constant 0.000000e+00 : f32
    %gt3A_366 = vector.broadcast %gt3A_365 : f32 to vector<48x128xf32>
    %gt3A_367 = arith.cmpf ogt, %get3A_7, %gt3A_366 : vector<48x128xf32>
    %jit3A_368 = arith.constant 0 : i32
    %broadcast_in_dim3A_369 = vector.broadcast %jit3A_368 : i32 to vector<48x128xi32>
    %select_n3A_370 = arith.select %gt3A_367, %add3A_364, %broadcast_in_dim3A_369 : vector<48x128xi1>, vector<48x128xi32>
    %swap3A_371 = arith.constant 2 : index
    %swap3A_372 = arith.constant 0 : index
    %swap3A_373 = arith.constant 0 : index
    %swap3A_374 = vector.load %arg9[%swap3A_371, %swap3A_372, %swap3A_373] : memref<3x48x128xi32, #tpu.memory_space<vmem>>, vector<1x48x128xi32>
    %swap3A_375 = vector.shape_cast %swap3A_374 : vector<1x48x128xi32> to vector<48x128xi32>
    %swap3A_376 = vector.shape_cast %select_n3A_370 : vector<48x128xi32> to vector<1x48x128xi32>
    tpu.vector_store %arg9[%swap3A_371, %swap3A_372, %swap3A_373], %swap3A_376 {strides = array<i32>} : memref<3x48x128xi32, #tpu.memory_space<vmem>>, vector<1x48x128xi32>,
    return
  }
}

module attributes {stable_mosaic.version = 14 : i64} {
  func.func @_dense_body(%arg0: i32, %arg1: memref<75x128x85xf32, #tpu.memory_space<vmem>>, %arg2: memref<1x1xf32, #tpu.memory_space<vmem>>) attributes {dimension_semantics = [#tpu.dimension_semantics<arbitrary>], iteration_bounds = array<i64: 4>, scalar_prefetch = 0 : i64, scratch_operands = 0 : i64, tpu.core_type = #tpu.core_type<tc>, window_params = [{transform_indices = @transform_0, window_bounds = array<i64: 75, 128, 85>}, {pipeline_mode = #tpu.pipeline_mode<synchronous>, transform_indices = @transform_1, window_bounds = array<i64: 1, 1>}]} {
    %get3A = arith.constant 0 : index
    %get3A_0 = arith.constant 0 : index
    %get3A_1 = arith.constant 0 : index
    %get3A_2 = vector.load %arg1[%get3A, %get3A_0, %get3A_1] : memref<75x128x85xf32, #tpu.memory_space<vmem>>, vector<75x128x1xf32>
    %reduce_sum3A = arith.constant dense<0.000000e+00> : vector<75x128xf32>
    %reduce_sum3A_3 = vector.multi_reduction <add>, %get3A_2, %reduce_sum3A [2] : vector<75x128x1xf32> to vector<75x128xf32>
    %neg3A = arith.constant 0.000000e+00 : f32
    %neg3A_4 = vector.broadcast %neg3A : f32 to vector<75x128xf32>
    %neg3A_5 = arith.subf %neg3A_4, %reduce_sum3A_3 : vector<75x128xf32>
    %exp3A = math.exp %neg3A_5 : vector<75x128xf32>
    %add3A = arith.constant 1.000000e+00 : f32
    %add3A_6 = vector.broadcast %add3A : f32 to vector<75x128xf32>
    %add3A_7 = arith.addf %add3A_6, %exp3A : vector<75x128xf32>
    %div3A = arith.constant 1.000000e+00 : f32
    %div3A_8 = vector.broadcast %div3A : f32 to vector<75x128xf32>
    %div3A_9 = arith.divf %div3A_8, %add3A_7 : vector<75x128xf32>
    %neg3A_10 = arith.constant 0.000000e+00 : f32
    %neg3A_11 = vector.broadcast %neg3A_10 : f32 to vector<75x128xf32>
    %neg3A_12 = arith.subf %neg3A_11, %div3A_9 : vector<75x128xf32>
    %exp3A_13 = math.exp %neg3A_12 : vector<75x128xf32>
    %add3A_14 = arith.constant 1.000000e+00 : f32
    %add3A_15 = vector.broadcast %add3A_14 : f32 to vector<75x128xf32>
    %add3A_16 = arith.addf %add3A_15, %exp3A_13 : vector<75x128xf32>
    %div3A_17 = arith.constant 1.000000e+00 : f32
    %div3A_18 = vector.broadcast %div3A_17 : f32 to vector<75x128xf32>
    %div3A_19 = arith.divf %div3A_18, %add3A_16 : vector<75x128xf32>
    %mul3A = arith.constant 1.000000e-01 : f32
    %mul3A_20 = vector.broadcast %mul3A : f32 to vector<75x128xf32>
    %mul3A_21 = arith.mulf %mul3A_20, %div3A_19 : vector<75x128xf32>
    %sub3A = arith.constant 1.000000e+00 : f32
    %sub3A_22 = vector.broadcast %sub3A : f32 to vector<75x128xf32>
    %sub3A_23 = arith.subf %sub3A_22, %div3A_19 : vector<75x128xf32>
    %mul3A_24 = arith.constant 0.899999976 : f32
    %mul3A_25 = vector.broadcast %mul3A_24 : f32 to vector<75x128xf32>
    %mul3A_26 = arith.mulf %mul3A_25, %sub3A_23 : vector<75x128xf32>
    %add3A_27 = arith.addf %mul3A_21, %mul3A_26 : vector<75x128xf32>
    %sub3A_28 = arith.constant 1.000000e+00 : f32
    %sub3A_29 = vector.broadcast %sub3A_28 : f32 to vector<75x128xf32>
    %sub3A_30 = arith.subf %sub3A_29, %add3A_27 : vector<75x128xf32>
    %mul3A_31 = arith.constant 0.699999928 : f32
    %mul3A_32 = vector.broadcast %mul3A_31 : f32 to vector<75x128xf32>
    %mul3A_33 = arith.mulf %mul3A_32, %sub3A_30 : vector<75x128xf32>
    %mul3A_34 = arith.mulf %mul3A_33, %sub3A_30 : vector<75x128xf32>
    %mul3A_35 = arith.constant 1.000000e-01 : f32
    %mul3A_36 = vector.broadcast %mul3A_35 : f32 to vector<75x128xf32>
    %mul3A_37 = arith.mulf %div3A_9, %mul3A_36 : vector<75x128xf32>
    %sub3A_38 = arith.subf %div3A_9, %mul3A_37 : vector<75x128xf32>
    %neg3A_39 = arith.constant 0.000000e+00 : f32
    %neg3A_40 = vector.broadcast %neg3A_39 : f32 to vector<75x128xf32>
    %neg3A_41 = arith.subf %neg3A_40, %div3A_9 : vector<75x128xf32>
    %exp3A_42 = math.exp %neg3A_41 : vector<75x128xf32>
    %log1p3A = math.log1p %exp3A_42 : vector<75x128xf32>
    %add3A_43 = arith.addf %sub3A_38, %log1p3A : vector<75x128xf32>
    %mul3A_44 = arith.mulf %mul3A_34, %add3A_43 : vector<75x128xf32>
    %reduce_sum3A_45 = vector.shape_cast %mul3A_44 : vector<75x128xf32> to vector<1x75x128xf32>
    %reduce_sum3A_46 = arith.constant dense<0.000000e+00> : vector<1xf32>
    %reduce_sum3A_47 = vector.multi_reduction <add>, %reduce_sum3A_45, %reduce_sum3A_46 [1, 2] : vector<1x75x128xf32> to vector<1xf32>
    %reduce_sum3A_48 = vector.shape_cast %reduce_sum3A_47 : vector<1xf32> to vector<1x1x1xf32>
    %reduce_sum3A_49 = vector.extract %reduce_sum3A_48[0, 0, 0] : f32 from vector<1x1x1xf32>
    %eq3A = arith.constant 0 : i32
    %eq3A_50 = arith.cmpi eq, %arg0, %eq3A : i32
    %convert_element_type3A = arith.extui %eq3A_50 : i1 to i32
    %cond3A = arith.constant 0 : i32
    %cond3A_51 = arith.cmpi ne, %convert_element_type3A, %cond3A : i32
    scf.if %cond3A_51 {
      %broadcast_in_dim3A = arith.constant 0.000000e+00 : f32
      %broadcast_in_dim3A_59 = vector.broadcast %broadcast_in_dim3A : f32 to vector<1x1xf32>
      %swap3A_60 = arith.constant 0 : index
      %swap3A_61 = arith.constant 0 : index
      %swap3A_62 = vector.load %arg2[%swap3A_60, %swap3A_61] : memref<1x1xf32, #tpu.memory_space<vmem>>, vector<1x1xf32>
      tpu.vector_store %arg2[%swap3A_60, %swap3A_61], %broadcast_in_dim3A_59 {strides = array<i32>} : memref<1x1xf32, #tpu.memory_space<vmem>>, vector<1x1xf32>,
    } else {
    }
    %get3A_52 = arith.constant 0 : index
    %get3A_53 = arith.constant 0 : index
    %get3A_54 = vector.load %arg2[%get3A_52, %get3A_53] : memref<1x1xf32, #tpu.memory_space<vmem>>, vector<1x1xf32>
    %add3A_55 = vector.broadcast %reduce_sum3A_49 : f32 to vector<1x1xf32>
    %add3A_56 = arith.addf %get3A_54, %add3A_55 : vector<1x1xf32>
    %swap3A = arith.constant 0 : index
    %swap3A_57 = arith.constant 0 : index
    %swap3A_58 = vector.load %arg2[%swap3A, %swap3A_57] : memref<1x1xf32, #tpu.memory_space<vmem>>, vector<1x1xf32>
    tpu.vector_store %arg2[%swap3A, %swap3A_57], %add3A_56 {strides = array<i32>} : memref<1x1xf32, #tpu.memory_space<vmem>>, vector<1x1xf32>,
    return
  }
  func.func @transform_0(%arg0: i32) -> (i32, i32, i32) {
    %c0_i32 = arith.constant 0 : i32
    %c0_i32_0 = arith.constant 0 : i32
    %c0_i32_1 = arith.constant 0 : i32
    return %arg0, %c0_i32, %c0_i32_0 : i32, i32, i32
  }
  func.func @transform_1(%arg0: i32) -> (i32, i32) {
    %c0_i32 = arith.constant 0 : i32
    %c0_i32_0 = arith.constant 0 : i32
    %c0_i32_1 = arith.constant 0 : i32
    return %c0_i32, %c0_i32_0 : i32, i32
  }
}

module attributes {stable_mosaic.version = 14 : i64} {
  func.func @_dense_body(%arg0: i32, %arg1: memref<75x128x85xf32, #tpu.memory_space<vmem>>, %arg2: memref<1x1xf32, #tpu.memory_space<vmem>>) attributes {dimension_semantics = [#tpu.dimension_semantics<arbitrary>], iteration_bounds = array<i64: 1>, scalar_prefetch = 0 : i64, scratch_operands = 0 : i64, tpu.core_type = #tpu.core_type<tc>, window_params = [{transform_indices = @transform_0, window_bounds = array<i64: 75, 128, 85>}, {pipeline_mode = #tpu.pipeline_mode<synchronous>, transform_indices = @transform_1, window_bounds = array<i64: 1, 1>}]} {
    %get3A = arith.constant 0 : index
    %get3A_0 = arith.constant 0 : index
    %get3A_1 = arith.constant 0 : index
    %get3A_2 = vector.load %arg1[%get3A, %get3A_0, %get3A_1] : memref<75x128x85xf32, #tpu.memory_space<vmem>>, vector<75x128x1xf32>
    %reduce_sum3A = arith.constant dense<0.000000e+00> : vector<75x128xf32>
    %reduce_sum3A_3 = vector.multi_reduction <add>, %get3A_2, %reduce_sum3A [2] : vector<75x128x1xf32> to vector<75x128xf32>
    %neg3A = arith.constant 0.000000e+00 : f32
    %neg3A_4 = vector.broadcast %neg3A : f32 to vector<75x128xf32>
    %neg3A_5 = arith.subf %neg3A_4, %reduce_sum3A_3 : vector<75x128xf32>
    %exp3A = math.exp %neg3A_5 : vector<75x128xf32>
    %add3A = arith.constant 1.000000e+00 : f32
    %add3A_6 = vector.broadcast %add3A : f32 to vector<75x128xf32>
    %add3A_7 = arith.addf %add3A_6, %exp3A : vector<75x128xf32>
    %div3A = arith.constant 1.000000e+00 : f32
    %div3A_8 = vector.broadcast %div3A : f32 to vector<75x128xf32>
    %div3A_9 = arith.divf %div3A_8, %add3A_7 : vector<75x128xf32>
    %neg3A_10 = arith.constant 0.000000e+00 : f32
    %neg3A_11 = vector.broadcast %neg3A_10 : f32 to vector<75x128xf32>
    %neg3A_12 = arith.subf %neg3A_11, %div3A_9 : vector<75x128xf32>
    %exp3A_13 = math.exp %neg3A_12 : vector<75x128xf32>
    %add3A_14 = arith.constant 1.000000e+00 : f32
    %add3A_15 = vector.broadcast %add3A_14 : f32 to vector<75x128xf32>
    %add3A_16 = arith.addf %add3A_15, %exp3A_13 : vector<75x128xf32>
    %div3A_17 = arith.constant 1.000000e+00 : f32
    %div3A_18 = vector.broadcast %div3A_17 : f32 to vector<75x128xf32>
    %div3A_19 = arith.divf %div3A_18, %add3A_16 : vector<75x128xf32>
    %mul3A = arith.constant 1.000000e-01 : f32
    %mul3A_20 = vector.broadcast %mul3A : f32 to vector<75x128xf32>
    %mul3A_21 = arith.mulf %mul3A_20, %div3A_19 : vector<75x128xf32>
    %sub3A = arith.constant 1.000000e+00 : f32
    %sub3A_22 = vector.broadcast %sub3A : f32 to vector<75x128xf32>
    %sub3A_23 = arith.subf %sub3A_22, %div3A_19 : vector<75x128xf32>
    %mul3A_24 = arith.constant 0.899999976 : f32
    %mul3A_25 = vector.broadcast %mul3A_24 : f32 to vector<75x128xf32>
    %mul3A_26 = arith.mulf %mul3A_25, %sub3A_23 : vector<75x128xf32>
    %add3A_27 = arith.addf %mul3A_21, %mul3A_26 : vector<75x128xf32>
    %sub3A_28 = arith.constant 1.000000e+00 : f32
    %sub3A_29 = vector.broadcast %sub3A_28 : f32 to vector<75x128xf32>
    %sub3A_30 = arith.subf %sub3A_29, %add3A_27 : vector<75x128xf32>
    %mul3A_31 = arith.constant 0.699999928 : f32
    %mul3A_32 = vector.broadcast %mul3A_31 : f32 to vector<75x128xf32>
    %mul3A_33 = arith.mulf %mul3A_32, %sub3A_30 : vector<75x128xf32>
    %mul3A_34 = arith.mulf %mul3A_33, %sub3A_30 : vector<75x128xf32>
    %mul3A_35 = arith.constant 1.000000e-01 : f32
    %mul3A_36 = vector.broadcast %mul3A_35 : f32 to vector<75x128xf32>
    %mul3A_37 = arith.mulf %div3A_9, %mul3A_36 : vector<75x128xf32>
    %sub3A_38 = arith.subf %div3A_9, %mul3A_37 : vector<75x128xf32>
    %neg3A_39 = arith.constant 0.000000e+00 : f32
    %neg3A_40 = vector.broadcast %neg3A_39 : f32 to vector<75x128xf32>
    %neg3A_41 = arith.subf %neg3A_40, %div3A_9 : vector<75x128xf32>
    %exp3A_42 = math.exp %neg3A_41 : vector<75x128xf32>
    %log1p3A = math.log1p %exp3A_42 : vector<75x128xf32>
    %add3A_43 = arith.addf %sub3A_38, %log1p3A : vector<75x128xf32>
    %mul3A_44 = arith.mulf %mul3A_34, %add3A_43 : vector<75x128xf32>
    %reduce_sum3A_45 = vector.shape_cast %mul3A_44 : vector<75x128xf32> to vector<1x75x128xf32>
    %reduce_sum3A_46 = arith.constant dense<0.000000e+00> : vector<1xf32>
    %reduce_sum3A_47 = vector.multi_reduction <add>, %reduce_sum3A_45, %reduce_sum3A_46 [1, 2] : vector<1x75x128xf32> to vector<1xf32>
    %reduce_sum3A_48 = vector.shape_cast %reduce_sum3A_47 : vector<1xf32> to vector<1x1x1xf32>
    %reduce_sum3A_49 = vector.extract %reduce_sum3A_48[0, 0, 0] : f32 from vector<1x1x1xf32>
    %eq3A = arith.constant 0 : i32
    %eq3A_50 = arith.cmpi eq, %arg0, %eq3A : i32
    %convert_element_type3A = arith.extui %eq3A_50 : i1 to i32
    %cond3A = arith.constant 0 : i32
    %cond3A_51 = arith.cmpi ne, %convert_element_type3A, %cond3A : i32
    scf.if %cond3A_51 {
      %broadcast_in_dim3A = arith.constant 0.000000e+00 : f32
      %broadcast_in_dim3A_59 = vector.broadcast %broadcast_in_dim3A : f32 to vector<1x1xf32>
      %swap3A_60 = arith.constant 0 : index
      %swap3A_61 = arith.constant 0 : index
      %swap3A_62 = vector.load %arg2[%swap3A_60, %swap3A_61] : memref<1x1xf32, #tpu.memory_space<vmem>>, vector<1x1xf32>
      tpu.vector_store %arg2[%swap3A_60, %swap3A_61], %broadcast_in_dim3A_59 {strides = array<i32>} : memref<1x1xf32, #tpu.memory_space<vmem>>, vector<1x1xf32>,
    } else {
    }
    %get3A_52 = arith.constant 0 : index
    %get3A_53 = arith.constant 0 : index
    %get3A_54 = vector.load %arg2[%get3A_52, %get3A_53] : memref<1x1xf32, #tpu.memory_space<vmem>>, vector<1x1xf32>
    %add3A_55 = vector.broadcast %reduce_sum3A_49 : f32 to vector<1x1xf32>
    %add3A_56 = arith.addf %get3A_54, %add3A_55 : vector<1x1xf32>
    %swap3A = arith.constant 0 : index
    %swap3A_57 = arith.constant 0 : index
    %swap3A_58 = vector.load %arg2[%swap3A, %swap3A_57] : memref<1x1xf32, #tpu.memory_space<vmem>>, vector<1x1xf32>
    tpu.vector_store %arg2[%swap3A, %swap3A_57], %add3A_56 {strides = array<i32>} : memref<1x1xf32, #tpu.memory_space<vmem>>, vector<1x1xf32>,
    return
  }
  func.func @transform_0(%arg0: i32) -> (i32, i32, i32) {
    %c0_i32 = arith.constant 0 : i32
    %c0_i32_0 = arith.constant 0 : i32
    %c0_i32_1 = arith.constant 0 : i32
    return %arg0, %c0_i32, %c0_i32_0 : i32, i32, i32
  }
  func.func @transform_1(%arg0: i32) -> (i32, i32) {
    %c0_i32 = arith.constant 0 : i32
    %c0_i32_0 = arith.constant 0 : i32
    %c0_i32_1 = arith.constant 0 : i32
    return %c0_i32, %c0_i32_0 : i32, i32
  }
}

module attributes {stable_mosaic.version = 14 : i64} {
  func.func @_sparse_body(%arg0: i32, %arg1: memref<12x128x85xf32, #tpu.memory_space<vmem>>, %arg2: memref<1x12x128xf32, #tpu.memory_space<vmem>>, %arg3: memref<1x12x128xf32, #tpu.memory_space<vmem>>, %arg4: memref<1x12x128xf32, #tpu.memory_space<vmem>>, %arg5: memref<1x12x128xf32, #tpu.memory_space<vmem>>, %arg6: memref<1x12x128xf32, #tpu.memory_space<vmem>>, %arg7: memref<1x12x128xf32, #tpu.memory_space<vmem>>, %arg8: memref<1x12x128xf32, #tpu.memory_space<vmem>>, %arg9: memref<1x12x128xf32, #tpu.memory_space<vmem>>, %arg10: memref<1x12x128xf32, #tpu.memory_space<vmem>>, %arg11: memref<1x1xf32, #tpu.memory_space<vmem>>, %arg12: memref<1x1xf32, #tpu.memory_space<vmem>>, %arg13: memref<1x1xf32, #tpu.memory_space<vmem>>, %arg14: memref<1x1xf32, #tpu.memory_space<vmem>>) attributes {dimension_semantics = [#tpu.dimension_semantics<arbitrary>], iteration_bounds = array<i64: 4>, scalar_prefetch = 0 : i64, scratch_operands = 0 : i64, tpu.core_type = #tpu.core_type<tc>, window_params = [{transform_indices = @transform_0, window_bounds = array<i64: 12, 128, 85>}, {transform_indices = @transform_1, window_bounds = array<i64: 1, 12, 128>}, {transform_indices = @transform_2, window_bounds = array<i64: 1, 12, 128>}, {transform_indices = @transform_3, window_bounds = array<i64: 1, 12, 128>}, {transform_indices = @transform_4, window_bounds = array<i64: 1, 12, 128>}, {transform_indices = @transform_5, window_bounds = array<i64: 1, 12, 128>}, {transform_indices = @transform_6, window_bounds = array<i64: 1, 12, 128>}, {transform_indices = @transform_7, window_bounds = array<i64: 1, 12, 128>}, {transform_indices = @transform_8, window_bounds = array<i64: 1, 12, 128>}, {transform_indices = @transform_9, window_bounds = array<i64: 1, 12, 128>}, {pipeline_mode = #tpu.pipeline_mode<synchronous>, transform_indices = @transform_10, window_bounds = array<i64: 1, 1>}, {pipeline_mode = #tpu.pipeline_mode<synchronous>, transform_indices = @transform_11, window_bounds = array<i64: 1, 1>}, {pipeline_mode = #tpu.pipeline_mode<synchronous>, transform_indices = @transform_12, window_bounds = array<i64: 1, 1>}, {pipeline_mode = #tpu.pipeline_mode<synchronous>, transform_indices = @transform_13, window_bounds = array<i64: 1, 1>}]} {
    %get3A = arith.constant 0 : index
    %get3A_0 = arith.constant 0 : index
    %get3A_1 = arith.constant 0 : index
    %get3A_2 = vector.load %arg2[%get3A, %get3A_0, %get3A_1] : memref<1x12x128xf32, #tpu.memory_space<vmem>>, vector<1x12x128xf32>
    %get3A_3 = vector.shape_cast %get3A_2 : vector<1x12x128xf32> to vector<12x128xf32>
    %get3A_4 = arith.constant 0 : index
    %get3A_5 = arith.constant 0 : index
    %get3A_6 = arith.constant 0 : index
    %get3A_7 = vector.load %arg3[%get3A_4, %get3A_5, %get3A_6] : memref<1x12x128xf32, #tpu.memory_space<vmem>>, vector<1x12x128xf32>
    %get3A_8 = vector.shape_cast %get3A_7 : vector<1x12x128xf32> to vector<12x128xf32>
    %get3A_9 = arith.constant 0 : index
    %get3A_10 = arith.constant 0 : index
    %get3A_11 = arith.constant 0 : index
    %get3A_12 = vector.load %arg4[%get3A_9, %get3A_10, %get3A_11] : memref<1x12x128xf32, #tpu.memory_space<vmem>>, vector<1x12x128xf32>
    %get3A_13 = vector.shape_cast %get3A_12 : vector<1x12x128xf32> to vector<12x128xf32>
    %get3A_14 = arith.constant 0 : index
    %get3A_15 = arith.constant 0 : index
    %get3A_16 = arith.constant 0 : index
    %get3A_17 = vector.load %arg6[%get3A_14, %get3A_15, %get3A_16] : memref<1x12x128xf32, #tpu.memory_space<vmem>>, vector<1x12x128xf32>
    %get3A_18 = vector.shape_cast %get3A_17 : vector<1x12x128xf32> to vector<12x128xf32>
    %get3A_19 = arith.constant 0 : index
    %get3A_20 = arith.constant 0 : index
    %get3A_21 = arith.constant 0 : index
    %get3A_22 = vector.load %arg7[%get3A_19, %get3A_20, %get3A_21] : memref<1x12x128xf32, #tpu.memory_space<vmem>>, vector<1x12x128xf32>
    %get3A_23 = vector.shape_cast %get3A_22 : vector<1x12x128xf32> to vector<12x128xf32>
    %get3A_24 = arith.constant 0 : index
    %get3A_25 = arith.constant 0 : index
    %get3A_26 = arith.constant 0 : index
    %get3A_27 = vector.load %arg8[%get3A_24, %get3A_25, %get3A_26] : memref<1x12x128xf32, #tpu.memory_space<vmem>>, vector<1x12x128xf32>
    %get3A_28 = vector.shape_cast %get3A_27 : vector<1x12x128xf32> to vector<12x128xf32>
    %get3A_29 = arith.constant 0 : index
    %get3A_30 = arith.constant 0 : index
    %get3A_31 = arith.constant 0 : index
    %get3A_32 = vector.load %arg9[%get3A_29, %get3A_30, %get3A_31] : memref<1x12x128xf32, #tpu.memory_space<vmem>>, vector<1x12x128xf32>
    %get3A_33 = vector.shape_cast %get3A_32 : vector<1x12x128xf32> to vector<12x128xf32>
    %get3A_34 = arith.constant 0 : index
    %get3A_35 = arith.constant 0 : index
    %get3A_36 = arith.constant 0 : index
    %get3A_37 = vector.load %arg10[%get3A_34, %get3A_35, %get3A_36] : memref<1x12x128xf32, #tpu.memory_space<vmem>>, vector<1x12x128xf32>
    %get3A_38 = vector.shape_cast %get3A_37 : vector<1x12x128xf32> to vector<12x128xf32>
    %mul3A = arith.constant 8.000000e+01 : f32
    %mul3A_39 = vector.broadcast %mul3A : f32 to vector<12x128xf32>
    %mul3A_40 = arith.mulf %get3A_23, %mul3A_39 : vector<12x128xf32>
    %mul3A_41 = arith.constant 8.000000e+01 : f32
    %mul3A_42 = vector.broadcast %mul3A_41 : f32 to vector<12x128xf32>
    %mul3A_43 = arith.mulf %get3A_28, %mul3A_42 : vector<12x128xf32>
    %mul3A_44 = arith.constant 8.000000e+01 : f32
    %mul3A_45 = vector.broadcast %mul3A_44 : f32 to vector<12x128xf32>
    %mul3A_46 = arith.mulf %get3A_33, %mul3A_45 : vector<12x128xf32>
    %mul3A_47 = arith.constant 8.000000e+01 : f32
    %mul3A_48 = vector.broadcast %mul3A_47 : f32 to vector<12x128xf32>
    %mul3A_49 = arith.mulf %get3A_38, %mul3A_48 : vector<12x128xf32>
    %eq3A = arith.constant 0.000000e+00 : f32
    %eq3A_50 = vector.broadcast %eq3A : f32 to vector<12x128xf32>
    %eq3A_51 = arith.cmpf oeq, %get3A_8, %eq3A_50 : vector<12x128xf32>
    %eq3A_52 = arith.constant 1.000000e+00 : f32
    %eq3A_53 = vector.broadcast %eq3A_52 : f32 to vector<12x128xf32>
    %eq3A_54 = arith.cmpf oeq, %get3A_8, %eq3A_53 : vector<12x128xf32>
    %jit3A = arith.constant 2.375000e+00 : f32
    %jit3A_55 = arith.constant 5.000000e+00 : f32
    %broadcast_in_dim3A = vector.broadcast %jit3A : f32 to vector<12x128xf32>
    %broadcast_in_dim3A_56 = vector.broadcast %jit3A_55 : f32 to vector<12x128xf32>
    %select_n3A = arith.select %eq3A_54, %broadcast_in_dim3A, %broadcast_in_dim3A_56 : vector<12x128xi1>, vector<12x128xf32>
    %jit3A_57 = arith.constant 1.500000e+00 : f32
    %broadcast_in_dim3A_58 = vector.broadcast %jit3A_57 : f32 to vector<12x128xf32>
    %select_n3A_59 = arith.select %eq3A_51, %broadcast_in_dim3A_58, %select_n3A : vector<12x128xi1>, vector<12x128xf32>
    %eq3A_60 = arith.constant 0.000000e+00 : f32
    %eq3A_61 = vector.broadcast %eq3A_60 : f32 to vector<12x128xf32>
    %eq3A_62 = arith.cmpf oeq, %get3A_8, %eq3A_61 : vector<12x128xf32>
    %eq3A_63 = arith.constant 1.000000e+00 : f32
    %eq3A_64 = vector.broadcast %eq3A_63 : f32 to vector<12x128xf32>
    %eq3A_65 = arith.cmpf oeq, %get3A_8, %eq3A_64 : vector<12x128xf32>
    %jit3A_66 = arith.constant 4.500000e+00 : f32
    %jit3A_67 = arith.constant 3.500000e+00 : f32
    %broadcast_in_dim3A_68 = vector.broadcast %jit3A_66 : f32 to vector<12x128xf32>
    %broadcast_in_dim3A_69 = vector.broadcast %jit3A_67 : f32 to vector<12x128xf32>
    %select_n3A_70 = arith.select %eq3A_65, %broadcast_in_dim3A_68, %broadcast_in_dim3A_69 : vector<12x128xi1>, vector<12x128xf32>
    %jit3A_71 = arith.constant 2.000000e+00 : f32
    %broadcast_in_dim3A_72 = vector.broadcast %jit3A_71 : f32 to vector<12x128xf32>
    %select_n3A_73 = arith.select %eq3A_62, %broadcast_in_dim3A_72, %select_n3A_70 : vector<12x128xi1>, vector<12x128xf32>
    %div3A = arith.divf %mul3A_46, %select_n3A_59 : vector<12x128xf32>
    %div3A_74 = arith.divf %mul3A_49, %select_n3A_73 : vector<12x128xf32>
    %div3A_75 = arith.constant 1.000000e+00 : f32
    %div3A_76 = vector.broadcast %div3A_75 : f32 to vector<12x128xf32>
    %div3A_77 = arith.divf %div3A_76, %div3A : vector<12x128xf32>
    %max3A = arith.maximumf %div3A, %div3A_77 : vector<12x128xf32>
    %div3A_78 = arith.constant 1.000000e+00 : f32
    %div3A_79 = vector.broadcast %div3A_78 : f32 to vector<12x128xf32>
    %div3A_80 = arith.divf %div3A_79, %div3A_74 : vector<12x128xf32>
    %max3A_81 = arith.maximumf %div3A_74, %div3A_80 : vector<12x128xf32>
    %max3A_82 = arith.maximumf %max3A, %max3A_81 : vector<12x128xf32>
    %lt3A = arith.constant 4.000000e+00 : f32
    %lt3A_83 = vector.broadcast %lt3A : f32 to vector<12x128xf32>
    %lt3A_84 = arith.cmpf olt, %max3A_82, %lt3A_83 : vector<12x128xf32>
    %sub3A = arith.constant 8.000000e+01 : f32
    %sub3A_85 = vector.broadcast %sub3A : f32 to vector<12x128xf32>
    %sub3A_86 = arith.subf %sub3A_85, %mul3A_40 : vector<12x128xf32>
    %sub3A_87 = arith.constant 8.000000e+01 : f32
    %sub3A_88 = vector.broadcast %sub3A_87 : f32 to vector<12x128xf32>
    %sub3A_89 = arith.subf %sub3A_88, %mul3A_43 : vector<12x128xf32>
    %floor3A = math.floor %mul3A_40 : vector<12x128xf32>
    %sub3A_90 = arith.subf %mul3A_40, %floor3A : vector<12x128xf32>
    %floor3A_91 = math.floor %mul3A_43 : vector<12x128xf32>
    %sub3A_92 = arith.subf %mul3A_43, %floor3A_91 : vector<12x128xf32>
    %floor3A_93 = math.floor %sub3A_86 : vector<12x128xf32>
    %sub3A_94 = arith.subf %sub3A_86, %floor3A_93 : vector<12x128xf32>
    %floor3A_95 = math.floor %sub3A_89 : vector<12x128xf32>
    %sub3A_96 = arith.subf %sub3A_89, %floor3A_95 : vector<12x128xf32>
    %lt3A_97 = arith.constant 5.000000e-01 : f32
    %lt3A_98 = vector.broadcast %lt3A_97 : f32 to vector<12x128xf32>
    %lt3A_99 = arith.cmpf olt, %sub3A_90, %lt3A_98 : vector<12x128xf32>
    %gt3A = arith.constant 1.000000e+00 : f32
    %gt3A_100 = vector.broadcast %gt3A : f32 to vector<12x128xf32>
    %gt3A_101 = arith.cmpf ogt, %mul3A_40, %gt3A_100 : vector<12x128xf32>
    %and3A = arith.andi %lt3A_99, %gt3A_101 : vector<12x128xi1>
    %lt3A_102 = arith.constant 5.000000e-01 : f32
    %lt3A_103 = vector.broadcast %lt3A_102 : f32 to vector<12x128xf32>
    %lt3A_104 = arith.cmpf olt, %sub3A_92, %lt3A_103 : vector<12x128xf32>
    %gt3A_105 = arith.constant 1.000000e+00 : f32
    %gt3A_106 = vector.broadcast %gt3A_105 : f32 to vector<12x128xf32>
    %gt3A_107 = arith.cmpf ogt, %mul3A_43, %gt3A_106 : vector<12x128xf32>
    %and3A_108 = arith.andi %lt3A_104, %gt3A_107 : vector<12x128xi1>
    %lt3A_109 = arith.constant 5.000000e-01 : f32
    %lt3A_110 = vector.broadcast %lt3A_109 : f32 to vector<12x128xf32>
    %lt3A_111 = arith.cmpf olt, %sub3A_94, %lt3A_110 : vector<12x128xf32>
    %gt3A_112 = arith.constant 1.000000e+00 : f32
    %gt3A_113 = vector.broadcast %gt3A_112 : f32 to vector<12x128xf32>
    %gt3A_114 = arith.cmpf ogt, %sub3A_86, %gt3A_113 : vector<12x128xf32>
    %and3A_115 = arith.andi %lt3A_111, %gt3A_114 : vector<12x128xi1>
    %lt3A_116 = arith.constant 5.000000e-01 : f32
    %lt3A_117 = vector.broadcast %lt3A_116 : f32 to vector<12x128xf32>
    %lt3A_118 = arith.cmpf olt, %sub3A_96, %lt3A_117 : vector<12x128xf32>
    %gt3A_119 = arith.constant 1.000000e+00 : f32
    %gt3A_120 = vector.broadcast %gt3A_119 : f32 to vector<12x128xf32>
    %gt3A_121 = arith.cmpf ogt, %sub3A_89, %gt3A_120 : vector<12x128xf32>
    %and3A_122 = arith.andi %lt3A_118, %gt3A_121 : vector<12x128xi1>
    %lt3A_123 = arith.constant 3.500000e-01 : f32
    %lt3A_124 = vector.broadcast %lt3A_123 : f32 to vector<12x128xf32>
    %lt3A_125 = arith.cmpf olt, %sub3A_90, %lt3A_124 : vector<12x128xf32>
    %gt3A_126 = arith.constant 1.000000e+00 : f32
    %gt3A_127 = vector.broadcast %gt3A_126 : f32 to vector<12x128xf32>
    %gt3A_128 = arith.cmpf ogt, %mul3A_40, %gt3A_127 : vector<12x128xf32>
    %and3A_129 = arith.andi %lt3A_125, %gt3A_128 : vector<12x128xi1>
    %lt3A_130 = arith.constant 3.500000e-01 : f32
    %lt3A_131 = vector.broadcast %lt3A_130 : f32 to vector<12x128xf32>
    %lt3A_132 = arith.cmpf olt, %sub3A_92, %lt3A_131 : vector<12x128xf32>
    %gt3A_133 = arith.constant 1.000000e+00 : f32
    %gt3A_134 = vector.broadcast %gt3A_133 : f32 to vector<12x128xf32>
    %gt3A_135 = arith.cmpf ogt, %mul3A_43, %gt3A_134 : vector<12x128xf32>
    %and3A_136 = arith.andi %lt3A_132, %gt3A_135 : vector<12x128xi1>
    %lt3A_137 = arith.constant 3.500000e-01 : f32
    %lt3A_138 = vector.broadcast %lt3A_137 : f32 to vector<12x128xf32>
    %lt3A_139 = arith.cmpf olt, %sub3A_94, %lt3A_138 : vector<12x128xf32>
    %gt3A_140 = arith.constant 1.000000e+00 : f32
    %gt3A_141 = vector.broadcast %gt3A_140 : f32 to vector<12x128xf32>
    %gt3A_142 = arith.cmpf ogt, %sub3A_86, %gt3A_141 : vector<12x128xf32>
    %and3A_143 = arith.andi %lt3A_139, %gt3A_142 : vector<12x128xi1>
    %lt3A_144 = arith.constant 3.500000e-01 : f32
    %lt3A_145 = vector.broadcast %lt3A_144 : f32 to vector<12x128xf32>
    %lt3A_146 = arith.cmpf olt, %sub3A_96, %lt3A_145 : vector<12x128xf32>
    %gt3A_147 = arith.constant 1.000000e+00 : f32
    %gt3A_148 = vector.broadcast %gt3A_147 : f32 to vector<12x128xf32>
    %gt3A_149 = arith.cmpf ogt, %sub3A_89, %gt3A_148 : vector<12x128xf32>
    %and3A_150 = arith.andi %lt3A_146, %gt3A_149 : vector<12x128xi1>
    %broadcast_in_dim3A_151 = arith.constant 1.000000e+00 : f32
    %broadcast_in_dim3A_152 = vector.broadcast %broadcast_in_dim3A_151 : f32 to vector<12x128xf32>
    %broadcast_in_dim3A_153 = arith.constant 0.000000e+00 : f32
    %broadcast_in_dim3A_154 = vector.broadcast %broadcast_in_dim3A_153 : f32 to vector<12x128xf32>
    %select_n3A_155 = arith.select %and3A, %broadcast_in_dim3A_152, %broadcast_in_dim3A_154 : vector<12x128xi1>, vector<12x128xf32>
    %select_n3A_156 = arith.select %and3A_108, %broadcast_in_dim3A_152, %broadcast_in_dim3A_154 : vector<12x128xi1>, vector<12x128xf32>
    %select_n3A_157 = arith.select %and3A_115, %broadcast_in_dim3A_152, %broadcast_in_dim3A_154 : vector<12x128xi1>, vector<12x128xf32>
    %select_n3A_158 = arith.select %and3A_122, %broadcast_in_dim3A_152, %broadcast_in_dim3A_154 : vector<12x128xi1>, vector<12x128xf32>
    %and3A_159 = arith.andi %and3A_129, %and3A_136 : vector<12x128xi1>
    %select_n3A_160 = arith.select %and3A_159, %broadcast_in_dim3A_152, %broadcast_in_dim3A_154 : vector<12x128xi1>, vector<12x128xf32>
    %and3A_161 = arith.andi %and3A_136, %and3A_143 : vector<12x128xi1>
    %select_n3A_162 = arith.select %and3A_161, %broadcast_in_dim3A_152, %broadcast_in_dim3A_154 : vector<12x128xi1>, vector<12x128xf32>
    %and3A_163 = arith.andi %and3A_143, %and3A_150 : vector<12x128xi1>
    %select_n3A_164 = arith.select %and3A_163, %broadcast_in_dim3A_152, %broadcast_in_dim3A_154 : vector<12x128xi1>, vector<12x128xf32>
    %and3A_165 = arith.andi %and3A_150, %and3A_129 : vector<12x128xi1>
    %select_n3A_166 = arith.select %and3A_165, %broadcast_in_dim3A_152, %broadcast_in_dim3A_154 : vector<12x128xi1>, vector<12x128xf32>
    %broadcast_in_dim3A_167 = arith.constant 5.000000e-01 : f32
    %broadcast_in_dim3A_168 = vector.broadcast %broadcast_in_dim3A_167 : f32 to vector<12x128xf32>
    %broadcast_in_dim3A_169 = arith.constant 5.000000e-01 : f32
    %broadcast_in_dim3A_170 = vector.broadcast %broadcast_in_dim3A_169 : f32 to vector<12x128xf32>
    %eq3A_171 = arith.constant 7.000000e+00 : f32
    %eq3A_172 = vector.broadcast %eq3A_171 : f32 to vector<12x128xf32>
    %eq3A_173 = arith.cmpf oeq, %get3A_3, %eq3A_172 : vector<12x128xf32>
    %select_n3A_174 = arith.select %eq3A_173, %select_n3A_164, %select_n3A_166 : vector<12x128xi1>, vector<12x128xf32>
    %jit3A_175 = arith.constant -5.000000e-01 : f32
    %broadcast_in_dim3A_176 = vector.broadcast %jit3A_175 : f32 to vector<12x128xf32>
    %select_n3A_177 = arith.select %eq3A_173, %broadcast_in_dim3A_176, %broadcast_in_dim3A_168 : vector<12x128xi1>, vector<12x128xf32>
    %jit3A_178 = arith.constant -5.000000e-01 : f32
    %broadcast_in_dim3A_179 = vector.broadcast %jit3A_178 : f32 to vector<12x128xf32>
    %select_n3A_180 = arith.select %eq3A_173, %broadcast_in_dim3A_179, %broadcast_in_dim3A_170 : vector<12x128xi1>, vector<12x128xf32>
    %eq3A_181 = arith.constant 6.000000e+00 : f32
    %eq3A_182 = vector.broadcast %eq3A_181 : f32 to vector<12x128xf32>
    %eq3A_183 = arith.cmpf oeq, %get3A_3, %eq3A_182 : vector<12x128xf32>
    %select_n3A_184 = arith.select %eq3A_183, %select_n3A_162, %select_n3A_174 : vector<12x128xi1>, vector<12x128xf32>
    %jit3A_185 = arith.constant -5.000000e-01 : f32
    %broadcast_in_dim3A_186 = vector.broadcast %jit3A_185 : f32 to vector<12x128xf32>
    %select_n3A_187 = arith.select %eq3A_183, %broadcast_in_dim3A_186, %select_n3A_177 : vector<12x128xi1>, vector<12x128xf32>
    %jit3A_188 = arith.constant 5.000000e-01 : f32
    %broadcast_in_dim3A_189 = vector.broadcast %jit3A_188 : f32 to vector<12x128xf32>
    %select_n3A_190 = arith.select %eq3A_183, %broadcast_in_dim3A_189, %select_n3A_180 : vector<12x128xi1>, vector<12x128xf32>
    %eq3A_191 = arith.constant 5.000000e+00 : f32
    %eq3A_192 = vector.broadcast %eq3A_191 : f32 to vector<12x128xf32>
    %eq3A_193 = arith.cmpf oeq, %get3A_3, %eq3A_192 : vector<12x128xf32>
    %select_n3A_194 = arith.select %eq3A_193, %select_n3A_160, %select_n3A_184 : vector<12x128xi1>, vector<12x128xf32>
    %jit3A_195 = arith.constant 5.000000e-01 : f32
    %broadcast_in_dim3A_196 = vector.broadcast %jit3A_195 : f32 to vector<12x128xf32>
    %select_n3A_197 = arith.select %eq3A_193, %broadcast_in_dim3A_196, %select_n3A_187 : vector<12x128xi1>, vector<12x128xf32>
    %jit3A_198 = arith.constant 5.000000e-01 : f32
    %broadcast_in_dim3A_199 = vector.broadcast %jit3A_198 : f32 to vector<12x128xf32>
    %select_n3A_200 = arith.select %eq3A_193, %broadcast_in_dim3A_199, %select_n3A_190 : vector<12x128xi1>, vector<12x128xf32>
    %eq3A_201 = arith.constant 4.000000e+00 : f32
    %eq3A_202 = vector.broadcast %eq3A_201 : f32 to vector<12x128xf32>
    %eq3A_203 = arith.cmpf oeq, %get3A_3, %eq3A_202 : vector<12x128xf32>
    %select_n3A_204 = arith.select %eq3A_203, %select_n3A_158, %select_n3A_194 : vector<12x128xi1>, vector<12x128xf32>
    %jit3A_205 = arith.constant 0.000000e+00 : f32
    %broadcast_in_dim3A_206 = vector.broadcast %jit3A_205 : f32 to vector<12x128xf32>
    %select_n3A_207 = arith.select %eq3A_203, %broadcast_in_dim3A_206, %select_n3A_197 : vector<12x128xi1>, vector<12x128xf32>
    %jit3A_208 = arith.constant -5.000000e-01 : f32
    %broadcast_in_dim3A_209 = vector.broadcast %jit3A_208 : f32 to vector<12x128xf32>
    %select_n3A_210 = arith.select %eq3A_203, %broadcast_in_dim3A_209, %select_n3A_200 : vector<12x128xi1>, vector<12x128xf32>
    %eq3A_211 = arith.constant 3.000000e+00 : f32
    %eq3A_212 = vector.broadcast %eq3A_211 : f32 to vector<12x128xf32>
    %eq3A_213 = arith.cmpf oeq, %get3A_3, %eq3A_212 : vector<12x128xf32>
    %select_n3A_214 = arith.select %eq3A_213, %select_n3A_157, %select_n3A_204 : vector<12x128xi1>, vector<12x128xf32>
    %jit3A_215 = arith.constant -5.000000e-01 : f32
    %broadcast_in_dim3A_216 = vector.broadcast %jit3A_215 : f32 to vector<12x128xf32>
    %select_n3A_217 = arith.select %eq3A_213, %broadcast_in_dim3A_216, %select_n3A_207 : vector<12x128xi1>, vector<12x128xf32>
    %jit3A_218 = arith.constant 0.000000e+00 : f32
    %broadcast_in_dim3A_219 = vector.broadcast %jit3A_218 : f32 to vector<12x128xf32>
    %select_n3A_220 = arith.select %eq3A_213, %broadcast_in_dim3A_219, %select_n3A_210 : vector<12x128xi1>, vector<12x128xf32>
    %eq3A_221 = arith.constant 2.000000e+00 : f32
    %eq3A_222 = vector.broadcast %eq3A_221 : f32 to vector<12x128xf32>
    %eq3A_223 = arith.cmpf oeq, %get3A_3, %eq3A_222 : vector<12x128xf32>
    %select_n3A_224 = arith.select %eq3A_223, %select_n3A_156, %select_n3A_214 : vector<12x128xi1>, vector<12x128xf32>
    %jit3A_225 = arith.constant 0.000000e+00 : f32
    %broadcast_in_dim3A_226 = vector.broadcast %jit3A_225 : f32 to vector<12x128xf32>
    %select_n3A_227 = arith.select %eq3A_223, %broadcast_in_dim3A_226, %select_n3A_217 : vector<12x128xi1>, vector<12x128xf32>
    %jit3A_228 = arith.constant 5.000000e-01 : f32
    %broadcast_in_dim3A_229 = vector.broadcast %jit3A_228 : f32 to vector<12x128xf32>
    %select_n3A_230 = arith.select %eq3A_223, %broadcast_in_dim3A_229, %select_n3A_220 : vector<12x128xi1>, vector<12x128xf32>
    %eq3A_231 = arith.constant 1.000000e+00 : f32
    %eq3A_232 = vector.broadcast %eq3A_231 : f32 to vector<12x128xf32>
    %eq3A_233 = arith.cmpf oeq, %get3A_3, %eq3A_232 : vector<12x128xf32>
    %select_n3A_234 = arith.select %eq3A_233, %select_n3A_155, %select_n3A_224 : vector<12x128xi1>, vector<12x128xf32>
    %jit3A_235 = arith.constant 5.000000e-01 : f32
    %broadcast_in_dim3A_236 = vector.broadcast %jit3A_235 : f32 to vector<12x128xf32>
    %select_n3A_237 = arith.select %eq3A_233, %broadcast_in_dim3A_236, %select_n3A_227 : vector<12x128xi1>, vector<12x128xf32>
    %jit3A_238 = arith.constant 0.000000e+00 : f32
    %broadcast_in_dim3A_239 = vector.broadcast %jit3A_238 : f32 to vector<12x128xf32>
    %select_n3A_240 = arith.select %eq3A_233, %broadcast_in_dim3A_239, %select_n3A_230 : vector<12x128xi1>, vector<12x128xf32>
    %eq3A_241 = arith.constant 0.000000e+00 : f32
    %eq3A_242 = vector.broadcast %eq3A_241 : f32 to vector<12x128xf32>
    %eq3A_243 = arith.cmpf oeq, %get3A_3, %eq3A_242 : vector<12x128xf32>
    %select_n3A_244 = arith.select %eq3A_243, %broadcast_in_dim3A_152, %select_n3A_234 : vector<12x128xi1>, vector<12x128xf32>
    %jit3A_245 = arith.constant 0.000000e+00 : f32
    %broadcast_in_dim3A_246 = vector.broadcast %jit3A_245 : f32 to vector<12x128xf32>
    %select_n3A_247 = arith.select %eq3A_243, %broadcast_in_dim3A_246, %select_n3A_237 : vector<12x128xi1>, vector<12x128xf32>
    %jit3A_248 = arith.constant 0.000000e+00 : f32
    %broadcast_in_dim3A_249 = vector.broadcast %jit3A_248 : f32 to vector<12x128xf32>
    %select_n3A_250 = arith.select %eq3A_243, %broadcast_in_dim3A_249, %select_n3A_240 : vector<12x128xi1>, vector<12x128xf32>
    %sub3A_251 = arith.subf %mul3A_40, %select_n3A_247 : vector<12x128xf32>
    %convert_element_type3A = arith.fptosi %sub3A_251 : vector<12x128xf32> to vector<12x128xi32>
    %sub3A_252 = arith.subf %mul3A_43, %select_n3A_250 : vector<12x128xf32>
    %convert_element_type3A_253 = arith.fptosi %sub3A_252 : vector<12x128xf32> to vector<12x128xi32>
    %select_n3A_254 = arith.select %lt3A_84, %broadcast_in_dim3A_152, %broadcast_in_dim3A_154 : vector<12x128xi1>, vector<12x128xf32>
    %mul3A_255 = arith.mulf %select_n3A_244, %select_n3A_254 : vector<12x128xf32>
    %mul3A_256 = arith.mulf %mul3A_255, %get3A_13 : vector<12x128xf32>
    %convert_element_type3A_257 = arith.sitofp %convert_element_type3A : vector<12x128xi32> to vector<12x128xf32>
    %sub3A_258 = arith.subf %mul3A_40, %convert_element_type3A_257 : vector<12x128xf32>
    %convert_element_type3A_259 = arith.sitofp %convert_element_type3A_253 : vector<12x128xi32> to vector<12x128xf32>
    %sub3A_260 = arith.subf %mul3A_43, %convert_element_type3A_259 : vector<12x128xf32>
    %get3A_261 = arith.constant 0 : index
    %get3A_262 = arith.constant 0 : index
    %get3A_263 = arith.constant 0 : index
    %get3A_264 = vector.load %arg1[%get3A_261, %get3A_262, %get3A_263] : memref<12x128x85xf32, #tpu.memory_space<vmem>>, vector<12x128x85xf32>
    %slice3A = vector.extract_strided_slice %get3A_264 {offsets = [0, 0, 0], sizes = [12, 128, 1], strides = [1, 1, 1]} : vector<12x128x85xf32> to vector<12x128x1xf32>
    %reduce_sum3A = arith.constant dense<0.000000e+00> : vector<12x128xf32>
    %reduce_sum3A_265 = vector.multi_reduction <add>, %slice3A, %reduce_sum3A [2] : vector<12x128x1xf32> to vector<12x128xf32>
    %slice3A_266 = vector.extract_strided_slice %get3A_264 {offsets = [0, 0, 1], sizes = [12, 128, 1], strides = [1, 1, 1]} : vector<12x128x85xf32> to vector<12x128x1xf32>
    %reduce_sum3A_267 = arith.constant dense<0.000000e+00> : vector<12x128xf32>
    %reduce_sum3A_268 = vector.multi_reduction <add>, %slice3A_266, %reduce_sum3A_267 [2] : vector<12x128x1xf32> to vector<12x128xf32>
    %slice3A_269 = vector.extract_strided_slice %get3A_264 {offsets = [0, 0, 2], sizes = [12, 128, 1], strides = [1, 1, 1]} : vector<12x128x85xf32> to vector<12x128x1xf32>
    %reduce_sum3A_270 = arith.constant dense<0.000000e+00> : vector<12x128xf32>
    %reduce_sum3A_271 = vector.multi_reduction <add>, %slice3A_269, %reduce_sum3A_270 [2] : vector<12x128x1xf32> to vector<12x128xf32>
    %slice3A_272 = vector.extract_strided_slice %get3A_264 {offsets = [0, 0, 3], sizes = [12, 128, 1], strides = [1, 1, 1]} : vector<12x128x85xf32> to vector<12x128x1xf32>
    %reduce_sum3A_273 = arith.constant dense<0.000000e+00> : vector<12x128xf32>
    %reduce_sum3A_274 = vector.multi_reduction <add>, %slice3A_272, %reduce_sum3A_273 [2] : vector<12x128x1xf32> to vector<12x128xf32>
    %slice3A_275 = vector.extract_strided_slice %get3A_264 {offsets = [0, 0, 4], sizes = [12, 128, 1], strides = [1, 1, 1]} : vector<12x128x85xf32> to vector<12x128x1xf32>
    %reduce_sum3A_276 = arith.constant dense<0.000000e+00> : vector<12x128xf32>
    %reduce_sum3A_277 = vector.multi_reduction <add>, %slice3A_275, %reduce_sum3A_276 [2] : vector<12x128x1xf32> to vector<12x128xf32>
    %neg3A = arith.constant 0.000000e+00 : f32
    %neg3A_278 = vector.broadcast %neg3A : f32 to vector<12x128xf32>
    %neg3A_279 = arith.subf %neg3A_278, %reduce_sum3A_268 : vector<12x128xf32>
    %exp3A = math.exp %neg3A_279 : vector<12x128xf32>
    %add3A = arith.constant 1.000000e+00 : f32
    %add3A_280 = vector.broadcast %add3A : f32 to vector<12x128xf32>
    %add3A_281 = arith.addf %add3A_280, %exp3A : vector<12x128xf32>
    %div3A_282 = arith.constant 1.000000e+00 : f32
    %div3A_283 = vector.broadcast %div3A_282 : f32 to vector<12x128xf32>
    %div3A_284 = arith.divf %div3A_283, %add3A_281 : vector<12x128xf32>
    %mul3A_285 = arith.constant 2.000000e+00 : f32
    %mul3A_286 = vector.broadcast %mul3A_285 : f32 to vector<12x128xf32>
    %mul3A_287 = arith.mulf %div3A_284, %mul3A_286 : vector<12x128xf32>
    %sub3A_288 = arith.constant 5.000000e-01 : f32
    %sub3A_289 = vector.broadcast %sub3A_288 : f32 to vector<12x128xf32>
    %sub3A_290 = arith.subf %mul3A_287, %sub3A_289 : vector<12x128xf32>
    %neg3A_291 = arith.constant 0.000000e+00 : f32
    %neg3A_292 = vector.broadcast %neg3A_291 : f32 to vector<12x128xf32>
    %neg3A_293 = arith.subf %neg3A_292, %reduce_sum3A_271 : vector<12x128xf32>
    %exp3A_294 = math.exp %neg3A_293 : vector<12x128xf32>
    %add3A_295 = arith.constant 1.000000e+00 : f32
    %add3A_296 = vector.broadcast %add3A_295 : f32 to vector<12x128xf32>
    %add3A_297 = arith.addf %add3A_296, %exp3A_294 : vector<12x128xf32>
    %div3A_298 = arith.constant 1.000000e+00 : f32
    %div3A_299 = vector.broadcast %div3A_298 : f32 to vector<12x128xf32>
    %div3A_300 = arith.divf %div3A_299, %add3A_297 : vector<12x128xf32>
    %mul3A_301 = arith.constant 2.000000e+00 : f32
    %mul3A_302 = vector.broadcast %mul3A_301 : f32 to vector<12x128xf32>
    %mul3A_303 = arith.mulf %div3A_300, %mul3A_302 : vector<12x128xf32>
    %sub3A_304 = arith.constant 5.000000e-01 : f32
    %sub3A_305 = vector.broadcast %sub3A_304 : f32 to vector<12x128xf32>
    %sub3A_306 = arith.subf %mul3A_303, %sub3A_305 : vector<12x128xf32>
    %neg3A_307 = arith.constant 0.000000e+00 : f32
    %neg3A_308 = vector.broadcast %neg3A_307 : f32 to vector<12x128xf32>
    %neg3A_309 = arith.subf %neg3A_308, %reduce_sum3A_274 : vector<12x128xf32>
    %exp3A_310 = math.exp %neg3A_309 : vector<12x128xf32>
    %add3A_311 = arith.constant 1.000000e+00 : f32
    %add3A_312 = vector.broadcast %add3A_311 : f32 to vector<12x128xf32>
    %add3A_313 = arith.addf %add3A_312, %exp3A_310 : vector<12x128xf32>
    %div3A_314 = arith.constant 1.000000e+00 : f32
    %div3A_315 = vector.broadcast %div3A_314 : f32 to vector<12x128xf32>
    %div3A_316 = arith.divf %div3A_315, %add3A_313 : vector<12x128xf32>
    %mul3A_317 = arith.constant 2.000000e+00 : f32
    %mul3A_318 = vector.broadcast %mul3A_317 : f32 to vector<12x128xf32>
    %mul3A_319 = arith.mulf %div3A_316, %mul3A_318 : vector<12x128xf32>
    %neg3A_320 = arith.constant 0.000000e+00 : f32
    %neg3A_321 = vector.broadcast %neg3A_320 : f32 to vector<12x128xf32>
    %neg3A_322 = arith.subf %neg3A_321, %reduce_sum3A_277 : vector<12x128xf32>
    %exp3A_323 = math.exp %neg3A_322 : vector<12x128xf32>
    %add3A_324 = arith.constant 1.000000e+00 : f32
    %add3A_325 = vector.broadcast %add3A_324 : f32 to vector<12x128xf32>
    %add3A_326 = arith.addf %add3A_325, %exp3A_323 : vector<12x128xf32>
    %div3A_327 = arith.constant 1.000000e+00 : f32
    %div3A_328 = vector.broadcast %div3A_327 : f32 to vector<12x128xf32>
    %div3A_329 = arith.divf %div3A_328, %add3A_326 : vector<12x128xf32>
    %mul3A_330 = arith.constant 2.000000e+00 : f32
    %mul3A_331 = vector.broadcast %mul3A_330 : f32 to vector<12x128xf32>
    %mul3A_332 = arith.mulf %div3A_329, %mul3A_331 : vector<12x128xf32>
    %mul3A_333 = arith.mulf %mul3A_319, %mul3A_319 : vector<12x128xf32>
    %mul3A_334 = arith.mulf %mul3A_333, %select_n3A_59 : vector<12x128xf32>
    %mul3A_335 = arith.mulf %mul3A_332, %mul3A_332 : vector<12x128xf32>
    %mul3A_336 = arith.mulf %mul3A_335, %select_n3A_73 : vector<12x128xf32>
    %mul3A_337 = arith.constant 5.000000e-01 : f32
    %mul3A_338 = vector.broadcast %mul3A_337 : f32 to vector<12x128xf32>
    %mul3A_339 = arith.mulf %mul3A_334, %mul3A_338 : vector<12x128xf32>
    %sub3A_340 = arith.subf %sub3A_290, %mul3A_339 : vector<12x128xf32>
    %mul3A_341 = arith.constant 5.000000e-01 : f32
    %mul3A_342 = vector.broadcast %mul3A_341 : f32 to vector<12x128xf32>
    %mul3A_343 = arith.mulf %mul3A_334, %mul3A_342 : vector<12x128xf32>
    %add3A_344 = arith.addf %sub3A_290, %mul3A_343 : vector<12x128xf32>
    %mul3A_345 = arith.constant 5.000000e-01 : f32
    %mul3A_346 = vector.broadcast %mul3A_345 : f32 to vector<12x128xf32>
    %mul3A_347 = arith.mulf %mul3A_336, %mul3A_346 : vector<12x128xf32>
    %sub3A_348 = arith.subf %sub3A_306, %mul3A_347 : vector<12x128xf32>
    %mul3A_349 = arith.constant 5.000000e-01 : f32
    %mul3A_350 = vector.broadcast %mul3A_349 : f32 to vector<12x128xf32>
    %mul3A_351 = arith.mulf %mul3A_336, %mul3A_350 : vector<12x128xf32>
    %add3A_352 = arith.addf %sub3A_306, %mul3A_351 : vector<12x128xf32>
    %mul3A_353 = arith.constant 5.000000e-01 : f32
    %mul3A_354 = vector.broadcast %mul3A_353 : f32 to vector<12x128xf32>
    %mul3A_355 = arith.mulf %mul3A_46, %mul3A_354 : vector<12x128xf32>
    %sub3A_356 = arith.subf %sub3A_258, %mul3A_355 : vector<12x128xf32>
    %mul3A_357 = arith.constant 5.000000e-01 : f32
    %mul3A_358 = vector.broadcast %mul3A_357 : f32 to vector<12x128xf32>
    %mul3A_359 = arith.mulf %mul3A_46, %mul3A_358 : vector<12x128xf32>
    %add3A_360 = arith.addf %sub3A_258, %mul3A_359 : vector<12x128xf32>
    %mul3A_361 = arith.constant 5.000000e-01 : f32
    %mul3A_362 = vector.broadcast %mul3A_361 : f32 to vector<12x128xf32>
    %mul3A_363 = arith.mulf %mul3A_49, %mul3A_362 : vector<12x128xf32>
    %sub3A_364 = arith.subf %sub3A_260, %mul3A_363 : vector<12x128xf32>
    %mul3A_365 = arith.constant 5.000000e-01 : f32
    %mul3A_366 = vector.broadcast %mul3A_365 : f32 to vector<12x128xf32>
    %mul3A_367 = arith.mulf %mul3A_49, %mul3A_366 : vector<12x128xf32>
    %add3A_368 = arith.addf %sub3A_260, %mul3A_367 : vector<12x128xf32>
    %min3A = arith.minimumf %add3A_344, %add3A_360 : vector<12x128xf32>
    %max3A_369 = arith.maximumf %sub3A_340, %sub3A_356 : vector<12x128xf32>
    %sub3A_370 = arith.subf %min3A, %max3A_369 : vector<12x128xf32>
    %jit3A_371 = arith.constant 0.000000e+00 : f32
    %max3A_372 = vector.broadcast %jit3A_371 : f32 to vector<12x128xf32>
    %max3A_373 = arith.maximumf %max3A_372, %sub3A_370 : vector<12x128xf32>
    %min3A_374 = arith.minimumf %add3A_352, %add3A_368 : vector<12x128xf32>
    %max3A_375 = arith.maximumf %sub3A_348, %sub3A_364 : vector<12x128xf32>
    %sub3A_376 = arith.subf %min3A_374, %max3A_375 : vector<12x128xf32>
    %jit3A_377 = arith.constant 0.000000e+00 : f32
    %max3A_378 = vector.broadcast %jit3A_377 : f32 to vector<12x128xf32>
    %max3A_379 = arith.maximumf %max3A_378, %sub3A_376 : vector<12x128xf32>
    %mul3A_380 = arith.mulf %max3A_373, %max3A_379 : vector<12x128xf32>
    %mul3A_381 = arith.mulf %mul3A_334, %mul3A_336 : vector<12x128xf32>
    %mul3A_382 = arith.mulf %mul3A_46, %mul3A_49 : vector<12x128xf32>
    %add3A_383 = arith.addf %mul3A_381, %mul3A_382 : vector<12x128xf32>
    %sub3A_384 = arith.subf %add3A_383, %mul3A_380 : vector<12x128xf32>
    %add3A_385 = arith.constant 1.000000e-07 : f32
    %add3A_386 = vector.broadcast %add3A_385 : f32 to vector<12x128xf32>
    %add3A_387 = arith.addf %sub3A_384, %add3A_386 : vector<12x128xf32>
    %div3A_388 = arith.divf %mul3A_380, %add3A_387 : vector<12x128xf32>
    %max3A_389 = arith.maximumf %add3A_344, %add3A_360 : vector<12x128xf32>
    %min3A_390 = arith.minimumf %sub3A_340, %sub3A_356 : vector<12x128xf32>
    %sub3A_391 = arith.subf %max3A_389, %min3A_390 : vector<12x128xf32>
    %max3A_392 = arith.maximumf %add3A_352, %add3A_368 : vector<12x128xf32>
    %min3A_393 = arith.minimumf %sub3A_348, %sub3A_364 : vector<12x128xf32>
    %sub3A_394 = arith.subf %max3A_392, %min3A_393 : vector<12x128xf32>
    %mul3A_395 = arith.mulf %sub3A_391, %sub3A_391 : vector<12x128xf32>
    %mul3A_396 = arith.mulf %sub3A_394, %sub3A_394 : vector<12x128xf32>
    %add3A_397 = arith.addf %mul3A_395, %mul3A_396 : vector<12x128xf32>
    %add3A_398 = arith.constant 1.000000e-07 : f32
    %add3A_399 = vector.broadcast %add3A_398 : f32 to vector<12x128xf32>
    %add3A_400 = arith.addf %add3A_397, %add3A_399 : vector<12x128xf32>
    %add3A_401 = arith.addf %sub3A_356, %add3A_360 : vector<12x128xf32>
    %sub3A_402 = arith.subf %add3A_401, %sub3A_340 : vector<12x128xf32>
    %sub3A_403 = arith.subf %sub3A_402, %add3A_344 : vector<12x128xf32>
    %integer_pow3A = arith.mulf %sub3A_403, %sub3A_403 : vector<12x128xf32>
    %add3A_404 = arith.addf %sub3A_364, %add3A_368 : vector<12x128xf32>
    %sub3A_405 = arith.subf %add3A_404, %sub3A_348 : vector<12x128xf32>
    %sub3A_406 = arith.subf %sub3A_405, %add3A_352 : vector<12x128xf32>
    %integer_pow3A_407 = arith.mulf %sub3A_406, %sub3A_406 : vector<12x128xf32>
    %add3A_408 = arith.addf %integer_pow3A, %integer_pow3A_407 : vector<12x128xf32>
    %mul3A_409 = arith.constant 2.500000e-01 : f32
    %mul3A_410 = vector.broadcast %mul3A_409 : f32 to vector<12x128xf32>
    %mul3A_411 = arith.mulf %add3A_408, %mul3A_410 : vector<12x128xf32>
    %add3A_412 = arith.constant 1.000000e-07 : f32
    %add3A_413 = vector.broadcast %add3A_412 : f32 to vector<12x128xf32>
    %add3A_414 = arith.addf %mul3A_49, %add3A_413 : vector<12x128xf32>
    %div3A_415 = arith.divf %mul3A_46, %add3A_414 : vector<12x128xf32>
    %div3A_416 = arith.constant 1.000000e+00 : f32
    %div3A_417 = vector.broadcast %div3A_416 : f32 to vector<12x128xf32>
    %div3A_418 = arith.divf %div3A_417, %div3A_415 : vector<12x128xf32>
    %min3A_419 = arith.minimumf %div3A_415, %div3A_418 : vector<12x128xf32>
    %mul3A_420 = arith.mulf %min3A_419, %min3A_419 : vector<12x128xf32>
    %broadcast_in_dim3A_421 = arith.constant 0.00116812636 : f32
    %broadcast_in_dim3A_422 = vector.broadcast %broadcast_in_dim3A_421 : f32 to vector<12x128xf32>
    %mul3A_423 = arith.mulf %broadcast_in_dim3A_422, %mul3A_420 : vector<12x128xf32>
    %add3A_424 = arith.constant -0.00756849907 : f32
    %add3A_425 = vector.broadcast %add3A_424 : f32 to vector<12x128xf32>
    %add3A_426 = arith.addf %mul3A_423, %add3A_425 : vector<12x128xf32>
    %mul3A_427 = arith.mulf %add3A_426, %mul3A_420 : vector<12x128xf32>
    %add3A_428 = arith.constant 0.023024166 : f32
    %add3A_429 = vector.broadcast %add3A_428 : f32 to vector<12x128xf32>
    %add3A_430 = arith.addf %mul3A_427, %add3A_429 : vector<12x128xf32>
    %mul3A_431 = arith.mulf %add3A_430, %mul3A_420 : vector<12x128xf32>
    %add3A_432 = arith.constant -0.0451981686 : f32
    %add3A_433 = vector.broadcast %add3A_432 : f32 to vector<12x128xf32>
    %add3A_434 = arith.addf %mul3A_431, %add3A_433 : vector<12x128xf32>
    %mul3A_435 = arith.mulf %add3A_434, %mul3A_420 : vector<12x128xf32>
    %add3A_436 = arith.constant 0.0677286536 : f32
    %add3A_437 = vector.broadcast %add3A_436 : f32 to vector<12x128xf32>
    %add3A_438 = arith.addf %mul3A_435, %add3A_437 : vector<12x128xf32>
    %mul3A_439 = arith.mulf %add3A_438, %mul3A_420 : vector<12x128xf32>
    %add3A_440 = arith.constant -0.0882239267 : f32
    %add3A_441 = vector.broadcast %add3A_440 : f32 to vector<12x128xf32>
    %add3A_442 = arith.addf %mul3A_439, %add3A_441 : vector<12x128xf32>
    %mul3A_443 = arith.mulf %add3A_442, %mul3A_420 : vector<12x128xf32>
    %add3A_444 = arith.constant 0.110604577 : f32
    %add3A_445 = vector.broadcast %add3A_444 : f32 to vector<12x128xf32>
    %add3A_446 = arith.addf %mul3A_443, %add3A_445 : vector<12x128xf32>
    %mul3A_447 = arith.mulf %add3A_446, %mul3A_420 : vector<12x128xf32>
    %add3A_448 = arith.constant -0.142800182 : f32
    %add3A_449 = vector.broadcast %add3A_448 : f32 to vector<12x128xf32>
    %add3A_450 = arith.addf %mul3A_447, %add3A_449 : vector<12x128xf32>
    %mul3A_451 = arith.mulf %add3A_450, %mul3A_420 : vector<12x128xf32>
    %add3A_452 = arith.constant 0.199996665 : f32
    %add3A_453 = vector.broadcast %add3A_452 : f32 to vector<12x128xf32>
    %add3A_454 = arith.addf %mul3A_451, %add3A_453 : vector<12x128xf32>
    %mul3A_455 = arith.mulf %add3A_454, %mul3A_420 : vector<12x128xf32>
    %add3A_456 = arith.constant -0.333333254 : f32
    %add3A_457 = vector.broadcast %add3A_456 : f32 to vector<12x128xf32>
    %add3A_458 = arith.addf %mul3A_455, %add3A_457 : vector<12x128xf32>
    %mul3A_459 = arith.mulf %add3A_458, %mul3A_420 : vector<12x128xf32>
    %add3A_460 = arith.constant 1.000000e+00 : f32
    %add3A_461 = vector.broadcast %add3A_460 : f32 to vector<12x128xf32>
    %add3A_462 = arith.addf %mul3A_459, %add3A_461 : vector<12x128xf32>
    %mul3A_463 = arith.mulf %min3A_419, %add3A_462 : vector<12x128xf32>
    %gt3A_464 = arith.constant 1.000000e+00 : f32
    %gt3A_465 = vector.broadcast %gt3A_464 : f32 to vector<12x128xf32>
    %gt3A_466 = arith.cmpf ogt, %div3A_415, %gt3A_465 : vector<12x128xf32>
    %sub3A_467 = arith.constant 1.57079637 : f32
    %sub3A_468 = vector.broadcast %sub3A_467 : f32 to vector<12x128xf32>
    %sub3A_469 = arith.subf %sub3A_468, %mul3A_463 : vector<12x128xf32>
    %select_n3A_470 = arith.select %gt3A_466, %sub3A_469, %mul3A_463 : vector<12x128xi1>, vector<12x128xf32>
    %add3A_471 = arith.constant 1.000000e-07 : f32
    %add3A_472 = vector.broadcast %add3A_471 : f32 to vector<12x128xf32>
    %add3A_473 = arith.addf %mul3A_336, %add3A_472 : vector<12x128xf32>
    %div3A_474 = arith.divf %mul3A_334, %add3A_473 : vector<12x128xf32>
    %div3A_475 = arith.constant 1.000000e+00 : f32
    %div3A_476 = vector.broadcast %div3A_475 : f32 to vector<12x128xf32>
    %div3A_477 = arith.divf %div3A_476, %div3A_474 : vector<12x128xf32>
    %min3A_478 = arith.minimumf %div3A_474, %div3A_477 : vector<12x128xf32>
    %mul3A_479 = arith.mulf %min3A_478, %min3A_478 : vector<12x128xf32>
    %broadcast_in_dim3A_480 = arith.constant 0.00116812636 : f32
    %broadcast_in_dim3A_481 = vector.broadcast %broadcast_in_dim3A_480 : f32 to vector<12x128xf32>
    %mul3A_482 = arith.mulf %broadcast_in_dim3A_481, %mul3A_479 : vector<12x128xf32>
    %add3A_483 = arith.constant -0.00756849907 : f32
    %add3A_484 = vector.broadcast %add3A_483 : f32 to vector<12x128xf32>
    %add3A_485 = arith.addf %mul3A_482, %add3A_484 : vector<12x128xf32>
    %mul3A_486 = arith.mulf %add3A_485, %mul3A_479 : vector<12x128xf32>
    %add3A_487 = arith.constant 0.023024166 : f32
    %add3A_488 = vector.broadcast %add3A_487 : f32 to vector<12x128xf32>
    %add3A_489 = arith.addf %mul3A_486, %add3A_488 : vector<12x128xf32>
    %mul3A_490 = arith.mulf %add3A_489, %mul3A_479 : vector<12x128xf32>
    %add3A_491 = arith.constant -0.0451981686 : f32
    %add3A_492 = vector.broadcast %add3A_491 : f32 to vector<12x128xf32>
    %add3A_493 = arith.addf %mul3A_490, %add3A_492 : vector<12x128xf32>
    %mul3A_494 = arith.mulf %add3A_493, %mul3A_479 : vector<12x128xf32>
    %add3A_495 = arith.constant 0.0677286536 : f32
    %add3A_496 = vector.broadcast %add3A_495 : f32 to vector<12x128xf32>
    %add3A_497 = arith.addf %mul3A_494, %add3A_496 : vector<12x128xf32>
    %mul3A_498 = arith.mulf %add3A_497, %mul3A_479 : vector<12x128xf32>
    %add3A_499 = arith.constant -0.0882239267 : f32
    %add3A_500 = vector.broadcast %add3A_499 : f32 to vector<12x128xf32>
    %add3A_501 = arith.addf %mul3A_498, %add3A_500 : vector<12x128xf32>
    %mul3A_502 = arith.mulf %add3A_501, %mul3A_479 : vector<12x128xf32>
    %add3A_503 = arith.constant 0.110604577 : f32
    %add3A_504 = vector.broadcast %add3A_503 : f32 to vector<12x128xf32>
    %add3A_505 = arith.addf %mul3A_502, %add3A_504 : vector<12x128xf32>
    %mul3A_506 = arith.mulf %add3A_505, %mul3A_479 : vector<12x128xf32>
    %add3A_507 = arith.constant -0.142800182 : f32
    %add3A_508 = vector.broadcast %add3A_507 : f32 to vector<12x128xf32>
    %add3A_509 = arith.addf %mul3A_506, %add3A_508 : vector<12x128xf32>
    %mul3A_510 = arith.mulf %add3A_509, %mul3A_479 : vector<12x128xf32>
    %add3A_511 = arith.constant 0.199996665 : f32
    %add3A_512 = vector.broadcast %add3A_511 : f32 to vector<12x128xf32>
    %add3A_513 = arith.addf %mul3A_510, %add3A_512 : vector<12x128xf32>
    %mul3A_514 = arith.mulf %add3A_513, %mul3A_479 : vector<12x128xf32>
    %add3A_515 = arith.constant -0.333333254 : f32
    %add3A_516 = vector.broadcast %add3A_515 : f32 to vector<12x128xf32>
    %add3A_517 = arith.addf %mul3A_514, %add3A_516 : vector<12x128xf32>
    %mul3A_518 = arith.mulf %add3A_517, %mul3A_479 : vector<12x128xf32>
    %add3A_519 = arith.constant 1.000000e+00 : f32
    %add3A_520 = vector.broadcast %add3A_519 : f32 to vector<12x128xf32>
    %add3A_521 = arith.addf %mul3A_518, %add3A_520 : vector<12x128xf32>
    %mul3A_522 = arith.mulf %min3A_478, %add3A_521 : vector<12x128xf32>
    %gt3A_523 = arith.constant 1.000000e+00 : f32
    %gt3A_524 = vector.broadcast %gt3A_523 : f32 to vector<12x128xf32>
    %gt3A_525 = arith.cmpf ogt, %div3A_474, %gt3A_524 : vector<12x128xf32>
    %sub3A_526 = arith.constant 1.57079637 : f32
    %sub3A_527 = vector.broadcast %sub3A_526 : f32 to vector<12x128xf32>
    %sub3A_528 = arith.subf %sub3A_527, %mul3A_522 : vector<12x128xf32>
    %select_n3A_529 = arith.select %gt3A_525, %sub3A_528, %mul3A_522 : vector<12x128xi1>, vector<12x128xf32>
    %sub3A_530 = arith.subf %select_n3A_470, %select_n3A_529 : vector<12x128xf32>
    %mul3A_531 = arith.constant 0.405284733 : f32
    %mul3A_532 = vector.broadcast %mul3A_531 : f32 to vector<12x128xf32>
    %mul3A_533 = arith.mulf %mul3A_532, %sub3A_530 : vector<12x128xf32>
    %mul3A_534 = arith.mulf %mul3A_533, %sub3A_530 : vector<12x128xf32>
    %sub3A_535 = arith.subf %mul3A_534, %div3A_388 : vector<12x128xf32>
    %add3A_536 = arith.constant 1.00000012 : f32
    %add3A_537 = vector.broadcast %add3A_536 : f32 to vector<12x128xf32>
    %add3A_538 = arith.addf %sub3A_535, %add3A_537 : vector<12x128xf32>
    %div3A_539 = arith.divf %mul3A_534, %add3A_538 : vector<12x128xf32>
    %div3A_540 = arith.divf %mul3A_411, %add3A_400 : vector<12x128xf32>
    %mul3A_541 = arith.mulf %mul3A_534, %div3A_539 : vector<12x128xf32>
    %add3A_542 = arith.addf %div3A_540, %mul3A_541 : vector<12x128xf32>
    %sub3A_543 = arith.subf %div3A_388, %add3A_542 : vector<12x128xf32>
    %sub3A_544 = arith.constant 1.000000e+00 : f32
    %sub3A_545 = vector.broadcast %sub3A_544 : f32 to vector<12x128xf32>
    %sub3A_546 = arith.subf %sub3A_545, %sub3A_543 : vector<12x128xf32>
    %mul3A_547 = arith.mulf %mul3A_256, %sub3A_546 : vector<12x128xf32>
    %reduce_sum3A_548 = vector.shape_cast %mul3A_547 : vector<12x128xf32> to vector<1x12x128xf32>
    %reduce_sum3A_549 = arith.constant dense<0.000000e+00> : vector<1xf32>
    %reduce_sum3A_550 = vector.multi_reduction <add>, %reduce_sum3A_548, %reduce_sum3A_549 [1, 2] : vector<1x12x128xf32> to vector<1xf32>
    %reduce_sum3A_551 = vector.shape_cast %reduce_sum3A_550 : vector<1xf32> to vector<1x1x1xf32>
    %reduce_sum3A_552 = vector.extract %reduce_sum3A_551[0, 0, 0] : f32 from vector<1x1x1xf32>
    %neg3A_553 = arith.constant 0.000000e+00 : f32
    %neg3A_554 = vector.broadcast %neg3A_553 : f32 to vector<12x128xf32>
    %neg3A_555 = arith.subf %neg3A_554, %reduce_sum3A_265 : vector<12x128xf32>
    %exp3A_556 = math.exp %neg3A_555 : vector<12x128xf32>
    %add3A_557 = arith.constant 1.000000e+00 : f32
    %add3A_558 = vector.broadcast %add3A_557 : f32 to vector<12x128xf32>
    %add3A_559 = arith.addf %add3A_558, %exp3A_556 : vector<12x128xf32>
    %div3A_560 = arith.constant 1.000000e+00 : f32
    %div3A_561 = vector.broadcast %div3A_560 : f32 to vector<12x128xf32>
    %div3A_562 = arith.divf %div3A_561, %add3A_559 : vector<12x128xf32>
    %jit3A_563 = arith.constant 0.000000e+00 : f32
    %max3A_564 = vector.broadcast %jit3A_563 : f32 to vector<12x128xf32>
    %max3A_565 = arith.maximumf %max3A_564, %sub3A_543 : vector<12x128xf32>
    %add3A_566 = arith.constant -0.100000024 : f32
    %add3A_567 = vector.broadcast %add3A_566 : f32 to vector<12x128xf32>
    %add3A_568 = arith.addf %add3A_567, %max3A_565 : vector<12x128xf32>
    %neg3A_569 = arith.constant 0.000000e+00 : f32
    %neg3A_570 = vector.broadcast %neg3A_569 : f32 to vector<12x128xf32>
    %neg3A_571 = arith.subf %neg3A_570, %div3A_562 : vector<12x128xf32>
    %exp3A_572 = math.exp %neg3A_571 : vector<12x128xf32>
    %add3A_573 = arith.constant 1.000000e+00 : f32
    %add3A_574 = vector.broadcast %add3A_573 : f32 to vector<12x128xf32>
    %add3A_575 = arith.addf %add3A_574, %exp3A_572 : vector<12x128xf32>
    %div3A_576 = arith.constant 1.000000e+00 : f32
    %div3A_577 = vector.broadcast %div3A_576 : f32 to vector<12x128xf32>
    %div3A_578 = arith.divf %div3A_577, %add3A_575 : vector<12x128xf32>
    %mul3A_579 = arith.mulf %add3A_568, %div3A_578 : vector<12x128xf32>
    %sub3A_580 = arith.constant 1.000000e+00 : f32
    %sub3A_581 = vector.broadcast %sub3A_580 : f32 to vector<12x128xf32>
    %sub3A_582 = arith.subf %sub3A_581, %add3A_568 : vector<12x128xf32>
    %sub3A_583 = arith.constant 1.000000e+00 : f32
    %sub3A_584 = vector.broadcast %sub3A_583 : f32 to vector<12x128xf32>
    %sub3A_585 = arith.subf %sub3A_584, %div3A_578 : vector<12x128xf32>
    %mul3A_586 = arith.mulf %sub3A_582, %sub3A_585 : vector<12x128xf32>
    %add3A_587 = arith.addf %mul3A_579, %mul3A_586 : vector<12x128xf32>
    %mul3A_588 = arith.constant 2.500000e-01 : f32
    %mul3A_589 = vector.broadcast %mul3A_588 : f32 to vector<12x128xf32>
    %mul3A_590 = arith.mulf %mul3A_589, %add3A_568 : vector<12x128xf32>
    %sub3A_591 = arith.constant 1.000000e+00 : f32
    %sub3A_592 = vector.broadcast %sub3A_591 : f32 to vector<12x128xf32>
    %sub3A_593 = arith.subf %sub3A_592, %add3A_568 : vector<12x128xf32>
    %mul3A_594 = arith.constant 7.500000e-01 : f32
    %mul3A_595 = vector.broadcast %mul3A_594 : f32 to vector<12x128xf32>
    %mul3A_596 = arith.mulf %mul3A_595, %sub3A_593 : vector<12x128xf32>
    %add3A_597 = arith.addf %mul3A_590, %mul3A_596 : vector<12x128xf32>
    %sub3A_598 = arith.constant 1.000000e+00 : f32
    %sub3A_599 = vector.broadcast %sub3A_598 : f32 to vector<12x128xf32>
    %sub3A_600 = arith.subf %sub3A_599, %add3A_587 : vector<12x128xf32>
    %mul3A_601 = arith.mulf %add3A_597, %sub3A_600 : vector<12x128xf32>
    %mul3A_602 = arith.mulf %mul3A_601, %sub3A_600 : vector<12x128xf32>
    %mul3A_603 = arith.mulf %div3A_562, %add3A_568 : vector<12x128xf32>
    %sub3A_604 = arith.subf %div3A_562, %mul3A_603 : vector<12x128xf32>
    %neg3A_605 = arith.constant 0.000000e+00 : f32
    %neg3A_606 = vector.broadcast %neg3A_605 : f32 to vector<12x128xf32>
    %neg3A_607 = arith.subf %neg3A_606, %div3A_562 : vector<12x128xf32>
    %exp3A_608 = math.exp %neg3A_607 : vector<12x128xf32>
    %log1p3A = math.log1p %exp3A_608 : vector<12x128xf32>
    %add3A_609 = arith.addf %sub3A_604, %log1p3A : vector<12x128xf32>
    %mul3A_610 = arith.mulf %mul3A_602, %add3A_609 : vector<12x128xf32>
    %neg3A_611 = arith.constant 0.000000e+00 : f32
    %neg3A_612 = vector.broadcast %neg3A_611 : f32 to vector<12x128xf32>
    %neg3A_613 = arith.subf %neg3A_612, %div3A_562 : vector<12x128xf32>
    %exp3A_614 = math.exp %neg3A_613 : vector<12x128xf32>
    %add3A_615 = arith.constant 1.000000e+00 : f32
    %add3A_616 = vector.broadcast %add3A_615 : f32 to vector<12x128xf32>
    %add3A_617 = arith.addf %add3A_616, %exp3A_614 : vector<12x128xf32>
    %div3A_618 = arith.constant 1.000000e+00 : f32
    %div3A_619 = vector.broadcast %div3A_618 : f32 to vector<12x128xf32>
    %div3A_620 = arith.divf %div3A_619, %add3A_617 : vector<12x128xf32>
    %mul3A_621 = arith.constant 1.000000e-01 : f32
    %mul3A_622 = vector.broadcast %mul3A_621 : f32 to vector<12x128xf32>
    %mul3A_623 = arith.mulf %mul3A_622, %div3A_620 : vector<12x128xf32>
    %sub3A_624 = arith.constant 1.000000e+00 : f32
    %sub3A_625 = vector.broadcast %sub3A_624 : f32 to vector<12x128xf32>
    %sub3A_626 = arith.subf %sub3A_625, %div3A_620 : vector<12x128xf32>
    %mul3A_627 = arith.constant 0.899999976 : f32
    %mul3A_628 = vector.broadcast %mul3A_627 : f32 to vector<12x128xf32>
    %mul3A_629 = arith.mulf %mul3A_628, %sub3A_626 : vector<12x128xf32>
    %add3A_630 = arith.addf %mul3A_623, %mul3A_629 : vector<12x128xf32>
    %sub3A_631 = arith.constant 1.000000e+00 : f32
    %sub3A_632 = vector.broadcast %sub3A_631 : f32 to vector<12x128xf32>
    %sub3A_633 = arith.subf %sub3A_632, %add3A_630 : vector<12x128xf32>
    %mul3A_634 = arith.constant 0.699999928 : f32
    %mul3A_635 = vector.broadcast %mul3A_634 : f32 to vector<12x128xf32>
    %mul3A_636 = arith.mulf %mul3A_635, %sub3A_633 : vector<12x128xf32>
    %mul3A_637 = arith.mulf %mul3A_636, %sub3A_633 : vector<12x128xf32>
    %mul3A_638 = arith.constant 1.000000e-01 : f32
    %mul3A_639 = vector.broadcast %mul3A_638 : f32 to vector<12x128xf32>
    %mul3A_640 = arith.mulf %div3A_562, %mul3A_639 : vector<12x128xf32>
    %sub3A_641 = arith.subf %div3A_562, %mul3A_640 : vector<12x128xf32>
    %neg3A_642 = arith.constant 0.000000e+00 : f32
    %neg3A_643 = vector.broadcast %neg3A_642 : f32 to vector<12x128xf32>
    %neg3A_644 = arith.subf %neg3A_643, %div3A_562 : vector<12x128xf32>
    %exp3A_645 = math.exp %neg3A_644 : vector<12x128xf32>
    %log1p3A_646 = math.log1p %exp3A_645 : vector<12x128xf32>
    %add3A_647 = arith.addf %sub3A_641, %log1p3A_646 : vector<12x128xf32>
    %mul3A_648 = arith.mulf %mul3A_637, %add3A_647 : vector<12x128xf32>
    %sub3A_649 = arith.subf %mul3A_610, %mul3A_648 : vector<12x128xf32>
    %mul3A_650 = arith.mulf %mul3A_256, %sub3A_649 : vector<12x128xf32>
    %reduce_sum3A_651 = vector.shape_cast %mul3A_650 : vector<12x128xf32> to vector<1x12x128xf32>
    %reduce_sum3A_652 = arith.constant dense<0.000000e+00> : vector<1xf32>
    %reduce_sum3A_653 = vector.multi_reduction <add>, %reduce_sum3A_651, %reduce_sum3A_652 [1, 2] : vector<1x12x128xf32> to vector<1xf32>
    %reduce_sum3A_654 = vector.shape_cast %reduce_sum3A_653 : vector<1xf32> to vector<1x1x1xf32>
    %reduce_sum3A_655 = vector.extract %reduce_sum3A_654[0, 0, 0] : f32 from vector<1x1x1xf32>
    %slice3A_656 = vector.extract_strided_slice %get3A_264 {offsets = [0, 0, 5], sizes = [12, 128, 80], strides = [1, 1, 1]} : vector<12x128x85xf32> to vector<12x128x80xf32>
    %neg3A_657 = arith.constant 0.000000e+00 : f32
    %neg3A_658 = vector.broadcast %neg3A_657 : f32 to vector<12x128x80xf32>
    %neg3A_659 = arith.subf %neg3A_658, %slice3A_656 : vector<12x128x80xf32>
    %exp3A_660 = math.exp %neg3A_659 : vector<12x128x80xf32>
    %add3A_661 = arith.constant 1.000000e+00 : f32
    %add3A_662 = vector.broadcast %add3A_661 : f32 to vector<12x128x80xf32>
    %add3A_663 = arith.addf %add3A_662, %exp3A_660 : vector<12x128x80xf32>
    %div3A_664 = arith.constant 1.000000e+00 : f32
    %div3A_665 = vector.broadcast %div3A_664 : f32 to vector<12x128x80xf32>
    %div3A_666 = arith.divf %div3A_665, %add3A_663 : vector<12x128x80xf32>
    %neg3A_667 = arith.constant 0.000000e+00 : f32
    %neg3A_668 = vector.broadcast %neg3A_667 : f32 to vector<12x128x80xf32>
    %neg3A_669 = arith.subf %neg3A_668, %div3A_666 : vector<12x128x80xf32>
    %exp3A_670 = math.exp %neg3A_669 : vector<12x128x80xf32>
    %add3A_671 = arith.constant 1.000000e+00 : f32
    %add3A_672 = vector.broadcast %add3A_671 : f32 to vector<12x128x80xf32>
    %add3A_673 = arith.addf %add3A_672, %exp3A_670 : vector<12x128x80xf32>
    %div3A_674 = arith.constant 1.000000e+00 : f32
    %div3A_675 = vector.broadcast %div3A_674 : f32 to vector<12x128x80xf32>
    %div3A_676 = arith.divf %div3A_675, %add3A_673 : vector<12x128x80xf32>
    %sub3A_677 = arith.constant 1.000000e-01 : f32
    %sub3A_678 = vector.broadcast %sub3A_677 : f32 to vector<12x128x80xf32>
    %sub3A_679 = arith.subf %sub3A_678, %div3A_676 : vector<12x128x80xf32>
    %max3A_680 = arith.constant 0.000000e+00 : f32
    %max3A_681 = vector.broadcast %max3A_680 : f32 to vector<12x128x80xf32>
    %max3A_682 = arith.maximumf %div3A_666, %max3A_681 : vector<12x128x80xf32>
    %mul3A_683 = arith.constant 1.000000e-01 : f32
    %mul3A_684 = vector.broadcast %mul3A_683 : f32 to vector<12x128x80xf32>
    %mul3A_685 = arith.mulf %div3A_666, %mul3A_684 : vector<12x128x80xf32>
    %sub3A_686 = arith.subf %max3A_682, %mul3A_685 : vector<12x128x80xf32>
    %abs3A = math.absf %div3A_666 : vector<12x128x80xf32>
    %neg3A_687 = arith.constant 0.000000e+00 : f32
    %neg3A_688 = vector.broadcast %neg3A_687 : f32 to vector<12x128x80xf32>
    %neg3A_689 = arith.subf %neg3A_688, %abs3A : vector<12x128x80xf32>
    %exp3A_690 = math.exp %neg3A_689 : vector<12x128x80xf32>
    %log1p3A_691 = math.log1p %exp3A_690 : vector<12x128x80xf32>
    %add3A_692 = arith.addf %sub3A_686, %log1p3A_691 : vector<12x128x80xf32>
    %mul3A_693 = arith.constant 7.500000e-01 : f32
    %mul3A_694 = vector.broadcast %mul3A_693 : f32 to vector<12x128x80xf32>
    %mul3A_695 = arith.mulf %mul3A_694, %sub3A_679 : vector<12x128x80xf32>
    %mul3A_696 = arith.mulf %mul3A_695, %sub3A_679 : vector<12x128x80xf32>
    %mul3A_697 = arith.mulf %mul3A_696, %add3A_692 : vector<12x128x80xf32>
    %sub3A_698 = arith.constant 0.899999976 : f32
    %sub3A_699 = vector.broadcast %sub3A_698 : f32 to vector<12x128x80xf32>
    %sub3A_700 = arith.subf %sub3A_699, %div3A_676 : vector<12x128x80xf32>
    %max3A_701 = arith.constant 0.000000e+00 : f32
    %max3A_702 = vector.broadcast %max3A_701 : f32 to vector<12x128x80xf32>
    %max3A_703 = arith.maximumf %div3A_666, %max3A_702 : vector<12x128x80xf32>
    %mul3A_704 = arith.constant 0.899999976 : f32
    %mul3A_705 = vector.broadcast %mul3A_704 : f32 to vector<12x128x80xf32>
    %mul3A_706 = arith.mulf %div3A_666, %mul3A_705 : vector<12x128x80xf32>
    %sub3A_707 = arith.subf %max3A_703, %mul3A_706 : vector<12x128x80xf32>
    %abs3A_708 = math.absf %div3A_666 : vector<12x128x80xf32>
    %neg3A_709 = arith.constant 0.000000e+00 : f32
    %neg3A_710 = vector.broadcast %neg3A_709 : f32 to vector<12x128x80xf32>
    %neg3A_711 = arith.subf %neg3A_710, %abs3A_708 : vector<12x128x80xf32>
    %exp3A_712 = math.exp %neg3A_711 : vector<12x128x80xf32>
    %log1p3A_713 = math.log1p %exp3A_712 : vector<12x128x80xf32>
    %add3A_714 = arith.addf %sub3A_707, %log1p3A_713 : vector<12x128x80xf32>
    %mul3A_715 = arith.constant 2.500000e-01 : f32
    %mul3A_716 = vector.broadcast %mul3A_715 : f32 to vector<12x128x80xf32>
    %mul3A_717 = arith.mulf %mul3A_716, %sub3A_700 : vector<12x128x80xf32>
    %mul3A_718 = arith.mulf %mul3A_717, %sub3A_700 : vector<12x128x80xf32>
    %mul3A_719 = arith.mulf %mul3A_718, %add3A_714 : vector<12x128x80xf32>
    %sub3A_720 = arith.subf %mul3A_719, %mul3A_697 : vector<12x128x80xf32>
    %iota3A = tpu.iota {dimensions = array<i32: 2>} : vector<12x128x80xi32>
    %convert_element_type3A_721 = arith.fptosi %get3A_18 : vector<12x128xf32> to vector<12x128xi32>
    %broadcast_in_dim3A_722 = vector.shape_cast %convert_element_type3A_721 : vector<12x128xi32> to vector<12x128x1xi32>
    %eq3A_723 = vector.broadcast %broadcast_in_dim3A_722 : vector<12x128x1xi32> to vector<12x128x80xi32>
    %eq3A_724 = arith.cmpi eq, %iota3A, %eq3A_723 : vector<12x128x80xi32>
    %jit3A_725 = arith.constant 0.000000e+00 : f32
    %broadcast_in_dim3A_726 = vector.broadcast %jit3A_725 : f32 to vector<12x128x80xf32>
    %select_n3A_727 = arith.select %eq3A_724, %sub3A_720, %broadcast_in_dim3A_726 : vector<12x128x80xi1>, vector<12x128x80xf32>
    %add3A_728 = arith.addf %mul3A_697, %select_n3A_727 : vector<12x128x80xf32>
    %broadcast_in_dim3A_729 = vector.shape_cast %mul3A_256 : vector<12x128xf32> to vector<12x128x1xf32>
    %mul3A_730 = vector.broadcast %broadcast_in_dim3A_729 : vector<12x128x1xf32> to vector<12x128x80xf32>
    %mul3A_731 = arith.mulf %mul3A_730, %add3A_728 : vector<12x128x80xf32>
    %reduce_sum3A_732 = vector.shape_cast %mul3A_731 : vector<12x128x80xf32> to vector<1x12x128x80xf32>
    %reduce_sum3A_733 = arith.constant dense<0.000000e+00> : vector<1xf32>
    %reduce_sum3A_734 = vector.multi_reduction <add>, %reduce_sum3A_732, %reduce_sum3A_733 [1, 2, 3] : vector<1x12x128x80xf32> to vector<1xf32>
    %reduce_sum3A_735 = vector.shape_cast %reduce_sum3A_734 : vector<1xf32> to vector<1x1x1x1xf32>
    %reduce_sum3A_736 = vector.extract %reduce_sum3A_735[0, 0, 0, 0] : f32 from vector<1x1x1x1xf32>
    %reduce_sum3A_737 = vector.shape_cast %mul3A_256 : vector<12x128xf32> to vector<1x12x128xf32>
    %reduce_sum3A_738 = arith.constant dense<0.000000e+00> : vector<1xf32>
    %reduce_sum3A_739 = vector.multi_reduction <add>, %reduce_sum3A_737, %reduce_sum3A_738 [1, 2] : vector<1x12x128xf32> to vector<1xf32>
    %reduce_sum3A_740 = vector.shape_cast %reduce_sum3A_739 : vector<1xf32> to vector<1x1x1xf32>
    %reduce_sum3A_741 = vector.extract %reduce_sum3A_740[0, 0, 0] : f32 from vector<1x1x1xf32>
    %eq3A_742 = arith.constant 0 : i32
    %eq3A_743 = arith.cmpi eq, %arg0, %eq3A_742 : i32
    %convert_element_type3A_744 = arith.extui %eq3A_743 : i1 to i32
    %cond3A = arith.constant 0 : i32
    %cond3A_745 = arith.cmpi ne, %convert_element_type3A_744, %cond3A : i32
    scf.if %cond3A_745 {
      %broadcast_in_dim3A_777 = arith.constant 0.000000e+00 : f32
      %broadcast_in_dim3A_778 = vector.broadcast %broadcast_in_dim3A_777 : f32 to vector<1x1xf32>
      %swap3A_779 = arith.constant 0 : index
      %swap3A_780 = arith.constant 0 : index
      %swap3A_781 = vector.load %arg11[%swap3A_779, %swap3A_780] : memref<1x1xf32, #tpu.memory_space<vmem>>, vector<1x1xf32>
      tpu.vector_store %arg11[%swap3A_779, %swap3A_780], %broadcast_in_dim3A_778 {strides = array<i32>} : memref<1x1xf32, #tpu.memory_space<vmem>>, vector<1x1xf32>,
      %broadcast_in_dim3A_782 = arith.constant 0.000000e+00 : f32
      %broadcast_in_dim3A_783 = vector.broadcast %broadcast_in_dim3A_782 : f32 to vector<1x1xf32>
      %swap3A_784 = arith.constant 0 : index
      %swap3A_785 = arith.constant 0 : index
      %swap3A_786 = vector.load %arg12[%swap3A_784, %swap3A_785] : memref<1x1xf32, #tpu.memory_space<vmem>>, vector<1x1xf32>
      tpu.vector_store %arg12[%swap3A_784, %swap3A_785], %broadcast_in_dim3A_783 {strides = array<i32>} : memref<1x1xf32, #tpu.memory_space<vmem>>, vector<1x1xf32>,
      %broadcast_in_dim3A_787 = arith.constant 0.000000e+00 : f32
      %broadcast_in_dim3A_788 = vector.broadcast %broadcast_in_dim3A_787 : f32 to vector<1x1xf32>
      %swap3A_789 = arith.constant 0 : index
      %swap3A_790 = arith.constant 0 : index
      %swap3A_791 = vector.load %arg13[%swap3A_789, %swap3A_790] : memref<1x1xf32, #tpu.memory_space<vmem>>, vector<1x1xf32>
      tpu.vector_store %arg13[%swap3A_789, %swap3A_790], %broadcast_in_dim3A_788 {strides = array<i32>} : memref<1x1xf32, #tpu.memory_space<vmem>>, vector<1x1xf32>,
      %broadcast_in_dim3A_792 = arith.constant 0.000000e+00 : f32
      %broadcast_in_dim3A_793 = vector.broadcast %broadcast_in_dim3A_792 : f32 to vector<1x1xf32>
      %swap3A_794 = arith.constant 0 : index
      %swap3A_795 = arith.constant 0 : index
      %swap3A_796 = vector.load %arg14[%swap3A_794, %swap3A_795] : memref<1x1xf32, #tpu.memory_space<vmem>>, vector<1x1xf32>
      tpu.vector_store %arg14[%swap3A_794, %swap3A_795], %broadcast_in_dim3A_793 {strides = array<i32>} : memref<1x1xf32, #tpu.memory_space<vmem>>, vector<1x1xf32>,
    } else {
    }
    %get3A_746 = arith.constant 0 : index
    %get3A_747 = arith.constant 0 : index
    %get3A_748 = vector.load %arg11[%get3A_746, %get3A_747] : memref<1x1xf32, #tpu.memory_space<vmem>>, vector<1x1xf32>
    %add3A_749 = vector.broadcast %reduce_sum3A_552 : f32 to vector<1x1xf32>
    %add3A_750 = arith.addf %get3A_748, %add3A_749 : vector<1x1xf32>
    %swap3A = arith.constant 0 : index
    %swap3A_751 = arith.constant 0 : index
    %swap3A_752 = vector.load %arg11[%swap3A, %swap3A_751] : memref<1x1xf32, #tpu.memory_space<vmem>>, vector<1x1xf32>
    tpu.vector_store %arg11[%swap3A, %swap3A_751], %add3A_750 {strides = array<i32>} : memref<1x1xf32, #tpu.memory_space<vmem>>, vector<1x1xf32>,
    %get3A_753 = arith.constant 0 : index
    %get3A_754 = arith.constant 0 : index
    %get3A_755 = vector.load %arg12[%get3A_753, %get3A_754] : memref<1x1xf32, #tpu.memory_space<vmem>>, vector<1x1xf32>
    %add3A_756 = vector.broadcast %reduce_sum3A_736 : f32 to vector<1x1xf32>
    %add3A_757 = arith.addf %get3A_755, %add3A_756 : vector<1x1xf32>
    %swap3A_758 = arith.constant 0 : index
    %swap3A_759 = arith.constant 0 : index
    %swap3A_760 = vector.load %arg12[%swap3A_758, %swap3A_759] : memref<1x1xf32, #tpu.memory_space<vmem>>, vector<1x1xf32>
    tpu.vector_store %arg12[%swap3A_758, %swap3A_759], %add3A_757 {strides = array<i32>} : memref<1x1xf32, #tpu.memory_space<vmem>>, vector<1x1xf32>,
    %get3A_761 = arith.constant 0 : index
    %get3A_762 = arith.constant 0 : index
    %get3A_763 = vector.load %arg13[%get3A_761, %get3A_762] : memref<1x1xf32, #tpu.memory_space<vmem>>, vector<1x1xf32>
    %add3A_764 = vector.broadcast %reduce_sum3A_655 : f32 to vector<1x1xf32>
    %add3A_765 = arith.addf %get3A_763, %add3A_764 : vector<1x1xf32>
    %swap3A_766 = arith.constant 0 : index
    %swap3A_767 = arith.constant 0 : index
    %swap3A_768 = vector.load %arg13[%swap3A_766, %swap3A_767] : memref<1x1xf32, #tpu.memory_space<vmem>>, vector<1x1xf32>
    tpu.vector_store %arg13[%swap3A_766, %swap3A_767], %add3A_765 {strides = array<i32>} : memref<1x1xf32, #tpu.memory_space<vmem>>, vector<1x1xf32>,
    %get3A_769 = arith.constant 0 : index
    %get3A_770 = arith.constant 0 : index
    %get3A_771 = vector.load %arg14[%get3A_769, %get3A_770] : memref<1x1xf32, #tpu.memory_space<vmem>>, vector<1x1xf32>
    %add3A_772 = vector.broadcast %reduce_sum3A_741 : f32 to vector<1x1xf32>
    %add3A_773 = arith.addf %get3A_771, %add3A_772 : vector<1x1xf32>
    %swap3A_774 = arith.constant 0 : index
    %swap3A_775 = arith.constant 0 : index
    %swap3A_776 = vector.load %arg14[%swap3A_774, %swap3A_775] : memref<1x1xf32, #tpu.memory_space<vmem>>, vector<1x1xf32>
    tpu.vector_store %arg14[%swap3A_774, %swap3A_775], %add3A_773 {strides = array<i32>} : memref<1x1xf32, #tpu.memory_space<vmem>>, vector<1x1xf32>,
    return
  }
  func.func @transform_0(%arg0: i32) -> (i32, i32, i32) {
    %c0_i32 = arith.constant 0 : i32
    %c0_i32_0 = arith.constant 0 : i32
    %c0_i32_1 = arith.constant 0 : i32
    return %arg0, %c0_i32, %c0_i32_0 : i32, i32, i32
  }
  func.func @transform_1(%arg0: i32) -> (i32, i32, i32) {
    %c0_i32 = arith.constant 0 : i32
    %c0_i32_0 = arith.constant 0 : i32
    %c0_i32_1 = arith.constant 0 : i32
    return %arg0, %c0_i32, %c0_i32_0 : i32, i32, i32
  }
  func.func @transform_2(%arg0: i32) -> (i32, i32, i32) {
    %c0_i32 = arith.constant 0 : i32
    %c0_i32_0 = arith.constant 0 : i32
    %c0_i32_1 = arith.constant 0 : i32
    return %arg0, %c0_i32, %c0_i32_0 : i32, i32, i32
  }
  func.func @transform_3(%arg0: i32) -> (i32, i32, i32) {
    %c0_i32 = arith.constant 0 : i32
    %c0_i32_0 = arith.constant 0 : i32
    %c0_i32_1 = arith.constant 0 : i32
    return %arg0, %c0_i32, %c0_i32_0 : i32, i32, i32
  }
  func.func @transform_4(%arg0: i32) -> (i32, i32, i32) {
    %c0_i32 = arith.constant 0 : i32
    %c0_i32_0 = arith.constant 0 : i32
    %c0_i32_1 = arith.constant 0 : i32
    return %arg0, %c0_i32, %c0_i32_0 : i32, i32, i32
  }
  func.func @transform_5(%arg0: i32) -> (i32, i32, i32) {
    %c0_i32 = arith.constant 0 : i32
    %c0_i32_0 = arith.constant 0 : i32
    %c0_i32_1 = arith.constant 0 : i32
    return %arg0, %c0_i32, %c0_i32_0 : i32, i32, i32
  }
  func.func @transform_6(%arg0: i32) -> (i32, i32, i32) {
    %c0_i32 = arith.constant 0 : i32
    %c0_i32_0 = arith.constant 0 : i32
    %c0_i32_1 = arith.constant 0 : i32
    return %arg0, %c0_i32, %c0_i32_0 : i32, i32, i32
  }
  func.func @transform_7(%arg0: i32) -> (i32, i32, i32) {
    %c0_i32 = arith.constant 0 : i32
    %c0_i32_0 = arith.constant 0 : i32
    %c0_i32_1 = arith.constant 0 : i32
    return %arg0, %c0_i32, %c0_i32_0 : i32, i32, i32
  }
  func.func @transform_8(%arg0: i32) -> (i32, i32, i32) {
    %c0_i32 = arith.constant 0 : i32
    %c0_i32_0 = arith.constant 0 : i32
    %c0_i32_1 = arith.constant 0 : i32
    return %arg0, %c0_i32, %c0_i32_0 : i32, i32, i32
  }
  func.func @transform_9(%arg0: i32) -> (i32, i32, i32) {
    %c0_i32 = arith.constant 0 : i32
    %c0_i32_0 = arith.constant 0 : i32
    %c0_i32_1 = arith.constant 0 : i32
    return %arg0, %c0_i32, %c0_i32_0 : i32, i32, i32
  }
  func.func @transform_10(%arg0: i32) -> (i32, i32) {
    %c0_i32 = arith.constant 0 : i32
    %c0_i32_0 = arith.constant 0 : i32
    %c0_i32_1 = arith.constant 0 : i32
    return %c0_i32, %c0_i32_0 : i32, i32
  }
  func.func @transform_11(%arg0: i32) -> (i32, i32) {
    %c0_i32 = arith.constant 0 : i32
    %c0_i32_0 = arith.constant 0 : i32
    %c0_i32_1 = arith.constant 0 : i32
    return %c0_i32, %c0_i32_0 : i32, i32
  }
  func.func @transform_12(%arg0: i32) -> (i32, i32) {
    %c0_i32 = arith.constant 0 : i32
    %c0_i32_0 = arith.constant 0 : i32
    %c0_i32_1 = arith.constant 0 : i32
    return %c0_i32, %c0_i32_0 : i32, i32
  }
  func.func @transform_13(%arg0: i32) -> (i32, i32) {
    %c0_i32 = arith.constant 0 : i32
    %c0_i32_0 = arith.constant 0 : i32
    %c0_i32_1 = arith.constant 0 : i32
    return %c0_i32, %c0_i32_0 : i32, i32
  }
}

module attributes {stable_mosaic.version = 14 : i64} {
  func.func @_sparse_body(%arg0: i32, %arg1: memref<12x128x85xf32, #tpu.memory_space<vmem>>, %arg2: memref<1x12x128xf32, #tpu.memory_space<vmem>>, %arg3: memref<1x12x128xf32, #tpu.memory_space<vmem>>, %arg4: memref<1x12x128xf32, #tpu.memory_space<vmem>>, %arg5: memref<1x12x128xf32, #tpu.memory_space<vmem>>, %arg6: memref<1x12x128xf32, #tpu.memory_space<vmem>>, %arg7: memref<1x12x128xf32, #tpu.memory_space<vmem>>, %arg8: memref<1x12x128xf32, #tpu.memory_space<vmem>>, %arg9: memref<1x12x128xf32, #tpu.memory_space<vmem>>, %arg10: memref<1x12x128xf32, #tpu.memory_space<vmem>>, %arg11: memref<1x1xf32, #tpu.memory_space<vmem>>, %arg12: memref<1x1xf32, #tpu.memory_space<vmem>>, %arg13: memref<1x1xf32, #tpu.memory_space<vmem>>, %arg14: memref<1x1xf32, #tpu.memory_space<vmem>>) attributes {dimension_semantics = [#tpu.dimension_semantics<arbitrary>], iteration_bounds = array<i64: 4>, scalar_prefetch = 0 : i64, scratch_operands = 0 : i64, tpu.core_type = #tpu.core_type<tc>, window_params = [{transform_indices = @transform_0, window_bounds = array<i64: 12, 128, 85>}, {transform_indices = @transform_1, window_bounds = array<i64: 1, 12, 128>}, {transform_indices = @transform_2, window_bounds = array<i64: 1, 12, 128>}, {transform_indices = @transform_3, window_bounds = array<i64: 1, 12, 128>}, {transform_indices = @transform_4, window_bounds = array<i64: 1, 12, 128>}, {transform_indices = @transform_5, window_bounds = array<i64: 1, 12, 128>}, {transform_indices = @transform_6, window_bounds = array<i64: 1, 12, 128>}, {transform_indices = @transform_7, window_bounds = array<i64: 1, 12, 128>}, {transform_indices = @transform_8, window_bounds = array<i64: 1, 12, 128>}, {transform_indices = @transform_9, window_bounds = array<i64: 1, 12, 128>}, {pipeline_mode = #tpu.pipeline_mode<synchronous>, transform_indices = @transform_10, window_bounds = array<i64: 1, 1>}, {pipeline_mode = #tpu.pipeline_mode<synchronous>, transform_indices = @transform_11, window_bounds = array<i64: 1, 1>}, {pipeline_mode = #tpu.pipeline_mode<synchronous>, transform_indices = @transform_12, window_bounds = array<i64: 1, 1>}, {pipeline_mode = #tpu.pipeline_mode<synchronous>, transform_indices = @transform_13, window_bounds = array<i64: 1, 1>}]} {
    %get3A = arith.constant 0 : index
    %get3A_0 = arith.constant 0 : index
    %get3A_1 = arith.constant 0 : index
    %get3A_2 = vector.load %arg2[%get3A, %get3A_0, %get3A_1] : memref<1x12x128xf32, #tpu.memory_space<vmem>>, vector<1x12x128xf32>
    %get3A_3 = vector.shape_cast %get3A_2 : vector<1x12x128xf32> to vector<12x128xf32>
    %get3A_4 = arith.constant 0 : index
    %get3A_5 = arith.constant 0 : index
    %get3A_6 = arith.constant 0 : index
    %get3A_7 = vector.load %arg3[%get3A_4, %get3A_5, %get3A_6] : memref<1x12x128xf32, #tpu.memory_space<vmem>>, vector<1x12x128xf32>
    %get3A_8 = vector.shape_cast %get3A_7 : vector<1x12x128xf32> to vector<12x128xf32>
    %get3A_9 = arith.constant 0 : index
    %get3A_10 = arith.constant 0 : index
    %get3A_11 = arith.constant 0 : index
    %get3A_12 = vector.load %arg4[%get3A_9, %get3A_10, %get3A_11] : memref<1x12x128xf32, #tpu.memory_space<vmem>>, vector<1x12x128xf32>
    %get3A_13 = vector.shape_cast %get3A_12 : vector<1x12x128xf32> to vector<12x128xf32>
    %get3A_14 = arith.constant 0 : index
    %get3A_15 = arith.constant 0 : index
    %get3A_16 = arith.constant 0 : index
    %get3A_17 = vector.load %arg6[%get3A_14, %get3A_15, %get3A_16] : memref<1x12x128xf32, #tpu.memory_space<vmem>>, vector<1x12x128xf32>
    %get3A_18 = vector.shape_cast %get3A_17 : vector<1x12x128xf32> to vector<12x128xf32>
    %get3A_19 = arith.constant 0 : index
    %get3A_20 = arith.constant 0 : index
    %get3A_21 = arith.constant 0 : index
    %get3A_22 = vector.load %arg7[%get3A_19, %get3A_20, %get3A_21] : memref<1x12x128xf32, #tpu.memory_space<vmem>>, vector<1x12x128xf32>
    %get3A_23 = vector.shape_cast %get3A_22 : vector<1x12x128xf32> to vector<12x128xf32>
    %get3A_24 = arith.constant 0 : index
    %get3A_25 = arith.constant 0 : index
    %get3A_26 = arith.constant 0 : index
    %get3A_27 = vector.load %arg8[%get3A_24, %get3A_25, %get3A_26] : memref<1x12x128xf32, #tpu.memory_space<vmem>>, vector<1x12x128xf32>
    %get3A_28 = vector.shape_cast %get3A_27 : vector<1x12x128xf32> to vector<12x128xf32>
    %get3A_29 = arith.constant 0 : index
    %get3A_30 = arith.constant 0 : index
    %get3A_31 = arith.constant 0 : index
    %get3A_32 = vector.load %arg9[%get3A_29, %get3A_30, %get3A_31] : memref<1x12x128xf32, #tpu.memory_space<vmem>>, vector<1x12x128xf32>
    %get3A_33 = vector.shape_cast %get3A_32 : vector<1x12x128xf32> to vector<12x128xf32>
    %get3A_34 = arith.constant 0 : index
    %get3A_35 = arith.constant 0 : index
    %get3A_36 = arith.constant 0 : index
    %get3A_37 = vector.load %arg10[%get3A_34, %get3A_35, %get3A_36] : memref<1x12x128xf32, #tpu.memory_space<vmem>>, vector<1x12x128xf32>
    %get3A_38 = vector.shape_cast %get3A_37 : vector<1x12x128xf32> to vector<12x128xf32>
    %mul3A = arith.constant 4.000000e+01 : f32
    %mul3A_39 = vector.broadcast %mul3A : f32 to vector<12x128xf32>
    %mul3A_40 = arith.mulf %get3A_23, %mul3A_39 : vector<12x128xf32>
    %mul3A_41 = arith.constant 4.000000e+01 : f32
    %mul3A_42 = vector.broadcast %mul3A_41 : f32 to vector<12x128xf32>
    %mul3A_43 = arith.mulf %get3A_28, %mul3A_42 : vector<12x128xf32>
    %mul3A_44 = arith.constant 4.000000e+01 : f32
    %mul3A_45 = vector.broadcast %mul3A_44 : f32 to vector<12x128xf32>
    %mul3A_46 = arith.mulf %get3A_33, %mul3A_45 : vector<12x128xf32>
    %mul3A_47 = arith.constant 4.000000e+01 : f32
    %mul3A_48 = vector.broadcast %mul3A_47 : f32 to vector<12x128xf32>
    %mul3A_49 = arith.mulf %get3A_38, %mul3A_48 : vector<12x128xf32>
    %eq3A = arith.constant 0.000000e+00 : f32
    %eq3A_50 = vector.broadcast %eq3A : f32 to vector<12x128xf32>
    %eq3A_51 = arith.cmpf oeq, %get3A_8, %eq3A_50 : vector<12x128xf32>
    %eq3A_52 = arith.constant 1.000000e+00 : f32
    %eq3A_53 = vector.broadcast %eq3A_52 : f32 to vector<12x128xf32>
    %eq3A_54 = arith.cmpf oeq, %get3A_8, %eq3A_53 : vector<12x128xf32>
    %jit3A = arith.constant 4.750000e+00 : f32
    %jit3A_55 = arith.constant 4.500000e+00 : f32
    %broadcast_in_dim3A = vector.broadcast %jit3A : f32 to vector<12x128xf32>
    %broadcast_in_dim3A_56 = vector.broadcast %jit3A_55 : f32 to vector<12x128xf32>
    %select_n3A = arith.select %eq3A_54, %broadcast_in_dim3A, %broadcast_in_dim3A_56 : vector<12x128xi1>, vector<12x128xf32>
    %jit3A_57 = arith.constant 2.250000e+00 : f32
    %broadcast_in_dim3A_58 = vector.broadcast %jit3A_57 : f32 to vector<12x128xf32>
    %select_n3A_59 = arith.select %eq3A_51, %broadcast_in_dim3A_58, %select_n3A : vector<12x128xi1>, vector<12x128xf32>
    %eq3A_60 = arith.constant 0.000000e+00 : f32
    %eq3A_61 = vector.broadcast %eq3A_60 : f32 to vector<12x128xf32>
    %eq3A_62 = arith.cmpf oeq, %get3A_8, %eq3A_61 : vector<12x128xf32>
    %eq3A_63 = arith.constant 1.000000e+00 : f32
    %eq3A_64 = vector.broadcast %eq3A_63 : f32 to vector<12x128xf32>
    %eq3A_65 = arith.cmpf oeq, %get3A_8, %eq3A_64 : vector<12x128xf32>
    %jit3A_66 = arith.constant 3.437500e+00 : f32
    %jit3A_67 = arith.constant 9.125000e+00 : f32
    %broadcast_in_dim3A_68 = vector.broadcast %jit3A_66 : f32 to vector<12x128xf32>
    %broadcast_in_dim3A_69 = vector.broadcast %jit3A_67 : f32 to vector<12x128xf32>
    %select_n3A_70 = arith.select %eq3A_65, %broadcast_in_dim3A_68, %broadcast_in_dim3A_69 : vector<12x128xi1>, vector<12x128xf32>
    %jit3A_71 = arith.constant 4.687500e+00 : f32
    %broadcast_in_dim3A_72 = vector.broadcast %jit3A_71 : f32 to vector<12x128xf32>
    %select_n3A_73 = arith.select %eq3A_62, %broadcast_in_dim3A_72, %select_n3A_70 : vector<12x128xi1>, vector<12x128xf32>
    %div3A = arith.divf %mul3A_46, %select_n3A_59 : vector<12x128xf32>
    %div3A_74 = arith.divf %mul3A_49, %select_n3A_73 : vector<12x128xf32>
    %div3A_75 = arith.constant 1.000000e+00 : f32
    %div3A_76 = vector.broadcast %div3A_75 : f32 to vector<12x128xf32>
    %div3A_77 = arith.divf %div3A_76, %div3A : vector<12x128xf32>
    %max3A = arith.maximumf %div3A, %div3A_77 : vector<12x128xf32>
    %div3A_78 = arith.constant 1.000000e+00 : f32
    %div3A_79 = vector.broadcast %div3A_78 : f32 to vector<12x128xf32>
    %div3A_80 = arith.divf %div3A_79, %div3A_74 : vector<12x128xf32>
    %max3A_81 = arith.maximumf %div3A_74, %div3A_80 : vector<12x128xf32>
    %max3A_82 = arith.maximumf %max3A, %max3A_81 : vector<12x128xf32>
    %lt3A = arith.constant 4.000000e+00 : f32
    %lt3A_83 = vector.broadcast %lt3A : f32 to vector<12x128xf32>
    %lt3A_84 = arith.cmpf olt, %max3A_82, %lt3A_83 : vector<12x128xf32>
    %sub3A = arith.constant 4.000000e+01 : f32
    %sub3A_85 = vector.broadcast %sub3A : f32 to vector<12x128xf32>
    %sub3A_86 = arith.subf %sub3A_85, %mul3A_40 : vector<12x128xf32>
    %sub3A_87 = arith.constant 4.000000e+01 : f32
    %sub3A_88 = vector.broadcast %sub3A_87 : f32 to vector<12x128xf32>
    %sub3A_89 = arith.subf %sub3A_88, %mul3A_43 : vector<12x128xf32>
    %floor3A = math.floor %mul3A_40 : vector<12x128xf32>
    %sub3A_90 = arith.subf %mul3A_40, %floor3A : vector<12x128xf32>
    %floor3A_91 = math.floor %mul3A_43 : vector<12x128xf32>
    %sub3A_92 = arith.subf %mul3A_43, %floor3A_91 : vector<12x128xf32>
    %floor3A_93 = math.floor %sub3A_86 : vector<12x128xf32>
    %sub3A_94 = arith.subf %sub3A_86, %floor3A_93 : vector<12x128xf32>
    %floor3A_95 = math.floor %sub3A_89 : vector<12x128xf32>
    %sub3A_96 = arith.subf %sub3A_89, %floor3A_95 : vector<12x128xf32>
    %lt3A_97 = arith.constant 5.000000e-01 : f32
    %lt3A_98 = vector.broadcast %lt3A_97 : f32 to vector<12x128xf32>
    %lt3A_99 = arith.cmpf olt, %sub3A_90, %lt3A_98 : vector<12x128xf32>
    %gt3A = arith.constant 1.000000e+00 : f32
    %gt3A_100 = vector.broadcast %gt3A : f32 to vector<12x128xf32>
    %gt3A_101 = arith.cmpf ogt, %mul3A_40, %gt3A_100 : vector<12x128xf32>
    %and3A = arith.andi %lt3A_99, %gt3A_101 : vector<12x128xi1>
    %lt3A_102 = arith.constant 5.000000e-01 : f32
    %lt3A_103 = vector.broadcast %lt3A_102 : f32 to vector<12x128xf32>
    %lt3A_104 = arith.cmpf olt, %sub3A_92, %lt3A_103 : vector<12x128xf32>
    %gt3A_105 = arith.constant 1.000000e+00 : f32
    %gt3A_106 = vector.broadcast %gt3A_105 : f32 to vector<12x128xf32>
    %gt3A_107 = arith.cmpf ogt, %mul3A_43, %gt3A_106 : vector<12x128xf32>
    %and3A_108 = arith.andi %lt3A_104, %gt3A_107 : vector<12x128xi1>
    %lt3A_109 = arith.constant 5.000000e-01 : f32
    %lt3A_110 = vector.broadcast %lt3A_109 : f32 to vector<12x128xf32>
    %lt3A_111 = arith.cmpf olt, %sub3A_94, %lt3A_110 : vector<12x128xf32>
    %gt3A_112 = arith.constant 1.000000e+00 : f32
    %gt3A_113 = vector.broadcast %gt3A_112 : f32 to vector<12x128xf32>
    %gt3A_114 = arith.cmpf ogt, %sub3A_86, %gt3A_113 : vector<12x128xf32>
    %and3A_115 = arith.andi %lt3A_111, %gt3A_114 : vector<12x128xi1>
    %lt3A_116 = arith.constant 5.000000e-01 : f32
    %lt3A_117 = vector.broadcast %lt3A_116 : f32 to vector<12x128xf32>
    %lt3A_118 = arith.cmpf olt, %sub3A_96, %lt3A_117 : vector<12x128xf32>
    %gt3A_119 = arith.constant 1.000000e+00 : f32
    %gt3A_120 = vector.broadcast %gt3A_119 : f32 to vector<12x128xf32>
    %gt3A_121 = arith.cmpf ogt, %sub3A_89, %gt3A_120 : vector<12x128xf32>
    %and3A_122 = arith.andi %lt3A_118, %gt3A_121 : vector<12x128xi1>
    %lt3A_123 = arith.constant 3.500000e-01 : f32
    %lt3A_124 = vector.broadcast %lt3A_123 : f32 to vector<12x128xf32>
    %lt3A_125 = arith.cmpf olt, %sub3A_90, %lt3A_124 : vector<12x128xf32>
    %gt3A_126 = arith.constant 1.000000e+00 : f32
    %gt3A_127 = vector.broadcast %gt3A_126 : f32 to vector<12x128xf32>
    %gt3A_128 = arith.cmpf ogt, %mul3A_40, %gt3A_127 : vector<12x128xf32>
    %and3A_129 = arith.andi %lt3A_125, %gt3A_128 : vector<12x128xi1>
    %lt3A_130 = arith.constant 3.500000e-01 : f32
    %lt3A_131 = vector.broadcast %lt3A_130 : f32 to vector<12x128xf32>
    %lt3A_132 = arith.cmpf olt, %sub3A_92, %lt3A_131 : vector<12x128xf32>
    %gt3A_133 = arith.constant 1.000000e+00 : f32
    %gt3A_134 = vector.broadcast %gt3A_133 : f32 to vector<12x128xf32>
    %gt3A_135 = arith.cmpf ogt, %mul3A_43, %gt3A_134 : vector<12x128xf32>
    %and3A_136 = arith.andi %lt3A_132, %gt3A_135 : vector<12x128xi1>
    %lt3A_137 = arith.constant 3.500000e-01 : f32
    %lt3A_138 = vector.broadcast %lt3A_137 : f32 to vector<12x128xf32>
    %lt3A_139 = arith.cmpf olt, %sub3A_94, %lt3A_138 : vector<12x128xf32>
    %gt3A_140 = arith.constant 1.000000e+00 : f32
    %gt3A_141 = vector.broadcast %gt3A_140 : f32 to vector<12x128xf32>
    %gt3A_142 = arith.cmpf ogt, %sub3A_86, %gt3A_141 : vector<12x128xf32>
    %and3A_143 = arith.andi %lt3A_139, %gt3A_142 : vector<12x128xi1>
    %lt3A_144 = arith.constant 3.500000e-01 : f32
    %lt3A_145 = vector.broadcast %lt3A_144 : f32 to vector<12x128xf32>
    %lt3A_146 = arith.cmpf olt, %sub3A_96, %lt3A_145 : vector<12x128xf32>
    %gt3A_147 = arith.constant 1.000000e+00 : f32
    %gt3A_148 = vector.broadcast %gt3A_147 : f32 to vector<12x128xf32>
    %gt3A_149 = arith.cmpf ogt, %sub3A_89, %gt3A_148 : vector<12x128xf32>
    %and3A_150 = arith.andi %lt3A_146, %gt3A_149 : vector<12x128xi1>
    %broadcast_in_dim3A_151 = arith.constant 1.000000e+00 : f32
    %broadcast_in_dim3A_152 = vector.broadcast %broadcast_in_dim3A_151 : f32 to vector<12x128xf32>
    %broadcast_in_dim3A_153 = arith.constant 0.000000e+00 : f32
    %broadcast_in_dim3A_154 = vector.broadcast %broadcast_in_dim3A_153 : f32 to vector<12x128xf32>
    %select_n3A_155 = arith.select %and3A, %broadcast_in_dim3A_152, %broadcast_in_dim3A_154 : vector<12x128xi1>, vector<12x128xf32>
    %select_n3A_156 = arith.select %and3A_108, %broadcast_in_dim3A_152, %broadcast_in_dim3A_154 : vector<12x128xi1>, vector<12x128xf32>
    %select_n3A_157 = arith.select %and3A_115, %broadcast_in_dim3A_152, %broadcast_in_dim3A_154 : vector<12x128xi1>, vector<12x128xf32>
    %select_n3A_158 = arith.select %and3A_122, %broadcast_in_dim3A_152, %broadcast_in_dim3A_154 : vector<12x128xi1>, vector<12x128xf32>
    %and3A_159 = arith.andi %and3A_129, %and3A_136 : vector<12x128xi1>
    %select_n3A_160 = arith.select %and3A_159, %broadcast_in_dim3A_152, %broadcast_in_dim3A_154 : vector<12x128xi1>, vector<12x128xf32>
    %and3A_161 = arith.andi %and3A_136, %and3A_143 : vector<12x128xi1>
    %select_n3A_162 = arith.select %and3A_161, %broadcast_in_dim3A_152, %broadcast_in_dim3A_154 : vector<12x128xi1>, vector<12x128xf32>
    %and3A_163 = arith.andi %and3A_143, %and3A_150 : vector<12x128xi1>
    %select_n3A_164 = arith.select %and3A_163, %broadcast_in_dim3A_152, %broadcast_in_dim3A_154 : vector<12x128xi1>, vector<12x128xf32>
    %and3A_165 = arith.andi %and3A_150, %and3A_129 : vector<12x128xi1>
    %select_n3A_166 = arith.select %and3A_165, %broadcast_in_dim3A_152, %broadcast_in_dim3A_154 : vector<12x128xi1>, vector<12x128xf32>
    %broadcast_in_dim3A_167 = arith.constant 5.000000e-01 : f32
    %broadcast_in_dim3A_168 = vector.broadcast %broadcast_in_dim3A_167 : f32 to vector<12x128xf32>
    %broadcast_in_dim3A_169 = arith.constant 5.000000e-01 : f32
    %broadcast_in_dim3A_170 = vector.broadcast %broadcast_in_dim3A_169 : f32 to vector<12x128xf32>
    %eq3A_171 = arith.constant 7.000000e+00 : f32
    %eq3A_172 = vector.broadcast %eq3A_171 : f32 to vector<12x128xf32>
    %eq3A_173 = arith.cmpf oeq, %get3A_3, %eq3A_172 : vector<12x128xf32>
    %select_n3A_174 = arith.select %eq3A_173, %select_n3A_164, %select_n3A_166 : vector<12x128xi1>, vector<12x128xf32>
    %jit3A_175 = arith.constant -5.000000e-01 : f32
    %broadcast_in_dim3A_176 = vector.broadcast %jit3A_175 : f32 to vector<12x128xf32>
    %select_n3A_177 = arith.select %eq3A_173, %broadcast_in_dim3A_176, %broadcast_in_dim3A_168 : vector<12x128xi1>, vector<12x128xf32>
    %jit3A_178 = arith.constant -5.000000e-01 : f32
    %broadcast_in_dim3A_179 = vector.broadcast %jit3A_178 : f32 to vector<12x128xf32>
    %select_n3A_180 = arith.select %eq3A_173, %broadcast_in_dim3A_179, %broadcast_in_dim3A_170 : vector<12x128xi1>, vector<12x128xf32>
    %eq3A_181 = arith.constant 6.000000e+00 : f32
    %eq3A_182 = vector.broadcast %eq3A_181 : f32 to vector<12x128xf32>
    %eq3A_183 = arith.cmpf oeq, %get3A_3, %eq3A_182 : vector<12x128xf32>
    %select_n3A_184 = arith.select %eq3A_183, %select_n3A_162, %select_n3A_174 : vector<12x128xi1>, vector<12x128xf32>
    %jit3A_185 = arith.constant -5.000000e-01 : f32
    %broadcast_in_dim3A_186 = vector.broadcast %jit3A_185 : f32 to vector<12x128xf32>
    %select_n3A_187 = arith.select %eq3A_183, %broadcast_in_dim3A_186, %select_n3A_177 : vector<12x128xi1>, vector<12x128xf32>
    %jit3A_188 = arith.constant 5.000000e-01 : f32
    %broadcast_in_dim3A_189 = vector.broadcast %jit3A_188 : f32 to vector<12x128xf32>
    %select_n3A_190 = arith.select %eq3A_183, %broadcast_in_dim3A_189, %select_n3A_180 : vector<12x128xi1>, vector<12x128xf32>
    %eq3A_191 = arith.constant 5.000000e+00 : f32
    %eq3A_192 = vector.broadcast %eq3A_191 : f32 to vector<12x128xf32>
    %eq3A_193 = arith.cmpf oeq, %get3A_3, %eq3A_192 : vector<12x128xf32>
    %select_n3A_194 = arith.select %eq3A_193, %select_n3A_160, %select_n3A_184 : vector<12x128xi1>, vector<12x128xf32>
    %jit3A_195 = arith.constant 5.000000e-01 : f32
    %broadcast_in_dim3A_196 = vector.broadcast %jit3A_195 : f32 to vector<12x128xf32>
    %select_n3A_197 = arith.select %eq3A_193, %broadcast_in_dim3A_196, %select_n3A_187 : vector<12x128xi1>, vector<12x128xf32>
    %jit3A_198 = arith.constant 5.000000e-01 : f32
    %broadcast_in_dim3A_199 = vector.broadcast %jit3A_198 : f32 to vector<12x128xf32>
    %select_n3A_200 = arith.select %eq3A_193, %broadcast_in_dim3A_199, %select_n3A_190 : vector<12x128xi1>, vector<12x128xf32>
    %eq3A_201 = arith.constant 4.000000e+00 : f32
    %eq3A_202 = vector.broadcast %eq3A_201 : f32 to vector<12x128xf32>
    %eq3A_203 = arith.cmpf oeq, %get3A_3, %eq3A_202 : vector<12x128xf32>
    %select_n3A_204 = arith.select %eq3A_203, %select_n3A_158, %select_n3A_194 : vector<12x128xi1>, vector<12x128xf32>
    %jit3A_205 = arith.constant 0.000000e+00 : f32
    %broadcast_in_dim3A_206 = vector.broadcast %jit3A_205 : f32 to vector<12x128xf32>
    %select_n3A_207 = arith.select %eq3A_203, %broadcast_in_dim3A_206, %select_n3A_197 : vector<12x128xi1>, vector<12x128xf32>
    %jit3A_208 = arith.constant -5.000000e-01 : f32
    %broadcast_in_dim3A_209 = vector.broadcast %jit3A_208 : f32 to vector<12x128xf32>
    %select_n3A_210 = arith.select %eq3A_203, %broadcast_in_dim3A_209, %select_n3A_200 : vector<12x128xi1>, vector<12x128xf32>
    %eq3A_211 = arith.constant 3.000000e+00 : f32
    %eq3A_212 = vector.broadcast %eq3A_211 : f32 to vector<12x128xf32>
    %eq3A_213 = arith.cmpf oeq, %get3A_3, %eq3A_212 : vector<12x128xf32>
    %select_n3A_214 = arith.select %eq3A_213, %select_n3A_157, %select_n3A_204 : vector<12x128xi1>, vector<12x128xf32>
    %jit3A_215 = arith.constant -5.000000e-01 : f32
    %broadcast_in_dim3A_216 = vector.broadcast %jit3A_215 : f32 to vector<12x128xf32>
    %select_n3A_217 = arith.select %eq3A_213, %broadcast_in_dim3A_216, %select_n3A_207 : vector<12x128xi1>, vector<12x128xf32>
    %jit3A_218 = arith.constant 0.000000e+00 : f32
    %broadcast_in_dim3A_219 = vector.broadcast %jit3A_218 : f32 to vector<12x128xf32>
    %select_n3A_220 = arith.select %eq3A_213, %broadcast_in_dim3A_219, %select_n3A_210 : vector<12x128xi1>, vector<12x128xf32>
    %eq3A_221 = arith.constant 2.000000e+00 : f32
    %eq3A_222 = vector.broadcast %eq3A_221 : f32 to vector<12x128xf32>
    %eq3A_223 = arith.cmpf oeq, %get3A_3, %eq3A_222 : vector<12x128xf32>
    %select_n3A_224 = arith.select %eq3A_223, %select_n3A_156, %select_n3A_214 : vector<12x128xi1>, vector<12x128xf32>
    %jit3A_225 = arith.constant 0.000000e+00 : f32
    %broadcast_in_dim3A_226 = vector.broadcast %jit3A_225 : f32 to vector<12x128xf32>
    %select_n3A_227 = arith.select %eq3A_223, %broadcast_in_dim3A_226, %select_n3A_217 : vector<12x128xi1>, vector<12x128xf32>
    %jit3A_228 = arith.constant 5.000000e-01 : f32
    %broadcast_in_dim3A_229 = vector.broadcast %jit3A_228 : f32 to vector<12x128xf32>
    %select_n3A_230 = arith.select %eq3A_223, %broadcast_in_dim3A_229, %select_n3A_220 : vector<12x128xi1>, vector<12x128xf32>
    %eq3A_231 = arith.constant 1.000000e+00 : f32
    %eq3A_232 = vector.broadcast %eq3A_231 : f32 to vector<12x128xf32>
    %eq3A_233 = arith.cmpf oeq, %get3A_3, %eq3A_232 : vector<12x128xf32>
    %select_n3A_234 = arith.select %eq3A_233, %select_n3A_155, %select_n3A_224 : vector<12x128xi1>, vector<12x128xf32>
    %jit3A_235 = arith.constant 5.000000e-01 : f32
    %broadcast_in_dim3A_236 = vector.broadcast %jit3A_235 : f32 to vector<12x128xf32>
    %select_n3A_237 = arith.select %eq3A_233, %broadcast_in_dim3A_236, %select_n3A_227 : vector<12x128xi1>, vector<12x128xf32>
    %jit3A_238 = arith.constant 0.000000e+00 : f32
    %broadcast_in_dim3A_239 = vector.broadcast %jit3A_238 : f32 to vector<12x128xf32>
    %select_n3A_240 = arith.select %eq3A_233, %broadcast_in_dim3A_239, %select_n3A_230 : vector<12x128xi1>, vector<12x128xf32>
    %eq3A_241 = arith.constant 0.000000e+00 : f32
    %eq3A_242 = vector.broadcast %eq3A_241 : f32 to vector<12x128xf32>
    %eq3A_243 = arith.cmpf oeq, %get3A_3, %eq3A_242 : vector<12x128xf32>
    %select_n3A_244 = arith.select %eq3A_243, %broadcast_in_dim3A_152, %select_n3A_234 : vector<12x128xi1>, vector<12x128xf32>
    %jit3A_245 = arith.constant 0.000000e+00 : f32
    %broadcast_in_dim3A_246 = vector.broadcast %jit3A_245 : f32 to vector<12x128xf32>
    %select_n3A_247 = arith.select %eq3A_243, %broadcast_in_dim3A_246, %select_n3A_237 : vector<12x128xi1>, vector<12x128xf32>
    %jit3A_248 = arith.constant 0.000000e+00 : f32
    %broadcast_in_dim3A_249 = vector.broadcast %jit3A_248 : f32 to vector<12x128xf32>
    %select_n3A_250 = arith.select %eq3A_243, %broadcast_in_dim3A_249, %select_n3A_240 : vector<12x128xi1>, vector<12x128xf32>
    %sub3A_251 = arith.subf %mul3A_40, %select_n3A_247 : vector<12x128xf32>
    %convert_element_type3A = arith.fptosi %sub3A_251 : vector<12x128xf32> to vector<12x128xi32>
    %sub3A_252 = arith.subf %mul3A_43, %select_n3A_250 : vector<12x128xf32>
    %convert_element_type3A_253 = arith.fptosi %sub3A_252 : vector<12x128xf32> to vector<12x128xi32>
    %select_n3A_254 = arith.select %lt3A_84, %broadcast_in_dim3A_152, %broadcast_in_dim3A_154 : vector<12x128xi1>, vector<12x128xf32>
    %mul3A_255 = arith.mulf %select_n3A_244, %select_n3A_254 : vector<12x128xf32>
    %mul3A_256 = arith.mulf %mul3A_255, %get3A_13 : vector<12x128xf32>
    %convert_element_type3A_257 = arith.sitofp %convert_element_type3A : vector<12x128xi32> to vector<12x128xf32>
    %sub3A_258 = arith.subf %mul3A_40, %convert_element_type3A_257 : vector<12x128xf32>
    %convert_element_type3A_259 = arith.sitofp %convert_element_type3A_253 : vector<12x128xi32> to vector<12x128xf32>
    %sub3A_260 = arith.subf %mul3A_43, %convert_element_type3A_259 : vector<12x128xf32>
    %get3A_261 = arith.constant 0 : index
    %get3A_262 = arith.constant 0 : index
    %get3A_263 = arith.constant 0 : index
    %get3A_264 = vector.load %arg1[%get3A_261, %get3A_262, %get3A_263] : memref<12x128x85xf32, #tpu.memory_space<vmem>>, vector<12x128x85xf32>
    %slice3A = vector.extract_strided_slice %get3A_264 {offsets = [0, 0, 0], sizes = [12, 128, 1], strides = [1, 1, 1]} : vector<12x128x85xf32> to vector<12x128x1xf32>
    %reduce_sum3A = arith.constant dense<0.000000e+00> : vector<12x128xf32>
    %reduce_sum3A_265 = vector.multi_reduction <add>, %slice3A, %reduce_sum3A [2] : vector<12x128x1xf32> to vector<12x128xf32>
    %slice3A_266 = vector.extract_strided_slice %get3A_264 {offsets = [0, 0, 1], sizes = [12, 128, 1], strides = [1, 1, 1]} : vector<12x128x85xf32> to vector<12x128x1xf32>
    %reduce_sum3A_267 = arith.constant dense<0.000000e+00> : vector<12x128xf32>
    %reduce_sum3A_268 = vector.multi_reduction <add>, %slice3A_266, %reduce_sum3A_267 [2] : vector<12x128x1xf32> to vector<12x128xf32>
    %slice3A_269 = vector.extract_strided_slice %get3A_264 {offsets = [0, 0, 2], sizes = [12, 128, 1], strides = [1, 1, 1]} : vector<12x128x85xf32> to vector<12x128x1xf32>
    %reduce_sum3A_270 = arith.constant dense<0.000000e+00> : vector<12x128xf32>
    %reduce_sum3A_271 = vector.multi_reduction <add>, %slice3A_269, %reduce_sum3A_270 [2] : vector<12x128x1xf32> to vector<12x128xf32>
    %slice3A_272 = vector.extract_strided_slice %get3A_264 {offsets = [0, 0, 3], sizes = [12, 128, 1], strides = [1, 1, 1]} : vector<12x128x85xf32> to vector<12x128x1xf32>
    %reduce_sum3A_273 = arith.constant dense<0.000000e+00> : vector<12x128xf32>
    %reduce_sum3A_274 = vector.multi_reduction <add>, %slice3A_272, %reduce_sum3A_273 [2] : vector<12x128x1xf32> to vector<12x128xf32>
    %slice3A_275 = vector.extract_strided_slice %get3A_264 {offsets = [0, 0, 4], sizes = [12, 128, 1], strides = [1, 1, 1]} : vector<12x128x85xf32> to vector<12x128x1xf32>
    %reduce_sum3A_276 = arith.constant dense<0.000000e+00> : vector<12x128xf32>
    %reduce_sum3A_277 = vector.multi_reduction <add>, %slice3A_275, %reduce_sum3A_276 [2] : vector<12x128x1xf32> to vector<12x128xf32>
    %neg3A = arith.constant 0.000000e+00 : f32
    %neg3A_278 = vector.broadcast %neg3A : f32 to vector<12x128xf32>
    %neg3A_279 = arith.subf %neg3A_278, %reduce_sum3A_268 : vector<12x128xf32>
    %exp3A = math.exp %neg3A_279 : vector<12x128xf32>
    %add3A = arith.constant 1.000000e+00 : f32
    %add3A_280 = vector.broadcast %add3A : f32 to vector<12x128xf32>
    %add3A_281 = arith.addf %add3A_280, %exp3A : vector<12x128xf32>
    %div3A_282 = arith.constant 1.000000e+00 : f32
    %div3A_283 = vector.broadcast %div3A_282 : f32 to vector<12x128xf32>
    %div3A_284 = arith.divf %div3A_283, %add3A_281 : vector<12x128xf32>
    %mul3A_285 = arith.constant 2.000000e+00 : f32
    %mul3A_286 = vector.broadcast %mul3A_285 : f32 to vector<12x128xf32>
    %mul3A_287 = arith.mulf %div3A_284, %mul3A_286 : vector<12x128xf32>
    %sub3A_288 = arith.constant 5.000000e-01 : f32
    %sub3A_289 = vector.broadcast %sub3A_288 : f32 to vector<12x128xf32>
    %sub3A_290 = arith.subf %mul3A_287, %sub3A_289 : vector<12x128xf32>
    %neg3A_291 = arith.constant 0.000000e+00 : f32
    %neg3A_292 = vector.broadcast %neg3A_291 : f32 to vector<12x128xf32>
    %neg3A_293 = arith.subf %neg3A_292, %reduce_sum3A_271 : vector<12x128xf32>
    %exp3A_294 = math.exp %neg3A_293 : vector<12x128xf32>
    %add3A_295 = arith.constant 1.000000e+00 : f32
    %add3A_296 = vector.broadcast %add3A_295 : f32 to vector<12x128xf32>
    %add3A_297 = arith.addf %add3A_296, %exp3A_294 : vector<12x128xf32>
    %div3A_298 = arith.constant 1.000000e+00 : f32
    %div3A_299 = vector.broadcast %div3A_298 : f32 to vector<12x128xf32>
    %div3A_300 = arith.divf %div3A_299, %add3A_297 : vector<12x128xf32>
    %mul3A_301 = arith.constant 2.000000e+00 : f32
    %mul3A_302 = vector.broadcast %mul3A_301 : f32 to vector<12x128xf32>
    %mul3A_303 = arith.mulf %div3A_300, %mul3A_302 : vector<12x128xf32>
    %sub3A_304 = arith.constant 5.000000e-01 : f32
    %sub3A_305 = vector.broadcast %sub3A_304 : f32 to vector<12x128xf32>
    %sub3A_306 = arith.subf %mul3A_303, %sub3A_305 : vector<12x128xf32>
    %neg3A_307 = arith.constant 0.000000e+00 : f32
    %neg3A_308 = vector.broadcast %neg3A_307 : f32 to vector<12x128xf32>
    %neg3A_309 = arith.subf %neg3A_308, %reduce_sum3A_274 : vector<12x128xf32>
    %exp3A_310 = math.exp %neg3A_309 : vector<12x128xf32>
    %add3A_311 = arith.constant 1.000000e+00 : f32
    %add3A_312 = vector.broadcast %add3A_311 : f32 to vector<12x128xf32>
    %add3A_313 = arith.addf %add3A_312, %exp3A_310 : vector<12x128xf32>
    %div3A_314 = arith.constant 1.000000e+00 : f32
    %div3A_315 = vector.broadcast %div3A_314 : f32 to vector<12x128xf32>
    %div3A_316 = arith.divf %div3A_315, %add3A_313 : vector<12x128xf32>
    %mul3A_317 = arith.constant 2.000000e+00 : f32
    %mul3A_318 = vector.broadcast %mul3A_317 : f32 to vector<12x128xf32>
    %mul3A_319 = arith.mulf %div3A_316, %mul3A_318 : vector<12x128xf32>
    %neg3A_320 = arith.constant 0.000000e+00 : f32
    %neg3A_321 = vector.broadcast %neg3A_320 : f32 to vector<12x128xf32>
    %neg3A_322 = arith.subf %neg3A_321, %reduce_sum3A_277 : vector<12x128xf32>
    %exp3A_323 = math.exp %neg3A_322 : vector<12x128xf32>
    %add3A_324 = arith.constant 1.000000e+00 : f32
    %add3A_325 = vector.broadcast %add3A_324 : f32 to vector<12x128xf32>
    %add3A_326 = arith.addf %add3A_325, %exp3A_323 : vector<12x128xf32>
    %div3A_327 = arith.constant 1.000000e+00 : f32
    %div3A_328 = vector.broadcast %div3A_327 : f32 to vector<12x128xf32>
    %div3A_329 = arith.divf %div3A_328, %add3A_326 : vector<12x128xf32>
    %mul3A_330 = arith.constant 2.000000e+00 : f32
    %mul3A_331 = vector.broadcast %mul3A_330 : f32 to vector<12x128xf32>
    %mul3A_332 = arith.mulf %div3A_329, %mul3A_331 : vector<12x128xf32>
    %mul3A_333 = arith.mulf %mul3A_319, %mul3A_319 : vector<12x128xf32>
    %mul3A_334 = arith.mulf %mul3A_333, %select_n3A_59 : vector<12x128xf32>
    %mul3A_335 = arith.mulf %mul3A_332, %mul3A_332 : vector<12x128xf32>
    %mul3A_336 = arith.mulf %mul3A_335, %select_n3A_73 : vector<12x128xf32>
    %mul3A_337 = arith.constant 5.000000e-01 : f32
    %mul3A_338 = vector.broadcast %mul3A_337 : f32 to vector<12x128xf32>
    %mul3A_339 = arith.mulf %mul3A_334, %mul3A_338 : vector<12x128xf32>
    %sub3A_340 = arith.subf %sub3A_290, %mul3A_339 : vector<12x128xf32>
    %mul3A_341 = arith.constant 5.000000e-01 : f32
    %mul3A_342 = vector.broadcast %mul3A_341 : f32 to vector<12x128xf32>
    %mul3A_343 = arith.mulf %mul3A_334, %mul3A_342 : vector<12x128xf32>
    %add3A_344 = arith.addf %sub3A_290, %mul3A_343 : vector<12x128xf32>
    %mul3A_345 = arith.constant 5.000000e-01 : f32
    %mul3A_346 = vector.broadcast %mul3A_345 : f32 to vector<12x128xf32>
    %mul3A_347 = arith.mulf %mul3A_336, %mul3A_346 : vector<12x128xf32>
    %sub3A_348 = arith.subf %sub3A_306, %mul3A_347 : vector<12x128xf32>
    %mul3A_349 = arith.constant 5.000000e-01 : f32
    %mul3A_350 = vector.broadcast %mul3A_349 : f32 to vector<12x128xf32>
    %mul3A_351 = arith.mulf %mul3A_336, %mul3A_350 : vector<12x128xf32>
    %add3A_352 = arith.addf %sub3A_306, %mul3A_351 : vector<12x128xf32>
    %mul3A_353 = arith.constant 5.000000e-01 : f32
    %mul3A_354 = vector.broadcast %mul3A_353 : f32 to vector<12x128xf32>
    %mul3A_355 = arith.mulf %mul3A_46, %mul3A_354 : vector<12x128xf32>
    %sub3A_356 = arith.subf %sub3A_258, %mul3A_355 : vector<12x128xf32>
    %mul3A_357 = arith.constant 5.000000e-01 : f32
    %mul3A_358 = vector.broadcast %mul3A_357 : f32 to vector<12x128xf32>
    %mul3A_359 = arith.mulf %mul3A_46, %mul3A_358 : vector<12x128xf32>
    %add3A_360 = arith.addf %sub3A_258, %mul3A_359 : vector<12x128xf32>
    %mul3A_361 = arith.constant 5.000000e-01 : f32
    %mul3A_362 = vector.broadcast %mul3A_361 : f32 to vector<12x128xf32>
    %mul3A_363 = arith.mulf %mul3A_49, %mul3A_362 : vector<12x128xf32>
    %sub3A_364 = arith.subf %sub3A_260, %mul3A_363 : vector<12x128xf32>
    %mul3A_365 = arith.constant 5.000000e-01 : f32
    %mul3A_366 = vector.broadcast %mul3A_365 : f32 to vector<12x128xf32>
    %mul3A_367 = arith.mulf %mul3A_49, %mul3A_366 : vector<12x128xf32>
    %add3A_368 = arith.addf %sub3A_260, %mul3A_367 : vector<12x128xf32>
    %min3A = arith.minimumf %add3A_344, %add3A_360 : vector<12x128xf32>
    %max3A_369 = arith.maximumf %sub3A_340, %sub3A_356 : vector<12x128xf32>
    %sub3A_370 = arith.subf %min3A, %max3A_369 : vector<12x128xf32>
    %jit3A_371 = arith.constant 0.000000e+00 : f32
    %max3A_372 = vector.broadcast %jit3A_371 : f32 to vector<12x128xf32>
    %max3A_373 = arith.maximumf %max3A_372, %sub3A_370 : vector<12x128xf32>
    %min3A_374 = arith.minimumf %add3A_352, %add3A_368 : vector<12x128xf32>
    %max3A_375 = arith.maximumf %sub3A_348, %sub3A_364 : vector<12x128xf32>
    %sub3A_376 = arith.subf %min3A_374, %max3A_375 : vector<12x128xf32>
    %jit3A_377 = arith.constant 0.000000e+00 : f32
    %max3A_378 = vector.broadcast %jit3A_377 : f32 to vector<12x128xf32>
    %max3A_379 = arith.maximumf %max3A_378, %sub3A_376 : vector<12x128xf32>
    %mul3A_380 = arith.mulf %max3A_373, %max3A_379 : vector<12x128xf32>
    %mul3A_381 = arith.mulf %mul3A_334, %mul3A_336 : vector<12x128xf32>
    %mul3A_382 = arith.mulf %mul3A_46, %mul3A_49 : vector<12x128xf32>
    %add3A_383 = arith.addf %mul3A_381, %mul3A_382 : vector<12x128xf32>
    %sub3A_384 = arith.subf %add3A_383, %mul3A_380 : vector<12x128xf32>
    %add3A_385 = arith.constant 1.000000e-07 : f32
    %add3A_386 = vector.broadcast %add3A_385 : f32 to vector<12x128xf32>
    %add3A_387 = arith.addf %sub3A_384, %add3A_386 : vector<12x128xf32>
    %div3A_388 = arith.divf %mul3A_380, %add3A_387 : vector<12x128xf32>
    %max3A_389 = arith.maximumf %add3A_344, %add3A_360 : vector<12x128xf32>
    %min3A_390 = arith.minimumf %sub3A_340, %sub3A_356 : vector<12x128xf32>
    %sub3A_391 = arith.subf %max3A_389, %min3A_390 : vector<12x128xf32>
    %max3A_392 = arith.maximumf %add3A_352, %add3A_368 : vector<12x128xf32>
    %min3A_393 = arith.minimumf %sub3A_348, %sub3A_364 : vector<12x128xf32>
    %sub3A_394 = arith.subf %max3A_392, %min3A_393 : vector<12x128xf32>
    %mul3A_395 = arith.mulf %sub3A_391, %sub3A_391 : vector<12x128xf32>
    %mul3A_396 = arith.mulf %sub3A_394, %sub3A_394 : vector<12x128xf32>
    %add3A_397 = arith.addf %mul3A_395, %mul3A_396 : vector<12x128xf32>
    %add3A_398 = arith.constant 1.000000e-07 : f32
    %add3A_399 = vector.broadcast %add3A_398 : f32 to vector<12x128xf32>
    %add3A_400 = arith.addf %add3A_397, %add3A_399 : vector<12x128xf32>
    %add3A_401 = arith.addf %sub3A_356, %add3A_360 : vector<12x128xf32>
    %sub3A_402 = arith.subf %add3A_401, %sub3A_340 : vector<12x128xf32>
    %sub3A_403 = arith.subf %sub3A_402, %add3A_344 : vector<12x128xf32>
    %integer_pow3A = arith.mulf %sub3A_403, %sub3A_403 : vector<12x128xf32>
    %add3A_404 = arith.addf %sub3A_364, %add3A_368 : vector<12x128xf32>
    %sub3A_405 = arith.subf %add3A_404, %sub3A_348 : vector<12x128xf32>
    %sub3A_406 = arith.subf %sub3A_405, %add3A_352 : vector<12x128xf32>
    %integer_pow3A_407 = arith.mulf %sub3A_406, %sub3A_406 : vector<12x128xf32>
    %add3A_408 = arith.addf %integer_pow3A, %integer_pow3A_407 : vector<12x128xf32>
    %mul3A_409 = arith.constant 2.500000e-01 : f32
    %mul3A_410 = vector.broadcast %mul3A_409 : f32 to vector<12x128xf32>
    %mul3A_411 = arith.mulf %add3A_408, %mul3A_410 : vector<12x128xf32>
    %add3A_412 = arith.constant 1.000000e-07 : f32
    %add3A_413 = vector.broadcast %add3A_412 : f32 to vector<12x128xf32>
    %add3A_414 = arith.addf %mul3A_49, %add3A_413 : vector<12x128xf32>
    %div3A_415 = arith.divf %mul3A_46, %add3A_414 : vector<12x128xf32>
    %div3A_416 = arith.constant 1.000000e+00 : f32
    %div3A_417 = vector.broadcast %div3A_416 : f32 to vector<12x128xf32>
    %div3A_418 = arith.divf %div3A_417, %div3A_415 : vector<12x128xf32>
    %min3A_419 = arith.minimumf %div3A_415, %div3A_418 : vector<12x128xf32>
    %mul3A_420 = arith.mulf %min3A_419, %min3A_419 : vector<12x128xf32>
    %broadcast_in_dim3A_421 = arith.constant 0.00116812636 : f32
    %broadcast_in_dim3A_422 = vector.broadcast %broadcast_in_dim3A_421 : f32 to vector<12x128xf32>
    %mul3A_423 = arith.mulf %broadcast_in_dim3A_422, %mul3A_420 : vector<12x128xf32>
    %add3A_424 = arith.constant -0.00756849907 : f32
    %add3A_425 = vector.broadcast %add3A_424 : f32 to vector<12x128xf32>
    %add3A_426 = arith.addf %mul3A_423, %add3A_425 : vector<12x128xf32>
    %mul3A_427 = arith.mulf %add3A_426, %mul3A_420 : vector<12x128xf32>
    %add3A_428 = arith.constant 0.023024166 : f32
    %add3A_429 = vector.broadcast %add3A_428 : f32 to vector<12x128xf32>
    %add3A_430 = arith.addf %mul3A_427, %add3A_429 : vector<12x128xf32>
    %mul3A_431 = arith.mulf %add3A_430, %mul3A_420 : vector<12x128xf32>
    %add3A_432 = arith.constant -0.0451981686 : f32
    %add3A_433 = vector.broadcast %add3A_432 : f32 to vector<12x128xf32>
    %add3A_434 = arith.addf %mul3A_431, %add3A_433 : vector<12x128xf32>
    %mul3A_435 = arith.mulf %add3A_434, %mul3A_420 : vector<12x128xf32>
    %add3A_436 = arith.constant 0.0677286536 : f32
    %add3A_437 = vector.broadcast %add3A_436 : f32 to vector<12x128xf32>
    %add3A_438 = arith.addf %mul3A_435, %add3A_437 : vector<12x128xf32>
    %mul3A_439 = arith.mulf %add3A_438, %mul3A_420 : vector<12x128xf32>
    %add3A_440 = arith.constant -0.0882239267 : f32
    %add3A_441 = vector.broadcast %add3A_440 : f32 to vector<12x128xf32>
    %add3A_442 = arith.addf %mul3A_439, %add3A_441 : vector<12x128xf32>
    %mul3A_443 = arith.mulf %add3A_442, %mul3A_420 : vector<12x128xf32>
    %add3A_444 = arith.constant 0.110604577 : f32
    %add3A_445 = vector.broadcast %add3A_444 : f32 to vector<12x128xf32>
    %add3A_446 = arith.addf %mul3A_443, %add3A_445 : vector<12x128xf32>
    %mul3A_447 = arith.mulf %add3A_446, %mul3A_420 : vector<12x128xf32>
    %add3A_448 = arith.constant -0.142800182 : f32
    %add3A_449 = vector.broadcast %add3A_448 : f32 to vector<12x128xf32>
    %add3A_450 = arith.addf %mul3A_447, %add3A_449 : vector<12x128xf32>
    %mul3A_451 = arith.mulf %add3A_450, %mul3A_420 : vector<12x128xf32>
    %add3A_452 = arith.constant 0.199996665 : f32
    %add3A_453 = vector.broadcast %add3A_452 : f32 to vector<12x128xf32>
    %add3A_454 = arith.addf %mul3A_451, %add3A_453 : vector<12x128xf32>
    %mul3A_455 = arith.mulf %add3A_454, %mul3A_420 : vector<12x128xf32>
    %add3A_456 = arith.constant -0.333333254 : f32
    %add3A_457 = vector.broadcast %add3A_456 : f32 to vector<12x128xf32>
    %add3A_458 = arith.addf %mul3A_455, %add3A_457 : vector<12x128xf32>
    %mul3A_459 = arith.mulf %add3A_458, %mul3A_420 : vector<12x128xf32>
    %add3A_460 = arith.constant 1.000000e+00 : f32
    %add3A_461 = vector.broadcast %add3A_460 : f32 to vector<12x128xf32>
    %add3A_462 = arith.addf %mul3A_459, %add3A_461 : vector<12x128xf32>
    %mul3A_463 = arith.mulf %min3A_419, %add3A_462 : vector<12x128xf32>
    %gt3A_464 = arith.constant 1.000000e+00 : f32
    %gt3A_465 = vector.broadcast %gt3A_464 : f32 to vector<12x128xf32>
    %gt3A_466 = arith.cmpf ogt, %div3A_415, %gt3A_465 : vector<12x128xf32>
    %sub3A_467 = arith.constant 1.57079637 : f32
    %sub3A_468 = vector.broadcast %sub3A_467 : f32 to vector<12x128xf32>
    %sub3A_469 = arith.subf %sub3A_468, %mul3A_463 : vector<12x128xf32>
    %select_n3A_470 = arith.select %gt3A_466, %sub3A_469, %mul3A_463 : vector<12x128xi1>, vector<12x128xf32>
    %add3A_471 = arith.constant 1.000000e-07 : f32
    %add3A_472 = vector.broadcast %add3A_471 : f32 to vector<12x128xf32>
    %add3A_473 = arith.addf %mul3A_336, %add3A_472 : vector<12x128xf32>
    %div3A_474 = arith.divf %mul3A_334, %add3A_473 : vector<12x128xf32>
    %div3A_475 = arith.constant 1.000000e+00 : f32
    %div3A_476 = vector.broadcast %div3A_475 : f32 to vector<12x128xf32>
    %div3A_477 = arith.divf %div3A_476, %div3A_474 : vector<12x128xf32>
    %min3A_478 = arith.minimumf %div3A_474, %div3A_477 : vector<12x128xf32>
    %mul3A_479 = arith.mulf %min3A_478, %min3A_478 : vector<12x128xf32>
    %broadcast_in_dim3A_480 = arith.constant 0.00116812636 : f32
    %broadcast_in_dim3A_481 = vector.broadcast %broadcast_in_dim3A_480 : f32 to vector<12x128xf32>
    %mul3A_482 = arith.mulf %broadcast_in_dim3A_481, %mul3A_479 : vector<12x128xf32>
    %add3A_483 = arith.constant -0.00756849907 : f32
    %add3A_484 = vector.broadcast %add3A_483 : f32 to vector<12x128xf32>
    %add3A_485 = arith.addf %mul3A_482, %add3A_484 : vector<12x128xf32>
    %mul3A_486 = arith.mulf %add3A_485, %mul3A_479 : vector<12x128xf32>
    %add3A_487 = arith.constant 0.023024166 : f32
    %add3A_488 = vector.broadcast %add3A_487 : f32 to vector<12x128xf32>
    %add3A_489 = arith.addf %mul3A_486, %add3A_488 : vector<12x128xf32>
    %mul3A_490 = arith.mulf %add3A_489, %mul3A_479 : vector<12x128xf32>
    %add3A_491 = arith.constant -0.0451981686 : f32
    %add3A_492 = vector.broadcast %add3A_491 : f32 to vector<12x128xf32>
    %add3A_493 = arith.addf %mul3A_490, %add3A_492 : vector<12x128xf32>
    %mul3A_494 = arith.mulf %add3A_493, %mul3A_479 : vector<12x128xf32>
    %add3A_495 = arith.constant 0.0677286536 : f32
    %add3A_496 = vector.broadcast %add3A_495 : f32 to vector<12x128xf32>
    %add3A_497 = arith.addf %mul3A_494, %add3A_496 : vector<12x128xf32>
    %mul3A_498 = arith.mulf %add3A_497, %mul3A_479 : vector<12x128xf32>
    %add3A_499 = arith.constant -0.0882239267 : f32
    %add3A_500 = vector.broadcast %add3A_499 : f32 to vector<12x128xf32>
    %add3A_501 = arith.addf %mul3A_498, %add3A_500 : vector<12x128xf32>
    %mul3A_502 = arith.mulf %add3A_501, %mul3A_479 : vector<12x128xf32>
    %add3A_503 = arith.constant 0.110604577 : f32
    %add3A_504 = vector.broadcast %add3A_503 : f32 to vector<12x128xf32>
    %add3A_505 = arith.addf %mul3A_502, %add3A_504 : vector<12x128xf32>
    %mul3A_506 = arith.mulf %add3A_505, %mul3A_479 : vector<12x128xf32>
    %add3A_507 = arith.constant -0.142800182 : f32
    %add3A_508 = vector.broadcast %add3A_507 : f32 to vector<12x128xf32>
    %add3A_509 = arith.addf %mul3A_506, %add3A_508 : vector<12x128xf32>
    %mul3A_510 = arith.mulf %add3A_509, %mul3A_479 : vector<12x128xf32>
    %add3A_511 = arith.constant 0.199996665 : f32
    %add3A_512 = vector.broadcast %add3A_511 : f32 to vector<12x128xf32>
    %add3A_513 = arith.addf %mul3A_510, %add3A_512 : vector<12x128xf32>
    %mul3A_514 = arith.mulf %add3A_513, %mul3A_479 : vector<12x128xf32>
    %add3A_515 = arith.constant -0.333333254 : f32
    %add3A_516 = vector.broadcast %add3A_515 : f32 to vector<12x128xf32>
    %add3A_517 = arith.addf %mul3A_514, %add3A_516 : vector<12x128xf32>
    %mul3A_518 = arith.mulf %add3A_517, %mul3A_479 : vector<12x128xf32>
    %add3A_519 = arith.constant 1.000000e+00 : f32
    %add3A_520 = vector.broadcast %add3A_519 : f32 to vector<12x128xf32>
    %add3A_521 = arith.addf %mul3A_518, %add3A_520 : vector<12x128xf32>
    %mul3A_522 = arith.mulf %min3A_478, %add3A_521 : vector<12x128xf32>
    %gt3A_523 = arith.constant 1.000000e+00 : f32
    %gt3A_524 = vector.broadcast %gt3A_523 : f32 to vector<12x128xf32>
    %gt3A_525 = arith.cmpf ogt, %div3A_474, %gt3A_524 : vector<12x128xf32>
    %sub3A_526 = arith.constant 1.57079637 : f32
    %sub3A_527 = vector.broadcast %sub3A_526 : f32 to vector<12x128xf32>
    %sub3A_528 = arith.subf %sub3A_527, %mul3A_522 : vector<12x128xf32>
    %select_n3A_529 = arith.select %gt3A_525, %sub3A_528, %mul3A_522 : vector<12x128xi1>, vector<12x128xf32>
    %sub3A_530 = arith.subf %select_n3A_470, %select_n3A_529 : vector<12x128xf32>
    %mul3A_531 = arith.constant 0.405284733 : f32
    %mul3A_532 = vector.broadcast %mul3A_531 : f32 to vector<12x128xf32>
    %mul3A_533 = arith.mulf %mul3A_532, %sub3A_530 : vector<12x128xf32>
    %mul3A_534 = arith.mulf %mul3A_533, %sub3A_530 : vector<12x128xf32>
    %sub3A_535 = arith.subf %mul3A_534, %div3A_388 : vector<12x128xf32>
    %add3A_536 = arith.constant 1.00000012 : f32
    %add3A_537 = vector.broadcast %add3A_536 : f32 to vector<12x128xf32>
    %add3A_538 = arith.addf %sub3A_535, %add3A_537 : vector<12x128xf32>
    %div3A_539 = arith.divf %mul3A_534, %add3A_538 : vector<12x128xf32>
    %div3A_540 = arith.divf %mul3A_411, %add3A_400 : vector<12x128xf32>
    %mul3A_541 = arith.mulf %mul3A_534, %div3A_539 : vector<12x128xf32>
    %add3A_542 = arith.addf %div3A_540, %mul3A_541 : vector<12x128xf32>
    %sub3A_543 = arith.subf %div3A_388, %add3A_542 : vector<12x128xf32>
    %sub3A_544 = arith.constant 1.000000e+00 : f32
    %sub3A_545 = vector.broadcast %sub3A_544 : f32 to vector<12x128xf32>
    %sub3A_546 = arith.subf %sub3A_545, %sub3A_543 : vector<12x128xf32>
    %mul3A_547 = arith.mulf %mul3A_256, %sub3A_546 : vector<12x128xf32>
    %reduce_sum3A_548 = vector.shape_cast %mul3A_547 : vector<12x128xf32> to vector<1x12x128xf32>
    %reduce_sum3A_549 = arith.constant dense<0.000000e+00> : vector<1xf32>
    %reduce_sum3A_550 = vector.multi_reduction <add>, %reduce_sum3A_548, %reduce_sum3A_549 [1, 2] : vector<1x12x128xf32> to vector<1xf32>
    %reduce_sum3A_551 = vector.shape_cast %reduce_sum3A_550 : vector<1xf32> to vector<1x1x1xf32>
    %reduce_sum3A_552 = vector.extract %reduce_sum3A_551[0, 0, 0] : f32 from vector<1x1x1xf32>
    %neg3A_553 = arith.constant 0.000000e+00 : f32
    %neg3A_554 = vector.broadcast %neg3A_553 : f32 to vector<12x128xf32>
    %neg3A_555 = arith.subf %neg3A_554, %reduce_sum3A_265 : vector<12x128xf32>
    %exp3A_556 = math.exp %neg3A_555 : vector<12x128xf32>
    %add3A_557 = arith.constant 1.000000e+00 : f32
    %add3A_558 = vector.broadcast %add3A_557 : f32 to vector<12x128xf32>
    %add3A_559 = arith.addf %add3A_558, %exp3A_556 : vector<12x128xf32>
    %div3A_560 = arith.constant 1.000000e+00 : f32
    %div3A_561 = vector.broadcast %div3A_560 : f32 to vector<12x128xf32>
    %div3A_562 = arith.divf %div3A_561, %add3A_559 : vector<12x128xf32>
    %jit3A_563 = arith.constant 0.000000e+00 : f32
    %max3A_564 = vector.broadcast %jit3A_563 : f32 to vector<12x128xf32>
    %max3A_565 = arith.maximumf %max3A_564, %sub3A_543 : vector<12x128xf32>
    %add3A_566 = arith.constant -0.100000024 : f32
    %add3A_567 = vector.broadcast %add3A_566 : f32 to vector<12x128xf32>
    %add3A_568 = arith.addf %add3A_567, %max3A_565 : vector<12x128xf32>
    %neg3A_569 = arith.constant 0.000000e+00 : f32
    %neg3A_570 = vector.broadcast %neg3A_569 : f32 to vector<12x128xf32>
    %neg3A_571 = arith.subf %neg3A_570, %div3A_562 : vector<12x128xf32>
    %exp3A_572 = math.exp %neg3A_571 : vector<12x128xf32>
    %add3A_573 = arith.constant 1.000000e+00 : f32
    %add3A_574 = vector.broadcast %add3A_573 : f32 to vector<12x128xf32>
    %add3A_575 = arith.addf %add3A_574, %exp3A_572 : vector<12x128xf32>
    %div3A_576 = arith.constant 1.000000e+00 : f32
    %div3A_577 = vector.broadcast %div3A_576 : f32 to vector<12x128xf32>
    %div3A_578 = arith.divf %div3A_577, %add3A_575 : vector<12x128xf32>
    %mul3A_579 = arith.mulf %add3A_568, %div3A_578 : vector<12x128xf32>
    %sub3A_580 = arith.constant 1.000000e+00 : f32
    %sub3A_581 = vector.broadcast %sub3A_580 : f32 to vector<12x128xf32>
    %sub3A_582 = arith.subf %sub3A_581, %add3A_568 : vector<12x128xf32>
    %sub3A_583 = arith.constant 1.000000e+00 : f32
    %sub3A_584 = vector.broadcast %sub3A_583 : f32 to vector<12x128xf32>
    %sub3A_585 = arith.subf %sub3A_584, %div3A_578 : vector<12x128xf32>
    %mul3A_586 = arith.mulf %sub3A_582, %sub3A_585 : vector<12x128xf32>
    %add3A_587 = arith.addf %mul3A_579, %mul3A_586 : vector<12x128xf32>
    %mul3A_588 = arith.constant 2.500000e-01 : f32
    %mul3A_589 = vector.broadcast %mul3A_588 : f32 to vector<12x128xf32>
    %mul3A_590 = arith.mulf %mul3A_589, %add3A_568 : vector<12x128xf32>
    %sub3A_591 = arith.constant 1.000000e+00 : f32
    %sub3A_592 = vector.broadcast %sub3A_591 : f32 to vector<12x128xf32>
    %sub3A_593 = arith.subf %sub3A_592, %add3A_568 : vector<12x128xf32>
    %mul3A_594 = arith.constant 7.500000e-01 : f32
    %mul3A_595 = vector.broadcast %mul3A_594 : f32 to vector<12x128xf32>
    %mul3A_596 = arith.mulf %mul3A_595, %sub3A_593 : vector<12x128xf32>
    %add3A_597 = arith.addf %mul3A_590, %mul3A_596 : vector<12x128xf32>
    %sub3A_598 = arith.constant 1.000000e+00 : f32
    %sub3A_599 = vector.broadcast %sub3A_598 : f32 to vector<12x128xf32>
    %sub3A_600 = arith.subf %sub3A_599, %add3A_587 : vector<12x128xf32>
    %mul3A_601 = arith.mulf %add3A_597, %sub3A_600 : vector<12x128xf32>
    %mul3A_602 = arith.mulf %mul3A_601, %sub3A_600 : vector<12x128xf32>
    %mul3A_603 = arith.mulf %div3A_562, %add3A_568 : vector<12x128xf32>
    %sub3A_604 = arith.subf %div3A_562, %mul3A_603 : vector<12x128xf32>
    %neg3A_605 = arith.constant 0.000000e+00 : f32
    %neg3A_606 = vector.broadcast %neg3A_605 : f32 to vector<12x128xf32>
    %neg3A_607 = arith.subf %neg3A_606, %div3A_562 : vector<12x128xf32>
    %exp3A_608 = math.exp %neg3A_607 : vector<12x128xf32>
    %log1p3A = math.log1p %exp3A_608 : vector<12x128xf32>
    %add3A_609 = arith.addf %sub3A_604, %log1p3A : vector<12x128xf32>
    %mul3A_610 = arith.mulf %mul3A_602, %add3A_609 : vector<12x128xf32>
    %neg3A_611 = arith.constant 0.000000e+00 : f32
    %neg3A_612 = vector.broadcast %neg3A_611 : f32 to vector<12x128xf32>
    %neg3A_613 = arith.subf %neg3A_612, %div3A_562 : vector<12x128xf32>
    %exp3A_614 = math.exp %neg3A_613 : vector<12x128xf32>
    %add3A_615 = arith.constant 1.000000e+00 : f32
    %add3A_616 = vector.broadcast %add3A_615 : f32 to vector<12x128xf32>
    %add3A_617 = arith.addf %add3A_616, %exp3A_614 : vector<12x128xf32>
    %div3A_618 = arith.constant 1.000000e+00 : f32
    %div3A_619 = vector.broadcast %div3A_618 : f32 to vector<12x128xf32>
    %div3A_620 = arith.divf %div3A_619, %add3A_617 : vector<12x128xf32>
    %mul3A_621 = arith.constant 1.000000e-01 : f32
    %mul3A_622 = vector.broadcast %mul3A_621 : f32 to vector<12x128xf32>
    %mul3A_623 = arith.mulf %mul3A_622, %div3A_620 : vector<12x128xf32>
    %sub3A_624 = arith.constant 1.000000e+00 : f32
    %sub3A_625 = vector.broadcast %sub3A_624 : f32 to vector<12x128xf32>
    %sub3A_626 = arith.subf %sub3A_625, %div3A_620 : vector<12x128xf32>
    %mul3A_627 = arith.constant 0.899999976 : f32
    %mul3A_628 = vector.broadcast %mul3A_627 : f32 to vector<12x128xf32>
    %mul3A_629 = arith.mulf %mul3A_628, %sub3A_626 : vector<12x128xf32>
    %add3A_630 = arith.addf %mul3A_623, %mul3A_629 : vector<12x128xf32>
    %sub3A_631 = arith.constant 1.000000e+00 : f32
    %sub3A_632 = vector.broadcast %sub3A_631 : f32 to vector<12x128xf32>
    %sub3A_633 = arith.subf %sub3A_632, %add3A_630 : vector<12x128xf32>
    %mul3A_634 = arith.constant 0.699999928 : f32
    %mul3A_635 = vector.broadcast %mul3A_634 : f32 to vector<12x128xf32>
    %mul3A_636 = arith.mulf %mul3A_635, %sub3A_633 : vector<12x128xf32>
    %mul3A_637 = arith.mulf %mul3A_636, %sub3A_633 : vector<12x128xf32>
    %mul3A_638 = arith.constant 1.000000e-01 : f32
    %mul3A_639 = vector.broadcast %mul3A_638 : f32 to vector<12x128xf32>
    %mul3A_640 = arith.mulf %div3A_562, %mul3A_639 : vector<12x128xf32>
    %sub3A_641 = arith.subf %div3A_562, %mul3A_640 : vector<12x128xf32>
    %neg3A_642 = arith.constant 0.000000e+00 : f32
    %neg3A_643 = vector.broadcast %neg3A_642 : f32 to vector<12x128xf32>
    %neg3A_644 = arith.subf %neg3A_643, %div3A_562 : vector<12x128xf32>
    %exp3A_645 = math.exp %neg3A_644 : vector<12x128xf32>
    %log1p3A_646 = math.log1p %exp3A_645 : vector<12x128xf32>
    %add3A_647 = arith.addf %sub3A_641, %log1p3A_646 : vector<12x128xf32>
    %mul3A_648 = arith.mulf %mul3A_637, %add3A_647 : vector<12x128xf32>
    %sub3A_649 = arith.subf %mul3A_610, %mul3A_648 : vector<12x128xf32>
    %mul3A_650 = arith.mulf %mul3A_256, %sub3A_649 : vector<12x128xf32>
    %reduce_sum3A_651 = vector.shape_cast %mul3A_650 : vector<12x128xf32> to vector<1x12x128xf32>
    %reduce_sum3A_652 = arith.constant dense<0.000000e+00> : vector<1xf32>
    %reduce_sum3A_653 = vector.multi_reduction <add>, %reduce_sum3A_651, %reduce_sum3A_652 [1, 2] : vector<1x12x128xf32> to vector<1xf32>
    %reduce_sum3A_654 = vector.shape_cast %reduce_sum3A_653 : vector<1xf32> to vector<1x1x1xf32>
    %reduce_sum3A_655 = vector.extract %reduce_sum3A_654[0, 0, 0] : f32 from vector<1x1x1xf32>
    %slice3A_656 = vector.extract_strided_slice %get3A_264 {offsets = [0, 0, 5], sizes = [12, 128, 80], strides = [1, 1, 1]} : vector<12x128x85xf32> to vector<12x128x80xf32>
    %neg3A_657 = arith.constant 0.000000e+00 : f32
    %neg3A_658 = vector.broadcast %neg3A_657 : f32 to vector<12x128x80xf32>
    %neg3A_659 = arith.subf %neg3A_658, %slice3A_656 : vector<12x128x80xf32>
    %exp3A_660 = math.exp %neg3A_659 : vector<12x128x80xf32>
    %add3A_661 = arith.constant 1.000000e+00 : f32
    %add3A_662 = vector.broadcast %add3A_661 : f32 to vector<12x128x80xf32>
    %add3A_663 = arith.addf %add3A_662, %exp3A_660 : vector<12x128x80xf32>
    %div3A_664 = arith.constant 1.000000e+00 : f32
    %div3A_665 = vector.broadcast %div3A_664 : f32 to vector<12x128x80xf32>
    %div3A_666 = arith.divf %div3A_665, %add3A_663 : vector<12x128x80xf32>
    %neg3A_667 = arith.constant 0.000000e+00 : f32
    %neg3A_668 = vector.broadcast %neg3A_667 : f32 to vector<12x128x80xf32>
    %neg3A_669 = arith.subf %neg3A_668, %div3A_666 : vector<12x128x80xf32>
    %exp3A_670 = math.exp %neg3A_669 : vector<12x128x80xf32>
    %add3A_671 = arith.constant 1.000000e+00 : f32
    %add3A_672 = vector.broadcast %add3A_671 : f32 to vector<12x128x80xf32>
    %add3A_673 = arith.addf %add3A_672, %exp3A_670 : vector<12x128x80xf32>
    %div3A_674 = arith.constant 1.000000e+00 : f32
    %div3A_675 = vector.broadcast %div3A_674 : f32 to vector<12x128x80xf32>
    %div3A_676 = arith.divf %div3A_675, %add3A_673 : vector<12x128x80xf32>
    %sub3A_677 = arith.constant 1.000000e-01 : f32
    %sub3A_678 = vector.broadcast %sub3A_677 : f32 to vector<12x128x80xf32>
    %sub3A_679 = arith.subf %sub3A_678, %div3A_676 : vector<12x128x80xf32>
    %max3A_680 = arith.constant 0.000000e+00 : f32
    %max3A_681 = vector.broadcast %max3A_680 : f32 to vector<12x128x80xf32>
    %max3A_682 = arith.maximumf %div3A_666, %max3A_681 : vector<12x128x80xf32>
    %mul3A_683 = arith.constant 1.000000e-01 : f32
    %mul3A_684 = vector.broadcast %mul3A_683 : f32 to vector<12x128x80xf32>
    %mul3A_685 = arith.mulf %div3A_666, %mul3A_684 : vector<12x128x80xf32>
    %sub3A_686 = arith.subf %max3A_682, %mul3A_685 : vector<12x128x80xf32>
    %abs3A = math.absf %div3A_666 : vector<12x128x80xf32>
    %neg3A_687 = arith.constant 0.000000e+00 : f32
    %neg3A_688 = vector.broadcast %neg3A_687 : f32 to vector<12x128x80xf32>
    %neg3A_689 = arith.subf %neg3A_688, %abs3A : vector<12x128x80xf32>
    %exp3A_690 = math.exp %neg3A_689 : vector<12x128x80xf32>
    %log1p3A_691 = math.log1p %exp3A_690 : vector<12x128x80xf32>
    %add3A_692 = arith.addf %sub3A_686, %log1p3A_691 : vector<12x128x80xf32>
    %mul3A_693 = arith.constant 7.500000e-01 : f32
    %mul3A_694 = vector.broadcast %mul3A_693 : f32 to vector<12x128x80xf32>
    %mul3A_695 = arith.mulf %mul3A_694, %sub3A_679 : vector<12x128x80xf32>
    %mul3A_696 = arith.mulf %mul3A_695, %sub3A_679 : vector<12x128x80xf32>
    %mul3A_697 = arith.mulf %mul3A_696, %add3A_692 : vector<12x128x80xf32>
    %sub3A_698 = arith.constant 0.899999976 : f32
    %sub3A_699 = vector.broadcast %sub3A_698 : f32 to vector<12x128x80xf32>
    %sub3A_700 = arith.subf %sub3A_699, %div3A_676 : vector<12x128x80xf32>
    %max3A_701 = arith.constant 0.000000e+00 : f32
    %max3A_702 = vector.broadcast %max3A_701 : f32 to vector<12x128x80xf32>
    %max3A_703 = arith.maximumf %div3A_666, %max3A_702 : vector<12x128x80xf32>
    %mul3A_704 = arith.constant 0.899999976 : f32
    %mul3A_705 = vector.broadcast %mul3A_704 : f32 to vector<12x128x80xf32>
    %mul3A_706 = arith.mulf %div3A_666, %mul3A_705 : vector<12x128x80xf32>
    %sub3A_707 = arith.subf %max3A_703, %mul3A_706 : vector<12x128x80xf32>
    %abs3A_708 = math.absf %div3A_666 : vector<12x128x80xf32>
    %neg3A_709 = arith.constant 0.000000e+00 : f32
    %neg3A_710 = vector.broadcast %neg3A_709 : f32 to vector<12x128x80xf32>
    %neg3A_711 = arith.subf %neg3A_710, %abs3A_708 : vector<12x128x80xf32>
    %exp3A_712 = math.exp %neg3A_711 : vector<12x128x80xf32>
    %log1p3A_713 = math.log1p %exp3A_712 : vector<12x128x80xf32>
    %add3A_714 = arith.addf %sub3A_707, %log1p3A_713 : vector<12x128x80xf32>
    %mul3A_715 = arith.constant 2.500000e-01 : f32
    %mul3A_716 = vector.broadcast %mul3A_715 : f32 to vector<12x128x80xf32>
    %mul3A_717 = arith.mulf %mul3A_716, %sub3A_700 : vector<12x128x80xf32>
    %mul3A_718 = arith.mulf %mul3A_717, %sub3A_700 : vector<12x128x80xf32>
    %mul3A_719 = arith.mulf %mul3A_718, %add3A_714 : vector<12x128x80xf32>
    %sub3A_720 = arith.subf %mul3A_719, %mul3A_697 : vector<12x128x80xf32>
    %iota3A = tpu.iota {dimensions = array<i32: 2>} : vector<12x128x80xi32>
    %convert_element_type3A_721 = arith.fptosi %get3A_18 : vector<12x128xf32> to vector<12x128xi32>
    %broadcast_in_dim3A_722 = vector.shape_cast %convert_element_type3A_721 : vector<12x128xi32> to vector<12x128x1xi32>
    %eq3A_723 = vector.broadcast %broadcast_in_dim3A_722 : vector<12x128x1xi32> to vector<12x128x80xi32>
    %eq3A_724 = arith.cmpi eq, %iota3A, %eq3A_723 : vector<12x128x80xi32>
    %jit3A_725 = arith.constant 0.000000e+00 : f32
    %broadcast_in_dim3A_726 = vector.broadcast %jit3A_725 : f32 to vector<12x128x80xf32>
    %select_n3A_727 = arith.select %eq3A_724, %sub3A_720, %broadcast_in_dim3A_726 : vector<12x128x80xi1>, vector<12x128x80xf32>
    %add3A_728 = arith.addf %mul3A_697, %select_n3A_727 : vector<12x128x80xf32>
    %broadcast_in_dim3A_729 = vector.shape_cast %mul3A_256 : vector<12x128xf32> to vector<12x128x1xf32>
    %mul3A_730 = vector.broadcast %broadcast_in_dim3A_729 : vector<12x128x1xf32> to vector<12x128x80xf32>
    %mul3A_731 = arith.mulf %mul3A_730, %add3A_728 : vector<12x128x80xf32>
    %reduce_sum3A_732 = vector.shape_cast %mul3A_731 : vector<12x128x80xf32> to vector<1x12x128x80xf32>
    %reduce_sum3A_733 = arith.constant dense<0.000000e+00> : vector<1xf32>
    %reduce_sum3A_734 = vector.multi_reduction <add>, %reduce_sum3A_732, %reduce_sum3A_733 [1, 2, 3] : vector<1x12x128x80xf32> to vector<1xf32>
    %reduce_sum3A_735 = vector.shape_cast %reduce_sum3A_734 : vector<1xf32> to vector<1x1x1x1xf32>
    %reduce_sum3A_736 = vector.extract %reduce_sum3A_735[0, 0, 0, 0] : f32 from vector<1x1x1x1xf32>
    %reduce_sum3A_737 = vector.shape_cast %mul3A_256 : vector<12x128xf32> to vector<1x12x128xf32>
    %reduce_sum3A_738 = arith.constant dense<0.000000e+00> : vector<1xf32>
    %reduce_sum3A_739 = vector.multi_reduction <add>, %reduce_sum3A_737, %reduce_sum3A_738 [1, 2] : vector<1x12x128xf32> to vector<1xf32>
    %reduce_sum3A_740 = vector.shape_cast %reduce_sum3A_739 : vector<1xf32> to vector<1x1x1xf32>
    %reduce_sum3A_741 = vector.extract %reduce_sum3A_740[0, 0, 0] : f32 from vector<1x1x1xf32>
    %eq3A_742 = arith.constant 0 : i32
    %eq3A_743 = arith.cmpi eq, %arg0, %eq3A_742 : i32
    %convert_element_type3A_744 = arith.extui %eq3A_743 : i1 to i32
    %cond3A = arith.constant 0 : i32
    %cond3A_745 = arith.cmpi ne, %convert_element_type3A_744, %cond3A : i32
    scf.if %cond3A_745 {
      %broadcast_in_dim3A_777 = arith.constant 0.000000e+00 : f32
      %broadcast_in_dim3A_778 = vector.broadcast %broadcast_in_dim3A_777 : f32 to vector<1x1xf32>
      %swap3A_779 = arith.constant 0 : index
      %swap3A_780 = arith.constant 0 : index
      %swap3A_781 = vector.load %arg11[%swap3A_779, %swap3A_780] : memref<1x1xf32, #tpu.memory_space<vmem>>, vector<1x1xf32>
      tpu.vector_store %arg11[%swap3A_779, %swap3A_780], %broadcast_in_dim3A_778 {strides = array<i32>} : memref<1x1xf32, #tpu.memory_space<vmem>>, vector<1x1xf32>,
      %broadcast_in_dim3A_782 = arith.constant 0.000000e+00 : f32
      %broadcast_in_dim3A_783 = vector.broadcast %broadcast_in_dim3A_782 : f32 to vector<1x1xf32>
      %swap3A_784 = arith.constant 0 : index
      %swap3A_785 = arith.constant 0 : index
      %swap3A_786 = vector.load %arg12[%swap3A_784, %swap3A_785] : memref<1x1xf32, #tpu.memory_space<vmem>>, vector<1x1xf32>
      tpu.vector_store %arg12[%swap3A_784, %swap3A_785], %broadcast_in_dim3A_783 {strides = array<i32>} : memref<1x1xf32, #tpu.memory_space<vmem>>, vector<1x1xf32>,
      %broadcast_in_dim3A_787 = arith.constant 0.000000e+00 : f32
      %broadcast_in_dim3A_788 = vector.broadcast %broadcast_in_dim3A_787 : f32 to vector<1x1xf32>
      %swap3A_789 = arith.constant 0 : index
      %swap3A_790 = arith.constant 0 : index
      %swap3A_791 = vector.load %arg13[%swap3A_789, %swap3A_790] : memref<1x1xf32, #tpu.memory_space<vmem>>, vector<1x1xf32>
      tpu.vector_store %arg13[%swap3A_789, %swap3A_790], %broadcast_in_dim3A_788 {strides = array<i32>} : memref<1x1xf32, #tpu.memory_space<vmem>>, vector<1x1xf32>,
      %broadcast_in_dim3A_792 = arith.constant 0.000000e+00 : f32
      %broadcast_in_dim3A_793 = vector.broadcast %broadcast_in_dim3A_792 : f32 to vector<1x1xf32>
      %swap3A_794 = arith.constant 0 : index
      %swap3A_795 = arith.constant 0 : index
      %swap3A_796 = vector.load %arg14[%swap3A_794, %swap3A_795] : memref<1x1xf32, #tpu.memory_space<vmem>>, vector<1x1xf32>
      tpu.vector_store %arg14[%swap3A_794, %swap3A_795], %broadcast_in_dim3A_793 {strides = array<i32>} : memref<1x1xf32, #tpu.memory_space<vmem>>, vector<1x1xf32>,
    } else {
    }
    %get3A_746 = arith.constant 0 : index
    %get3A_747 = arith.constant 0 : index
    %get3A_748 = vector.load %arg11[%get3A_746, %get3A_747] : memref<1x1xf32, #tpu.memory_space<vmem>>, vector<1x1xf32>
    %add3A_749 = vector.broadcast %reduce_sum3A_552 : f32 to vector<1x1xf32>
    %add3A_750 = arith.addf %get3A_748, %add3A_749 : vector<1x1xf32>
    %swap3A = arith.constant 0 : index
    %swap3A_751 = arith.constant 0 : index
    %swap3A_752 = vector.load %arg11[%swap3A, %swap3A_751] : memref<1x1xf32, #tpu.memory_space<vmem>>, vector<1x1xf32>
    tpu.vector_store %arg11[%swap3A, %swap3A_751], %add3A_750 {strides = array<i32>} : memref<1x1xf32, #tpu.memory_space<vmem>>, vector<1x1xf32>,
    %get3A_753 = arith.constant 0 : index
    %get3A_754 = arith.constant 0 : index
    %get3A_755 = vector.load %arg12[%get3A_753, %get3A_754] : memref<1x1xf32, #tpu.memory_space<vmem>>, vector<1x1xf32>
    %add3A_756 = vector.broadcast %reduce_sum3A_736 : f32 to vector<1x1xf32>
    %add3A_757 = arith.addf %get3A_755, %add3A_756 : vector<1x1xf32>
    %swap3A_758 = arith.constant 0 : index
    %swap3A_759 = arith.constant 0 : index
    %swap3A_760 = vector.load %arg12[%swap3A_758, %swap3A_759] : memref<1x1xf32, #tpu.memory_space<vmem>>, vector<1x1xf32>
    tpu.vector_store %arg12[%swap3A_758, %swap3A_759], %add3A_757 {strides = array<i32>} : memref<1x1xf32, #tpu.memory_space<vmem>>, vector<1x1xf32>,
    %get3A_761 = arith.constant 0 : index
    %get3A_762 = arith.constant 0 : index
    %get3A_763 = vector.load %arg13[%get3A_761, %get3A_762] : memref<1x1xf32, #tpu.memory_space<vmem>>, vector<1x1xf32>
    %add3A_764 = vector.broadcast %reduce_sum3A_655 : f32 to vector<1x1xf32>
    %add3A_765 = arith.addf %get3A_763, %add3A_764 : vector<1x1xf32>
    %swap3A_766 = arith.constant 0 : index
    %swap3A_767 = arith.constant 0 : index
    %swap3A_768 = vector.load %arg13[%swap3A_766, %swap3A_767] : memref<1x1xf32, #tpu.memory_space<vmem>>, vector<1x1xf32>
    tpu.vector_store %arg13[%swap3A_766, %swap3A_767], %add3A_765 {strides = array<i32>} : memref<1x1xf32, #tpu.memory_space<vmem>>, vector<1x1xf32>,
    %get3A_769 = arith.constant 0 : index
    %get3A_770 = arith.constant 0 : index
    %get3A_771 = vector.load %arg14[%get3A_769, %get3A_770] : memref<1x1xf32, #tpu.memory_space<vmem>>, vector<1x1xf32>
    %add3A_772 = vector.broadcast %reduce_sum3A_741 : f32 to vector<1x1xf32>
    %add3A_773 = arith.addf %get3A_771, %add3A_772 : vector<1x1xf32>
    %swap3A_774 = arith.constant 0 : index
    %swap3A_775 = arith.constant 0 : index
    %swap3A_776 = vector.load %arg14[%swap3A_774, %swap3A_775] : memref<1x1xf32, #tpu.memory_space<vmem>>, vector<1x1xf32>
    tpu.vector_store %arg14[%swap3A_774, %swap3A_775], %add3A_773 {strides = array<i32>} : memref<1x1xf32, #tpu.memory_space<vmem>>, vector<1x1xf32>,
    return
  }
  func.func @transform_0(%arg0: i32) -> (i32, i32, i32) {
    %c0_i32 = arith.constant 0 : i32
    %c0_i32_0 = arith.constant 0 : i32
    %c0_i32_1 = arith.constant 0 : i32
    return %arg0, %c0_i32, %c0_i32_0 : i32, i32, i32
  }
  func.func @transform_1(%arg0: i32) -> (i32, i32, i32) {
    %c0_i32 = arith.constant 0 : i32
    %c0_i32_0 = arith.constant 0 : i32
    %c0_i32_1 = arith.constant 0 : i32
    return %arg0, %c0_i32, %c0_i32_0 : i32, i32, i32
  }
  func.func @transform_2(%arg0: i32) -> (i32, i32, i32) {
    %c0_i32 = arith.constant 0 : i32
    %c0_i32_0 = arith.constant 0 : i32
    %c0_i32_1 = arith.constant 0 : i32
    return %arg0, %c0_i32, %c0_i32_0 : i32, i32, i32
  }
  func.func @transform_3(%arg0: i32) -> (i32, i32, i32) {
    %c0_i32 = arith.constant 0 : i32
    %c0_i32_0 = arith.constant 0 : i32
    %c0_i32_1 = arith.constant 0 : i32
    return %arg0, %c0_i32, %c0_i32_0 : i32, i32, i32
  }
  func.func @transform_4(%arg0: i32) -> (i32, i32, i32) {
    %c0_i32 = arith.constant 0 : i32
    %c0_i32_0 = arith.constant 0 : i32
    %c0_i32_1 = arith.constant 0 : i32
    return %arg0, %c0_i32, %c0_i32_0 : i32, i32, i32
  }
  func.func @transform_5(%arg0: i32) -> (i32, i32, i32) {
    %c0_i32 = arith.constant 0 : i32
    %c0_i32_0 = arith.constant 0 : i32
    %c0_i32_1 = arith.constant 0 : i32
    return %arg0, %c0_i32, %c0_i32_0 : i32, i32, i32
  }
  func.func @transform_6(%arg0: i32) -> (i32, i32, i32) {
    %c0_i32 = arith.constant 0 : i32
    %c0_i32_0 = arith.constant 0 : i32
    %c0_i32_1 = arith.constant 0 : i32
    return %arg0, %c0_i32, %c0_i32_0 : i32, i32, i32
  }
  func.func @transform_7(%arg0: i32) -> (i32, i32, i32) {
    %c0_i32 = arith.constant 0 : i32
    %c0_i32_0 = arith.constant 0 : i32
    %c0_i32_1 = arith.constant 0 : i32
    return %arg0, %c0_i32, %c0_i32_0 : i32, i32, i32
  }
  func.func @transform_8(%arg0: i32) -> (i32, i32, i32) {
    %c0_i32 = arith.constant 0 : i32
    %c0_i32_0 = arith.constant 0 : i32
    %c0_i32_1 = arith.constant 0 : i32
    return %arg0, %c0_i32, %c0_i32_0 : i32, i32, i32
  }
  func.func @transform_9(%arg0: i32) -> (i32, i32, i32) {
    %c0_i32 = arith.constant 0 : i32
    %c0_i32_0 = arith.constant 0 : i32
    %c0_i32_1 = arith.constant 0 : i32
    return %arg0, %c0_i32, %c0_i32_0 : i32, i32, i32
  }
  func.func @transform_10(%arg0: i32) -> (i32, i32) {
    %c0_i32 = arith.constant 0 : i32
    %c0_i32_0 = arith.constant 0 : i32
    %c0_i32_1 = arith.constant 0 : i32
    return %c0_i32, %c0_i32_0 : i32, i32
  }
  func.func @transform_11(%arg0: i32) -> (i32, i32) {
    %c0_i32 = arith.constant 0 : i32
    %c0_i32_0 = arith.constant 0 : i32
    %c0_i32_1 = arith.constant 0 : i32
    return %c0_i32, %c0_i32_0 : i32, i32
  }
  func.func @transform_12(%arg0: i32) -> (i32, i32) {
    %c0_i32 = arith.constant 0 : i32
    %c0_i32_0 = arith.constant 0 : i32
    %c0_i32_1 = arith.constant 0 : i32
    return %c0_i32, %c0_i32_0 : i32, i32
  }
  func.func @transform_13(%arg0: i32) -> (i32, i32) {
    %c0_i32 = arith.constant 0 : i32
    %c0_i32_0 = arith.constant 0 : i32
    %c0_i32_1 = arith.constant 0 : i32
    return %c0_i32, %c0_i32_0 : i32, i32
  }
}

module attributes {stable_mosaic.version = 14 : i64} {
  func.func @_sparse_body(%arg0: i32, %arg1: memref<12x128x85xf32, #tpu.memory_space<vmem>>, %arg2: memref<1x12x128xf32, #tpu.memory_space<vmem>>, %arg3: memref<1x12x128xf32, #tpu.memory_space<vmem>>, %arg4: memref<1x12x128xf32, #tpu.memory_space<vmem>>, %arg5: memref<1x12x128xf32, #tpu.memory_space<vmem>>, %arg6: memref<1x12x128xf32, #tpu.memory_space<vmem>>, %arg7: memref<1x12x128xf32, #tpu.memory_space<vmem>>, %arg8: memref<1x12x128xf32, #tpu.memory_space<vmem>>, %arg9: memref<1x12x128xf32, #tpu.memory_space<vmem>>, %arg10: memref<1x12x128xf32, #tpu.memory_space<vmem>>, %arg11: memref<1x1xf32, #tpu.memory_space<vmem>>, %arg12: memref<1x1xf32, #tpu.memory_space<vmem>>, %arg13: memref<1x1xf32, #tpu.memory_space<vmem>>, %arg14: memref<1x1xf32, #tpu.memory_space<vmem>>) attributes {dimension_semantics = [#tpu.dimension_semantics<arbitrary>], iteration_bounds = array<i64: 4>, scalar_prefetch = 0 : i64, scratch_operands = 0 : i64, tpu.core_type = #tpu.core_type<tc>, window_params = [{transform_indices = @transform_0, window_bounds = array<i64: 12, 128, 85>}, {transform_indices = @transform_1, window_bounds = array<i64: 1, 12, 128>}, {transform_indices = @transform_2, window_bounds = array<i64: 1, 12, 128>}, {transform_indices = @transform_3, window_bounds = array<i64: 1, 12, 128>}, {transform_indices = @transform_4, window_bounds = array<i64: 1, 12, 128>}, {transform_indices = @transform_5, window_bounds = array<i64: 1, 12, 128>}, {transform_indices = @transform_6, window_bounds = array<i64: 1, 12, 128>}, {transform_indices = @transform_7, window_bounds = array<i64: 1, 12, 128>}, {transform_indices = @transform_8, window_bounds = array<i64: 1, 12, 128>}, {transform_indices = @transform_9, window_bounds = array<i64: 1, 12, 128>}, {pipeline_mode = #tpu.pipeline_mode<synchronous>, transform_indices = @transform_10, window_bounds = array<i64: 1, 1>}, {pipeline_mode = #tpu.pipeline_mode<synchronous>, transform_indices = @transform_11, window_bounds = array<i64: 1, 1>}, {pipeline_mode = #tpu.pipeline_mode<synchronous>, transform_indices = @transform_12, window_bounds = array<i64: 1, 1>}, {pipeline_mode = #tpu.pipeline_mode<synchronous>, transform_indices = @transform_13, window_bounds = array<i64: 1, 1>}]} {
    %get3A = arith.constant 0 : index
    %get3A_0 = arith.constant 0 : index
    %get3A_1 = arith.constant 0 : index
    %get3A_2 = vector.load %arg2[%get3A, %get3A_0, %get3A_1] : memref<1x12x128xf32, #tpu.memory_space<vmem>>, vector<1x12x128xf32>
    %get3A_3 = vector.shape_cast %get3A_2 : vector<1x12x128xf32> to vector<12x128xf32>
    %get3A_4 = arith.constant 0 : index
    %get3A_5 = arith.constant 0 : index
    %get3A_6 = arith.constant 0 : index
    %get3A_7 = vector.load %arg3[%get3A_4, %get3A_5, %get3A_6] : memref<1x12x128xf32, #tpu.memory_space<vmem>>, vector<1x12x128xf32>
    %get3A_8 = vector.shape_cast %get3A_7 : vector<1x12x128xf32> to vector<12x128xf32>
    %get3A_9 = arith.constant 0 : index
    %get3A_10 = arith.constant 0 : index
    %get3A_11 = arith.constant 0 : index
    %get3A_12 = vector.load %arg4[%get3A_9, %get3A_10, %get3A_11] : memref<1x12x128xf32, #tpu.memory_space<vmem>>, vector<1x12x128xf32>
    %get3A_13 = vector.shape_cast %get3A_12 : vector<1x12x128xf32> to vector<12x128xf32>
    %get3A_14 = arith.constant 0 : index
    %get3A_15 = arith.constant 0 : index
    %get3A_16 = arith.constant 0 : index
    %get3A_17 = vector.load %arg6[%get3A_14, %get3A_15, %get3A_16] : memref<1x12x128xf32, #tpu.memory_space<vmem>>, vector<1x12x128xf32>
    %get3A_18 = vector.shape_cast %get3A_17 : vector<1x12x128xf32> to vector<12x128xf32>
    %get3A_19 = arith.constant 0 : index
    %get3A_20 = arith.constant 0 : index
    %get3A_21 = arith.constant 0 : index
    %get3A_22 = vector.load %arg7[%get3A_19, %get3A_20, %get3A_21] : memref<1x12x128xf32, #tpu.memory_space<vmem>>, vector<1x12x128xf32>
    %get3A_23 = vector.shape_cast %get3A_22 : vector<1x12x128xf32> to vector<12x128xf32>
    %get3A_24 = arith.constant 0 : index
    %get3A_25 = arith.constant 0 : index
    %get3A_26 = arith.constant 0 : index
    %get3A_27 = vector.load %arg8[%get3A_24, %get3A_25, %get3A_26] : memref<1x12x128xf32, #tpu.memory_space<vmem>>, vector<1x12x128xf32>
    %get3A_28 = vector.shape_cast %get3A_27 : vector<1x12x128xf32> to vector<12x128xf32>
    %get3A_29 = arith.constant 0 : index
    %get3A_30 = arith.constant 0 : index
    %get3A_31 = arith.constant 0 : index
    %get3A_32 = vector.load %arg9[%get3A_29, %get3A_30, %get3A_31] : memref<1x12x128xf32, #tpu.memory_space<vmem>>, vector<1x12x128xf32>
    %get3A_33 = vector.shape_cast %get3A_32 : vector<1x12x128xf32> to vector<12x128xf32>
    %get3A_34 = arith.constant 0 : index
    %get3A_35 = arith.constant 0 : index
    %get3A_36 = arith.constant 0 : index
    %get3A_37 = vector.load %arg10[%get3A_34, %get3A_35, %get3A_36] : memref<1x12x128xf32, #tpu.memory_space<vmem>>, vector<1x12x128xf32>
    %get3A_38 = vector.shape_cast %get3A_37 : vector<1x12x128xf32> to vector<12x128xf32>
    %mul3A = arith.constant 2.000000e+01 : f32
    %mul3A_39 = vector.broadcast %mul3A : f32 to vector<12x128xf32>
    %mul3A_40 = arith.mulf %get3A_23, %mul3A_39 : vector<12x128xf32>
    %mul3A_41 = arith.constant 2.000000e+01 : f32
    %mul3A_42 = vector.broadcast %mul3A_41 : f32 to vector<12x128xf32>
    %mul3A_43 = arith.mulf %get3A_28, %mul3A_42 : vector<12x128xf32>
    %mul3A_44 = arith.constant 2.000000e+01 : f32
    %mul3A_45 = vector.broadcast %mul3A_44 : f32 to vector<12x128xf32>
    %mul3A_46 = arith.mulf %get3A_33, %mul3A_45 : vector<12x128xf32>
    %mul3A_47 = arith.constant 2.000000e+01 : f32
    %mul3A_48 = vector.broadcast %mul3A_47 : f32 to vector<12x128xf32>
    %mul3A_49 = arith.mulf %get3A_38, %mul3A_48 : vector<12x128xf32>
    %eq3A = arith.constant 0.000000e+00 : f32
    %eq3A_50 = vector.broadcast %eq3A : f32 to vector<12x128xf32>
    %eq3A_51 = arith.cmpf oeq, %get3A_8, %eq3A_50 : vector<12x128xf32>
    %eq3A_52 = arith.constant 1.000000e+00 : f32
    %eq3A_53 = vector.broadcast %eq3A_52 : f32 to vector<12x128xf32>
    %eq3A_54 = arith.cmpf oeq, %get3A_8, %eq3A_53 : vector<12x128xf32>
    %jit3A = arith.constant 6.000000e+00 : f32
    %jit3A_55 = arith.constant 14.34375 : f32
    %broadcast_in_dim3A = vector.broadcast %jit3A : f32 to vector<12x128xf32>
    %broadcast_in_dim3A_56 = vector.broadcast %jit3A_55 : f32 to vector<12x128xf32>
    %select_n3A = arith.select %eq3A_54, %broadcast_in_dim3A, %broadcast_in_dim3A_56 : vector<12x128xi1>, vector<12x128xf32>
    %jit3A_57 = arith.constant 4.437500e+00 : f32
    %broadcast_in_dim3A_58 = vector.broadcast %jit3A_57 : f32 to vector<12x128xf32>
    %select_n3A_59 = arith.select %eq3A_51, %broadcast_in_dim3A_58, %select_n3A : vector<12x128xi1>, vector<12x128xf32>
    %eq3A_60 = arith.constant 0.000000e+00 : f32
    %eq3A_61 = vector.broadcast %eq3A_60 : f32 to vector<12x128xf32>
    %eq3A_62 = arith.cmpf oeq, %get3A_8, %eq3A_61 : vector<12x128xf32>
    %eq3A_63 = arith.constant 1.000000e+00 : f32
    %eq3A_64 = vector.broadcast %eq3A_63 : f32 to vector<12x128xf32>
    %eq3A_65 = arith.cmpf oeq, %get3A_8, %eq3A_64 : vector<12x128xf32>
    %jit3A_66 = arith.constant 7.593750e+00 : f32
    %jit3A_67 = arith.constant 12.53125 : f32
    %broadcast_in_dim3A_68 = vector.broadcast %jit3A_66 : f32 to vector<12x128xf32>
    %broadcast_in_dim3A_69 = vector.broadcast %jit3A_67 : f32 to vector<12x128xf32>
    %select_n3A_70 = arith.select %eq3A_65, %broadcast_in_dim3A_68, %broadcast_in_dim3A_69 : vector<12x128xi1>, vector<12x128xf32>
    %jit3A_71 = arith.constant 3.437500e+00 : f32
    %broadcast_in_dim3A_72 = vector.broadcast %jit3A_71 : f32 to vector<12x128xf32>
    %select_n3A_73 = arith.select %eq3A_62, %broadcast_in_dim3A_72, %select_n3A_70 : vector<12x128xi1>, vector<12x128xf32>
    %div3A = arith.divf %mul3A_46, %select_n3A_59 : vector<12x128xf32>
    %div3A_74 = arith.divf %mul3A_49, %select_n3A_73 : vector<12x128xf32>
    %div3A_75 = arith.constant 1.000000e+00 : f32
    %div3A_76 = vector.broadcast %div3A_75 : f32 to vector<12x128xf32>
    %div3A_77 = arith.divf %div3A_76, %div3A : vector<12x128xf32>
    %max3A = arith.maximumf %div3A, %div3A_77 : vector<12x128xf32>
    %div3A_78 = arith.constant 1.000000e+00 : f32
    %div3A_79 = vector.broadcast %div3A_78 : f32 to vector<12x128xf32>
    %div3A_80 = arith.divf %div3A_79, %div3A_74 : vector<12x128xf32>
    %max3A_81 = arith.maximumf %div3A_74, %div3A_80 : vector<12x128xf32>
    %max3A_82 = arith.maximumf %max3A, %max3A_81 : vector<12x128xf32>
    %lt3A = arith.constant 4.000000e+00 : f32
    %lt3A_83 = vector.broadcast %lt3A : f32 to vector<12x128xf32>
    %lt3A_84 = arith.cmpf olt, %max3A_82, %lt3A_83 : vector<12x128xf32>
    %sub3A = arith.constant 2.000000e+01 : f32
    %sub3A_85 = vector.broadcast %sub3A : f32 to vector<12x128xf32>
    %sub3A_86 = arith.subf %sub3A_85, %mul3A_40 : vector<12x128xf32>
    %sub3A_87 = arith.constant 2.000000e+01 : f32
    %sub3A_88 = vector.broadcast %sub3A_87 : f32 to vector<12x128xf32>
    %sub3A_89 = arith.subf %sub3A_88, %mul3A_43 : vector<12x128xf32>
    %floor3A = math.floor %mul3A_40 : vector<12x128xf32>
    %sub3A_90 = arith.subf %mul3A_40, %floor3A : vector<12x128xf32>
    %floor3A_91 = math.floor %mul3A_43 : vector<12x128xf32>
    %sub3A_92 = arith.subf %mul3A_43, %floor3A_91 : vector<12x128xf32>
    %floor3A_93 = math.floor %sub3A_86 : vector<12x128xf32>
    %sub3A_94 = arith.subf %sub3A_86, %floor3A_93 : vector<12x128xf32>
    %floor3A_95 = math.floor %sub3A_89 : vector<12x128xf32>
    %sub3A_96 = arith.subf %sub3A_89, %floor3A_95 : vector<12x128xf32>
    %lt3A_97 = arith.constant 5.000000e-01 : f32
    %lt3A_98 = vector.broadcast %lt3A_97 : f32 to vector<12x128xf32>
    %lt3A_99 = arith.cmpf olt, %sub3A_90, %lt3A_98 : vector<12x128xf32>
    %gt3A = arith.constant 1.000000e+00 : f32
    %gt3A_100 = vector.broadcast %gt3A : f32 to vector<12x128xf32>
    %gt3A_101 = arith.cmpf ogt, %mul3A_40, %gt3A_100 : vector<12x128xf32>
    %and3A = arith.andi %lt3A_99, %gt3A_101 : vector<12x128xi1>
    %lt3A_102 = arith.constant 5.000000e-01 : f32
    %lt3A_103 = vector.broadcast %lt3A_102 : f32 to vector<12x128xf32>
    %lt3A_104 = arith.cmpf olt, %sub3A_92, %lt3A_103 : vector<12x128xf32>
    %gt3A_105 = arith.constant 1.000000e+00 : f32
    %gt3A_106 = vector.broadcast %gt3A_105 : f32 to vector<12x128xf32>
    %gt3A_107 = arith.cmpf ogt, %mul3A_43, %gt3A_106 : vector<12x128xf32>
    %and3A_108 = arith.andi %lt3A_104, %gt3A_107 : vector<12x128xi1>
    %lt3A_109 = arith.constant 5.000000e-01 : f32
    %lt3A_110 = vector.broadcast %lt3A_109 : f32 to vector<12x128xf32>
    %lt3A_111 = arith.cmpf olt, %sub3A_94, %lt3A_110 : vector<12x128xf32>
    %gt3A_112 = arith.constant 1.000000e+00 : f32
    %gt3A_113 = vector.broadcast %gt3A_112 : f32 to vector<12x128xf32>
    %gt3A_114 = arith.cmpf ogt, %sub3A_86, %gt3A_113 : vector<12x128xf32>
    %and3A_115 = arith.andi %lt3A_111, %gt3A_114 : vector<12x128xi1>
    %lt3A_116 = arith.constant 5.000000e-01 : f32
    %lt3A_117 = vector.broadcast %lt3A_116 : f32 to vector<12x128xf32>
    %lt3A_118 = arith.cmpf olt, %sub3A_96, %lt3A_117 : vector<12x128xf32>
    %gt3A_119 = arith.constant 1.000000e+00 : f32
    %gt3A_120 = vector.broadcast %gt3A_119 : f32 to vector<12x128xf32>
    %gt3A_121 = arith.cmpf ogt, %sub3A_89, %gt3A_120 : vector<12x128xf32>
    %and3A_122 = arith.andi %lt3A_118, %gt3A_121 : vector<12x128xi1>
    %lt3A_123 = arith.constant 3.500000e-01 : f32
    %lt3A_124 = vector.broadcast %lt3A_123 : f32 to vector<12x128xf32>
    %lt3A_125 = arith.cmpf olt, %sub3A_90, %lt3A_124 : vector<12x128xf32>
    %gt3A_126 = arith.constant 1.000000e+00 : f32
    %gt3A_127 = vector.broadcast %gt3A_126 : f32 to vector<12x128xf32>
    %gt3A_128 = arith.cmpf ogt, %mul3A_40, %gt3A_127 : vector<12x128xf32>
    %and3A_129 = arith.andi %lt3A_125, %gt3A_128 : vector<12x128xi1>
    %lt3A_130 = arith.constant 3.500000e-01 : f32
    %lt3A_131 = vector.broadcast %lt3A_130 : f32 to vector<12x128xf32>
    %lt3A_132 = arith.cmpf olt, %sub3A_92, %lt3A_131 : vector<12x128xf32>
    %gt3A_133 = arith.constant 1.000000e+00 : f32
    %gt3A_134 = vector.broadcast %gt3A_133 : f32 to vector<12x128xf32>
    %gt3A_135 = arith.cmpf ogt, %mul3A_43, %gt3A_134 : vector<12x128xf32>
    %and3A_136 = arith.andi %lt3A_132, %gt3A_135 : vector<12x128xi1>
    %lt3A_137 = arith.constant 3.500000e-01 : f32
    %lt3A_138 = vector.broadcast %lt3A_137 : f32 to vector<12x128xf32>
    %lt3A_139 = arith.cmpf olt, %sub3A_94, %lt3A_138 : vector<12x128xf32>
    %gt3A_140 = arith.constant 1.000000e+00 : f32
    %gt3A_141 = vector.broadcast %gt3A_140 : f32 to vector<12x128xf32>
    %gt3A_142 = arith.cmpf ogt, %sub3A_86, %gt3A_141 : vector<12x128xf32>
    %and3A_143 = arith.andi %lt3A_139, %gt3A_142 : vector<12x128xi1>
    %lt3A_144 = arith.constant 3.500000e-01 : f32
    %lt3A_145 = vector.broadcast %lt3A_144 : f32 to vector<12x128xf32>
    %lt3A_146 = arith.cmpf olt, %sub3A_96, %lt3A_145 : vector<12x128xf32>
    %gt3A_147 = arith.constant 1.000000e+00 : f32
    %gt3A_148 = vector.broadcast %gt3A_147 : f32 to vector<12x128xf32>
    %gt3A_149 = arith.cmpf ogt, %sub3A_89, %gt3A_148 : vector<12x128xf32>
    %and3A_150 = arith.andi %lt3A_146, %gt3A_149 : vector<12x128xi1>
    %broadcast_in_dim3A_151 = arith.constant 1.000000e+00 : f32
    %broadcast_in_dim3A_152 = vector.broadcast %broadcast_in_dim3A_151 : f32 to vector<12x128xf32>
    %broadcast_in_dim3A_153 = arith.constant 0.000000e+00 : f32
    %broadcast_in_dim3A_154 = vector.broadcast %broadcast_in_dim3A_153 : f32 to vector<12x128xf32>
    %select_n3A_155 = arith.select %and3A, %broadcast_in_dim3A_152, %broadcast_in_dim3A_154 : vector<12x128xi1>, vector<12x128xf32>
    %select_n3A_156 = arith.select %and3A_108, %broadcast_in_dim3A_152, %broadcast_in_dim3A_154 : vector<12x128xi1>, vector<12x128xf32>
    %select_n3A_157 = arith.select %and3A_115, %broadcast_in_dim3A_152, %broadcast_in_dim3A_154 : vector<12x128xi1>, vector<12x128xf32>
    %select_n3A_158 = arith.select %and3A_122, %broadcast_in_dim3A_152, %broadcast_in_dim3A_154 : vector<12x128xi1>, vector<12x128xf32>
    %and3A_159 = arith.andi %and3A_129, %and3A_136 : vector<12x128xi1>
    %select_n3A_160 = arith.select %and3A_159, %broadcast_in_dim3A_152, %broadcast_in_dim3A_154 : vector<12x128xi1>, vector<12x128xf32>
    %and3A_161 = arith.andi %and3A_136, %and3A_143 : vector<12x128xi1>
    %select_n3A_162 = arith.select %and3A_161, %broadcast_in_dim3A_152, %broadcast_in_dim3A_154 : vector<12x128xi1>, vector<12x128xf32>
    %and3A_163 = arith.andi %and3A_143, %and3A_150 : vector<12x128xi1>
    %select_n3A_164 = arith.select %and3A_163, %broadcast_in_dim3A_152, %broadcast_in_dim3A_154 : vector<12x128xi1>, vector<12x128xf32>
    %and3A_165 = arith.andi %and3A_150, %and3A_129 : vector<12x128xi1>
    %select_n3A_166 = arith.select %and3A_165, %broadcast_in_dim3A_152, %broadcast_in_dim3A_154 : vector<12x128xi1>, vector<12x128xf32>
    %broadcast_in_dim3A_167 = arith.constant 5.000000e-01 : f32
    %broadcast_in_dim3A_168 = vector.broadcast %broadcast_in_dim3A_167 : f32 to vector<12x128xf32>
    %broadcast_in_dim3A_169 = arith.constant 5.000000e-01 : f32
    %broadcast_in_dim3A_170 = vector.broadcast %broadcast_in_dim3A_169 : f32 to vector<12x128xf32>
    %eq3A_171 = arith.constant 7.000000e+00 : f32
    %eq3A_172 = vector.broadcast %eq3A_171 : f32 to vector<12x128xf32>
    %eq3A_173 = arith.cmpf oeq, %get3A_3, %eq3A_172 : vector<12x128xf32>
    %select_n3A_174 = arith.select %eq3A_173, %select_n3A_164, %select_n3A_166 : vector<12x128xi1>, vector<12x128xf32>
    %jit3A_175 = arith.constant -5.000000e-01 : f32
    %broadcast_in_dim3A_176 = vector.broadcast %jit3A_175 : f32 to vector<12x128xf32>
    %select_n3A_177 = arith.select %eq3A_173, %broadcast_in_dim3A_176, %broadcast_in_dim3A_168 : vector<12x128xi1>, vector<12x128xf32>
    %jit3A_178 = arith.constant -5.000000e-01 : f32
    %broadcast_in_dim3A_179 = vector.broadcast %jit3A_178 : f32 to vector<12x128xf32>
    %select_n3A_180 = arith.select %eq3A_173, %broadcast_in_dim3A_179, %broadcast_in_dim3A_170 : vector<12x128xi1>, vector<12x128xf32>
    %eq3A_181 = arith.constant 6.000000e+00 : f32
    %eq3A_182 = vector.broadcast %eq3A_181 : f32 to vector<12x128xf32>
    %eq3A_183 = arith.cmpf oeq, %get3A_3, %eq3A_182 : vector<12x128xf32>
    %select_n3A_184 = arith.select %eq3A_183, %select_n3A_162, %select_n3A_174 : vector<12x128xi1>, vector<12x128xf32>
    %jit3A_185 = arith.constant -5.000000e-01 : f32
    %broadcast_in_dim3A_186 = vector.broadcast %jit3A_185 : f32 to vector<12x128xf32>
    %select_n3A_187 = arith.select %eq3A_183, %broadcast_in_dim3A_186, %select_n3A_177 : vector<12x128xi1>, vector<12x128xf32>
    %jit3A_188 = arith.constant 5.000000e-01 : f32
    %broadcast_in_dim3A_189 = vector.broadcast %jit3A_188 : f32 to vector<12x128xf32>
    %select_n3A_190 = arith.select %eq3A_183, %broadcast_in_dim3A_189, %select_n3A_180 : vector<12x128xi1>, vector<12x128xf32>
    %eq3A_191 = arith.constant 5.000000e+00 : f32
    %eq3A_192 = vector.broadcast %eq3A_191 : f32 to vector<12x128xf32>
    %eq3A_193 = arith.cmpf oeq, %get3A_3, %eq3A_192 : vector<12x128xf32>
    %select_n3A_194 = arith.select %eq3A_193, %select_n3A_160, %select_n3A_184 : vector<12x128xi1>, vector<12x128xf32>
    %jit3A_195 = arith.constant 5.000000e-01 : f32
    %broadcast_in_dim3A_196 = vector.broadcast %jit3A_195 : f32 to vector<12x128xf32>
    %select_n3A_197 = arith.select %eq3A_193, %broadcast_in_dim3A_196, %select_n3A_187 : vector<12x128xi1>, vector<12x128xf32>
    %jit3A_198 = arith.constant 5.000000e-01 : f32
    %broadcast_in_dim3A_199 = vector.broadcast %jit3A_198 : f32 to vector<12x128xf32>
    %select_n3A_200 = arith.select %eq3A_193, %broadcast_in_dim3A_199, %select_n3A_190 : vector<12x128xi1>, vector<12x128xf32>
    %eq3A_201 = arith.constant 4.000000e+00 : f32
    %eq3A_202 = vector.broadcast %eq3A_201 : f32 to vector<12x128xf32>
    %eq3A_203 = arith.cmpf oeq, %get3A_3, %eq3A_202 : vector<12x128xf32>
    %select_n3A_204 = arith.select %eq3A_203, %select_n3A_158, %select_n3A_194 : vector<12x128xi1>, vector<12x128xf32>
    %jit3A_205 = arith.constant 0.000000e+00 : f32
    %broadcast_in_dim3A_206 = vector.broadcast %jit3A_205 : f32 to vector<12x128xf32>
    %select_n3A_207 = arith.select %eq3A_203, %broadcast_in_dim3A_206, %select_n3A_197 : vector<12x128xi1>, vector<12x128xf32>
    %jit3A_208 = arith.constant -5.000000e-01 : f32
    %broadcast_in_dim3A_209 = vector.broadcast %jit3A_208 : f32 to vector<12x128xf32>
    %select_n3A_210 = arith.select %eq3A_203, %broadcast_in_dim3A_209, %select_n3A_200 : vector<12x128xi1>, vector<12x128xf32>
    %eq3A_211 = arith.constant 3.000000e+00 : f32
    %eq3A_212 = vector.broadcast %eq3A_211 : f32 to vector<12x128xf32>
    %eq3A_213 = arith.cmpf oeq, %get3A_3, %eq3A_212 : vector<12x128xf32>
    %select_n3A_214 = arith.select %eq3A_213, %select_n3A_157, %select_n3A_204 : vector<12x128xi1>, vector<12x128xf32>
    %jit3A_215 = arith.constant -5.000000e-01 : f32
    %broadcast_in_dim3A_216 = vector.broadcast %jit3A_215 : f32 to vector<12x128xf32>
    %select_n3A_217 = arith.select %eq3A_213, %broadcast_in_dim3A_216, %select_n3A_207 : vector<12x128xi1>, vector<12x128xf32>
    %jit3A_218 = arith.constant 0.000000e+00 : f32
    %broadcast_in_dim3A_219 = vector.broadcast %jit3A_218 : f32 to vector<12x128xf32>
    %select_n3A_220 = arith.select %eq3A_213, %broadcast_in_dim3A_219, %select_n3A_210 : vector<12x128xi1>, vector<12x128xf32>
    %eq3A_221 = arith.constant 2.000000e+00 : f32
    %eq3A_222 = vector.broadcast %eq3A_221 : f32 to vector<12x128xf32>
    %eq3A_223 = arith.cmpf oeq, %get3A_3, %eq3A_222 : vector<12x128xf32>
    %select_n3A_224 = arith.select %eq3A_223, %select_n3A_156, %select_n3A_214 : vector<12x128xi1>, vector<12x128xf32>
    %jit3A_225 = arith.constant 0.000000e+00 : f32
    %broadcast_in_dim3A_226 = vector.broadcast %jit3A_225 : f32 to vector<12x128xf32>
    %select_n3A_227 = arith.select %eq3A_223, %broadcast_in_dim3A_226, %select_n3A_217 : vector<12x128xi1>, vector<12x128xf32>
    %jit3A_228 = arith.constant 5.000000e-01 : f32
    %broadcast_in_dim3A_229 = vector.broadcast %jit3A_228 : f32 to vector<12x128xf32>
    %select_n3A_230 = arith.select %eq3A_223, %broadcast_in_dim3A_229, %select_n3A_220 : vector<12x128xi1>, vector<12x128xf32>
    %eq3A_231 = arith.constant 1.000000e+00 : f32
    %eq3A_232 = vector.broadcast %eq3A_231 : f32 to vector<12x128xf32>
    %eq3A_233 = arith.cmpf oeq, %get3A_3, %eq3A_232 : vector<12x128xf32>
    %select_n3A_234 = arith.select %eq3A_233, %select_n3A_155, %select_n3A_224 : vector<12x128xi1>, vector<12x128xf32>
    %jit3A_235 = arith.constant 5.000000e-01 : f32
    %broadcast_in_dim3A_236 = vector.broadcast %jit3A_235 : f32 to vector<12x128xf32>
    %select_n3A_237 = arith.select %eq3A_233, %broadcast_in_dim3A_236, %select_n3A_227 : vector<12x128xi1>, vector<12x128xf32>
    %jit3A_238 = arith.constant 0.000000e+00 : f32
    %broadcast_in_dim3A_239 = vector.broadcast %jit3A_238 : f32 to vector<12x128xf32>
    %select_n3A_240 = arith.select %eq3A_233, %broadcast_in_dim3A_239, %select_n3A_230 : vector<12x128xi1>, vector<12x128xf32>
    %eq3A_241 = arith.constant 0.000000e+00 : f32
    %eq3A_242 = vector.broadcast %eq3A_241 : f32 to vector<12x128xf32>
    %eq3A_243 = arith.cmpf oeq, %get3A_3, %eq3A_242 : vector<12x128xf32>
    %select_n3A_244 = arith.select %eq3A_243, %broadcast_in_dim3A_152, %select_n3A_234 : vector<12x128xi1>, vector<12x128xf32>
    %jit3A_245 = arith.constant 0.000000e+00 : f32
    %broadcast_in_dim3A_246 = vector.broadcast %jit3A_245 : f32 to vector<12x128xf32>
    %select_n3A_247 = arith.select %eq3A_243, %broadcast_in_dim3A_246, %select_n3A_237 : vector<12x128xi1>, vector<12x128xf32>
    %jit3A_248 = arith.constant 0.000000e+00 : f32
    %broadcast_in_dim3A_249 = vector.broadcast %jit3A_248 : f32 to vector<12x128xf32>
    %select_n3A_250 = arith.select %eq3A_243, %broadcast_in_dim3A_249, %select_n3A_240 : vector<12x128xi1>, vector<12x128xf32>
    %sub3A_251 = arith.subf %mul3A_40, %select_n3A_247 : vector<12x128xf32>
    %convert_element_type3A = arith.fptosi %sub3A_251 : vector<12x128xf32> to vector<12x128xi32>
    %sub3A_252 = arith.subf %mul3A_43, %select_n3A_250 : vector<12x128xf32>
    %convert_element_type3A_253 = arith.fptosi %sub3A_252 : vector<12x128xf32> to vector<12x128xi32>
    %select_n3A_254 = arith.select %lt3A_84, %broadcast_in_dim3A_152, %broadcast_in_dim3A_154 : vector<12x128xi1>, vector<12x128xf32>
    %mul3A_255 = arith.mulf %select_n3A_244, %select_n3A_254 : vector<12x128xf32>
    %mul3A_256 = arith.mulf %mul3A_255, %get3A_13 : vector<12x128xf32>
    %convert_element_type3A_257 = arith.sitofp %convert_element_type3A : vector<12x128xi32> to vector<12x128xf32>
    %sub3A_258 = arith.subf %mul3A_40, %convert_element_type3A_257 : vector<12x128xf32>
    %convert_element_type3A_259 = arith.sitofp %convert_element_type3A_253 : vector<12x128xi32> to vector<12x128xf32>
    %sub3A_260 = arith.subf %mul3A_43, %convert_element_type3A_259 : vector<12x128xf32>
    %get3A_261 = arith.constant 0 : index
    %get3A_262 = arith.constant 0 : index
    %get3A_263 = arith.constant 0 : index
    %get3A_264 = vector.load %arg1[%get3A_261, %get3A_262, %get3A_263] : memref<12x128x85xf32, #tpu.memory_space<vmem>>, vector<12x128x85xf32>
    %slice3A = vector.extract_strided_slice %get3A_264 {offsets = [0, 0, 0], sizes = [12, 128, 1], strides = [1, 1, 1]} : vector<12x128x85xf32> to vector<12x128x1xf32>
    %reduce_sum3A = arith.constant dense<0.000000e+00> : vector<12x128xf32>
    %reduce_sum3A_265 = vector.multi_reduction <add>, %slice3A, %reduce_sum3A [2] : vector<12x128x1xf32> to vector<12x128xf32>
    %slice3A_266 = vector.extract_strided_slice %get3A_264 {offsets = [0, 0, 1], sizes = [12, 128, 1], strides = [1, 1, 1]} : vector<12x128x85xf32> to vector<12x128x1xf32>
    %reduce_sum3A_267 = arith.constant dense<0.000000e+00> : vector<12x128xf32>
    %reduce_sum3A_268 = vector.multi_reduction <add>, %slice3A_266, %reduce_sum3A_267 [2] : vector<12x128x1xf32> to vector<12x128xf32>
    %slice3A_269 = vector.extract_strided_slice %get3A_264 {offsets = [0, 0, 2], sizes = [12, 128, 1], strides = [1, 1, 1]} : vector<12x128x85xf32> to vector<12x128x1xf32>
    %reduce_sum3A_270 = arith.constant dense<0.000000e+00> : vector<12x128xf32>
    %reduce_sum3A_271 = vector.multi_reduction <add>, %slice3A_269, %reduce_sum3A_270 [2] : vector<12x128x1xf32> to vector<12x128xf32>
    %slice3A_272 = vector.extract_strided_slice %get3A_264 {offsets = [0, 0, 3], sizes = [12, 128, 1], strides = [1, 1, 1]} : vector<12x128x85xf32> to vector<12x128x1xf32>
    %reduce_sum3A_273 = arith.constant dense<0.000000e+00> : vector<12x128xf32>
    %reduce_sum3A_274 = vector.multi_reduction <add>, %slice3A_272, %reduce_sum3A_273 [2] : vector<12x128x1xf32> to vector<12x128xf32>
    %slice3A_275 = vector.extract_strided_slice %get3A_264 {offsets = [0, 0, 4], sizes = [12, 128, 1], strides = [1, 1, 1]} : vector<12x128x85xf32> to vector<12x128x1xf32>
    %reduce_sum3A_276 = arith.constant dense<0.000000e+00> : vector<12x128xf32>
    %reduce_sum3A_277 = vector.multi_reduction <add>, %slice3A_275, %reduce_sum3A_276 [2] : vector<12x128x1xf32> to vector<12x128xf32>
    %neg3A = arith.constant 0.000000e+00 : f32
    %neg3A_278 = vector.broadcast %neg3A : f32 to vector<12x128xf32>
    %neg3A_279 = arith.subf %neg3A_278, %reduce_sum3A_268 : vector<12x128xf32>
    %exp3A = math.exp %neg3A_279 : vector<12x128xf32>
    %add3A = arith.constant 1.000000e+00 : f32
    %add3A_280 = vector.broadcast %add3A : f32 to vector<12x128xf32>
    %add3A_281 = arith.addf %add3A_280, %exp3A : vector<12x128xf32>
    %div3A_282 = arith.constant 1.000000e+00 : f32
    %div3A_283 = vector.broadcast %div3A_282 : f32 to vector<12x128xf32>
    %div3A_284 = arith.divf %div3A_283, %add3A_281 : vector<12x128xf32>
    %mul3A_285 = arith.constant 2.000000e+00 : f32
    %mul3A_286 = vector.broadcast %mul3A_285 : f32 to vector<12x128xf32>
    %mul3A_287 = arith.mulf %div3A_284, %mul3A_286 : vector<12x128xf32>
    %sub3A_288 = arith.constant 5.000000e-01 : f32
    %sub3A_289 = vector.broadcast %sub3A_288 : f32 to vector<12x128xf32>
    %sub3A_290 = arith.subf %mul3A_287, %sub3A_289 : vector<12x128xf32>
    %neg3A_291 = arith.constant 0.000000e+00 : f32
    %neg3A_292 = vector.broadcast %neg3A_291 : f32 to vector<12x128xf32>
    %neg3A_293 = arith.subf %neg3A_292, %reduce_sum3A_271 : vector<12x128xf32>
    %exp3A_294 = math.exp %neg3A_293 : vector<12x128xf32>
    %add3A_295 = arith.constant 1.000000e+00 : f32
    %add3A_296 = vector.broadcast %add3A_295 : f32 to vector<12x128xf32>
    %add3A_297 = arith.addf %add3A_296, %exp3A_294 : vector<12x128xf32>
    %div3A_298 = arith.constant 1.000000e+00 : f32
    %div3A_299 = vector.broadcast %div3A_298 : f32 to vector<12x128xf32>
    %div3A_300 = arith.divf %div3A_299, %add3A_297 : vector<12x128xf32>
    %mul3A_301 = arith.constant 2.000000e+00 : f32
    %mul3A_302 = vector.broadcast %mul3A_301 : f32 to vector<12x128xf32>
    %mul3A_303 = arith.mulf %div3A_300, %mul3A_302 : vector<12x128xf32>
    %sub3A_304 = arith.constant 5.000000e-01 : f32
    %sub3A_305 = vector.broadcast %sub3A_304 : f32 to vector<12x128xf32>
    %sub3A_306 = arith.subf %mul3A_303, %sub3A_305 : vector<12x128xf32>
    %neg3A_307 = arith.constant 0.000000e+00 : f32
    %neg3A_308 = vector.broadcast %neg3A_307 : f32 to vector<12x128xf32>
    %neg3A_309 = arith.subf %neg3A_308, %reduce_sum3A_274 : vector<12x128xf32>
    %exp3A_310 = math.exp %neg3A_309 : vector<12x128xf32>
    %add3A_311 = arith.constant 1.000000e+00 : f32
    %add3A_312 = vector.broadcast %add3A_311 : f32 to vector<12x128xf32>
    %add3A_313 = arith.addf %add3A_312, %exp3A_310 : vector<12x128xf32>
    %div3A_314 = arith.constant 1.000000e+00 : f32
    %div3A_315 = vector.broadcast %div3A_314 : f32 to vector<12x128xf32>
    %div3A_316 = arith.divf %div3A_315, %add3A_313 : vector<12x128xf32>
    %mul3A_317 = arith.constant 2.000000e+00 : f32
    %mul3A_318 = vector.broadcast %mul3A_317 : f32 to vector<12x128xf32>
    %mul3A_319 = arith.mulf %div3A_316, %mul3A_318 : vector<12x128xf32>
    %neg3A_320 = arith.constant 0.000000e+00 : f32
    %neg3A_321 = vector.broadcast %neg3A_320 : f32 to vector<12x128xf32>
    %neg3A_322 = arith.subf %neg3A_321, %reduce_sum3A_277 : vector<12x128xf32>
    %exp3A_323 = math.exp %neg3A_322 : vector<12x128xf32>
    %add3A_324 = arith.constant 1.000000e+00 : f32
    %add3A_325 = vector.broadcast %add3A_324 : f32 to vector<12x128xf32>
    %add3A_326 = arith.addf %add3A_325, %exp3A_323 : vector<12x128xf32>
    %div3A_327 = arith.constant 1.000000e+00 : f32
    %div3A_328 = vector.broadcast %div3A_327 : f32 to vector<12x128xf32>
    %div3A_329 = arith.divf %div3A_328, %add3A_326 : vector<12x128xf32>
    %mul3A_330 = arith.constant 2.000000e+00 : f32
    %mul3A_331 = vector.broadcast %mul3A_330 : f32 to vector<12x128xf32>
    %mul3A_332 = arith.mulf %div3A_329, %mul3A_331 : vector<12x128xf32>
    %mul3A_333 = arith.mulf %mul3A_319, %mul3A_319 : vector<12x128xf32>
    %mul3A_334 = arith.mulf %mul3A_333, %select_n3A_59 : vector<12x128xf32>
    %mul3A_335 = arith.mulf %mul3A_332, %mul3A_332 : vector<12x128xf32>
    %mul3A_336 = arith.mulf %mul3A_335, %select_n3A_73 : vector<12x128xf32>
    %mul3A_337 = arith.constant 5.000000e-01 : f32
    %mul3A_338 = vector.broadcast %mul3A_337 : f32 to vector<12x128xf32>
    %mul3A_339 = arith.mulf %mul3A_334, %mul3A_338 : vector<12x128xf32>
    %sub3A_340 = arith.subf %sub3A_290, %mul3A_339 : vector<12x128xf32>
    %mul3A_341 = arith.constant 5.000000e-01 : f32
    %mul3A_342 = vector.broadcast %mul3A_341 : f32 to vector<12x128xf32>
    %mul3A_343 = arith.mulf %mul3A_334, %mul3A_342 : vector<12x128xf32>
    %add3A_344 = arith.addf %sub3A_290, %mul3A_343 : vector<12x128xf32>
    %mul3A_345 = arith.constant 5.000000e-01 : f32
    %mul3A_346 = vector.broadcast %mul3A_345 : f32 to vector<12x128xf32>
    %mul3A_347 = arith.mulf %mul3A_336, %mul3A_346 : vector<12x128xf32>
    %sub3A_348 = arith.subf %sub3A_306, %mul3A_347 : vector<12x128xf32>
    %mul3A_349 = arith.constant 5.000000e-01 : f32
    %mul3A_350 = vector.broadcast %mul3A_349 : f32 to vector<12x128xf32>
    %mul3A_351 = arith.mulf %mul3A_336, %mul3A_350 : vector<12x128xf32>
    %add3A_352 = arith.addf %sub3A_306, %mul3A_351 : vector<12x128xf32>
    %mul3A_353 = arith.constant 5.000000e-01 : f32
    %mul3A_354 = vector.broadcast %mul3A_353 : f32 to vector<12x128xf32>
    %mul3A_355 = arith.mulf %mul3A_46, %mul3A_354 : vector<12x128xf32>
    %sub3A_356 = arith.subf %sub3A_258, %mul3A_355 : vector<12x128xf32>
    %mul3A_357 = arith.constant 5.000000e-01 : f32
    %mul3A_358 = vector.broadcast %mul3A_357 : f32 to vector<12x128xf32>
    %mul3A_359 = arith.mulf %mul3A_46, %mul3A_358 : vector<12x128xf32>
    %add3A_360 = arith.addf %sub3A_258, %mul3A_359 : vector<12x128xf32>
    %mul3A_361 = arith.constant 5.000000e-01 : f32
    %mul3A_362 = vector.broadcast %mul3A_361 : f32 to vector<12x128xf32>
    %mul3A_363 = arith.mulf %mul3A_49, %mul3A_362 : vector<12x128xf32>
    %sub3A_364 = arith.subf %sub3A_260, %mul3A_363 : vector<12x128xf32>
    %mul3A_365 = arith.constant 5.000000e-01 : f32
    %mul3A_366 = vector.broadcast %mul3A_365 : f32 to vector<12x128xf32>
    %mul3A_367 = arith.mulf %mul3A_49, %mul3A_366 : vector<12x128xf32>
    %add3A_368 = arith.addf %sub3A_260, %mul3A_367 : vector<12x128xf32>
    %min3A = arith.minimumf %add3A_344, %add3A_360 : vector<12x128xf32>
    %max3A_369 = arith.maximumf %sub3A_340, %sub3A_356 : vector<12x128xf32>
    %sub3A_370 = arith.subf %min3A, %max3A_369 : vector<12x128xf32>
    %jit3A_371 = arith.constant 0.000000e+00 : f32
    %max3A_372 = vector.broadcast %jit3A_371 : f32 to vector<12x128xf32>
    %max3A_373 = arith.maximumf %max3A_372, %sub3A_370 : vector<12x128xf32>
    %min3A_374 = arith.minimumf %add3A_352, %add3A_368 : vector<12x128xf32>
    %max3A_375 = arith.maximumf %sub3A_348, %sub3A_364 : vector<12x128xf32>
    %sub3A_376 = arith.subf %min3A_374, %max3A_375 : vector<12x128xf32>
    %jit3A_377 = arith.constant 0.000000e+00 : f32
    %max3A_378 = vector.broadcast %jit3A_377 : f32 to vector<12x128xf32>
    %max3A_379 = arith.maximumf %max3A_378, %sub3A_376 : vector<12x128xf32>
    %mul3A_380 = arith.mulf %max3A_373, %max3A_379 : vector<12x128xf32>
    %mul3A_381 = arith.mulf %mul3A_334, %mul3A_336 : vector<12x128xf32>
    %mul3A_382 = arith.mulf %mul3A_46, %mul3A_49 : vector<12x128xf32>
    %add3A_383 = arith.addf %mul3A_381, %mul3A_382 : vector<12x128xf32>
    %sub3A_384 = arith.subf %add3A_383, %mul3A_380 : vector<12x128xf32>
    %add3A_385 = arith.constant 1.000000e-07 : f32
    %add3A_386 = vector.broadcast %add3A_385 : f32 to vector<12x128xf32>
    %add3A_387 = arith.addf %sub3A_384, %add3A_386 : vector<12x128xf32>
    %div3A_388 = arith.divf %mul3A_380, %add3A_387 : vector<12x128xf32>
    %max3A_389 = arith.maximumf %add3A_344, %add3A_360 : vector<12x128xf32>
    %min3A_390 = arith.minimumf %sub3A_340, %sub3A_356 : vector<12x128xf32>
    %sub3A_391 = arith.subf %max3A_389, %min3A_390 : vector<12x128xf32>
    %max3A_392 = arith.maximumf %add3A_352, %add3A_368 : vector<12x128xf32>
    %min3A_393 = arith.minimumf %sub3A_348, %sub3A_364 : vector<12x128xf32>
    %sub3A_394 = arith.subf %max3A_392, %min3A_393 : vector<12x128xf32>
    %mul3A_395 = arith.mulf %sub3A_391, %sub3A_391 : vector<12x128xf32>
    %mul3A_396 = arith.mulf %sub3A_394, %sub3A_394 : vector<12x128xf32>
    %add3A_397 = arith.addf %mul3A_395, %mul3A_396 : vector<12x128xf32>
    %add3A_398 = arith.constant 1.000000e-07 : f32
    %add3A_399 = vector.broadcast %add3A_398 : f32 to vector<12x128xf32>
    %add3A_400 = arith.addf %add3A_397, %add3A_399 : vector<12x128xf32>
    %add3A_401 = arith.addf %sub3A_356, %add3A_360 : vector<12x128xf32>
    %sub3A_402 = arith.subf %add3A_401, %sub3A_340 : vector<12x128xf32>
    %sub3A_403 = arith.subf %sub3A_402, %add3A_344 : vector<12x128xf32>
    %integer_pow3A = arith.mulf %sub3A_403, %sub3A_403 : vector<12x128xf32>
    %add3A_404 = arith.addf %sub3A_364, %add3A_368 : vector<12x128xf32>
    %sub3A_405 = arith.subf %add3A_404, %sub3A_348 : vector<12x128xf32>
    %sub3A_406 = arith.subf %sub3A_405, %add3A_352 : vector<12x128xf32>
    %integer_pow3A_407 = arith.mulf %sub3A_406, %sub3A_406 : vector<12x128xf32>
    %add3A_408 = arith.addf %integer_pow3A, %integer_pow3A_407 : vector<12x128xf32>
    %mul3A_409 = arith.constant 2.500000e-01 : f32
    %mul3A_410 = vector.broadcast %mul3A_409 : f32 to vector<12x128xf32>
    %mul3A_411 = arith.mulf %add3A_408, %mul3A_410 : vector<12x128xf32>
    %add3A_412 = arith.constant 1.000000e-07 : f32
    %add3A_413 = vector.broadcast %add3A_412 : f32 to vector<12x128xf32>
    %add3A_414 = arith.addf %mul3A_49, %add3A_413 : vector<12x128xf32>
    %div3A_415 = arith.divf %mul3A_46, %add3A_414 : vector<12x128xf32>
    %div3A_416 = arith.constant 1.000000e+00 : f32
    %div3A_417 = vector.broadcast %div3A_416 : f32 to vector<12x128xf32>
    %div3A_418 = arith.divf %div3A_417, %div3A_415 : vector<12x128xf32>
    %min3A_419 = arith.minimumf %div3A_415, %div3A_418 : vector<12x128xf32>
    %mul3A_420 = arith.mulf %min3A_419, %min3A_419 : vector<12x128xf32>
    %broadcast_in_dim3A_421 = arith.constant 0.00116812636 : f32
    %broadcast_in_dim3A_422 = vector.broadcast %broadcast_in_dim3A_421 : f32 to vector<12x128xf32>
    %mul3A_423 = arith.mulf %broadcast_in_dim3A_422, %mul3A_420 : vector<12x128xf32>
    %add3A_424 = arith.constant -0.00756849907 : f32
    %add3A_425 = vector.broadcast %add3A_424 : f32 to vector<12x128xf32>
    %add3A_426 = arith.addf %mul3A_423, %add3A_425 : vector<12x128xf32>
    %mul3A_427 = arith.mulf %add3A_426, %mul3A_420 : vector<12x128xf32>
    %add3A_428 = arith.constant 0.023024166 : f32
    %add3A_429 = vector.broadcast %add3A_428 : f32 to vector<12x128xf32>
    %add3A_430 = arith.addf %mul3A_427, %add3A_429 : vector<12x128xf32>
    %mul3A_431 = arith.mulf %add3A_430, %mul3A_420 : vector<12x128xf32>
    %add3A_432 = arith.constant -0.0451981686 : f32
    %add3A_433 = vector.broadcast %add3A_432 : f32 to vector<12x128xf32>
    %add3A_434 = arith.addf %mul3A_431, %add3A_433 : vector<12x128xf32>
    %mul3A_435 = arith.mulf %add3A_434, %mul3A_420 : vector<12x128xf32>
    %add3A_436 = arith.constant 0.0677286536 : f32
    %add3A_437 = vector.broadcast %add3A_436 : f32 to vector<12x128xf32>
    %add3A_438 = arith.addf %mul3A_435, %add3A_437 : vector<12x128xf32>
    %mul3A_439 = arith.mulf %add3A_438, %mul3A_420 : vector<12x128xf32>
    %add3A_440 = arith.constant -0.0882239267 : f32
    %add3A_441 = vector.broadcast %add3A_440 : f32 to vector<12x128xf32>
    %add3A_442 = arith.addf %mul3A_439, %add3A_441 : vector<12x128xf32>
    %mul3A_443 = arith.mulf %add3A_442, %mul3A_420 : vector<12x128xf32>
    %add3A_444 = arith.constant 0.110604577 : f32
    %add3A_445 = vector.broadcast %add3A_444 : f32 to vector<12x128xf32>
    %add3A_446 = arith.addf %mul3A_443, %add3A_445 : vector<12x128xf32>
    %mul3A_447 = arith.mulf %add3A_446, %mul3A_420 : vector<12x128xf32>
    %add3A_448 = arith.constant -0.142800182 : f32
    %add3A_449 = vector.broadcast %add3A_448 : f32 to vector<12x128xf32>
    %add3A_450 = arith.addf %mul3A_447, %add3A_449 : vector<12x128xf32>
    %mul3A_451 = arith.mulf %add3A_450, %mul3A_420 : vector<12x128xf32>
    %add3A_452 = arith.constant 0.199996665 : f32
    %add3A_453 = vector.broadcast %add3A_452 : f32 to vector<12x128xf32>
    %add3A_454 = arith.addf %mul3A_451, %add3A_453 : vector<12x128xf32>
    %mul3A_455 = arith.mulf %add3A_454, %mul3A_420 : vector<12x128xf32>
    %add3A_456 = arith.constant -0.333333254 : f32
    %add3A_457 = vector.broadcast %add3A_456 : f32 to vector<12x128xf32>
    %add3A_458 = arith.addf %mul3A_455, %add3A_457 : vector<12x128xf32>
    %mul3A_459 = arith.mulf %add3A_458, %mul3A_420 : vector<12x128xf32>
    %add3A_460 = arith.constant 1.000000e+00 : f32
    %add3A_461 = vector.broadcast %add3A_460 : f32 to vector<12x128xf32>
    %add3A_462 = arith.addf %mul3A_459, %add3A_461 : vector<12x128xf32>
    %mul3A_463 = arith.mulf %min3A_419, %add3A_462 : vector<12x128xf32>
    %gt3A_464 = arith.constant 1.000000e+00 : f32
    %gt3A_465 = vector.broadcast %gt3A_464 : f32 to vector<12x128xf32>
    %gt3A_466 = arith.cmpf ogt, %div3A_415, %gt3A_465 : vector<12x128xf32>
    %sub3A_467 = arith.constant 1.57079637 : f32
    %sub3A_468 = vector.broadcast %sub3A_467 : f32 to vector<12x128xf32>
    %sub3A_469 = arith.subf %sub3A_468, %mul3A_463 : vector<12x128xf32>
    %select_n3A_470 = arith.select %gt3A_466, %sub3A_469, %mul3A_463 : vector<12x128xi1>, vector<12x128xf32>
    %add3A_471 = arith.constant 1.000000e-07 : f32
    %add3A_472 = vector.broadcast %add3A_471 : f32 to vector<12x128xf32>
    %add3A_473 = arith.addf %mul3A_336, %add3A_472 : vector<12x128xf32>
    %div3A_474 = arith.divf %mul3A_334, %add3A_473 : vector<12x128xf32>
    %div3A_475 = arith.constant 1.000000e+00 : f32
    %div3A_476 = vector.broadcast %div3A_475 : f32 to vector<12x128xf32>
    %div3A_477 = arith.divf %div3A_476, %div3A_474 : vector<12x128xf32>
    %min3A_478 = arith.minimumf %div3A_474, %div3A_477 : vector<12x128xf32>
    %mul3A_479 = arith.mulf %min3A_478, %min3A_478 : vector<12x128xf32>
    %broadcast_in_dim3A_480 = arith.constant 0.00116812636 : f32
    %broadcast_in_dim3A_481 = vector.broadcast %broadcast_in_dim3A_480 : f32 to vector<12x128xf32>
    %mul3A_482 = arith.mulf %broadcast_in_dim3A_481, %mul3A_479 : vector<12x128xf32>
    %add3A_483 = arith.constant -0.00756849907 : f32
    %add3A_484 = vector.broadcast %add3A_483 : f32 to vector<12x128xf32>
    %add3A_485 = arith.addf %mul3A_482, %add3A_484 : vector<12x128xf32>
    %mul3A_486 = arith.mulf %add3A_485, %mul3A_479 : vector<12x128xf32>
    %add3A_487 = arith.constant 0.023024166 : f32
    %add3A_488 = vector.broadcast %add3A_487 : f32 to vector<12x128xf32>
    %add3A_489 = arith.addf %mul3A_486, %add3A_488 : vector<12x128xf32>
    %mul3A_490 = arith.mulf %add3A_489, %mul3A_479 : vector<12x128xf32>
    %add3A_491 = arith.constant -0.0451981686 : f32
    %add3A_492 = vector.broadcast %add3A_491 : f32 to vector<12x128xf32>
    %add3A_493 = arith.addf %mul3A_490, %add3A_492 : vector<12x128xf32>
    %mul3A_494 = arith.mulf %add3A_493, %mul3A_479 : vector<12x128xf32>
    %add3A_495 = arith.constant 0.0677286536 : f32
    %add3A_496 = vector.broadcast %add3A_495 : f32 to vector<12x128xf32>
    %add3A_497 = arith.addf %mul3A_494, %add3A_496 : vector<12x128xf32>
    %mul3A_498 = arith.mulf %add3A_497, %mul3A_479 : vector<12x128xf32>
    %add3A_499 = arith.constant -0.0882239267 : f32
    %add3A_500 = vector.broadcast %add3A_499 : f32 to vector<12x128xf32>
    %add3A_501 = arith.addf %mul3A_498, %add3A_500 : vector<12x128xf32>
    %mul3A_502 = arith.mulf %add3A_501, %mul3A_479 : vector<12x128xf32>
    %add3A_503 = arith.constant 0.110604577 : f32
    %add3A_504 = vector.broadcast %add3A_503 : f32 to vector<12x128xf32>
    %add3A_505 = arith.addf %mul3A_502, %add3A_504 : vector<12x128xf32>
    %mul3A_506 = arith.mulf %add3A_505, %mul3A_479 : vector<12x128xf32>
    %add3A_507 = arith.constant -0.142800182 : f32
    %add3A_508 = vector.broadcast %add3A_507 : f32 to vector<12x128xf32>
    %add3A_509 = arith.addf %mul3A_506, %add3A_508 : vector<12x128xf32>
    %mul3A_510 = arith.mulf %add3A_509, %mul3A_479 : vector<12x128xf32>
    %add3A_511 = arith.constant 0.199996665 : f32
    %add3A_512 = vector.broadcast %add3A_511 : f32 to vector<12x128xf32>
    %add3A_513 = arith.addf %mul3A_510, %add3A_512 : vector<12x128xf32>
    %mul3A_514 = arith.mulf %add3A_513, %mul3A_479 : vector<12x128xf32>
    %add3A_515 = arith.constant -0.333333254 : f32
    %add3A_516 = vector.broadcast %add3A_515 : f32 to vector<12x128xf32>
    %add3A_517 = arith.addf %mul3A_514, %add3A_516 : vector<12x128xf32>
    %mul3A_518 = arith.mulf %add3A_517, %mul3A_479 : vector<12x128xf32>
    %add3A_519 = arith.constant 1.000000e+00 : f32
    %add3A_520 = vector.broadcast %add3A_519 : f32 to vector<12x128xf32>
    %add3A_521 = arith.addf %mul3A_518, %add3A_520 : vector<12x128xf32>
    %mul3A_522 = arith.mulf %min3A_478, %add3A_521 : vector<12x128xf32>
    %gt3A_523 = arith.constant 1.000000e+00 : f32
    %gt3A_524 = vector.broadcast %gt3A_523 : f32 to vector<12x128xf32>
    %gt3A_525 = arith.cmpf ogt, %div3A_474, %gt3A_524 : vector<12x128xf32>
    %sub3A_526 = arith.constant 1.57079637 : f32
    %sub3A_527 = vector.broadcast %sub3A_526 : f32 to vector<12x128xf32>
    %sub3A_528 = arith.subf %sub3A_527, %mul3A_522 : vector<12x128xf32>
    %select_n3A_529 = arith.select %gt3A_525, %sub3A_528, %mul3A_522 : vector<12x128xi1>, vector<12x128xf32>
    %sub3A_530 = arith.subf %select_n3A_470, %select_n3A_529 : vector<12x128xf32>
    %mul3A_531 = arith.constant 0.405284733 : f32
    %mul3A_532 = vector.broadcast %mul3A_531 : f32 to vector<12x128xf32>
    %mul3A_533 = arith.mulf %mul3A_532, %sub3A_530 : vector<12x128xf32>
    %mul3A_534 = arith.mulf %mul3A_533, %sub3A_530 : vector<12x128xf32>
    %sub3A_535 = arith.subf %mul3A_534, %div3A_388 : vector<12x128xf32>
    %add3A_536 = arith.constant 1.00000012 : f32
    %add3A_537 = vector.broadcast %add3A_536 : f32 to vector<12x128xf32>
    %add3A_538 = arith.addf %sub3A_535, %add3A_537 : vector<12x128xf32>
    %div3A_539 = arith.divf %mul3A_534, %add3A_538 : vector<12x128xf32>
    %div3A_540 = arith.divf %mul3A_411, %add3A_400 : vector<12x128xf32>
    %mul3A_541 = arith.mulf %mul3A_534, %div3A_539 : vector<12x128xf32>
    %add3A_542 = arith.addf %div3A_540, %mul3A_541 : vector<12x128xf32>
    %sub3A_543 = arith.subf %div3A_388, %add3A_542 : vector<12x128xf32>
    %sub3A_544 = arith.constant 1.000000e+00 : f32
    %sub3A_545 = vector.broadcast %sub3A_544 : f32 to vector<12x128xf32>
    %sub3A_546 = arith.subf %sub3A_545, %sub3A_543 : vector<12x128xf32>
    %mul3A_547 = arith.mulf %mul3A_256, %sub3A_546 : vector<12x128xf32>
    %reduce_sum3A_548 = vector.shape_cast %mul3A_547 : vector<12x128xf32> to vector<1x12x128xf32>
    %reduce_sum3A_549 = arith.constant dense<0.000000e+00> : vector<1xf32>
    %reduce_sum3A_550 = vector.multi_reduction <add>, %reduce_sum3A_548, %reduce_sum3A_549 [1, 2] : vector<1x12x128xf32> to vector<1xf32>
    %reduce_sum3A_551 = vector.shape_cast %reduce_sum3A_550 : vector<1xf32> to vector<1x1x1xf32>
    %reduce_sum3A_552 = vector.extract %reduce_sum3A_551[0, 0, 0] : f32 from vector<1x1x1xf32>
    %neg3A_553 = arith.constant 0.000000e+00 : f32
    %neg3A_554 = vector.broadcast %neg3A_553 : f32 to vector<12x128xf32>
    %neg3A_555 = arith.subf %neg3A_554, %reduce_sum3A_265 : vector<12x128xf32>
    %exp3A_556 = math.exp %neg3A_555 : vector<12x128xf32>
    %add3A_557 = arith.constant 1.000000e+00 : f32
    %add3A_558 = vector.broadcast %add3A_557 : f32 to vector<12x128xf32>
    %add3A_559 = arith.addf %add3A_558, %exp3A_556 : vector<12x128xf32>
    %div3A_560 = arith.constant 1.000000e+00 : f32
    %div3A_561 = vector.broadcast %div3A_560 : f32 to vector<12x128xf32>
    %div3A_562 = arith.divf %div3A_561, %add3A_559 : vector<12x128xf32>
    %jit3A_563 = arith.constant 0.000000e+00 : f32
    %max3A_564 = vector.broadcast %jit3A_563 : f32 to vector<12x128xf32>
    %max3A_565 = arith.maximumf %max3A_564, %sub3A_543 : vector<12x128xf32>
    %add3A_566 = arith.constant -0.100000024 : f32
    %add3A_567 = vector.broadcast %add3A_566 : f32 to vector<12x128xf32>
    %add3A_568 = arith.addf %add3A_567, %max3A_565 : vector<12x128xf32>
    %neg3A_569 = arith.constant 0.000000e+00 : f32
    %neg3A_570 = vector.broadcast %neg3A_569 : f32 to vector<12x128xf32>
    %neg3A_571 = arith.subf %neg3A_570, %div3A_562 : vector<12x128xf32>
    %exp3A_572 = math.exp %neg3A_571 : vector<12x128xf32>
    %add3A_573 = arith.constant 1.000000e+00 : f32
    %add3A_574 = vector.broadcast %add3A_573 : f32 to vector<12x128xf32>
    %add3A_575 = arith.addf %add3A_574, %exp3A_572 : vector<12x128xf32>
    %div3A_576 = arith.constant 1.000000e+00 : f32
    %div3A_577 = vector.broadcast %div3A_576 : f32 to vector<12x128xf32>
    %div3A_578 = arith.divf %div3A_577, %add3A_575 : vector<12x128xf32>
    %mul3A_579 = arith.mulf %add3A_568, %div3A_578 : vector<12x128xf32>
    %sub3A_580 = arith.constant 1.000000e+00 : f32
    %sub3A_581 = vector.broadcast %sub3A_580 : f32 to vector<12x128xf32>
    %sub3A_582 = arith.subf %sub3A_581, %add3A_568 : vector<12x128xf32>
    %sub3A_583 = arith.constant 1.000000e+00 : f32
    %sub3A_584 = vector.broadcast %sub3A_583 : f32 to vector<12x128xf32>
    %sub3A_585 = arith.subf %sub3A_584, %div3A_578 : vector<12x128xf32>
    %mul3A_586 = arith.mulf %sub3A_582, %sub3A_585 : vector<12x128xf32>
    %add3A_587 = arith.addf %mul3A_579, %mul3A_586 : vector<12x128xf32>
    %mul3A_588 = arith.constant 2.500000e-01 : f32
    %mul3A_589 = vector.broadcast %mul3A_588 : f32 to vector<12x128xf32>
    %mul3A_590 = arith.mulf %mul3A_589, %add3A_568 : vector<12x128xf32>
    %sub3A_591 = arith.constant 1.000000e+00 : f32
    %sub3A_592 = vector.broadcast %sub3A_591 : f32 to vector<12x128xf32>
    %sub3A_593 = arith.subf %sub3A_592, %add3A_568 : vector<12x128xf32>
    %mul3A_594 = arith.constant 7.500000e-01 : f32
    %mul3A_595 = vector.broadcast %mul3A_594 : f32 to vector<12x128xf32>
    %mul3A_596 = arith.mulf %mul3A_595, %sub3A_593 : vector<12x128xf32>
    %add3A_597 = arith.addf %mul3A_590, %mul3A_596 : vector<12x128xf32>
    %sub3A_598 = arith.constant 1.000000e+00 : f32
    %sub3A_599 = vector.broadcast %sub3A_598 : f32 to vector<12x128xf32>
    %sub3A_600 = arith.subf %sub3A_599, %add3A_587 : vector<12x128xf32>
    %mul3A_601 = arith.mulf %add3A_597, %sub3A_600 : vector<12x128xf32>
    %mul3A_602 = arith.mulf %mul3A_601, %sub3A_600 : vector<12x128xf32>
    %mul3A_603 = arith.mulf %div3A_562, %add3A_568 : vector<12x128xf32>
    %sub3A_604 = arith.subf %div3A_562, %mul3A_603 : vector<12x128xf32>
    %neg3A_605 = arith.constant 0.000000e+00 : f32
    %neg3A_606 = vector.broadcast %neg3A_605 : f32 to vector<12x128xf32>
    %neg3A_607 = arith.subf %neg3A_606, %div3A_562 : vector<12x128xf32>
    %exp3A_608 = math.exp %neg3A_607 : vector<12x128xf32>
    %log1p3A = math.log1p %exp3A_608 : vector<12x128xf32>
    %add3A_609 = arith.addf %sub3A_604, %log1p3A : vector<12x128xf32>
    %mul3A_610 = arith.mulf %mul3A_602, %add3A_609 : vector<12x128xf32>
    %neg3A_611 = arith.constant 0.000000e+00 : f32
    %neg3A_612 = vector.broadcast %neg3A_611 : f32 to vector<12x128xf32>
    %neg3A_613 = arith.subf %neg3A_612, %div3A_562 : vector<12x128xf32>
    %exp3A_614 = math.exp %neg3A_613 : vector<12x128xf32>
    %add3A_615 = arith.constant 1.000000e+00 : f32
    %add3A_616 = vector.broadcast %add3A_615 : f32 to vector<12x128xf32>
    %add3A_617 = arith.addf %add3A_616, %exp3A_614 : vector<12x128xf32>
    %div3A_618 = arith.constant 1.000000e+00 : f32
    %div3A_619 = vector.broadcast %div3A_618 : f32 to vector<12x128xf32>
    %div3A_620 = arith.divf %div3A_619, %add3A_617 : vector<12x128xf32>
    %mul3A_621 = arith.constant 1.000000e-01 : f32
    %mul3A_622 = vector.broadcast %mul3A_621 : f32 to vector<12x128xf32>
    %mul3A_623 = arith.mulf %mul3A_622, %div3A_620 : vector<12x128xf32>
    %sub3A_624 = arith.constant 1.000000e+00 : f32
    %sub3A_625 = vector.broadcast %sub3A_624 : f32 to vector<12x128xf32>
    %sub3A_626 = arith.subf %sub3A_625, %div3A_620 : vector<12x128xf32>
    %mul3A_627 = arith.constant 0.899999976 : f32
    %mul3A_628 = vector.broadcast %mul3A_627 : f32 to vector<12x128xf32>
    %mul3A_629 = arith.mulf %mul3A_628, %sub3A_626 : vector<12x128xf32>
    %add3A_630 = arith.addf %mul3A_623, %mul3A_629 : vector<12x128xf32>
    %sub3A_631 = arith.constant 1.000000e+00 : f32
    %sub3A_632 = vector.broadcast %sub3A_631 : f32 to vector<12x128xf32>
    %sub3A_633 = arith.subf %sub3A_632, %add3A_630 : vector<12x128xf32>
    %mul3A_634 = arith.constant 0.699999928 : f32
    %mul3A_635 = vector.broadcast %mul3A_634 : f32 to vector<12x128xf32>
    %mul3A_636 = arith.mulf %mul3A_635, %sub3A_633 : vector<12x128xf32>
    %mul3A_637 = arith.mulf %mul3A_636, %sub3A_633 : vector<12x128xf32>
    %mul3A_638 = arith.constant 1.000000e-01 : f32
    %mul3A_639 = vector.broadcast %mul3A_638 : f32 to vector<12x128xf32>
    %mul3A_640 = arith.mulf %div3A_562, %mul3A_639 : vector<12x128xf32>
    %sub3A_641 = arith.subf %div3A_562, %mul3A_640 : vector<12x128xf32>
    %neg3A_642 = arith.constant 0.000000e+00 : f32
    %neg3A_643 = vector.broadcast %neg3A_642 : f32 to vector<12x128xf32>
    %neg3A_644 = arith.subf %neg3A_643, %div3A_562 : vector<12x128xf32>
    %exp3A_645 = math.exp %neg3A_644 : vector<12x128xf32>
    %log1p3A_646 = math.log1p %exp3A_645 : vector<12x128xf32>
    %add3A_647 = arith.addf %sub3A_641, %log1p3A_646 : vector<12x128xf32>
    %mul3A_648 = arith.mulf %mul3A_637, %add3A_647 : vector<12x128xf32>
    %sub3A_649 = arith.subf %mul3A_610, %mul3A_648 : vector<12x128xf32>
    %mul3A_650 = arith.mulf %mul3A_256, %sub3A_649 : vector<12x128xf32>
    %reduce_sum3A_651 = vector.shape_cast %mul3A_650 : vector<12x128xf32> to vector<1x12x128xf32>
    %reduce_sum3A_652 = arith.constant dense<0.000000e+00> : vector<1xf32>
    %reduce_sum3A_653 = vector.multi_reduction <add>, %reduce_sum3A_651, %reduce_sum3A_652 [1, 2] : vector<1x12x128xf32> to vector<1xf32>
    %reduce_sum3A_654 = vector.shape_cast %reduce_sum3A_653 : vector<1xf32> to vector<1x1x1xf32>
    %reduce_sum3A_655 = vector.extract %reduce_sum3A_654[0, 0, 0] : f32 from vector<1x1x1xf32>
    %slice3A_656 = vector.extract_strided_slice %get3A_264 {offsets = [0, 0, 5], sizes = [12, 128, 80], strides = [1, 1, 1]} : vector<12x128x85xf32> to vector<12x128x80xf32>
    %neg3A_657 = arith.constant 0.000000e+00 : f32
    %neg3A_658 = vector.broadcast %neg3A_657 : f32 to vector<12x128x80xf32>
    %neg3A_659 = arith.subf %neg3A_658, %slice3A_656 : vector<12x128x80xf32>
    %exp3A_660 = math.exp %neg3A_659 : vector<12x128x80xf32>
    %add3A_661 = arith.constant 1.000000e+00 : f32
    %add3A_662 = vector.broadcast %add3A_661 : f32 to vector<12x128x80xf32>
    %add3A_663 = arith.addf %add3A_662, %exp3A_660 : vector<12x128x80xf32>
    %div3A_664 = arith.constant 1.000000e+00 : f32
    %div3A_665 = vector.broadcast %div3A_664 : f32 to vector<12x128x80xf32>
    %div3A_666 = arith.divf %div3A_665, %add3A_663 : vector<12x128x80xf32>
    %neg3A_667 = arith.constant 0.000000e+00 : f32
    %neg3A_668 = vector.broadcast %neg3A_667 : f32 to vector<12x128x80xf32>
    %neg3A_669 = arith.subf %neg3A_668, %div3A_666 : vector<12x128x80xf32>
    %exp3A_670 = math.exp %neg3A_669 : vector<12x128x80xf32>
    %add3A_671 = arith.constant 1.000000e+00 : f32
    %add3A_672 = vector.broadcast %add3A_671 : f32 to vector<12x128x80xf32>
    %add3A_673 = arith.addf %add3A_672, %exp3A_670 : vector<12x128x80xf32>
    %div3A_674 = arith.constant 1.000000e+00 : f32
    %div3A_675 = vector.broadcast %div3A_674 : f32 to vector<12x128x80xf32>
    %div3A_676 = arith.divf %div3A_675, %add3A_673 : vector<12x128x80xf32>
    %sub3A_677 = arith.constant 1.000000e-01 : f32
    %sub3A_678 = vector.broadcast %sub3A_677 : f32 to vector<12x128x80xf32>
    %sub3A_679 = arith.subf %sub3A_678, %div3A_676 : vector<12x128x80xf32>
    %max3A_680 = arith.constant 0.000000e+00 : f32
    %max3A_681 = vector.broadcast %max3A_680 : f32 to vector<12x128x80xf32>
    %max3A_682 = arith.maximumf %div3A_666, %max3A_681 : vector<12x128x80xf32>
    %mul3A_683 = arith.constant 1.000000e-01 : f32
    %mul3A_684 = vector.broadcast %mul3A_683 : f32 to vector<12x128x80xf32>
    %mul3A_685 = arith.mulf %div3A_666, %mul3A_684 : vector<12x128x80xf32>
    %sub3A_686 = arith.subf %max3A_682, %mul3A_685 : vector<12x128x80xf32>
    %abs3A = math.absf %div3A_666 : vector<12x128x80xf32>
    %neg3A_687 = arith.constant 0.000000e+00 : f32
    %neg3A_688 = vector.broadcast %neg3A_687 : f32 to vector<12x128x80xf32>
    %neg3A_689 = arith.subf %neg3A_688, %abs3A : vector<12x128x80xf32>
    %exp3A_690 = math.exp %neg3A_689 : vector<12x128x80xf32>
    %log1p3A_691 = math.log1p %exp3A_690 : vector<12x128x80xf32>
    %add3A_692 = arith.addf %sub3A_686, %log1p3A_691 : vector<12x128x80xf32>
    %mul3A_693 = arith.constant 7.500000e-01 : f32
    %mul3A_694 = vector.broadcast %mul3A_693 : f32 to vector<12x128x80xf32>
    %mul3A_695 = arith.mulf %mul3A_694, %sub3A_679 : vector<12x128x80xf32>
    %mul3A_696 = arith.mulf %mul3A_695, %sub3A_679 : vector<12x128x80xf32>
    %mul3A_697 = arith.mulf %mul3A_696, %add3A_692 : vector<12x128x80xf32>
    %sub3A_698 = arith.constant 0.899999976 : f32
    %sub3A_699 = vector.broadcast %sub3A_698 : f32 to vector<12x128x80xf32>
    %sub3A_700 = arith.subf %sub3A_699, %div3A_676 : vector<12x128x80xf32>
    %max3A_701 = arith.constant 0.000000e+00 : f32
    %max3A_702 = vector.broadcast %max3A_701 : f32 to vector<12x128x80xf32>
    %max3A_703 = arith.maximumf %div3A_666, %max3A_702 : vector<12x128x80xf32>
    %mul3A_704 = arith.constant 0.899999976 : f32
    %mul3A_705 = vector.broadcast %mul3A_704 : f32 to vector<12x128x80xf32>
    %mul3A_706 = arith.mulf %div3A_666, %mul3A_705 : vector<12x128x80xf32>
    %sub3A_707 = arith.subf %max3A_703, %mul3A_706 : vector<12x128x80xf32>
    %abs3A_708 = math.absf %div3A_666 : vector<12x128x80xf32>
    %neg3A_709 = arith.constant 0.000000e+00 : f32
    %neg3A_710 = vector.broadcast %neg3A_709 : f32 to vector<12x128x80xf32>
    %neg3A_711 = arith.subf %neg3A_710, %abs3A_708 : vector<12x128x80xf32>
    %exp3A_712 = math.exp %neg3A_711 : vector<12x128x80xf32>
    %log1p3A_713 = math.log1p %exp3A_712 : vector<12x128x80xf32>
    %add3A_714 = arith.addf %sub3A_707, %log1p3A_713 : vector<12x128x80xf32>
    %mul3A_715 = arith.constant 2.500000e-01 : f32
    %mul3A_716 = vector.broadcast %mul3A_715 : f32 to vector<12x128x80xf32>
    %mul3A_717 = arith.mulf %mul3A_716, %sub3A_700 : vector<12x128x80xf32>
    %mul3A_718 = arith.mulf %mul3A_717, %sub3A_700 : vector<12x128x80xf32>
    %mul3A_719 = arith.mulf %mul3A_718, %add3A_714 : vector<12x128x80xf32>
    %sub3A_720 = arith.subf %mul3A_719, %mul3A_697 : vector<12x128x80xf32>
    %iota3A = tpu.iota {dimensions = array<i32: 2>} : vector<12x128x80xi32>
    %convert_element_type3A_721 = arith.fptosi %get3A_18 : vector<12x128xf32> to vector<12x128xi32>
    %broadcast_in_dim3A_722 = vector.shape_cast %convert_element_type3A_721 : vector<12x128xi32> to vector<12x128x1xi32>
    %eq3A_723 = vector.broadcast %broadcast_in_dim3A_722 : vector<12x128x1xi32> to vector<12x128x80xi32>
    %eq3A_724 = arith.cmpi eq, %iota3A, %eq3A_723 : vector<12x128x80xi32>
    %jit3A_725 = arith.constant 0.000000e+00 : f32
    %broadcast_in_dim3A_726 = vector.broadcast %jit3A_725 : f32 to vector<12x128x80xf32>
    %select_n3A_727 = arith.select %eq3A_724, %sub3A_720, %broadcast_in_dim3A_726 : vector<12x128x80xi1>, vector<12x128x80xf32>
    %add3A_728 = arith.addf %mul3A_697, %select_n3A_727 : vector<12x128x80xf32>
    %broadcast_in_dim3A_729 = vector.shape_cast %mul3A_256 : vector<12x128xf32> to vector<12x128x1xf32>
    %mul3A_730 = vector.broadcast %broadcast_in_dim3A_729 : vector<12x128x1xf32> to vector<12x128x80xf32>
    %mul3A_731 = arith.mulf %mul3A_730, %add3A_728 : vector<12x128x80xf32>
    %reduce_sum3A_732 = vector.shape_cast %mul3A_731 : vector<12x128x80xf32> to vector<1x12x128x80xf32>
    %reduce_sum3A_733 = arith.constant dense<0.000000e+00> : vector<1xf32>
    %reduce_sum3A_734 = vector.multi_reduction <add>, %reduce_sum3A_732, %reduce_sum3A_733 [1, 2, 3] : vector<1x12x128x80xf32> to vector<1xf32>
    %reduce_sum3A_735 = vector.shape_cast %reduce_sum3A_734 : vector<1xf32> to vector<1x1x1x1xf32>
    %reduce_sum3A_736 = vector.extract %reduce_sum3A_735[0, 0, 0, 0] : f32 from vector<1x1x1x1xf32>
    %reduce_sum3A_737 = vector.shape_cast %mul3A_256 : vector<12x128xf32> to vector<1x12x128xf32>
    %reduce_sum3A_738 = arith.constant dense<0.000000e+00> : vector<1xf32>
    %reduce_sum3A_739 = vector.multi_reduction <add>, %reduce_sum3A_737, %reduce_sum3A_738 [1, 2] : vector<1x12x128xf32> to vector<1xf32>
    %reduce_sum3A_740 = vector.shape_cast %reduce_sum3A_739 : vector<1xf32> to vector<1x1x1xf32>
    %reduce_sum3A_741 = vector.extract %reduce_sum3A_740[0, 0, 0] : f32 from vector<1x1x1xf32>
    %eq3A_742 = arith.constant 0 : i32
    %eq3A_743 = arith.cmpi eq, %arg0, %eq3A_742 : i32
    %convert_element_type3A_744 = arith.extui %eq3A_743 : i1 to i32
    %cond3A = arith.constant 0 : i32
    %cond3A_745 = arith.cmpi ne, %convert_element_type3A_744, %cond3A : i32
    scf.if %cond3A_745 {
      %broadcast_in_dim3A_777 = arith.constant 0.000000e+00 : f32
      %broadcast_in_dim3A_778 = vector.broadcast %broadcast_in_dim3A_777 : f32 to vector<1x1xf32>
      %swap3A_779 = arith.constant 0 : index
      %swap3A_780 = arith.constant 0 : index
      %swap3A_781 = vector.load %arg11[%swap3A_779, %swap3A_780] : memref<1x1xf32, #tpu.memory_space<vmem>>, vector<1x1xf32>
      tpu.vector_store %arg11[%swap3A_779, %swap3A_780], %broadcast_in_dim3A_778 {strides = array<i32>} : memref<1x1xf32, #tpu.memory_space<vmem>>, vector<1x1xf32>,
      %broadcast_in_dim3A_782 = arith.constant 0.000000e+00 : f32
      %broadcast_in_dim3A_783 = vector.broadcast %broadcast_in_dim3A_782 : f32 to vector<1x1xf32>
      %swap3A_784 = arith.constant 0 : index
      %swap3A_785 = arith.constant 0 : index
      %swap3A_786 = vector.load %arg12[%swap3A_784, %swap3A_785] : memref<1x1xf32, #tpu.memory_space<vmem>>, vector<1x1xf32>
      tpu.vector_store %arg12[%swap3A_784, %swap3A_785], %broadcast_in_dim3A_783 {strides = array<i32>} : memref<1x1xf32, #tpu.memory_space<vmem>>, vector<1x1xf32>,
      %broadcast_in_dim3A_787 = arith.constant 0.000000e+00 : f32
      %broadcast_in_dim3A_788 = vector.broadcast %broadcast_in_dim3A_787 : f32 to vector<1x1xf32>
      %swap3A_789 = arith.constant 0 : index
      %swap3A_790 = arith.constant 0 : index
      %swap3A_791 = vector.load %arg13[%swap3A_789, %swap3A_790] : memref<1x1xf32, #tpu.memory_space<vmem>>, vector<1x1xf32>
      tpu.vector_store %arg13[%swap3A_789, %swap3A_790], %broadcast_in_dim3A_788 {strides = array<i32>} : memref<1x1xf32, #tpu.memory_space<vmem>>, vector<1x1xf32>,
      %broadcast_in_dim3A_792 = arith.constant 0.000000e+00 : f32
      %broadcast_in_dim3A_793 = vector.broadcast %broadcast_in_dim3A_792 : f32 to vector<1x1xf32>
      %swap3A_794 = arith.constant 0 : index
      %swap3A_795 = arith.constant 0 : index
      %swap3A_796 = vector.load %arg14[%swap3A_794, %swap3A_795] : memref<1x1xf32, #tpu.memory_space<vmem>>, vector<1x1xf32>
      tpu.vector_store %arg14[%swap3A_794, %swap3A_795], %broadcast_in_dim3A_793 {strides = array<i32>} : memref<1x1xf32, #tpu.memory_space<vmem>>, vector<1x1xf32>,
    } else {
    }
    %get3A_746 = arith.constant 0 : index
    %get3A_747 = arith.constant 0 : index
    %get3A_748 = vector.load %arg11[%get3A_746, %get3A_747] : memref<1x1xf32, #tpu.memory_space<vmem>>, vector<1x1xf32>
    %add3A_749 = vector.broadcast %reduce_sum3A_552 : f32 to vector<1x1xf32>
    %add3A_750 = arith.addf %get3A_748, %add3A_749 : vector<1x1xf32>
    %swap3A = arith.constant 0 : index
    %swap3A_751 = arith.constant 0 : index
    %swap3A_752 = vector.load %arg11[%swap3A, %swap3A_751] : memref<1x1xf32, #tpu.memory_space<vmem>>, vector<1x1xf32>
    tpu.vector_store %arg11[%swap3A, %swap3A_751], %add3A_750 {strides = array<i32>} : memref<1x1xf32, #tpu.memory_space<vmem>>, vector<1x1xf32>,
    %get3A_753 = arith.constant 0 : index
    %get3A_754 = arith.constant 0 : index
    %get3A_755 = vector.load %arg12[%get3A_753, %get3A_754] : memref<1x1xf32, #tpu.memory_space<vmem>>, vector<1x1xf32>
    %add3A_756 = vector.broadcast %reduce_sum3A_736 : f32 to vector<1x1xf32>
    %add3A_757 = arith.addf %get3A_755, %add3A_756 : vector<1x1xf32>
    %swap3A_758 = arith.constant 0 : index
    %swap3A_759 = arith.constant 0 : index
    %swap3A_760 = vector.load %arg12[%swap3A_758, %swap3A_759] : memref<1x1xf32, #tpu.memory_space<vmem>>, vector<1x1xf32>
    tpu.vector_store %arg12[%swap3A_758, %swap3A_759], %add3A_757 {strides = array<i32>} : memref<1x1xf32, #tpu.memory_space<vmem>>, vector<1x1xf32>,
    %get3A_761 = arith.constant 0 : index
    %get3A_762 = arith.constant 0 : index
    %get3A_763 = vector.load %arg13[%get3A_761, %get3A_762] : memref<1x1xf32, #tpu.memory_space<vmem>>, vector<1x1xf32>
    %add3A_764 = vector.broadcast %reduce_sum3A_655 : f32 to vector<1x1xf32>
    %add3A_765 = arith.addf %get3A_763, %add3A_764 : vector<1x1xf32>
    %swap3A_766 = arith.constant 0 : index
    %swap3A_767 = arith.constant 0 : index
    %swap3A_768 = vector.load %arg13[%swap3A_766, %swap3A_767] : memref<1x1xf32, #tpu.memory_space<vmem>>, vector<1x1xf32>
    tpu.vector_store %arg13[%swap3A_766, %swap3A_767], %add3A_765 {strides = array<i32>} : memref<1x1xf32, #tpu.memory_space<vmem>>, vector<1x1xf32>,
    %get3A_769 = arith.constant 0 : index
    %get3A_770 = arith.constant 0 : index
    %get3A_771 = vector.load %arg14[%get3A_769, %get3A_770] : memref<1x1xf32, #tpu.memory_space<vmem>>, vector<1x1xf32>
    %add3A_772 = vector.broadcast %reduce_sum3A_741 : f32 to vector<1x1xf32>
    %add3A_773 = arith.addf %get3A_771, %add3A_772 : vector<1x1xf32>
    %swap3A_774 = arith.constant 0 : index
    %swap3A_775 = arith.constant 0 : index
    %swap3A_776 = vector.load %arg14[%swap3A_774, %swap3A_775] : memref<1x1xf32, #tpu.memory_space<vmem>>, vector<1x1xf32>
    tpu.vector_store %arg14[%swap3A_774, %swap3A_775], %add3A_773 {strides = array<i32>} : memref<1x1xf32, #tpu.memory_space<vmem>>, vector<1x1xf32>,
    return
  }
  func.func @transform_0(%arg0: i32) -> (i32, i32, i32) {
    %c0_i32 = arith.constant 0 : i32
    %c0_i32_0 = arith.constant 0 : i32
    %c0_i32_1 = arith.constant 0 : i32
    return %arg0, %c0_i32, %c0_i32_0 : i32, i32, i32
  }
  func.func @transform_1(%arg0: i32) -> (i32, i32, i32) {
    %c0_i32 = arith.constant 0 : i32
    %c0_i32_0 = arith.constant 0 : i32
    %c0_i32_1 = arith.constant 0 : i32
    return %arg0, %c0_i32, %c0_i32_0 : i32, i32, i32
  }
  func.func @transform_2(%arg0: i32) -> (i32, i32, i32) {
    %c0_i32 = arith.constant 0 : i32
    %c0_i32_0 = arith.constant 0 : i32
    %c0_i32_1 = arith.constant 0 : i32
    return %arg0, %c0_i32, %c0_i32_0 : i32, i32, i32
  }
  func.func @transform_3(%arg0: i32) -> (i32, i32, i32) {
    %c0_i32 = arith.constant 0 : i32
    %c0_i32_0 = arith.constant 0 : i32
    %c0_i32_1 = arith.constant 0 : i32
    return %arg0, %c0_i32, %c0_i32_0 : i32, i32, i32
  }
  func.func @transform_4(%arg0: i32) -> (i32, i32, i32) {
    %c0_i32 = arith.constant 0 : i32
    %c0_i32_0 = arith.constant 0 : i32
    %c0_i32_1 = arith.constant 0 : i32
    return %arg0, %c0_i32, %c0_i32_0 : i32, i32, i32
  }
  func.func @transform_5(%arg0: i32) -> (i32, i32, i32) {
    %c0_i32 = arith.constant 0 : i32
    %c0_i32_0 = arith.constant 0 : i32
    %c0_i32_1 = arith.constant 0 : i32
    return %arg0, %c0_i32, %c0_i32_0 : i32, i32, i32
  }
  func.func @transform_6(%arg0: i32) -> (i32, i32, i32) {
    %c0_i32 = arith.constant 0 : i32
    %c0_i32_0 = arith.constant 0 : i32
    %c0_i32_1 = arith.constant 0 : i32
    return %arg0, %c0_i32, %c0_i32_0 : i32, i32, i32
  }
  func.func @transform_7(%arg0: i32) -> (i32, i32, i32) {
    %c0_i32 = arith.constant 0 : i32
    %c0_i32_0 = arith.constant 0 : i32
    %c0_i32_1 = arith.constant 0 : i32
    return %arg0, %c0_i32, %c0_i32_0 : i32, i32, i32
  }
  func.func @transform_8(%arg0: i32) -> (i32, i32, i32) {
    %c0_i32 = arith.constant 0 : i32
    %c0_i32_0 = arith.constant 0 : i32
    %c0_i32_1 = arith.constant 0 : i32
    return %arg0, %c0_i32, %c0_i32_0 : i32, i32, i32
  }
  func.func @transform_9(%arg0: i32) -> (i32, i32, i32) {
    %c0_i32 = arith.constant 0 : i32
    %c0_i32_0 = arith.constant 0 : i32
    %c0_i32_1 = arith.constant 0 : i32
    return %arg0, %c0_i32, %c0_i32_0 : i32, i32, i32
  }
  func.func @transform_10(%arg0: i32) -> (i32, i32) {
    %c0_i32 = arith.constant 0 : i32
    %c0_i32_0 = arith.constant 0 : i32
    %c0_i32_1 = arith.constant 0 : i32
    return %c0_i32, %c0_i32_0 : i32, i32
  }
  func.func @transform_11(%arg0: i32) -> (i32, i32) {
    %c0_i32 = arith.constant 0 : i32
    %c0_i32_0 = arith.constant 0 : i32
    %c0_i32_1 = arith.constant 0 : i32
    return %c0_i32, %c0_i32_0 : i32, i32
  }
  func.func @transform_12(%arg0: i32) -> (i32, i32) {
    %c0_i32 = arith.constant 0 : i32
    %c0_i32_0 = arith.constant 0 : i32
    %c0_i32_1 = arith.constant 0 : i32
    return %c0_i32, %c0_i32_0 : i32, i32
  }
  func.func @transform_13(%arg0: i32) -> (i32, i32) {
    %c0_i32 = arith.constant 0 : i32
    %c0_i32_0 = arith.constant 0 : i32
    %c0_i32_1 = arith.constant 0 : i32
    return %c0_i32, %c0_i32_0 : i32, i32
  }
}

</mosaic_0001>

<sc_bundles>
// kernel: kernel.10.cloned.1.call-start
scs
__scs_entry_jumppad:
0x0: {  	(pc) =	sbr.rel $0x88, $3  }
0x1: {  	(tag) =	ssettag $0x0;
	lr =	simm.s32 $0x1  }
0x2: {  	[smem:$0x3F9D] =	sst lr;
	_ =	strace $0xD0000000  }
0x3: {  	_ = 	snop  }
0x4: {  	_ = 	snop  }
0x5: {  	_ = 	snop  }
0x6: {  	_ = 	snop  }
0x7: {  	_ = 	snop  }
__scs_overlays_trampoline_lowered:
0x8: {  	[smem:$0x3FAC] =	sst s0  }
0x9: {  	[smem:$0x3FAD] =	sst s1  }
0xa: {  	[smem:$0x3FAE] =	sst s2  }
0xb: {  	[smem:$0x3FAF] =	sst s3  }
0xc: {  	[smem:$0x3FB0] =	sst s4  }
0xd: {  	[smem:$0x3FB1] =	sst s5  }
0xe: {  	[smem:$0x3FB2] =	sst s6  }
0xf: {  	[smem:$0x3FB3] =	sst s7  }
0x10: {  	[smem:$0x3FB4] =	sst s8  }
0x11: {  	[smem:$0x3FB5] =	sst s9;
	s0 =	simm.s32 @!p0 $0x0  }
0x12: {  	s1 =	sld [smem:$0x3F9B];
	s0 =	simm.s32 @p0 $0x1  }
0x13: {  	[smem:$0x3FB6] =	sst s0;
	s0 =	simm.s32 @!p1 $0x0  }
0x14: {  	s2 =	sld [smem:$0x3F9A];
	s0 =	simm.s32 @p1 $0x1  }
0x15: {  	[smem:$0x3FB7] =	sst s0;
	s0 =	simm.s32 @!p2 $0x0  }
0x16: {  	s3 =	sld [smem:$0x3FDB];
	s0 =	simm.s32 @p2 $0x1  }
0x17: {  	s4 =	simm.s32 $0x1BF5;
	[smem:$0x3FB9] =	sst s0  }
0x18: {  	s0 =	sld [smem:$0x3F9C];
	_ =	swait.ge [sflag:s4], $0x0  }
0x19: {  	s7 =	sld [smem:$0x3F9D]  }
0x1a: {  	s8 =	sadd.s32 $0xFFFFE003, lr  }
0x1b: {  	s9 =	sadd.s32 $0xFFFFFEF7, lr;
	s5 =	simm.s32 $0xFFFFFFFF;
	p2 =	slt.u32 s8, $0xFFFFF086  }
0x1c: {  	p1 =	slt.u32 s9, $0xF7A;
	s5 =	simm.s32 @!p2 $0x0  }
0x1d: {  	s5 =	simm.s32 @p1 $0x1;
	p0 =	seq.s32 s7, s2  }
0x1e: {  	s7 =	smul.u32 @!p0 $0xF7A, s2;
	p2 =	seq.s32 @!p0 s5, $0x0  }
0x1f: {  	s9 =	smul.u32 $0xF7A, s1;
	s8 =	simm.s32 @!p0 $0x1BF5;
	p2 =	por !p2, p0  }
0x20: {  	[sflag:s8] =	ssyncset.s32 @!p0 $0xFFFFF086;
	s6 =	sadd.s32 @!p0 s3, s7;
	s7 =	simm.s32 @!p0 $0x108  }
0x21: {  	s3 =	sadd.s32 s3, s9;
	s6 =	sadd.s32 @!p0 $0x88, s6;
	s7 =	simm.s32 @p2 $0x1082  }
0x22: {  	[simem:s7], [sflag:s8] =	dma.local @!p0 [hbm:s6], $0xF7A  }
0x23: {  	s9 =	sor.u32 $0xD0000000, s2;
	s6 =	simm.s32 $0x108;
	_ =	swait.ge @!p0 [sflag:s8], $0x0  }
0x24: {  	s3 =	sadd.s32 $0x88, s3;
	s6 =	simm.s32 @!p1 $0x1082;
	[sflag:s4] =	ssyncset.s32 $0xFFFFF086  }
0x25: {  	[simem:s6], [sflag:s4] =	dma.local [hbm:s3], $0xF7A  }
0x26: {  	[smem:$0x3F9D] =	sst s1;
	(tag) =	ssettag s2;
	_ =	strace s9  }
0x27: {  	s1 =	sld [smem:$0x3FAD]  }
0x28: {  	s2 =	sld [smem:$0x3FAE]  }
0x29: {  	s4 =	sld [smem:$0x3FB0]  }
0x2a: {  	p0 =	seq.s32 s5, $0x0;
	s5 =	sld [smem:$0x3FB1]  }
0x2b: {  	s6 =	sld [smem:$0x3FB2]  }
0x2c: {  	s7 =	sld [smem:$0x3FB3]  }
0x2d: {  	s3 =	simm.s32 $0x108;
	s8 =	sld [smem:$0x3FB4]  }
0x2e: {  	s3 =	simm.s32 @!p0 $0x1082;
	s9 =	sld [smem:$0x3FB5]  }
0x2f: {  	lr =	sadd.s32 s0, s3;
	s0 =	sld [smem:$0x3FAC]  }
0x30: {  	s3 =	sld [smem:$0x3FAF]  }
0x31: {  	[smem:$0x3FB8] =	sst s10  }
0x32: {  	s10 =	sld [smem:$0x3FB6];
	_ =	sdelay $0x3  }
0x33: {  	p0 =	seq.s32 s10, $0x1;
	s10 =	sld [smem:$0x3FB8];
	_ =	sdelay $0x3  }
0x34: {  	[smem:$0x3FB8] =	sst s10  }
0x35: {  	s10 =	sld [smem:$0x3FB7];
	_ =	sdelay $0x3  }
0x36: {  	p1 =	seq.s32 s10, $0x1;
	s10 =	sld [smem:$0x3FB8];
	_ =	sdelay $0x3  }
0x37: {  	[smem:$0x3FB8] =	sst s10  }
0x38: {  	s10 =	sld [smem:$0x3FB9]  }
0x39: {  	_ = 	snop;
	(pc) =	sbr.ind lr, $3  }
0x3a: {  	_ = 	snop  }
0x3b: {  	_ = 	snop  }
0x3c: {  	p2 =	seq.s32 s10, $0x1;
	s10 =	sld [smem:$0x3FB8]  }
0x3d: {  	_ =	shalt  }
0x3e: {  	_ =	shalt  }
0x3f: {  	_ =	shalt  }
0x40: {  	_ =	shalt  }
0x41: {  	_ =	shalt  }
0x42: {  	_ =	shalt  }
0x43: {  	_ =	shalt  }
0x44: {  	_ =	shalt  }
0x45: {  	_ =	shalt  }
0x46: {  	_ =	shalt  }
0x47: {  	_ =	shalt  }
0x48: {  	_ =	shalt  }
0x49: {  	_ =	shalt  }
0x4a: {  	_ =	shalt  }
0x4b: {  	_ =	shalt  }
0x4c: {  	_ =	shalt  }
0x4d: {  	_ =	shalt  }
0x4e: {  	_ =	shalt  }
0x4f: {  	_ =	shalt  }
0x50: {  	_ =	shalt  }
0x51: {  	_ =	shalt  }
0x52: {  	_ =	shalt  }
0x53: {  	_ =	shalt  }
0x54: {  	_ =	shalt  }
0x55: {  	_ =	shalt  }
0x56: {  	_ =	shalt  }
0x57: {  	_ =	shalt  }
0x58: {  	_ =	shalt  }
0x59: {  	_ =	shalt  }
0x5a: {  	_ =	shalt  }
0x5b: {  	_ =	shalt  }
0x5c: {  	_ =	shalt  }
0x5d: {  	_ =	shalt  }
0x5e: {  	_ =	shalt  }
0x5f: {  	_ =	shalt  }
0x60: {  	_ =	shalt  }
0x61: {  	_ =	shalt  }
0x62: {  	_ =	shalt  }
0x63: {  	_ =	shalt  }
0x64: {  	_ =	shalt  }
0x65: {  	_ =	shalt  }
0x66: {  	_ =	shalt  }
0x67: {  	_ =	shalt  }
0x68: {  	_ =	shalt  }
0x69: {  	_ =	shalt  }
0x6a: {  	_ =	shalt  }
0x6b: {  	_ =	shalt  }
0x6c: {  	_ =	shalt  }
0x6d: {  	_ =	shalt  }
0x6e: {  	_ =	shalt  }
0x6f: {  	_ =	shalt  }
0x70: {  	_ =	shalt  }
0x71: {  	_ =	shalt  }
0x72: {  	_ =	shalt  }
0x73: {  	_ =	shalt  }
0x74: {  	_ =	shalt  }
0x75: {  	_ =	shalt  }
0x76: {  	_ =	shalt  }
0x77: {  	_ =	shalt  }
0x78: {  	_ =	shalt  }
0x79: {  	_ =	shalt  }
0x7a: {  	_ =	shalt  }
0x7b: {  	_ =	shalt  }
0x7c: {  	_ =	shalt  }
0x7d: {  	_ =	shalt  }
0x7e: {  	_ =	shalt  }
0x7f: {  	_ =	shalt  }
0x80: {  	_ =	shalt  }
0x81: {  	_ =	shalt  }
0x82: {  	_ =	shalt  }
0x83: {  	_ =	shalt  }
0x84: {  	_ =	shalt  }
0x85: {  	_ =	shalt  }
0x86: {  	_ =	shalt  }
0x87: {  	_ =	shalt  }
.Lfunc_end0:
.L_simem_size_0:
called_computation_lowered:
.L_overlay_start_0:
0x88: {  	s2 =	sld [smem:$0x3FD9]  }
0x89: {  	s3 =	sld [smem:$0x3FFE];
	_ =	sdelay $0x1  }
0x8a: {  	s1 =	srdreg.scid  }
0x8b: {  	s0 =	sand.u32 $0x1, s1  }
0x8c: {  	s16 =	sshll.u32 s0, $0xA;
	s2 =	sadd.s32 s3, s2  }
0x8d: {  	s2 =	sadd.s32 s2, s16  }
0x8e: {  	[smem:$0x3FC4] =	sst s2  }
0x8f: {  	_ = 	snop  }
0x90: {  	(tm) =	ssettm $0x1  }
0x91: {  	s17 =	sld [smem:$0x3FFB];
	_ =	sdelay $0x3  }
0x92: {  	_ =	strace s17  }
0x93: {  	s2 =	sld [smem:$0x3FFC];
	_ =	sdelay $0x3  }
0x94: {  	_ =	strace s2  }
0x95: {  	s2 =	sld [smem:$0x3FFD];
	_ =	sdelay $0x3  }
0x96: {  	_ =	strace s2  }
0x97: {  	_ =	strace $0x8FFFFFFF  }
0x98: {  	s18 =	sld [smem:$0x3FDB];
	_ =	sdelay $0x1  }
0x99: {  	s19 =	simm.s32 $_scs_section_size  }
0x9a: {  	s4 =	simm.s32 $_size__tile_overlayer_lowered;
	s5 =	simm.s32 $_tile_overlayer_lowered  }
0x9b: {  	s22 =	simm.s32 $0x1BFF;
	s21 =	sshll.u32 s5, $0x1;
	s2 =	sadd.s32 s19, s18  }
0x9c: {  	s6 =	simm.s32 $0x0;
	s20 =	sshll.u32 s4, $0x1;
	s4 =	sadd.s32 s21, s2  }
0x9d: {  	[timem:s6], [sflag:s22] =	dma.local [hbm:s4], s20  }
0x9e: {  	_ =	swait.ge [sflag:s22], s20  }
0x9f: {  	s3 =	ssub.s32 $0x0, s20;
	[sflag:s22] =	ssyncset.done $0x0  }
0xa0: {  	[sflag:s22] =	ssyncadd.s32 s3;
	_ =	sdelay $0x1  }
0xa1: {  	s23 =	simm.s32 $0x1B8B  }
0xa2: {  	_ =	swait.ge [sflag:s23], $0x1  }
0xa3: {  	[sflag:s23] =	ssyncset.done $0x0  }
0xa4: {  	s25 =	simm.s32 $0x1B8E;
	s24 =	sld [smem:$0x3FFE];
	[sflag:s23] =	ssyncadd.s32 $0xFFFFFFFF  }
0xa5: {  	s26 =	simm.s32 $execute0_lowered;
	[smem:$0x3FD2] =	sst s25  }
0xa6: {  	s4 =	sshll.u32 s26, $0x1;
	_ =	strace $0x80000046;
	[dreg:$0x1] =	wrdreg $0xFFFFFFFF  }
0xa7: {  	s28 =	simm.s32 $_size_execute0_lowered;
	s2 =	sadd.s32 s2, s4;
	[dreg:$0x0] =	wrdreg $0x0  }
0xa8: {  	s4 =	sshll.u32 s28, $0x1;
	[dreg:$0x2] =	wrdreg s2  }
0xa9: {  	[dreg:$0x3] =	wrdreg s4  }
0xaa: {  	[dreg:$0x4] =	wrdreg $0xC0  }
0xab: {  	_ =	task [dreg:s6], $0x5FFFF  }
0xac: {  	[dreg:$0x1] =	wrdreg $0xFFFFFFFF  }
0xad: {  	[dreg:$0x0] =	wrdreg $0x60  }
0xae: {  	[dreg:$0x2] =	wrdreg s24  }
0xaf: {  	[dreg:$0x3] =	wrdreg $0x9  }
0xb0: {  	_ =	task.clear_ibuf [dreg:s6], $0x4FFFF;
	_ =	strace $0x90000046  }
0xb1: {  	s29 =	simm.s32 $0x9;
	_ =	strace $0x80000048  }
0xb2: {  	_ =	swait.ge [sflag:s29], $0x1  }
0xb3: {  	[sflag:s29] =	ssyncadd.s32 $0xFFFFFFFF  }
0xb4: {  	_ =	strace $0x90000048  }
0xb5: {  	_ =	sfence  }
0xb6: {  	s30 =	sld [smem:$0x0];
	_ =	sdelay $0x2  }
0xb7: {  	s31 =	sshll.u32 s1, $0xD;
	s1 =	sshrl.u32 s1, $0x2  }
0xb8: {  	s3 =	sand.u32 $0x4000, s31;
	s1 =	sadd.s32 s1, s30  }
0xb9: {  	s0 =	sor.u32 s3, s0;
	s1 =	sshll.u32 s1, $0x11  }
0xba: {  	s0 =	sor.u32 s1, s0  }
0xbb: {  	s0 =	sadd.s32 $0x8F2B, s0  }
0xbc: {  	[sflag:s0] =	ssyncadd.remote.s32 $0x1  }
0xbd: {  	_ =	sfence.sel $0xFFFF  }
0xbe: {  	[dreg:$0x0] =	wrdreg $0xFFFFFFFF;
	(pc) =	sbr.abs _section_cstart, $3  }
0xbf: {  	[dreg:$0x1] =	wrdreg $0xFFFFFFFF  }
0xc0: {  	_ =	task.clear_ibuf [dreg:s6], $0x2FFFF;
	_ =	strace $0x9FFFFFFF  }
0xc1: {  	(tm) =	ssettm $0x7FFFFFFF  }
tec
execute0_lowered:
.L_overlay_start_1:
0x0: {  	(tag) =	ssettag $0x1  }
0x1: {  	s1 =	srdreg.scid;
	s0 =	stileid.u32  }
0x2: {  	s19 =	sand.u32 $0x1, s1;
	s30 =	sshll.u32 s0, $0x1  }
0x3: {  	s11 =	sor.u32 s19, s30  }
0x4: {  	s3 =	smul.u32 $0xC0, s11  }
0x5: {  	s18 =	rddreg [dreg:$0x0]  }
0x6: {  	s2 =	simm.s32 $0x0;
	s1 =	rddreg [dreg:$0x1];
	s3 =	sshrl.u32 s3, $0x3  }
0x7: {  	[smem:$0x7FF] =	sst s2;
	s17 =	sadd.s32 s3, s18  }
0x8: {  	_ =	strace $0x80000047;
	s3 =	simm.s32 $0x2;
	s4 =	sadd.s32 $0x1E600, s17  }
0x9: {  	[tilespmem:s2], [sflag:$0x2] =	stream.linear.gather [hbm4b:s4+s2], $0x60, $0x38;
	[tilespmem:$0x42C0] =	vst v63  }
0xa: {  	_ =	swait.ge [sflag:s3], $0x60  }
0xb: {  	[sflag:s3] =	ssyncset.done $0x0  }
0xc: {  	s6 =	simm.s32 $0x60;
	s5 =	sadd.s32 $0x1E60C, s17;
	[sflag:s3] =	ssyncadd.s32 $0xFFFFFFA0  }
0xd: {  	[tilespmem:s6], [sflag:$0x2] =	stream.linear.gather [hbm4b:s5+s2], $0x60, $0x38;
	[tilespmem:$0x42C0] =	vst v63  }
0xe: {  	_ =	swait.ge [sflag:s3], $0x60  }
0xf: {  	[sflag:s3] =	ssyncset.done $0x0  }
0x10: {  	s8 =	simm.s32 $0xC0;
	s7 =	sadd.s32 $0x25C800, s18;
	[sflag:s3] =	ssyncadd.s32 $0xFFFFFFA0  }
0x11: {  	[tilespmem:s8], [sflag:$0x1] =	stream.indirect.gather [hbm4b:s7+s6], $0x55, s2, s6, $0xb8;
	[tilespmem:$0x42C0] =	vst v63  }
0x12: {  	s9 =	simm.s32 $0x21C0;
	s10 =	simm.s32 $0x1  }
0x13: {  	[tilespmem:s9], [sflag:$0x1] =	stream.indirect.gather [hbm4b:s7+s6], $0x55, s6, s6, $0xb8;
	[tilespmem:$0x42C0] =	vst v63  }
0x14: {  	_ =	swait.ge [sflag:s10], $0x1FE0  }
0x15: {  	[sflag:s10] =	ssyncset.done $0x0  }
0x16: {  	s11 =	smul.u32 $0x840, s11;
	[sflag:s10] =	ssyncadd.s32 $0xFFFFE020  }
0x17: {  	_ =	swait.ge [sflag:s10], $0x1FE0  }
0x18: {  	s20 =	sadd.s32 s11, s18;
	[sflag:s10] =	ssyncset.done $0x0  }
0x19: {  	s11 =	sadd.s32 $0x1F000, s20;
	[sflag:s10] =	ssyncadd.s32 $0xFFFFE020  }
0x1a: {  	[hbm4b:s11+s2] =	stream.linear.scatter [tilespmem:s8], [sflag:$0x2], $0x4200, $0x38;
	[tilespmem:$0x42C0] =	vst v63  }
0x1b: {  	_ =	swait.ge [sflag:s3], $0x4200  }
0x1c: {  	[sflag:s3] =	ssyncset.done $0x0  }
0x1d: {  	s12 =	sadd.s32 $0x1E900, s17;
	[sflag:s3] =	ssyncadd.s32 $0xFFFFBE00  }
0x1e: {  	[tilespmem:s2], [sflag:$0x2] =	stream.linear.gather [hbm4b:s12+s2], $0x60, $0x38;
	[tilespmem:$0x42C0] =	vst v63  }
0x1f: {  	_ =	swait.ge [sflag:s3], $0x60  }
0x20: {  	[sflag:s3] =	ssyncset.done $0x0  }
0x21: {  	s13 =	sadd.s32 $0x1E90C, s17;
	[sflag:s3] =	ssyncadd.s32 $0xFFFFFFA0  }
0x22: {  	[tilespmem:s6], [sflag:$0x2] =	stream.linear.gather [hbm4b:s13+s2], $0x60, $0x38;
	[tilespmem:$0x42C0] =	vst v63  }
0x23: {  	_ =	swait.ge [sflag:s3], $0x60  }
0x24: {  	[sflag:s3] =	ssyncset.done $0x0  }
0x25: {  	s14 =	sadd.s32 $0x9A800, s18;
	[sflag:s3] =	ssyncadd.s32 $0xFFFFFFA0  }
0x26: {  	[tilespmem:s8], [sflag:$0x1] =	stream.indirect.gather [hbm4b:s14+s6], $0x55, s2, s6, $0xb8;
	[tilespmem:$0x42C0] =	vst v63  }
0x27: {  	_ = 	snop  }
0x28: {  	[tilespmem:s9], [sflag:$0x1] =	stream.indirect.gather [hbm4b:s14+s6], $0x55, s6, s6, $0xb8;
	[tilespmem:$0x42C0] =	vst v63  }
0x29: {  	_ =	swait.ge [sflag:s10], $0x1FE0  }
0x2a: {  	[sflag:s10] =	ssyncset.done $0x0  }
0x2b: {  	[sflag:s10] =	ssyncadd.s32 $0xFFFFE020  }
0x2c: {  	_ =	swait.ge [sflag:s10], $0x1FE0  }
0x2d: {  	[sflag:s10] =	ssyncset.done $0x0  }
0x2e: {  	s15 =	sadd.s32 $0x2F800, s20;
	[sflag:s10] =	ssyncadd.s32 $0xFFFFE020  }
0x2f: {  	[hbm4b:s15+s2] =	stream.linear.scatter [tilespmem:s8], [sflag:$0x2], $0x4200, $0x38;
	[tilespmem:$0x42C0] =	vst v63  }
0x30: {  	_ =	swait.ge [sflag:s3], $0x4200  }
0x31: {  	[sflag:s3] =	ssyncset.done $0x0  }
0x32: {  	s16 =	sadd.s32 $0x1EC00, s17;
	[sflag:s3] =	ssyncadd.s32 $0xFFFFBE00  }
0x33: {  	[tilespmem:s2], [sflag:$0x2] =	stream.linear.gather [hbm4b:s16+s2], $0x60, $0x38;
	[tilespmem:$0x42C0] =	vst v63  }
0x34: {  	_ =	swait.ge [sflag:s3], $0x60  }
0x35: {  	[sflag:s3] =	ssyncset.done $0x0  }
0x36: {  	s17 =	sadd.s32 $0x1EC0C, s17;
	[sflag:s3] =	ssyncadd.s32 $0xFFFFFFA0  }
0x37: {  	[tilespmem:s6], [sflag:$0x2] =	stream.linear.gather [hbm4b:s17+s2], $0x60, $0x38;
	[tilespmem:$0x42C0] =	vst v63  }
0x38: {  	_ =	swait.ge [sflag:s3], $0x60  }
0x39: {  	[sflag:s3] =	ssyncset.done $0x0  }
0x3a: {  	s18 =	sadd.s32 $0x4800, s18;
	[sflag:s3] =	ssyncadd.s32 $0xFFFFFFA0  }
0x3b: {  	[tilespmem:s8], [sflag:$0x1] =	stream.indirect.gather [hbm4b:s18+s6], $0x55, s2, s6, $0xb8;
	[tilespmem:$0x42C0] =	vst v63  }
0x3c: {  	s19 =	ssub.s32 $0x2, s19  }
0x3d: {  	[tilespmem:s9], [sflag:$0x1] =	stream.indirect.gather [hbm4b:s18+s6], $0x55, s6, s6, $0xb8;
	[tilespmem:$0x42C0] =	vst v63  }
0x3e: {  	s21 =	sshrl.u32 s19, $0x1;
	_ =	swait.ge [sflag:s10], $0x1FE0  }
0x3f: {  	s21 =	ssub.s32 s19, s21;
	[sflag:s10] =	ssyncset.done $0x0  }
0x40: {  	s31 =	smax.u32 s21, $0x1;
	[sflag:s10] =	ssyncadd.s32 $0xFFFFE020  }
0x41: {  	p0 =	sne.s32 s31, $0x1;
	_ =	swait.ge [sflag:s10], $0x1FE0  }
.Ltmp0:
0x42: {  	[sflag:s10] =	ssyncset.done $0x0;
	(pc) =	sbr.rel @!p0 .LBB2_2-.Ltmp0, $4  }
0x43: {  	s19 =	sadd.s32 $0x40000, s20;
	[sflag:s10] =	ssyncadd.s32 $0xFFFFE020  }
0x44: {  	[hbm4b:s19+s2] =	stream.linear.scatter [tilespmem:s8], [sflag:$0x2], $0x4200, $0x38;
	[tilespmem:$0x42C0] =	vst v63  }
0x45: {  	_ =	swait.ge [sflag:s3], $0x4200  }
0x46: {  	s20 =	sadd.s32 $0xFFFFFFFF, s31;
	[sflag:s3] =	ssyncset.done $0x0  }
.LBB2_1:
0x47: {  	p0 =	sne.s32 s20, $0x1;
	s20 =	sadd.s32 $0xFFFFFFFF, s20;
	[sflag:s3] =	ssyncadd.s32 $0xFFFFBE00  }
0x48: {  	[tilespmem:s2], [sflag:$0x2] =	stream.linear.gather [hbm4b:s4+s2], $0x60, $0x38;
	[tilespmem:$0x42C0] =	vst v63  }
0x49: {  	_ =	swait.ge [sflag:s3], $0x60  }
0x4a: {  	[sflag:s3] =	ssyncset.done $0x0  }
0x4b: {  	[sflag:s3] =	ssyncadd.s32 $0xFFFFFFA0  }
0x4c: {  	[tilespmem:s6], [sflag:$0x2] =	stream.linear.gather [hbm4b:s5+s2], $0x60, $0x38;
	[tilespmem:$0x42C0] =	vst v63  }
0x4d: {  	_ =	swait.ge [sflag:s3], $0x60  }
0x4e: {  	[sflag:s3] =	ssyncset.done $0x0  }
0x4f: {  	[sflag:s3] =	ssyncadd.s32 $0xFFFFFFA0  }
0x50: {  	[tilespmem:s8], [sflag:$0x1] =	stream.indirect.gather [hbm4b:s7+s6], $0x55, s2, s6, $0xb8;
	[tilespmem:$0x42C0] =	vst v63  }
0x51: {  	_ = 	snop  }
0x52: {  	[tilespmem:s9], [sflag:$0x1] =	stream.indirect.gather [hbm4b:s7+s6], $0x55, s6, s6, $0xb8;
	[tilespmem:$0x42C0] =	vst v63  }
0x53: {  	_ =	swait.ge [sflag:s10], $0x1FE0  }
0x54: {  	[sflag:s10] =	ssyncset.done $0x0  }
0x55: {  	[sflag:s10] =	ssyncadd.s32 $0xFFFFE020  }
0x56: {  	_ =	swait.ge [sflag:s10], $0x1FE0  }
0x57: {  	[sflag:s10] =	ssyncset.done $0x0  }
0x58: {  	[sflag:s10] =	ssyncadd.s32 $0xFFFFE020  }
0x59: {  	[hbm4b:s11+s2] =	stream.linear.scatter [tilespmem:s8], [sflag:$0x2], $0x4200, $0x38;
	[tilespmem:$0x42C0] =	vst v63  }
0x5a: {  	_ =	swait.ge [sflag:s3], $0x4200  }
0x5b: {  	[sflag:s3] =	ssyncset.done $0x0  }
0x5c: {  	[sflag:s3] =	ssyncadd.s32 $0xFFFFBE00  }
0x5d: {  	[tilespmem:s2], [sflag:$0x2] =	stream.linear.gather [hbm4b:s12+s2], $0x60, $0x38;
	[tilespmem:$0x42C0] =	vst v63  }
0x5e: {  	_ =	swait.ge [sflag:s3], $0x60  }
0x5f: {  	[sflag:s3] =	ssyncset.done $0x0  }
0x60: {  	[sflag:s3] =	ssyncadd.s32 $0xFFFFFFA0  }
0x61: {  	[tilespmem:s6], [sflag:$0x2] =	stream.linear.gather [hbm4b:s13+s2], $0x60, $0x38;
	[tilespmem:$0x42C0] =	vst v63  }
0x62: {  	_ =	swait.ge [sflag:s3], $0x60  }
0x63: {  	[sflag:s3] =	ssyncset.done $0x0  }
0x64: {  	[sflag:s3] =	ssyncadd.s32 $0xFFFFFFA0  }
0x65: {  	[tilespmem:s8], [sflag:$0x1] =	stream.indirect.gather [hbm4b:s14+s6], $0x55, s2, s6, $0xb8;
	[tilespmem:$0x42C0] =	vst v63  }
0x66: {  	_ = 	snop  }
0x67: {  	[tilespmem:s9], [sflag:$0x1] =	stream.indirect.gather [hbm4b:s14+s6], $0x55, s6, s6, $0xb8;
	[tilespmem:$0x42C0] =	vst v63  }
0x68: {  	_ =	swait.ge [sflag:s10], $0x1FE0  }
0x69: {  	[sflag:s10] =	ssyncset.done $0x0  }
0x6a: {  	[sflag:s10] =	ssyncadd.s32 $0xFFFFE020  }
0x6b: {  	_ =	swait.ge [sflag:s10], $0x1FE0  }
0x6c: {  	[sflag:s10] =	ssyncset.done $0x0  }
0x6d: {  	[sflag:s10] =	ssyncadd.s32 $0xFFFFE020  }
0x6e: {  	[hbm4b:s15+s2] =	stream.linear.scatter [tilespmem:s8], [sflag:$0x2], $0x4200, $0x38;
	[tilespmem:$0x42C0] =	vst v63  }
0x6f: {  	_ =	swait.ge [sflag:s3], $0x4200  }
0x70: {  	[sflag:s3] =	ssyncset.done $0x0  }
0x71: {  	[sflag:s3] =	ssyncadd.s32 $0xFFFFBE00  }
0x72: {  	[tilespmem:s2], [sflag:$0x2] =	stream.linear.gather [hbm4b:s16+s2], $0x60, $0x38;
	[tilespmem:$0x42C0] =	vst v63  }
0x73: {  	_ =	swait.ge [sflag:s3], $0x60  }
0x74: {  	[sflag:s3] =	ssyncset.done $0x0  }
0x75: {  	[sflag:s3] =	ssyncadd.s32 $0xFFFFFFA0  }
0x76: {  	[tilespmem:s6], [sflag:$0x2] =	stream.linear.gather [hbm4b:s17+s2], $0x60, $0x38;
	[tilespmem:$0x42C0] =	vst v63  }
0x77: {  	_ =	swait.ge [sflag:s3], $0x60  }
0x78: {  	[sflag:s3] =	ssyncset.done $0x0  }
0x79: {  	[sflag:s3] =	ssyncadd.s32 $0xFFFFFFA0  }
0x7a: {  	[tilespmem:s8], [sflag:$0x1] =	stream.indirect.gather [hbm4b:s18+s6], $0x55, s2, s6, $0xb8;
	[tilespmem:$0x42C0] =	vst v63  }
0x7b: {  	_ = 	snop  }
0x7c: {  	[tilespmem:s9], [sflag:$0x1] =	stream.indirect.gather [hbm4b:s18+s6], $0x55, s6, s6, $0xb8;
	[tilespmem:$0x42C0] =	vst v63  }
0x7d: {  	_ =	swait.ge [sflag:s10], $0x1FE0  }
0x7e: {  	[sflag:s10] =	ssyncset.done $0x0  }
0x7f: {  	[sflag:s10] =	ssyncadd.s32 $0xFFFFE020  }
0x80: {  	_ =	swait.ge [sflag:s10], $0x1FE0  }
.Ltmp1:
0x81: {  	[sflag:s10] =	ssyncset.done $0x0;
	(pc) =	sbr.rel @p0 .LBB2_1-.Ltmp1, $4  }
0x82: {  	[sflag:s10] =	ssyncadd.s32 $0xFFFFE020  }
0x83: {  	[hbm4b:s19+s2] =	stream.linear.scatter [tilespmem:s8], [sflag:$0x2], $0x4200, $0x38;
	[tilespmem:$0x42C0] =	vst v63  }
0x84: {  	_ =	swait.ge [sflag:s3], $0x4200  }
0x85: {  	[sflag:s3] =	ssyncset.done $0x0  }
.LBB2_2:
0x86: {  	[sflag:s3] =	ssyncadd.s32 $0xFFFFBE00  }
0x87: {  	_ =	sfence.sel $0x180000  }
0x88: {  	[bflag:$0x0] =	sbarrier.arrive $0xFFFF  }
0x89: {  	p0 =	sne.s32 s0, $0x0;
	_ =	strace $0x90000047  }
0x8a: {  	s0 =	sadd.s32 @!p0 $0x100000, s1;
	[bflag:$0x2] =	sbarrier.arrive $0xFFFF  }
0x8b: {  	[sflag:s0] =	ssyncadd.tile.s32 @!p0 $0x1;
	_ =	shalt  }
.Lfunc_end2:
_tile_overlayer_lowered:
.L_overlay_start_2:
0x8c: {  	(tag) =	ssettag $0x2  }
0x8d: {  	s0 =	rddreg [dreg:$0x0];
	s2 =	stileid.u32  }
0x8e: {  	s1 =	rddreg [dreg:$0x1];
	p0 =	sne.s32 s2, $0x0  }
0x8f: {  	s3 =	rddreg [dreg:$0x2];
	[bflag:$0x3] =	sbarrier.arrive $0xFFFF;
	s2 =	simm.s32 @!p0 $0x1C02  }
0x90: {  	[timem:s3], [sflag:s2] =	dma.local @!p0 [hbm:s0], s1  }
0x91: {  	s0 =	simm.s32 @!p0 $0x2  }
0x92: {  	_ =	swait.ge @!p0 [sflag:s0], s1  }
0x93: {  	s1 =	ssub.s32 @!p0 $0x0, s1;
	[sflag:s0] =	ssyncset.done @!p0 $0x0  }
0x94: {  	[sflag:s0] =	ssyncadd.s32 @!p0 s1  }
0x95: {  	[bflag:$0x3] =	sbarrier.arrive $0xFFFF  }
0x96: {  	_ =	shalt  }

</sc_bundles>
